<compile_context>
chip_gen: v7x
topology: tpu7x:2x2x1
jax: 0.10.2.dev20260603
libtpu: 0.0.44.dev20260713+nightly
codegen_flags: <defaults>
</compile_context>

<pallas_src>
import functools

import jax
import jax.numpy as jnp
from jax import lax
from jax.experimental import pallas as pl
from jax.experimental.pallas import tpu as pltpu
from jax.experimental.pallas import tpu_sc as plsc

_PAD = 0
_GW = 128
_ROWS_BLK = 1024


def _sc_gather(table2, idx2d, n):
    mesh = plsc.VectorSubcoreMesh(core_axis_name="core",
                                  subcore_axis_name="subcore")

    @functools.partial(
        pl.kernel,
        out_type=jax.ShapeDtypeStruct((n, 128), table2.dtype),
        mesh=mesh,
        compiler_params=pltpu.CompilerParams(use_tc_tiling_on_sc=True),
    )
    def k(tbl_hbm, i_hbm, o_hbm):
        def body(i_vmem, o_vmem):
            pltpu.sync_copy(tbl_hbm.at[i_vmem.at[0]], o_vmem)

        pltpu.emit_pipeline(
            body,
            grid=(n // _GW,),
            in_specs=[pl.BlockSpec((1, _GW), index_map=lambda i: (0, i))],
            out_specs=[pl.BlockSpec((_GW, 128), index_map=lambda i: (i, 0))],
            core_axis_name=("core", "subcore"),
            dimension_semantics=(pltpu.PARALLEL,),
        )(i_hbm, o_hbm)

    return k(table2, idx2d)


_PI_A = 3.140625
_PI_B = 9.67025756835937500e-04
_PI_C = 6.27711415290832519e-07
_PI_D = 1.21542012565534205e-10
_S3 = -0.166666597127914428710938
_S5 = 0.00833307858556509017944336
_S7 = -0.000198106907191686332226
_S9 = 0.0000026083159809786593541503


def _fast_sin(x):
    k = jnp.round(x * (1.0 / jnp.pi))
    r = x - k * _PI_A
    r = r - k * _PI_B
    r = r - k * _PI_C
    r = r - k * _PI_D
    s = r * r
    p = _S7 + s * _S9
    p = _S5 + s * p
    p = _S3 + s * p
    p = r + r * (s * p)
    sgn = jnp.left_shift(k.astype(jnp.int32), 31)
    return lax.bitcast_convert_type(
        lax.bitcast_convert_type(p, jnp.int32) ^ sgn, jnp.float32)


def _tc_encode_kernel(lat_ref, lon_ref, ta_ref, td_ref, rows_ref,
                      wa_ref, wb_ref, wc_ref, wt_ref, bt_ref, out_ref):
    g = _ROWS_BLK // 128
    lane = lax.broadcasted_iota(jnp.int32, (128, 128), 1)
    wa = wa_ref[0, :]
    wb = wb_ref[0, :]
    wc = wc_ref[0, :]
    wt = wt_ref[0, :]
    bt = bt_ref[0, :]
    left = lane < 64
    m_per = (lane & 63) >= 32
    m_lin = (lane & 63) == 0
    for j in range(g):
        rs = slice(j * 128, (j + 1) * 128)
        lat = jnp.transpose(lat_ref[0, j:j + 1, :], (1, 0))
        lon = jnp.transpose(lon_ref[0, j:j + 1, :], (1, 0))
        ta = jnp.transpose(ta_ref[0, j:j + 1, :], (1, 0))
        td = jnp.transpose(td_ref[0, j:j + 1, :], (1, 0))

        x0 = lat * wa + lon * wb + wc
        t0 = jnp.where(m_per, _fast_sin(x0), x0)
        out_ref[rs, 0:64] = t0[:, 0:64]
        out_ref[rs, 64:128] = rows_ref[rs, 0:64]

        tsel = jnp.where(left, jnp.broadcast_to(ta, (128, 128)),
                         jnp.broadcast_to(td, (128, 128)))
        x1 = tsel * wt + bt
        out_ref[rs, 128:256] = jnp.where(m_lin, x1, _fast_sin(x1))


def _tc_encode(lat, lon, ta, td, rows, wa, wb, wc, wt, bt, n,
               nblocks=None, ofs=0, prev=None, interpret=False):
    r = _ROWS_BLK
    g = r // 128
    if nblocks is None:
        nblocks = n // r
    scal_spec = pl.BlockSpec((1, g, 128), lambda i: (i + ofs, 0, 0))
    wspec = pl.BlockSpec((1, 128), lambda i: (0, 0))
    in_specs = [scal_spec, scal_spec, scal_spec, scal_spec,
                pl.BlockSpec((r, 128), lambda i: (i, 0)),
                wspec, wspec, wspec, wspec, wspec]
    args = (lat, lon, ta, td, rows, wa, wb, wc, wt, bt)
    out_spec = pl.BlockSpec((r, 256), lambda i: (i + ofs, 0))
    out_shape = jax.ShapeDtypeStruct((n, 256), jnp.float32)
    if prev is None:
        return pl.pallas_call(
            _tc_encode_kernel, grid=(nblocks,),
            in_specs=in_specs, out_specs=out_spec, out_shape=out_shape,
            interpret=interpret,
        )(*args)

    def k2(prev_ref, *refs):
        _tc_encode_kernel(*refs)

    return pl.pallas_call(
        k2, grid=(nblocks,),
        in_specs=[pl.BlockSpec(memory_space=pl.ANY)] + in_specs,
        out_specs=out_spec, out_shape=out_shape,
        input_output_aliases={0: 0},
        interpret=interpret,
    )(prev, *args)


def kernel(region_id, latitude, longitude, arrival_time, departure_time,
           poly_W_lin, poly_b_lin, poly_W_per, poly_b_per,
           t2v_w0, t2v_b0, t2v_W, t2v_B, table):
    b, s = region_id.shape
    n = b * s
    d = table.shape[1]

    table2 = jnp.concatenate([table, table], axis=1)
    idx_t = region_id.T.reshape(1, n)
    half = n // 2
    rows_a = _sc_gather(table2, idx_t[:, :half], half)
    rows_b = _sc_gather(table2, idx_t[:, half:], half)

    g = _ROWS_BLK // 128
    lat = latitude.T.reshape(n // _ROWS_BLK, g, 128)
    lon = longitude.T.reshape(n // _ROWS_BLK, g, 128)
    ta = arrival_time.T.reshape(n // _ROWS_BLK, g, 128)
    td = departure_time.T.reshape(n // _ROWS_BLK, g, 128)
    wa = jnp.concatenate([poly_W_lin[0], poly_W_per[0],
                          poly_W_lin[0], poly_W_per[0]]).reshape(1, 128)
    wb = jnp.concatenate([poly_W_lin[1], poly_W_per[1],
                          poly_W_lin[1], poly_W_per[1]]).reshape(1, 128)
    wc = jnp.concatenate([poly_b_lin, poly_b_per,
                          poly_b_lin, poly_b_per]).reshape(1, 128)
    wt = jnp.concatenate([t2v_w0, t2v_W, t2v_w0, t2v_W]).reshape(1, 128)
    bt = jnp.concatenate([t2v_b0, t2v_B, t2v_b0, t2v_B]).reshape(1, 128)

    nb2 = n // _ROWS_BLK // 2
    out1 = _tc_encode(lat, lon, ta, td, rows_a, wa, wb, wc, wt, bt, n,
                      nblocks=nb2, ofs=0)
    out = _tc_encode(lat, lon, ta, td, rows_b, wa, wb, wc, wt, bt, n,
                     nblocks=nb2, ofs=nb2, prev=out1)
    return jnp.transpose(out.reshape(s, b, 4 * d), (1, 0, 2))

# --- scband reference (transcript-rebuilt; emitter-appended) ---
"""Pipeline reference for scband-source-input-56229711839839 (READ-ONLY COPY).

The authoritative reference and input builder live on the scoring server;
editing this copy changes nothing except your own understanding.
"""

import jax, jax.numpy as jnp
import numpy as np

PAD = 0
NUM_REGIONS = 100000
D_EMBED = 64


def setup_inputs(seed: int = 0) -> dict:
    key = jax.random.key(seed)
    ks = jax.random.split(key, 14)
    B, S, d = 4096, 50, D_EMBED
    d_half = d // 2
    region_id = jax.random.randint(ks[0], (B, S), 0, NUM_REGIONS, dtype=jnp.int32)
    latitude = jax.random.uniform(ks[1], (B, S), minval=-90.0, maxval=90.0, dtype=jnp.float32)
    longitude = jax.random.uniform(ks[2], (B, S), minval=-180.0, maxval=180.0, dtype=jnp.float32)
    arrival_time = jax.random.uniform(ks[3], (B, S), minval=0.0, maxval=86400.0, dtype=jnp.float32)
    departure_time = jax.random.uniform(ks[4], (B, S), minval=0.0, maxval=86400.0, dtype=jnp.float32)
    # Poly2Vec (space2vec-style) learned params: linear half + periodic half
    poly_W_lin = jax.random.normal(ks[5], (2, d_half), dtype=jnp.float32) * 0.1
    poly_b_lin = jax.random.normal(ks[6], (d_half,), dtype=jnp.float32) * 0.1
    poly_W_per = jax.random.normal(ks[7], (2, d_half), dtype=jnp.float32) * 0.1
    poly_b_per = jax.random.normal(ks[8], (d_half,), dtype=jnp.float32) * 0.1
    # Time2Vec learned params: out = [w0*t + b0, sin(t*W + B)]
    t2v_w0 = jax.random.normal(ks[9], (1,), dtype=jnp.float32) * 0.01
    t2v_b0 = jax.random.normal(ks[10], (1,), dtype=jnp.float32) * 0.01
    t2v_W = jax.random.normal(ks[11], (d - 1,), dtype=jnp.float32) * 0.01
    t2v_B = jax.random.normal(ks[12], (d - 1,), dtype=jnp.float32) * 0.01
    # Region embedding table with padding_idx=PAD zeroed
    table = jax.random.normal(ks[13], (NUM_REGIONS, d), dtype=jnp.float32) * 0.02
    table = table.at[PAD].set(0.0)
    return {
        "region_id": region_id,
        "latitude": latitude,
        "longitude": longitude,
        "arrival_time": arrival_time,
        "departure_time": departure_time,
        "poly_W_lin": poly_W_lin,
        "poly_b_lin": poly_b_lin,
        "poly_W_per": poly_W_per,
        "poly_b_per": poly_b_per,
        "t2v_w0": t2v_w0,
        "t2v_b0": t2v_b0,
        "t2v_W": t2v_W,
        "t2v_B": t2v_B,
        "table": table,
    }


def _time2vec(t, w0, b0, W, B_):
    lin = w0 * t[..., None] + b0  # [..., 1]
    per = jnp.sin(t[..., None] * W + B_)  # [..., d-1]
    return jnp.concatenate([lin, per], axis=-1)


def _poly2vec(loc, W_lin, b_lin, W_per, b_per):
    lin = loc @ W_lin + b_lin
    per = jnp.sin(loc @ W_per + b_per)
    return jnp.concatenate([lin, per], axis=-1)


def reference(region_id, latitude, longitude, arrival_time, departure_time,
              poly_W_lin, poly_b_lin, poly_W_per, poly_b_per,
              t2v_w0, t2v_b0, t2v_W, t2v_B, table):
    locations = jnp.stack([latitude, longitude], axis=-1)  # [B, S, 2]
    location_encoding = _poly2vec(locations, poly_W_lin, poly_b_lin, poly_W_per, poly_b_per)
    arrival_encoding = _time2vec(arrival_time, t2v_w0, t2v_b0, t2v_W, t2v_B)
    departure_encoding = _time2vec(departure_time, t2v_w0, t2v_b0, t2v_W, t2v_B)
    tbl = table.at[PAD].set(0.0)  # emulate padding_idx (zero row, no grad)
    region_embedding = jnp.take(tbl, region_id, axis=0)  # [B, S, d]
    visit_embedding = jnp.concatenate(
        [location_encoding, region_embedding, arrival_encoding, departure_encoding], axis=-1)
    return visit_embedding

if __name__ == "__main__":
    import jax
    _d = setup_inputs()
    print(jax.jit(kernel)(*tuple(_d.values())))

</pallas_src>

<mosaic_0001>
#map = affine_map<(d0, d1) -> (0, 0)>
module attributes {stable_mosaic.version = 14 : i64} {
  func.func @k(%arg0: i32, %arg1: i32, %arg2: memref<100000x128xf32, #tpu.memory_space<hbm>>, %arg3: memref<1x102400xi32, #tpu.memory_space<hbm>>, %arg4: memref<102400x128xf32, #tpu.memory_space<hbm>>) attributes {dimension_semantics = [#tpu.dimension_semantics<core_parallel>, #tpu.dimension_semantics<subcore_parallel>], iteration_bounds = array<i64: 2, 16>, scalar_prefetch = 0 : i64, scratch_operands = 0 : i64, tpu.core_type = #tpu.core_type<sc_vector_subcore>, window_params = [{transform_indices = #map}, {transform_indices = #map}, {transform_indices = #map}]} {
    %mul3A = arith.constant 1 : i32
    %mul3A_0 = arith.muli %arg1, %mul3A : i32
    %add3A = arith.constant 0 : i32
    %add3A_1 = arith.addi %add3A, %mul3A_0 : i32
    %mul3A_2 = arith.constant 16 : i32
    %mul3A_3 = arith.muli %arg0, %mul3A_2 : i32
    %add3A_4 = arith.addi %add3A_1, %mul3A_3 : i32
    %mul3A_5 = arith.constant 25 : i32
    %mul3A_6 = arith.muli %add3A_4, %mul3A_5 : i32
    "tpu.region"() ({
      %run_scoped3A = memref.alloca() : memref<2x1x128xi32, #tpu.memory_space<vmem>>
      %run_scoped3A_7 = tpu.sem_alloc : memref<2x!tpu.dma_semaphore, #tpu.memory_space<semaphore_mem>>
      %run_scoped3A_8 = memref.alloca() : memref<2x128x128xf32, #tpu.memory_space<vmem>>
      %run_scoped3A_9 = tpu.sem_alloc : memref<2x!tpu.dma_semaphore, #tpu.memory_space<semaphore_mem>>
      %add3A_10 = arith.constant 0 : i32
      %add3A_11 = arith.addi %add3A_10, %mul3A_6 : i32
      %select_n3A = arith.constant true
      %select_n3A_12 = arith.constant 0 : i32
      %select_n3A_13 = arith.constant -1 : i32
      %select_n3A_14 = arith.select %select_n3A, %select_n3A_13, %select_n3A_12 : i32
      %eq3A = arith.constant -1 : i32
      %eq3A_15 = arith.cmpi eq, %select_n3A_14, %eq3A : i32
      %select_n3A_16 = arith.constant 24 : i32
      %select_n3A_17 = arith.select %eq3A_15, %select_n3A_16, %select_n3A_14 : i32
      %add3A_18 = arith.addi %select_n3A_17, %mul3A_6 : i32
      %select_n3A_19 = arith.constant true
      %select_n3A_20 = arith.constant 0 : i32
      %select_n3A_21 = arith.constant 1 : i32
      %select_n3A_22 = arith.select %select_n3A_19, %select_n3A_21, %select_n3A_20 : i32
      %eq3A_23 = arith.constant 25 : i32
      %eq3A_24 = arith.cmpi eq, %select_n3A_22, %eq3A_23 : i32
      %select_n3A_25 = arith.constant 0 : i32
      %select_n3A_26 = arith.select %eq3A_24, %select_n3A_25, %select_n3A_22 : i32
      %add3A_27 = arith.addi %select_n3A_26, %mul3A_6 : i32
      %add3A_28 = arith.constant 1 : i32
      %add3A_29 = arith.addi %select_n3A_26, %add3A_28 : i32
      %select_n3A_30 = arith.constant true
      %select_n3A_31 = arith.select %select_n3A_30, %add3A_29, %select_n3A_26 : i32
      %eq3A_32 = arith.constant 25 : i32
      %eq3A_33 = arith.cmpi eq, %select_n3A_31, %eq3A_32 : i32
      %select_n3A_34 = arith.constant 0 : i32
      %select_n3A_35 = arith.select %eq3A_33, %select_n3A_34, %select_n3A_31 : i32
      %add3A_36 = arith.addi %select_n3A_35, %mul3A_6 : i32
      "tpu.trace_start"() <{level = 10 : i32, message = "ep_initialize_0"}> : () -> ()
      %rem3A = arith.constant 0 : i32
      %rem3A_37 = arith.constant 2 : i32
      %rem3A_38 = arith.remui %rem3A, %rem3A_37 : i32
      %mul3A_39 = arith.constant 128 : i32
      %mul3A_40 = arith.muli %mul3A_39, %add3A_11 : i32
      %dma_start3A = arith.constant 0 : i32
      %dma_start3A_41 = arith.constant 0 : i32
      %dma_start3A_42 = tpu.memref_slice %run_scoped3A[%rem3A_38, %dma_start3A, %dma_start3A_41] : memref<2x1x128xi32, #tpu.memory_space<vmem>> -> memref<1x1x128xi32, #tpu.memory_space<vmem>>
      %dma_start3A_43 = tpu.memref_squeeze %dma_start3A_42 : memref<1x1x128xi32, #tpu.memory_space<vmem>> -> memref<1x128xi32, #tpu.memory_space<vmem>>
      %dma_start3A_44 = arith.constant 0 : i32
      %dma_start3A_45 = tpu.memref_slice %arg3[%dma_start3A_44, %mul3A_40] : memref<1x102400xi32, #tpu.memory_space<hbm>> -> memref<1x128xi32, #tpu.memory_space<hbm>>
      %dma_start3A_46 = tpu.memref_slice %run_scoped3A_7[%rem3A_38] : memref<2x!tpu.dma_semaphore, #tpu.memory_space<semaphore_mem>> -> memref<1x!tpu.dma_semaphore, #tpu.memory_space<semaphore_mem>>
      %dma_start3A_47 = tpu.memref_squeeze %dma_start3A_46 : memref<1x!tpu.dma_semaphore, #tpu.memory_space<semaphore_mem>> -> memref<!tpu.dma_semaphore, #tpu.memory_space<semaphore_mem>>
      %dma_start3A_48 = arith.constant 0 : i32
      %dma_start3A_49 = arith.constant 0 : i32
      %dma_start3A_50 = tpu.memref_slice %run_scoped3A[%rem3A_38, %dma_start3A_48, %dma_start3A_49] : memref<2x1x128xi32, #tpu.memory_space<vmem>> -> memref<1x1x128xi32, #tpu.memory_space<vmem>>
      %dma_start3A_51 = tpu.memref_squeeze %dma_start3A_50 : memref<1x1x128xi32, #tpu.memory_space<vmem>> -> memref<1x128xi32, #tpu.memory_space<vmem>>
      %dma_start3A_52 = arith.constant 0 : i32
      %dma_start3A_53 = tpu.memref_slice %arg3[%dma_start3A_52, %mul3A_40] : memref<1x102400xi32, #tpu.memory_space<hbm>> -> memref<1x128xi32, #tpu.memory_space<hbm>>
      tpu.enqueue_dma source(%dma_start3A_53 : memref<1x128xi32, #tpu.memory_space<hbm>>) target(%dma_start3A_51 : memref<1x128xi32, #tpu.memory_space<vmem>>) target_semaphore(%dma_start3A_47 : memref<!tpu.dma_semaphore, #tpu.memory_space<semaphore_mem>>)
      %add3A_54 = arith.constant 0 : i32
      %add3A_55 = arith.constant 1 : i32
      %add3A_56 = arith.addi %add3A_54, %add3A_55 : i32
      %select_n3A_57 = arith.constant true
      %select_n3A_58 = arith.constant 0 : i32
      %select_n3A_59 = arith.select %select_n3A_57, %add3A_56, %select_n3A_58 : i32
      "tpu.trace_stop"() : () -> ()
      %scan3A = arith.constant 0 : i32
      %scan3A_60 = arith.constant 0 : i32
      %scan3A_61 = arith.constant 0 : i32
      %scan3A_62 = arith.constant 0 : i32
      %scan3A_63 = arith.constant 0 : i32
      %scan3A_64 = arith.constant 25 : i32
      %scan3A_65 = arith.addi %scan3A_63, %scan3A_64 : i32
      %scan3A_66 = arith.constant 1 : i32
      %scan3A_67:5 = scf.for %scan3A_121 = %scan3A_63 to %scan3A_65 step %scan3A_66 iter_args(%scan3A_122 = %select_n3A_59, %scan3A_123 = %scan3A, %scan3A_124 = %scan3A_60, %scan3A_125 = %scan3A_61, %scan3A_126 = %scan3A_62) -> (i32, i32, i32, i32, i32)  : i32 {
        %eq3A_127 = arith.constant 0 : i32
        %eq3A_128 = arith.cmpi eq, %scan3A_121, %eq3A_127 : i32
        %eq3A_129 = arith.constant 24 : i32
        %eq3A_130 = arith.cmpi eq, %scan3A_121, %eq3A_129 : i32
        %add3A_131 = arith.addi %scan3A_126, %mul3A_6 : i32
        %sub3A_132 = arith.constant 1 : i32
        %sub3A_133 = arith.subi %scan3A_126, %sub3A_132 : i32
        %select_n3A_134 = arith.constant true
        %select_n3A_135 = arith.select %select_n3A_134, %sub3A_133, %scan3A_126 : i32
        %eq3A_136 = arith.constant -1 : i32
        %eq3A_137 = arith.cmpi eq, %select_n3A_135, %eq3A_136 : i32
        %select_n3A_138 = arith.constant 24 : i32
        %select_n3A_139 = arith.select %eq3A_137, %select_n3A_138, %select_n3A_135 : i32
        %add3A_140 = arith.addi %select_n3A_139, %mul3A_6 : i32
        %add3A_141 = arith.constant 1 : i32
        %add3A_142 = arith.addi %scan3A_126, %add3A_141 : i32
        %select_n3A_143 = arith.constant true
        %select_n3A_144 = arith.select %select_n3A_143, %add3A_142, %scan3A_126 : i32
        %eq3A_145 = arith.constant 25 : i32
        %eq3A_146 = arith.cmpi eq, %select_n3A_144, %eq3A_145 : i32
        %select_n3A_147 = arith.constant 0 : i32
        %select_n3A_148 = arith.select %eq3A_146, %select_n3A_147, %select_n3A_144 : i32
        %add3A_149 = arith.addi %select_n3A_148, %mul3A_6 : i32
        %add3A_150 = arith.constant 1 : i32
        %add3A_151 = arith.addi %select_n3A_148, %add3A_150 : i32
        %select_n3A_152 = arith.constant true
        %select_n3A_153 = arith.select %select_n3A_152, %add3A_151, %select_n3A_148 : i32
        %eq3A_154 = arith.constant 25 : i32
        %eq3A_155 = arith.cmpi eq, %select_n3A_153, %eq3A_154 : i32
        %select_n3A_156 = arith.constant 0 : i32
        %select_n3A_157 = arith.select %eq3A_155, %select_n3A_156, %select_n3A_153 : i32
        %add3A_158 = arith.addi %select_n3A_157, %mul3A_6 : i32
        %ne3A = arith.cmpi ne, %add3A_131, %add3A_149 : i32
        %or3A = arith.constant false
        %or3A_159 = arith.ori %or3A, %ne3A : i1
        %ge3A = arith.constant 24 : i32
        %ge3A_160 = arith.cmpi sge, %scan3A_121, %ge3A : i32
        %not3A = arith.constant true
        %not3A_161 = arith.xori %ge3A_160, %not3A : i1
        %and3A = arith.andi %or3A_159, %not3A_161 : i1
        %convert_element_type3A = arith.extui %and3A : i1 to i32
        %cond3A = arith.constant 0 : i32
        %cond3A_162 = arith.cmpi ne, %convert_element_type3A, %cond3A : i32
        scf.if %cond3A_162 {
          "tpu.trace_start"() <{level = 10 : i32, message = "ep_copy_in"}> : () -> ()
          %rem3A_264 = arith.constant 2 : i32
          %rem3A_265 = arith.remui %scan3A_122, %rem3A_264 : i32
          %mul3A_266 = arith.constant 128 : i32
          %mul3A_267 = arith.muli %mul3A_266, %add3A_149 : i32
          %dma_start3A_268 = arith.constant 0 : i32
          %dma_start3A_269 = arith.constant 0 : i32
          %dma_start3A_270 = tpu.memref_slice %run_scoped3A[%rem3A_265, %dma_start3A_268, %dma_start3A_269] : memref<2x1x128xi32, #tpu.memory_space<vmem>> -> memref<1x1x128xi32, #tpu.memory_space<vmem>>
          %dma_start3A_271 = tpu.memref_squeeze %dma_start3A_270 : memref<1x1x128xi32, #tpu.memory_space<vmem>> -> memref<1x128xi32, #tpu.memory_space<vmem>>
          %dma_start3A_272 = arith.constant 0 : i32
          %dma_start3A_273 = tpu.memref_slice %arg3[%dma_start3A_272, %mul3A_267] : memref<1x102400xi32, #tpu.memory_space<hbm>> -> memref<1x128xi32, #tpu.memory_space<hbm>>
          %dma_start3A_274 = tpu.memref_slice %run_scoped3A_7[%rem3A_265] : memref<2x!tpu.dma_semaphore, #tpu.memory_space<semaphore_mem>> -> memref<1x!tpu.dma_semaphore, #tpu.memory_space<semaphore_mem>>
          %dma_start3A_275 = tpu.memref_squeeze %dma_start3A_274 : memref<1x!tpu.dma_semaphore, #tpu.memory_space<semaphore_mem>> -> memref<!tpu.dma_semaphore, #tpu.memory_space<semaphore_mem>>
          %dma_start3A_276 = arith.constant 0 : i32
          %dma_start3A_277 = arith.constant 0 : i32
          %dma_start3A_278 = tpu.memref_slice %run_scoped3A[%rem3A_265, %dma_start3A_276, %dma_start3A_277] : memref<2x1x128xi32, #tpu.memory_space<vmem>> -> memref<1x1x128xi32, #tpu.memory_space<vmem>>
          %dma_start3A_279 = tpu.memref_squeeze %dma_start3A_278 : memref<1x1x128xi32, #tpu.memory_space<vmem>> -> memref<1x128xi32, #tpu.memory_space<vmem>>
          %dma_start3A_280 = arith.constant 0 : i32
          %dma_start3A_281 = tpu.memref_slice %arg3[%dma_start3A_280, %mul3A_267] : memref<1x102400xi32, #tpu.memory_space<hbm>> -> memref<1x128xi32, #tpu.memory_space<hbm>>
          tpu.enqueue_dma source(%dma_start3A_281 : memref<1x128xi32, #tpu.memory_space<hbm>>) target(%dma_start3A_279 : memref<1x128xi32, #tpu.memory_space<vmem>>) target_semaphore(%dma_start3A_275 : memref<!tpu.dma_semaphore, #tpu.memory_space<semaphore_mem>>)
          "tpu.trace_stop"() : () -> ()
        } else {
        }
        %and3A_163 = arith.constant true
        %and3A_164 = arith.andi %and3A, %and3A_163 : i1
        %add3A_165 = arith.constant 1 : i32
        %add3A_166 = arith.addi %scan3A_122, %add3A_165 : i32
        %select_n3A_167 = arith.select %and3A_164, %add3A_166, %scan3A_122 : i32
        %ne3A_168 = arith.cmpi ne, %add3A_131, %add3A_149 : i32
        %or3A_169 = arith.constant false
        %or3A_170 = arith.ori %or3A_169, %ne3A_168 : i1
        %or3A_171 = arith.constant false
        %or3A_172 = arith.ori %or3A_170, %or3A_171 : i1
        %ge3A_173 = arith.constant 24 : i32
        %ge3A_174 = arith.cmpi sge, %scan3A_121, %ge3A_173 : i32
        %not3A_175 = arith.constant true
        %not3A_176 = arith.xori %ge3A_174, %not3A_175 : i1
        %and3A_177 = arith.andi %or3A_172, %not3A_176 : i1
        %ne3A_178 = arith.cmpi ne, %add3A_131, %add3A_140 : i32
        %or3A_179 = arith.constant false
        %or3A_180 = arith.ori %or3A_179, %ne3A_178 : i1
        %or3A_181 = arith.ori %or3A_180, %eq3A_128 : i1
        %convert_element_type3A_182 = arith.extui %or3A_181 : i1 to i32
        %cond3A_183 = arith.constant 0 : i32
        %cond3A_184 = arith.cmpi ne, %convert_element_type3A_182, %cond3A_183 : i32
        scf.if %cond3A_184 {
          "tpu.trace_start"() <{level = 10 : i32, message = "ep_wait_in"}> : () -> ()
          %mul3A_264 = arith.constant 128 : i32
          %mul3A_265 = arith.muli %mul3A_264, %add3A_131 : i32
          %rem3A_266 = arith.constant 2 : i32
          %rem3A_267 = arith.remui %scan3A_123, %rem3A_266 : i32
          %dma_wait3A_268 = arith.constant 0 : i32
          %dma_wait3A_269 = arith.constant 0 : i32
          %dma_wait3A_270 = tpu.memref_slice %run_scoped3A[%rem3A_267, %dma_wait3A_268, %dma_wait3A_269] : memref<2x1x128xi32, #tpu.memory_space<vmem>> -> memref<1x1x128xi32, #tpu.memory_space<vmem>>
          %dma_wait3A_271 = tpu.memref_squeeze %dma_wait3A_270 : memref<1x1x128xi32, #tpu.memory_space<vmem>> -> memref<1x128xi32, #tpu.memory_space<vmem>>
          %dma_wait3A_272 = arith.constant 0 : i32
          %dma_wait3A_273 = tpu.memref_slice %arg3[%dma_wait3A_272, %mul3A_265] : memref<1x102400xi32, #tpu.memory_space<hbm>> -> memref<1x128xi32, #tpu.memory_space<hbm>>
          %dma_wait3A_274 = tpu.memref_slice %run_scoped3A_7[%rem3A_267] : memref<2x!tpu.dma_semaphore, #tpu.memory_space<semaphore_mem>> -> memref<1x!tpu.dma_semaphore, #tpu.memory_space<semaphore_mem>>
          %dma_wait3A_275 = tpu.memref_squeeze %dma_wait3A_274 : memref<1x!tpu.dma_semaphore, #tpu.memory_space<semaphore_mem>> -> memref<!tpu.dma_semaphore, #tpu.memory_space<semaphore_mem>>
          %dma_wait3A_276 = arith.constant 0 : i32
          %dma_wait3A_277 = arith.constant 0 : i32
          %dma_wait3A_278 = tpu.memref_slice %run_scoped3A[%rem3A_267, %dma_wait3A_276, %dma_wait3A_277] : memref<2x1x128xi32, #tpu.memory_space<vmem>> -> memref<1x1x128xi32, #tpu.memory_space<vmem>>
          %dma_wait3A_279 = tpu.memref_squeeze %dma_wait3A_278 : memref<1x1x128xi32, #tpu.memory_space<vmem>> -> memref<1x128xi32, #tpu.memory_space<vmem>>
          %dma_wait3A_280 = arith.constant 0 : i32
          %dma_wait3A_281 = tpu.memref_slice %arg3[%dma_wait3A_280, %mul3A_265] : memref<1x102400xi32, #tpu.memory_space<hbm>> -> memref<1x128xi32, #tpu.memory_space<hbm>>
          tpu.wait_dma2 semaphore(%dma_wait3A_275 : memref<!tpu.dma_semaphore, #tpu.memory_space<semaphore_mem>>) src(%dma_wait3A_281 : memref<1x128xi32, #tpu.memory_space<hbm>>) dst(%dma_wait3A_279 : memref<1x128xi32, #tpu.memory_space<vmem>>)
          "tpu.trace_stop"() : () -> ()
        } else {
        }
        %ne3A_185 = arith.cmpi ne, %add3A_131, %add3A_140 : i32
        %or3A_186 = arith.constant false
        %or3A_187 = arith.ori %or3A_186, %ne3A_185 : i1
        %or3A_188 = arith.constant false
        %or3A_189 = arith.ori %or3A_187, %or3A_188 : i1
        %or3A_190 = arith.ori %or3A_189, %eq3A_128 : i1
        %convert_element_type3A_191 = arith.extui %or3A_190 : i1 to i32
        %cond3A_192 = arith.constant 0 : i32
        %cond3A_193 = arith.cmpi ne, %convert_element_type3A_191, %cond3A_192 : i32
        scf.if %cond3A_193 {
        } else {
        }
        %rem3A_194 = arith.constant 2 : i32
        %rem3A_195 = arith.remui %scan3A_123, %rem3A_194 : i32
        %rem3A_196 = arith.constant 2 : i32
        %rem3A_197 = arith.remui %scan3A_124, %rem3A_196 : i32
        %run_scoped3A_198 = arith.constant 0 : i32
        "tpu.trace_start"() <{level = 10 : i32, message = "ep_run_kernel"}> : () -> ()
        "tpu.region"() ({
          %run_scoped3A_264 = tpu.sem_alloc : memref<!tpu.dma_semaphore, #tpu.memory_space<semaphore_mem>>
          %dma_start3A_265 = arith.constant 0 : i32
          %dma_start3A_266 = arith.constant 0 : i32
          %dma_start3A_267 = tpu.memref_slice %run_scoped3A_8[%rem3A_197, %dma_start3A_265, %dma_start3A_266] : memref<2x128x128xf32, #tpu.memory_space<vmem>> -> memref<1x128x128xf32, #tpu.memory_space<vmem>>
          %dma_start3A_268 = tpu.memref_squeeze %dma_start3A_267 : memref<1x128x128xf32, #tpu.memory_space<vmem>> -> memref<128x128xf32, #tpu.memory_space<vmem>>
          %dma_start3A_269 = arith.constant 0 : i32
          %dma_start3A_270 = arith.constant 0 : i32
          %dma_start3A_271 = tpu.memref_slice %run_scoped3A[%rem3A_195, %dma_start3A_269, %dma_start3A_270] : memref<2x1x128xi32, #tpu.memory_space<vmem>> -> memref<1x1x128xi32, #tpu.memory_space<vmem>>
          %dma_start3A_272 = tpu.memref_squeeze %dma_start3A_271 : memref<1x1x128xi32, #tpu.memory_space<vmem>> -> memref<1x128xi32, #tpu.memory_space<vmem>>
          %dma_start3A_273 = arith.constant 0 : i32
          %dma_start3A_274 = tpu.memref_slice %dma_start3A_272[%run_scoped3A_198, %dma_start3A_273] : memref<1x128xi32, #tpu.memory_space<vmem>> -> memref<1x128xi32, #tpu.memory_space<vmem>>
          %dma_start3A_275 = tpu.memref_squeeze %dma_start3A_274 : memref<1x128xi32, #tpu.memory_space<vmem>> -> memref<128xi32, #tpu.memory_space<vmem>>
          %dma_start3A_276 = arith.constant 0 : i32
          %dma_start3A_277 = arith.constant 0 : i32
          %dma_start3A_278 = tpu.memref_slice %arg2[%dma_start3A_276, %dma_start3A_277] : memref<100000x128xf32, #tpu.memory_space<hbm>> -> memref<100000x128xf32, #tpu.memory_space<hbm>>
          tpu.enqueue_indirect_dma source(%dma_start3A_278 : memref<100000x128xf32, #tpu.memory_space<hbm>>) target(%dma_start3A_268 : memref<128x128xf32, #tpu.memory_space<vmem>>) offsets(%dma_start3A_275 : memref<128xi32, #tpu.memory_space<vmem>>) semaphore(%run_scoped3A_264 : memref<!tpu.dma_semaphore, #tpu.memory_space<semaphore_mem>>)
          %dma_wait3A_279 = arith.constant 0 : i32
          %dma_wait3A_280 = arith.constant 0 : i32
          %dma_wait3A_281 = tpu.memref_slice %run_scoped3A_8[%rem3A_197, %dma_wait3A_279, %dma_wait3A_280] : memref<2x128x128xf32, #tpu.memory_space<vmem>> -> memref<1x128x128xf32, #tpu.memory_space<vmem>>
          %dma_wait3A_282 = tpu.memref_squeeze %dma_wait3A_281 : memref<1x128x128xf32, #tpu.memory_space<vmem>> -> memref<128x128xf32, #tpu.memory_space<vmem>>
          %dma_wait3A_283 = arith.constant 0 : i32
          %dma_wait3A_284 = arith.constant 0 : i32
          %dma_wait3A_285 = tpu.memref_slice %run_scoped3A[%rem3A_195, %dma_wait3A_283, %dma_wait3A_284] : memref<2x1x128xi32, #tpu.memory_space<vmem>> -> memref<1x1x128xi32, #tpu.memory_space<vmem>>
          %dma_wait3A_286 = tpu.memref_squeeze %dma_wait3A_285 : memref<1x1x128xi32, #tpu.memory_space<vmem>> -> memref<1x128xi32, #tpu.memory_space<vmem>>
          %dma_wait3A_287 = arith.constant 0 : i32
          %dma_wait3A_288 = tpu.memref_slice %dma_wait3A_286[%run_scoped3A_198, %dma_wait3A_287] : memref<1x128xi32, #tpu.memory_space<vmem>> -> memref<1x128xi32, #tpu.memory_space<vmem>>
          %dma_wait3A_289 = tpu.memref_squeeze %dma_wait3A_288 : memref<1x128xi32, #tpu.memory_space<vmem>> -> memref<128xi32, #tpu.memory_space<vmem>>
          %dma_wait3A_290 = arith.constant 0 : i32
          %dma_wait3A_291 = arith.constant 0 : i32
          %dma_wait3A_292 = tpu.memref_slice %arg2[%dma_wait3A_290, %dma_wait3A_291] : memref<100000x128xf32, #tpu.memory_space<hbm>> -> memref<100000x128xf32, #tpu.memory_space<hbm>>
          tpu.wait_indirect_dma semaphore(%run_scoped3A_264 : memref<!tpu.dma_semaphore, #tpu.memory_space<semaphore_mem>>) src(%dma_wait3A_292 : memref<100000x128xf32, #tpu.memory_space<hbm>>) dst(%dma_wait3A_282 : memref<128x128xf32, #tpu.memory_space<vmem>>)
          tpu.yield
        }) : () -> ()
        "tpu.trace_stop"() : () -> ()
        %ne3A_199 = arith.cmpi ne, %add3A_131, %add3A_149 : i32
        %or3A_200 = arith.constant false
        %or3A_201 = arith.ori %or3A_200, %ne3A_199 : i1
        %or3A_202 = arith.ori %or3A_201, %eq3A_130 : i1
        %convert_element_type3A_203 = arith.extui %or3A_202 : i1 to i32
        %cond3A_204 = arith.constant 0 : i32
        %cond3A_205 = arith.cmpi ne, %convert_element_type3A_203, %cond3A_204 : i32
        scf.if %cond3A_205 {
        } else {
        }
        %and3A_206 = arith.constant false
        %and3A_207 = arith.andi %or3A_202, %and3A_206 : i1
        %ne3A_208 = arith.cmpi ne, %add3A_131, %add3A_149 : i32
        %or3A_209 = arith.constant false
        %or3A_210 = arith.ori %or3A_209, %ne3A_208 : i1
        %or3A_211 = arith.constant false
        %or3A_212 = arith.ori %or3A_210, %or3A_211 : i1
        %or3A_213 = arith.ori %or3A_212, %eq3A_130 : i1
        %convert_element_type3A_214 = arith.extui %or3A_213 : i1 to i32
        %cond3A_215 = arith.constant 0 : i32
        %cond3A_216 = arith.cmpi ne, %convert_element_type3A_214, %cond3A_215 : i32
        scf.if %cond3A_216 {
          "tpu.trace_start"() <{level = 10 : i32, message = "ep_copy_out"}> : () -> ()
          %rem3A_264 = arith.constant 2 : i32
          %rem3A_265 = arith.remui %scan3A_124, %rem3A_264 : i32
          %mul3A_266 = arith.constant 128 : i32
          %mul3A_267 = arith.muli %mul3A_266, %add3A_131 : i32
          %dma_start3A_268 = arith.constant 0 : i32
          %dma_start3A_269 = arith.constant 0 : i32
          %dma_start3A_270 = tpu.memref_slice %run_scoped3A_8[%rem3A_265, %dma_start3A_268, %dma_start3A_269] : memref<2x128x128xf32, #tpu.memory_space<vmem>> -> memref<1x128x128xf32, #tpu.memory_space<vmem>>
          %dma_start3A_271 = tpu.memref_squeeze %dma_start3A_270 : memref<1x128x128xf32, #tpu.memory_space<vmem>> -> memref<128x128xf32, #tpu.memory_space<vmem>>
          %dma_start3A_272 = arith.constant 0 : i32
          %dma_start3A_273 = tpu.memref_slice %arg4[%mul3A_267, %dma_start3A_272] : memref<102400x128xf32, #tpu.memory_space<hbm>> -> memref<128x128xf32, #tpu.memory_space<hbm>>
          %dma_start3A_274 = tpu.memref_slice %run_scoped3A_9[%rem3A_265] : memref<2x!tpu.dma_semaphore, #tpu.memory_space<semaphore_mem>> -> memref<1x!tpu.dma_semaphore, #tpu.memory_space<semaphore_mem>>
          %dma_start3A_275 = tpu.memref_squeeze %dma_start3A_274 : memref<1x!tpu.dma_semaphore, #tpu.memory_space<semaphore_mem>> -> memref<!tpu.dma_semaphore, #tpu.memory_space<semaphore_mem>>
          %dma_start3A_276 = arith.constant 0 : i32
          %dma_start3A_277 = tpu.memref_slice %arg4[%mul3A_267, %dma_start3A_276] : memref<102400x128xf32, #tpu.memory_space<hbm>> -> memref<128x128xf32, #tpu.memory_space<hbm>>
          %dma_start3A_278 = arith.constant 0 : i32
          %dma_start3A_279 = arith.constant 0 : i32
          %dma_start3A_280 = tpu.memref_slice %run_scoped3A_8[%rem3A_265, %dma_start3A_278, %dma_start3A_279] : memref<2x128x128xf32, #tpu.memory_space<vmem>> -> memref<1x128x128xf32, #tpu.memory_space<vmem>>
          %dma_start3A_281 = tpu.memref_squeeze %dma_start3A_280 : memref<1x128x128xf32, #tpu.memory_space<vmem>> -> memref<128x128xf32, #tpu.memory_space<vmem>>
          tpu.enqueue_dma source(%dma_start3A_281 : memref<128x128xf32, #tpu.memory_space<vmem>>) target(%dma_start3A_277 : memref<128x128xf32, #tpu.memory_space<hbm>>) target_semaphore(%dma_start3A_275 : memref<!tpu.dma_semaphore, #tpu.memory_space<semaphore_mem>>)
          "tpu.trace_stop"() : () -> ()
        } else {
        }
        %and3A_217 = arith.constant true
        %and3A_218 = arith.andi %or3A_213, %and3A_217 : i1
        %add3A_219 = arith.constant 1 : i32
        %add3A_220 = arith.addi %scan3A_124, %add3A_219 : i32
        %select_n3A_221 = arith.select %and3A_218, %add3A_220, %scan3A_124 : i32
        %ne3A_222 = arith.cmpi ne, %add3A_131, %add3A_140 : i32
        %or3A_223 = arith.constant false
        %or3A_224 = arith.ori %or3A_223, %ne3A_222 : i1
        %not3A_225 = arith.constant true
        %not3A_226 = arith.xori %eq3A_128, %not3A_225 : i1
        %and3A_227 = arith.andi %or3A_224, %not3A_226 : i1
        %convert_element_type3A_228 = arith.extui %and3A_227 : i1 to i32
        %cond3A_229 = arith.constant 0 : i32
        %cond3A_230 = arith.cmpi ne, %convert_element_type3A_228, %cond3A_229 : i32
        scf.if %cond3A_230 {
        } else {
        }
        %and3A_231 = arith.constant false
        %and3A_232 = arith.andi %and3A_227, %and3A_231 : i1
        %ne3A_233 = arith.cmpi ne, %add3A_131, %add3A_140 : i32
        %or3A_234 = arith.constant false
        %or3A_235 = arith.ori %or3A_234, %ne3A_233 : i1
        %or3A_236 = arith.constant false
        %or3A_237 = arith.ori %or3A_235, %or3A_236 : i1
        %not3A_238 = arith.constant true
        %not3A_239 = arith.xori %eq3A_128, %not3A_238 : i1
        %and3A_240 = arith.andi %or3A_237, %not3A_239 : i1
        %convert_element_type3A_241 = arith.extui %and3A_240 : i1 to i32
        %cond3A_242 = arith.constant 0 : i32
        %cond3A_243 = arith.cmpi ne, %convert_element_type3A_241, %cond3A_242 : i32
        scf.if %cond3A_243 {
          "tpu.trace_start"() <{level = 10 : i32, message = "ep_wait_out"}> : () -> ()
          %rem3A_264 = arith.constant 2 : i32
          %rem3A_265 = arith.remui %scan3A_125, %rem3A_264 : i32
          %mul3A_266 = arith.constant 128 : i32
          %mul3A_267 = arith.muli %mul3A_266, %add3A_140 : i32
          %dma_wait3A_268 = arith.constant 0 : i32
          %dma_wait3A_269 = arith.constant 0 : i32
          %dma_wait3A_270 = tpu.memref_slice %run_scoped3A_8[%rem3A_265, %dma_wait3A_268, %dma_wait3A_269] : memref<2x128x128xf32, #tpu.memory_space<vmem>> -> memref<1x128x128xf32, #tpu.memory_space<vmem>>
          %dma_wait3A_271 = tpu.memref_squeeze %dma_wait3A_270 : memref<1x128x128xf32, #tpu.memory_space<vmem>> -> memref<128x128xf32, #tpu.memory_space<vmem>>
          %dma_wait3A_272 = arith.constant 0 : i32
          %dma_wait3A_273 = tpu.memref_slice %arg4[%mul3A_267, %dma_wait3A_272] : memref<102400x128xf32, #tpu.memory_space<hbm>> -> memref<128x128xf32, #tpu.memory_space<hbm>>
          %dma_wait3A_274 = tpu.memref_slice %run_scoped3A_9[%rem3A_265] : memref<2x!tpu.dma_semaphore, #tpu.memory_space<semaphore_mem>> -> memref<1x!tpu.dma_semaphore, #tpu.memory_space<semaphore_mem>>
          %dma_wait3A_275 = tpu.memref_squeeze %dma_wait3A_274 : memref<1x!tpu.dma_semaphore, #tpu.memory_space<semaphore_mem>> -> memref<!tpu.dma_semaphore, #tpu.memory_space<semaphore_mem>>
          %dma_wait3A_276 = arith.constant 0 : i32
          %dma_wait3A_277 = tpu.memref_slice %arg4[%mul3A_267, %dma_wait3A_276] : memref<102400x128xf32, #tpu.memory_space<hbm>> -> memref<128x128xf32, #tpu.memory_space<hbm>>
          %dma_wait3A_278 = arith.constant 0 : i32
          %dma_wait3A_279 = arith.constant 0 : i32
          %dma_wait3A_280 = tpu.memref_slice %run_scoped3A_8[%rem3A_265, %dma_wait3A_278, %dma_wait3A_279] : memref<2x128x128xf32, #tpu.memory_space<vmem>> -> memref<1x128x128xf32, #tpu.memory_space<vmem>>
          %dma_wait3A_281 = tpu.memref_squeeze %dma_wait3A_280 : memref<1x128x128xf32, #tpu.memory_space<vmem>> -> memref<128x128xf32, #tpu.memory_space<vmem>>
          tpu.wait_dma2 semaphore(%dma_wait3A_275 : memref<!tpu.dma_semaphore, #tpu.memory_space<semaphore_mem>>) src(%dma_wait3A_281 : memref<128x128xf32, #tpu.memory_space<vmem>>) dst(%dma_wait3A_277 : memref<128x128xf32, #tpu.memory_space<hbm>>)
          "tpu.trace_stop"() : () -> ()
        } else {
        }
        %and3A_244 = arith.constant true
        %and3A_245 = arith.andi %and3A_240, %and3A_244 : i1
        %add3A_246 = arith.constant 1 : i32
        %add3A_247 = arith.addi %scan3A_125, %add3A_246 : i32
        %select_n3A_248 = arith.select %and3A_245, %add3A_247, %scan3A_125 : i32
        %ne3A_249 = arith.cmpi ne, %add3A_131, %add3A_149 : i32
        %or3A_250 = arith.constant false
        %or3A_251 = arith.ori %or3A_250, %ne3A_249 : i1
        %or3A_252 = arith.ori %or3A_251, %eq3A_130 : i1
        %add3A_253 = arith.constant 1 : i32
        %add3A_254 = arith.addi %scan3A_123, %add3A_253 : i32
        %select_n3A_255 = arith.select %or3A_252, %add3A_254, %scan3A_123 : i32
        %add3A_256 = arith.constant 1 : i32
        %add3A_257 = arith.addi %scan3A_126, %add3A_256 : i32
        %select_n3A_258 = arith.constant true
        %select_n3A_259 = arith.select %select_n3A_258, %add3A_257, %scan3A_126 : i32
        %eq3A_260 = arith.constant 25 : i32
        %eq3A_261 = arith.cmpi eq, %select_n3A_259, %eq3A_260 : i32
        %select_n3A_262 = arith.constant 0 : i32
        %select_n3A_263 = arith.select %eq3A_261, %select_n3A_262, %select_n3A_259 : i32
        scf.yield %select_n3A_167, %select_n3A_255, %select_n3A_221, %select_n3A_248, %select_n3A_263 : i32, i32, i32, i32, i32
      }
      %scan3A_68 = arith.constant 25 : i32
      %sub3A = arith.constant 1 : i32
      %sub3A_69 = arith.subi %scan3A_67#4, %sub3A : i32
      %select_n3A_70 = arith.constant true
      %select_n3A_71 = arith.select %select_n3A_70, %sub3A_69, %scan3A_67#4 : i32
      %eq3A_72 = arith.constant -1 : i32
      %eq3A_73 = arith.cmpi eq, %select_n3A_71, %eq3A_72 : i32
      %select_n3A_74 = arith.constant 24 : i32
      %select_n3A_75 = arith.select %eq3A_73, %select_n3A_74, %select_n3A_71 : i32
      %add3A_76 = arith.addi %select_n3A_75, %mul3A_6 : i32
      %sub3A_77 = arith.constant 1 : i32
      %sub3A_78 = arith.subi %select_n3A_75, %sub3A_77 : i32
      %select_n3A_79 = arith.constant true
      %select_n3A_80 = arith.select %select_n3A_79, %sub3A_78, %select_n3A_75 : i32
      %eq3A_81 = arith.constant -1 : i32
      %eq3A_82 = arith.cmpi eq, %select_n3A_80, %eq3A_81 : i32
      %select_n3A_83 = arith.constant 24 : i32
      %select_n3A_84 = arith.select %eq3A_82, %select_n3A_83, %select_n3A_80 : i32
      %add3A_85 = arith.addi %select_n3A_84, %mul3A_6 : i32
      %add3A_86 = arith.constant 1 : i32
      %add3A_87 = arith.addi %select_n3A_75, %add3A_86 : i32
      %select_n3A_88 = arith.constant true
      %select_n3A_89 = arith.select %select_n3A_88, %add3A_87, %select_n3A_75 : i32
      %eq3A_90 = arith.constant 25 : i32
      %eq3A_91 = arith.cmpi eq, %select_n3A_89, %eq3A_90 : i32
      %select_n3A_92 = arith.constant 0 : i32
      %select_n3A_93 = arith.select %eq3A_91, %select_n3A_92, %select_n3A_89 : i32
      %add3A_94 = arith.addi %select_n3A_93, %mul3A_6 : i32
      %add3A_95 = arith.constant 1 : i32
      %add3A_96 = arith.addi %select_n3A_93, %add3A_95 : i32
      %select_n3A_97 = arith.constant true
      %select_n3A_98 = arith.select %select_n3A_97, %add3A_96, %select_n3A_93 : i32
      %eq3A_99 = arith.constant 25 : i32
      %eq3A_100 = arith.cmpi eq, %select_n3A_98, %eq3A_99 : i32
      %select_n3A_101 = arith.constant 0 : i32
      %select_n3A_102 = arith.select %eq3A_100, %select_n3A_101, %select_n3A_98 : i32
      %add3A_103 = arith.addi %select_n3A_102, %mul3A_6 : i32
      "tpu.trace_start"() <{level = 10 : i32, message = "ep_finalize"}> : () -> ()
      %rem3A_104 = arith.constant 2 : i32
      %rem3A_105 = arith.remui %scan3A_67#3, %rem3A_104 : i32
      %mul3A_106 = arith.constant 128 : i32
      %mul3A_107 = arith.muli %mul3A_106, %add3A_76 : i32
      %dma_wait3A = arith.constant 0 : i32
      %dma_wait3A_108 = arith.constant 0 : i32
      %dma_wait3A_109 = tpu.memref_slice %run_scoped3A_8[%rem3A_105, %dma_wait3A, %dma_wait3A_108] : memref<2x128x128xf32, #tpu.memory_space<vmem>> -> memref<1x128x128xf32, #tpu.memory_space<vmem>>
      %dma_wait3A_110 = tpu.memref_squeeze %dma_wait3A_109 : memref<1x128x128xf32, #tpu.memory_space<vmem>> -> memref<128x128xf32, #tpu.memory_space<vmem>>
      %dma_wait3A_111 = arith.constant 0 : i32
      %dma_wait3A_112 = tpu.memref_slice %arg4[%mul3A_107, %dma_wait3A_111] : memref<102400x128xf32, #tpu.memory_space<hbm>> -> memref<128x128xf32, #tpu.memory_space<hbm>>
      %dma_wait3A_113 = tpu.memref_slice %run_scoped3A_9[%rem3A_105] : memref<2x!tpu.dma_semaphore, #tpu.memory_space<semaphore_mem>> -> memref<1x!tpu.dma_semaphore, #tpu.memory_space<semaphore_mem>>
      %dma_wait3A_114 = tpu.memref_squeeze %dma_wait3A_113 : memref<1x!tpu.dma_semaphore, #tpu.memory_space<semaphore_mem>> -> memref<!tpu.dma_semaphore, #tpu.memory_space<semaphore_mem>>
      %dma_wait3A_115 = arith.constant 0 : i32
      %dma_wait3A_116 = tpu.memref_slice %arg4[%mul3A_107, %dma_wait3A_115] : memref<102400x128xf32, #tpu.memory_space<hbm>> -> memref<128x128xf32, #tpu.memory_space<hbm>>
      %dma_wait3A_117 = arith.constant 0 : i32
      %dma_wait3A_118 = arith.constant 0 : i32
      %dma_wait3A_119 = tpu.memref_slice %run_scoped3A_8[%rem3A_105, %dma_wait3A_117, %dma_wait3A_118] : memref<2x128x128xf32, #tpu.memory_space<vmem>> -> memref<1x128x128xf32, #tpu.memory_space<vmem>>
      %dma_wait3A_120 = tpu.memref_squeeze %dma_wait3A_119 : memref<1x128x128xf32, #tpu.memory_space<vmem>> -> memref<128x128xf32, #tpu.memory_space<vmem>>
      tpu.wait_dma2 semaphore(%dma_wait3A_114 : memref<!tpu.dma_semaphore, #tpu.memory_space<semaphore_mem>>) src(%dma_wait3A_120 : memref<128x128xf32, #tpu.memory_space<vmem>>) dst(%dma_wait3A_116 : memref<128x128xf32, #tpu.memory_space<hbm>>)
      "tpu.trace_stop"() : () -> ()
      tpu.yield
    }) : () -> ()
    return
  }
}

#map = affine_map<(d0, d1) -> (0, 0)>
module attributes {stable_mosaic.version = 14 : i64} {
  func.func @k(%arg0: i32, %arg1: i32, %arg2: memref<100000x128xf32, #tpu.memory_space<hbm>>, %arg3: memref<1x102400xi32, #tpu.memory_space<hbm>>, %arg4: memref<102400x128xf32, #tpu.memory_space<hbm>>) attributes {dimension_semantics = [#tpu.dimension_semantics<core_parallel>, #tpu.dimension_semantics<subcore_parallel>], iteration_bounds = array<i64: 2, 16>, scalar_prefetch = 0 : i64, scratch_operands = 0 : i64, tpu.core_type = #tpu.core_type<sc_vector_subcore>, window_params = [{transform_indices = #map}, {transform_indices = #map}, {transform_indices = #map}]} {
    %mul3A = arith.constant 1 : i32
    %mul3A_0 = arith.muli %arg1, %mul3A : i32
    %add3A = arith.constant 0 : i32
    %add3A_1 = arith.addi %add3A, %mul3A_0 : i32
    %mul3A_2 = arith.constant 16 : i32
    %mul3A_3 = arith.muli %arg0, %mul3A_2 : i32
    %add3A_4 = arith.addi %add3A_1, %mul3A_3 : i32
    %mul3A_5 = arith.constant 25 : i32
    %mul3A_6 = arith.muli %add3A_4, %mul3A_5 : i32
    "tpu.region"() ({
      %run_scoped3A = memref.alloca() : memref<2x1x128xi32, #tpu.memory_space<vmem>>
      %run_scoped3A_7 = tpu.sem_alloc : memref<2x!tpu.dma_semaphore, #tpu.memory_space<semaphore_mem>>
      %run_scoped3A_8 = memref.alloca() : memref<2x128x128xf32, #tpu.memory_space<vmem>>
      %run_scoped3A_9 = tpu.sem_alloc : memref<2x!tpu.dma_semaphore, #tpu.memory_space<semaphore_mem>>
      %add3A_10 = arith.constant 0 : i32
      %add3A_11 = arith.addi %add3A_10, %mul3A_6 : i32
      %select_n3A = arith.constant true
      %select_n3A_12 = arith.constant 0 : i32
      %select_n3A_13 = arith.constant -1 : i32
      %select_n3A_14 = arith.select %select_n3A, %select_n3A_13, %select_n3A_12 : i32
      %eq3A = arith.constant -1 : i32
      %eq3A_15 = arith.cmpi eq, %select_n3A_14, %eq3A : i32
      %select_n3A_16 = arith.constant 24 : i32
      %select_n3A_17 = arith.select %eq3A_15, %select_n3A_16, %select_n3A_14 : i32
      %add3A_18 = arith.addi %select_n3A_17, %mul3A_6 : i32
      %select_n3A_19 = arith.constant true
      %select_n3A_20 = arith.constant 0 : i32
      %select_n3A_21 = arith.constant 1 : i32
      %select_n3A_22 = arith.select %select_n3A_19, %select_n3A_21, %select_n3A_20 : i32
      %eq3A_23 = arith.constant 25 : i32
      %eq3A_24 = arith.cmpi eq, %select_n3A_22, %eq3A_23 : i32
      %select_n3A_25 = arith.constant 0 : i32
      %select_n3A_26 = arith.select %eq3A_24, %select_n3A_25, %select_n3A_22 : i32
      %add3A_27 = arith.addi %select_n3A_26, %mul3A_6 : i32
      %add3A_28 = arith.constant 1 : i32
      %add3A_29 = arith.addi %select_n3A_26, %add3A_28 : i32
      %select_n3A_30 = arith.constant true
      %select_n3A_31 = arith.select %select_n3A_30, %add3A_29, %select_n3A_26 : i32
      %eq3A_32 = arith.constant 25 : i32
      %eq3A_33 = arith.cmpi eq, %select_n3A_31, %eq3A_32 : i32
      %select_n3A_34 = arith.constant 0 : i32
      %select_n3A_35 = arith.select %eq3A_33, %select_n3A_34, %select_n3A_31 : i32
      %add3A_36 = arith.addi %select_n3A_35, %mul3A_6 : i32
      "tpu.trace_start"() <{level = 10 : i32, message = "ep_initialize_0"}> : () -> ()
      %rem3A = arith.constant 0 : i32
      %rem3A_37 = arith.constant 2 : i32
      %rem3A_38 = arith.remui %rem3A, %rem3A_37 : i32
      %mul3A_39 = arith.constant 128 : i32
      %mul3A_40 = arith.muli %mul3A_39, %add3A_11 : i32
      %dma_start3A = arith.constant 0 : i32
      %dma_start3A_41 = arith.constant 0 : i32
      %dma_start3A_42 = tpu.memref_slice %run_scoped3A[%rem3A_38, %dma_start3A, %dma_start3A_41] : memref<2x1x128xi32, #tpu.memory_space<vmem>> -> memref<1x1x128xi32, #tpu.memory_space<vmem>>
      %dma_start3A_43 = tpu.memref_squeeze %dma_start3A_42 : memref<1x1x128xi32, #tpu.memory_space<vmem>> -> memref<1x128xi32, #tpu.memory_space<vmem>>
      %dma_start3A_44 = arith.constant 0 : i32
      %dma_start3A_45 = tpu.memref_slice %arg3[%dma_start3A_44, %mul3A_40] : memref<1x102400xi32, #tpu.memory_space<hbm>> -> memref<1x128xi32, #tpu.memory_space<hbm>>
      %dma_start3A_46 = tpu.memref_slice %run_scoped3A_7[%rem3A_38] : memref<2x!tpu.dma_semaphore, #tpu.memory_space<semaphore_mem>> -> memref<1x!tpu.dma_semaphore, #tpu.memory_space<semaphore_mem>>
      %dma_start3A_47 = tpu.memref_squeeze %dma_start3A_46 : memref<1x!tpu.dma_semaphore, #tpu.memory_space<semaphore_mem>> -> memref<!tpu.dma_semaphore, #tpu.memory_space<semaphore_mem>>
      %dma_start3A_48 = arith.constant 0 : i32
      %dma_start3A_49 = arith.constant 0 : i32
      %dma_start3A_50 = tpu.memref_slice %run_scoped3A[%rem3A_38, %dma_start3A_48, %dma_start3A_49] : memref<2x1x128xi32, #tpu.memory_space<vmem>> -> memref<1x1x128xi32, #tpu.memory_space<vmem>>
      %dma_start3A_51 = tpu.memref_squeeze %dma_start3A_50 : memref<1x1x128xi32, #tpu.memory_space<vmem>> -> memref<1x128xi32, #tpu.memory_space<vmem>>
      %dma_start3A_52 = arith.constant 0 : i32
      %dma_start3A_53 = tpu.memref_slice %arg3[%dma_start3A_52, %mul3A_40] : memref<1x102400xi32, #tpu.memory_space<hbm>> -> memref<1x128xi32, #tpu.memory_space<hbm>>
      tpu.enqueue_dma source(%dma_start3A_53 : memref<1x128xi32, #tpu.memory_space<hbm>>) target(%dma_start3A_51 : memref<1x128xi32, #tpu.memory_space<vmem>>) target_semaphore(%dma_start3A_47 : memref<!tpu.dma_semaphore, #tpu.memory_space<semaphore_mem>>)
      %add3A_54 = arith.constant 0 : i32
      %add3A_55 = arith.constant 1 : i32
      %add3A_56 = arith.addi %add3A_54, %add3A_55 : i32
      %select_n3A_57 = arith.constant true
      %select_n3A_58 = arith.constant 0 : i32
      %select_n3A_59 = arith.select %select_n3A_57, %add3A_56, %select_n3A_58 : i32
      "tpu.trace_stop"() : () -> ()
      %scan3A = arith.constant 0 : i32
      %scan3A_60 = arith.constant 0 : i32
      %scan3A_61 = arith.constant 0 : i32
      %scan3A_62 = arith.constant 0 : i32
      %scan3A_63 = arith.constant 0 : i32
      %scan3A_64 = arith.constant 25 : i32
      %scan3A_65 = arith.addi %scan3A_63, %scan3A_64 : i32
      %scan3A_66 = arith.constant 1 : i32
      %scan3A_67:5 = scf.for %scan3A_121 = %scan3A_63 to %scan3A_65 step %scan3A_66 iter_args(%scan3A_122 = %select_n3A_59, %scan3A_123 = %scan3A, %scan3A_124 = %scan3A_60, %scan3A_125 = %scan3A_61, %scan3A_126 = %scan3A_62) -> (i32, i32, i32, i32, i32)  : i32 {
        %eq3A_127 = arith.constant 0 : i32
        %eq3A_128 = arith.cmpi eq, %scan3A_121, %eq3A_127 : i32
        %eq3A_129 = arith.constant 24 : i32
        %eq3A_130 = arith.cmpi eq, %scan3A_121, %eq3A_129 : i32
        %add3A_131 = arith.addi %scan3A_126, %mul3A_6 : i32
        %sub3A_132 = arith.constant 1 : i32
        %sub3A_133 = arith.subi %scan3A_126, %sub3A_132 : i32
        %select_n3A_134 = arith.constant true
        %select_n3A_135 = arith.select %select_n3A_134, %sub3A_133, %scan3A_126 : i32
        %eq3A_136 = arith.constant -1 : i32
        %eq3A_137 = arith.cmpi eq, %select_n3A_135, %eq3A_136 : i32
        %select_n3A_138 = arith.constant 24 : i32
        %select_n3A_139 = arith.select %eq3A_137, %select_n3A_138, %select_n3A_135 : i32
        %add3A_140 = arith.addi %select_n3A_139, %mul3A_6 : i32
        %add3A_141 = arith.constant 1 : i32
        %add3A_142 = arith.addi %scan3A_126, %add3A_141 : i32
        %select_n3A_143 = arith.constant true
        %select_n3A_144 = arith.select %select_n3A_143, %add3A_142, %scan3A_126 : i32
        %eq3A_145 = arith.constant 25 : i32
        %eq3A_146 = arith.cmpi eq, %select_n3A_144, %eq3A_145 : i32
        %select_n3A_147 = arith.constant 0 : i32
        %select_n3A_148 = arith.select %eq3A_146, %select_n3A_147, %select_n3A_144 : i32
        %add3A_149 = arith.addi %select_n3A_148, %mul3A_6 : i32
        %add3A_150 = arith.constant 1 : i32
        %add3A_151 = arith.addi %select_n3A_148, %add3A_150 : i32
        %select_n3A_152 = arith.constant true
        %select_n3A_153 = arith.select %select_n3A_152, %add3A_151, %select_n3A_148 : i32
        %eq3A_154 = arith.constant 25 : i32
        %eq3A_155 = arith.cmpi eq, %select_n3A_153, %eq3A_154 : i32
        %select_n3A_156 = arith.constant 0 : i32
        %select_n3A_157 = arith.select %eq3A_155, %select_n3A_156, %select_n3A_153 : i32
        %add3A_158 = arith.addi %select_n3A_157, %mul3A_6 : i32
        %ne3A = arith.cmpi ne, %add3A_131, %add3A_149 : i32
        %or3A = arith.constant false
        %or3A_159 = arith.ori %or3A, %ne3A : i1
        %ge3A = arith.constant 24 : i32
        %ge3A_160 = arith.cmpi sge, %scan3A_121, %ge3A : i32
        %not3A = arith.constant true
        %not3A_161 = arith.xori %ge3A_160, %not3A : i1
        %and3A = arith.andi %or3A_159, %not3A_161 : i1
        %convert_element_type3A = arith.extui %and3A : i1 to i32
        %cond3A = arith.constant 0 : i32
        %cond3A_162 = arith.cmpi ne, %convert_element_type3A, %cond3A : i32
        scf.if %cond3A_162 {
          "tpu.trace_start"() <{level = 10 : i32, message = "ep_copy_in"}> : () -> ()
          %rem3A_264 = arith.constant 2 : i32
          %rem3A_265 = arith.remui %scan3A_122, %rem3A_264 : i32
          %mul3A_266 = arith.constant 128 : i32
          %mul3A_267 = arith.muli %mul3A_266, %add3A_149 : i32
          %dma_start3A_268 = arith.constant 0 : i32
          %dma_start3A_269 = arith.constant 0 : i32
          %dma_start3A_270 = tpu.memref_slice %run_scoped3A[%rem3A_265, %dma_start3A_268, %dma_start3A_269] : memref<2x1x128xi32, #tpu.memory_space<vmem>> -> memref<1x1x128xi32, #tpu.memory_space<vmem>>
          %dma_start3A_271 = tpu.memref_squeeze %dma_start3A_270 : memref<1x1x128xi32, #tpu.memory_space<vmem>> -> memref<1x128xi32, #tpu.memory_space<vmem>>
          %dma_start3A_272 = arith.constant 0 : i32
          %dma_start3A_273 = tpu.memref_slice %arg3[%dma_start3A_272, %mul3A_267] : memref<1x102400xi32, #tpu.memory_space<hbm>> -> memref<1x128xi32, #tpu.memory_space<hbm>>
          %dma_start3A_274 = tpu.memref_slice %run_scoped3A_7[%rem3A_265] : memref<2x!tpu.dma_semaphore, #tpu.memory_space<semaphore_mem>> -> memref<1x!tpu.dma_semaphore, #tpu.memory_space<semaphore_mem>>
          %dma_start3A_275 = tpu.memref_squeeze %dma_start3A_274 : memref<1x!tpu.dma_semaphore, #tpu.memory_space<semaphore_mem>> -> memref<!tpu.dma_semaphore, #tpu.memory_space<semaphore_mem>>
          %dma_start3A_276 = arith.constant 0 : i32
          %dma_start3A_277 = arith.constant 0 : i32
          %dma_start3A_278 = tpu.memref_slice %run_scoped3A[%rem3A_265, %dma_start3A_276, %dma_start3A_277] : memref<2x1x128xi32, #tpu.memory_space<vmem>> -> memref<1x1x128xi32, #tpu.memory_space<vmem>>
          %dma_start3A_279 = tpu.memref_squeeze %dma_start3A_278 : memref<1x1x128xi32, #tpu.memory_space<vmem>> -> memref<1x128xi32, #tpu.memory_space<vmem>>
          %dma_start3A_280 = arith.constant 0 : i32
          %dma_start3A_281 = tpu.memref_slice %arg3[%dma_start3A_280, %mul3A_267] : memref<1x102400xi32, #tpu.memory_space<hbm>> -> memref<1x128xi32, #tpu.memory_space<hbm>>
          tpu.enqueue_dma source(%dma_start3A_281 : memref<1x128xi32, #tpu.memory_space<hbm>>) target(%dma_start3A_279 : memref<1x128xi32, #tpu.memory_space<vmem>>) target_semaphore(%dma_start3A_275 : memref<!tpu.dma_semaphore, #tpu.memory_space<semaphore_mem>>)
          "tpu.trace_stop"() : () -> ()
        } else {
        }
        %and3A_163 = arith.constant true
        %and3A_164 = arith.andi %and3A, %and3A_163 : i1
        %add3A_165 = arith.constant 1 : i32
        %add3A_166 = arith.addi %scan3A_122, %add3A_165 : i32
        %select_n3A_167 = arith.select %and3A_164, %add3A_166, %scan3A_122 : i32
        %ne3A_168 = arith.cmpi ne, %add3A_131, %add3A_149 : i32
        %or3A_169 = arith.constant false
        %or3A_170 = arith.ori %or3A_169, %ne3A_168 : i1
        %or3A_171 = arith.constant false
        %or3A_172 = arith.ori %or3A_170, %or3A_171 : i1
        %ge3A_173 = arith.constant 24 : i32
        %ge3A_174 = arith.cmpi sge, %scan3A_121, %ge3A_173 : i32
        %not3A_175 = arith.constant true
        %not3A_176 = arith.xori %ge3A_174, %not3A_175 : i1
        %and3A_177 = arith.andi %or3A_172, %not3A_176 : i1
        %ne3A_178 = arith.cmpi ne, %add3A_131, %add3A_140 : i32
        %or3A_179 = arith.constant false
        %or3A_180 = arith.ori %or3A_179, %ne3A_178 : i1
        %or3A_181 = arith.ori %or3A_180, %eq3A_128 : i1
        %convert_element_type3A_182 = arith.extui %or3A_181 : i1 to i32
        %cond3A_183 = arith.constant 0 : i32
        %cond3A_184 = arith.cmpi ne, %convert_element_type3A_182, %cond3A_183 : i32
        scf.if %cond3A_184 {
          "tpu.trace_start"() <{level = 10 : i32, message = "ep_wait_in"}> : () -> ()
          %mul3A_264 = arith.constant 128 : i32
          %mul3A_265 = arith.muli %mul3A_264, %add3A_131 : i32
          %rem3A_266 = arith.constant 2 : i32
          %rem3A_267 = arith.remui %scan3A_123, %rem3A_266 : i32
          %dma_wait3A_268 = arith.constant 0 : i32
          %dma_wait3A_269 = arith.constant 0 : i32
          %dma_wait3A_270 = tpu.memref_slice %run_scoped3A[%rem3A_267, %dma_wait3A_268, %dma_wait3A_269] : memref<2x1x128xi32, #tpu.memory_space<vmem>> -> memref<1x1x128xi32, #tpu.memory_space<vmem>>
          %dma_wait3A_271 = tpu.memref_squeeze %dma_wait3A_270 : memref<1x1x128xi32, #tpu.memory_space<vmem>> -> memref<1x128xi32, #tpu.memory_space<vmem>>
          %dma_wait3A_272 = arith.constant 0 : i32
          %dma_wait3A_273 = tpu.memref_slice %arg3[%dma_wait3A_272, %mul3A_265] : memref<1x102400xi32, #tpu.memory_space<hbm>> -> memref<1x128xi32, #tpu.memory_space<hbm>>
          %dma_wait3A_274 = tpu.memref_slice %run_scoped3A_7[%rem3A_267] : memref<2x!tpu.dma_semaphore, #tpu.memory_space<semaphore_mem>> -> memref<1x!tpu.dma_semaphore, #tpu.memory_space<semaphore_mem>>
          %dma_wait3A_275 = tpu.memref_squeeze %dma_wait3A_274 : memref<1x!tpu.dma_semaphore, #tpu.memory_space<semaphore_mem>> -> memref<!tpu.dma_semaphore, #tpu.memory_space<semaphore_mem>>
          %dma_wait3A_276 = arith.constant 0 : i32
          %dma_wait3A_277 = arith.constant 0 : i32
          %dma_wait3A_278 = tpu.memref_slice %run_scoped3A[%rem3A_267, %dma_wait3A_276, %dma_wait3A_277] : memref<2x1x128xi32, #tpu.memory_space<vmem>> -> memref<1x1x128xi32, #tpu.memory_space<vmem>>
          %dma_wait3A_279 = tpu.memref_squeeze %dma_wait3A_278 : memref<1x1x128xi32, #tpu.memory_space<vmem>> -> memref<1x128xi32, #tpu.memory_space<vmem>>
          %dma_wait3A_280 = arith.constant 0 : i32
          %dma_wait3A_281 = tpu.memref_slice %arg3[%dma_wait3A_280, %mul3A_265] : memref<1x102400xi32, #tpu.memory_space<hbm>> -> memref<1x128xi32, #tpu.memory_space<hbm>>
          tpu.wait_dma2 semaphore(%dma_wait3A_275 : memref<!tpu.dma_semaphore, #tpu.memory_space<semaphore_mem>>) src(%dma_wait3A_281 : memref<1x128xi32, #tpu.memory_space<hbm>>) dst(%dma_wait3A_279 : memref<1x128xi32, #tpu.memory_space<vmem>>)
          "tpu.trace_stop"() : () -> ()
        } else {
        }
        %ne3A_185 = arith.cmpi ne, %add3A_131, %add3A_140 : i32
        %or3A_186 = arith.constant false
        %or3A_187 = arith.ori %or3A_186, %ne3A_185 : i1
        %or3A_188 = arith.constant false
        %or3A_189 = arith.ori %or3A_187, %or3A_188 : i1
        %or3A_190 = arith.ori %or3A_189, %eq3A_128 : i1
        %convert_element_type3A_191 = arith.extui %or3A_190 : i1 to i32
        %cond3A_192 = arith.constant 0 : i32
        %cond3A_193 = arith.cmpi ne, %convert_element_type3A_191, %cond3A_192 : i32
        scf.if %cond3A_193 {
        } else {
        }
        %rem3A_194 = arith.constant 2 : i32
        %rem3A_195 = arith.remui %scan3A_123, %rem3A_194 : i32
        %rem3A_196 = arith.constant 2 : i32
        %rem3A_197 = arith.remui %scan3A_124, %rem3A_196 : i32
        %run_scoped3A_198 = arith.constant 0 : i32
        "tpu.trace_start"() <{level = 10 : i32, message = "ep_run_kernel"}> : () -> ()
        "tpu.region"() ({
          %run_scoped3A_264 = tpu.sem_alloc : memref<!tpu.dma_semaphore, #tpu.memory_space<semaphore_mem>>
          %dma_start3A_265 = arith.constant 0 : i32
          %dma_start3A_266 = arith.constant 0 : i32
          %dma_start3A_267 = tpu.memref_slice %run_scoped3A_8[%rem3A_197, %dma_start3A_265, %dma_start3A_266] : memref<2x128x128xf32, #tpu.memory_space<vmem>> -> memref<1x128x128xf32, #tpu.memory_space<vmem>>
          %dma_start3A_268 = tpu.memref_squeeze %dma_start3A_267 : memref<1x128x128xf32, #tpu.memory_space<vmem>> -> memref<128x128xf32, #tpu.memory_space<vmem>>
          %dma_start3A_269 = arith.constant 0 : i32
          %dma_start3A_270 = arith.constant 0 : i32
          %dma_start3A_271 = tpu.memref_slice %run_scoped3A[%rem3A_195, %dma_start3A_269, %dma_start3A_270] : memref<2x1x128xi32, #tpu.memory_space<vmem>> -> memref<1x1x128xi32, #tpu.memory_space<vmem>>
          %dma_start3A_272 = tpu.memref_squeeze %dma_start3A_271 : memref<1x1x128xi32, #tpu.memory_space<vmem>> -> memref<1x128xi32, #tpu.memory_space<vmem>>
          %dma_start3A_273 = arith.constant 0 : i32
          %dma_start3A_274 = tpu.memref_slice %dma_start3A_272[%run_scoped3A_198, %dma_start3A_273] : memref<1x128xi32, #tpu.memory_space<vmem>> -> memref<1x128xi32, #tpu.memory_space<vmem>>
          %dma_start3A_275 = tpu.memref_squeeze %dma_start3A_274 : memref<1x128xi32, #tpu.memory_space<vmem>> -> memref<128xi32, #tpu.memory_space<vmem>>
          %dma_start3A_276 = arith.constant 0 : i32
          %dma_start3A_277 = arith.constant 0 : i32
          %dma_start3A_278 = tpu.memref_slice %arg2[%dma_start3A_276, %dma_start3A_277] : memref<100000x128xf32, #tpu.memory_space<hbm>> -> memref<100000x128xf32, #tpu.memory_space<hbm>>
          tpu.enqueue_indirect_dma source(%dma_start3A_278 : memref<100000x128xf32, #tpu.memory_space<hbm>>) target(%dma_start3A_268 : memref<128x128xf32, #tpu.memory_space<vmem>>) offsets(%dma_start3A_275 : memref<128xi32, #tpu.memory_space<vmem>>) semaphore(%run_scoped3A_264 : memref<!tpu.dma_semaphore, #tpu.memory_space<semaphore_mem>>)
          %dma_wait3A_279 = arith.constant 0 : i32
          %dma_wait3A_280 = arith.constant 0 : i32
          %dma_wait3A_281 = tpu.memref_slice %run_scoped3A_8[%rem3A_197, %dma_wait3A_279, %dma_wait3A_280] : memref<2x128x128xf32, #tpu.memory_space<vmem>> -> memref<1x128x128xf32, #tpu.memory_space<vmem>>
          %dma_wait3A_282 = tpu.memref_squeeze %dma_wait3A_281 : memref<1x128x128xf32, #tpu.memory_space<vmem>> -> memref<128x128xf32, #tpu.memory_space<vmem>>
          %dma_wait3A_283 = arith.constant 0 : i32
          %dma_wait3A_284 = arith.constant 0 : i32
          %dma_wait3A_285 = tpu.memref_slice %run_scoped3A[%rem3A_195, %dma_wait3A_283, %dma_wait3A_284] : memref<2x1x128xi32, #tpu.memory_space<vmem>> -> memref<1x1x128xi32, #tpu.memory_space<vmem>>
          %dma_wait3A_286 = tpu.memref_squeeze %dma_wait3A_285 : memref<1x1x128xi32, #tpu.memory_space<vmem>> -> memref<1x128xi32, #tpu.memory_space<vmem>>
          %dma_wait3A_287 = arith.constant 0 : i32
          %dma_wait3A_288 = tpu.memref_slice %dma_wait3A_286[%run_scoped3A_198, %dma_wait3A_287] : memref<1x128xi32, #tpu.memory_space<vmem>> -> memref<1x128xi32, #tpu.memory_space<vmem>>
          %dma_wait3A_289 = tpu.memref_squeeze %dma_wait3A_288 : memref<1x128xi32, #tpu.memory_space<vmem>> -> memref<128xi32, #tpu.memory_space<vmem>>
          %dma_wait3A_290 = arith.constant 0 : i32
          %dma_wait3A_291 = arith.constant 0 : i32
          %dma_wait3A_292 = tpu.memref_slice %arg2[%dma_wait3A_290, %dma_wait3A_291] : memref<100000x128xf32, #tpu.memory_space<hbm>> -> memref<100000x128xf32, #tpu.memory_space<hbm>>
          tpu.wait_indirect_dma semaphore(%run_scoped3A_264 : memref<!tpu.dma_semaphore, #tpu.memory_space<semaphore_mem>>) src(%dma_wait3A_292 : memref<100000x128xf32, #tpu.memory_space<hbm>>) dst(%dma_wait3A_282 : memref<128x128xf32, #tpu.memory_space<vmem>>)
          tpu.yield
        }) : () -> ()
        "tpu.trace_stop"() : () -> ()
        %ne3A_199 = arith.cmpi ne, %add3A_131, %add3A_149 : i32
        %or3A_200 = arith.constant false
        %or3A_201 = arith.ori %or3A_200, %ne3A_199 : i1
        %or3A_202 = arith.ori %or3A_201, %eq3A_130 : i1
        %convert_element_type3A_203 = arith.extui %or3A_202 : i1 to i32
        %cond3A_204 = arith.constant 0 : i32
        %cond3A_205 = arith.cmpi ne, %convert_element_type3A_203, %cond3A_204 : i32
        scf.if %cond3A_205 {
        } else {
        }
        %and3A_206 = arith.constant false
        %and3A_207 = arith.andi %or3A_202, %and3A_206 : i1
        %ne3A_208 = arith.cmpi ne, %add3A_131, %add3A_149 : i32
        %or3A_209 = arith.constant false
        %or3A_210 = arith.ori %or3A_209, %ne3A_208 : i1
        %or3A_211 = arith.constant false
        %or3A_212 = arith.ori %or3A_210, %or3A_211 : i1
        %or3A_213 = arith.ori %or3A_212, %eq3A_130 : i1
        %convert_element_type3A_214 = arith.extui %or3A_213 : i1 to i32
        %cond3A_215 = arith.constant 0 : i32
        %cond3A_216 = arith.cmpi ne, %convert_element_type3A_214, %cond3A_215 : i32
        scf.if %cond3A_216 {
          "tpu.trace_start"() <{level = 10 : i32, message = "ep_copy_out"}> : () -> ()
          %rem3A_264 = arith.constant 2 : i32
          %rem3A_265 = arith.remui %scan3A_124, %rem3A_264 : i32
          %mul3A_266 = arith.constant 128 : i32
          %mul3A_267 = arith.muli %mul3A_266, %add3A_131 : i32
          %dma_start3A_268 = arith.constant 0 : i32
          %dma_start3A_269 = arith.constant 0 : i32
          %dma_start3A_270 = tpu.memref_slice %run_scoped3A_8[%rem3A_265, %dma_start3A_268, %dma_start3A_269] : memref<2x128x128xf32, #tpu.memory_space<vmem>> -> memref<1x128x128xf32, #tpu.memory_space<vmem>>
          %dma_start3A_271 = tpu.memref_squeeze %dma_start3A_270 : memref<1x128x128xf32, #tpu.memory_space<vmem>> -> memref<128x128xf32, #tpu.memory_space<vmem>>
          %dma_start3A_272 = arith.constant 0 : i32
          %dma_start3A_273 = tpu.memref_slice %arg4[%mul3A_267, %dma_start3A_272] : memref<102400x128xf32, #tpu.memory_space<hbm>> -> memref<128x128xf32, #tpu.memory_space<hbm>>
          %dma_start3A_274 = tpu.memref_slice %run_scoped3A_9[%rem3A_265] : memref<2x!tpu.dma_semaphore, #tpu.memory_space<semaphore_mem>> -> memref<1x!tpu.dma_semaphore, #tpu.memory_space<semaphore_mem>>
          %dma_start3A_275 = tpu.memref_squeeze %dma_start3A_274 : memref<1x!tpu.dma_semaphore, #tpu.memory_space<semaphore_mem>> -> memref<!tpu.dma_semaphore, #tpu.memory_space<semaphore_mem>>
          %dma_start3A_276 = arith.constant 0 : i32
          %dma_start3A_277 = tpu.memref_slice %arg4[%mul3A_267, %dma_start3A_276] : memref<102400x128xf32, #tpu.memory_space<hbm>> -> memref<128x128xf32, #tpu.memory_space<hbm>>
          %dma_start3A_278 = arith.constant 0 : i32
          %dma_start3A_279 = arith.constant 0 : i32
          %dma_start3A_280 = tpu.memref_slice %run_scoped3A_8[%rem3A_265, %dma_start3A_278, %dma_start3A_279] : memref<2x128x128xf32, #tpu.memory_space<vmem>> -> memref<1x128x128xf32, #tpu.memory_space<vmem>>
          %dma_start3A_281 = tpu.memref_squeeze %dma_start3A_280 : memref<1x128x128xf32, #tpu.memory_space<vmem>> -> memref<128x128xf32, #tpu.memory_space<vmem>>
          tpu.enqueue_dma source(%dma_start3A_281 : memref<128x128xf32, #tpu.memory_space<vmem>>) target(%dma_start3A_277 : memref<128x128xf32, #tpu.memory_space<hbm>>) target_semaphore(%dma_start3A_275 : memref<!tpu.dma_semaphore, #tpu.memory_space<semaphore_mem>>)
          "tpu.trace_stop"() : () -> ()
        } else {
        }
        %and3A_217 = arith.constant true
        %and3A_218 = arith.andi %or3A_213, %and3A_217 : i1
        %add3A_219 = arith.constant 1 : i32
        %add3A_220 = arith.addi %scan3A_124, %add3A_219 : i32
        %select_n3A_221 = arith.select %and3A_218, %add3A_220, %scan3A_124 : i32
        %ne3A_222 = arith.cmpi ne, %add3A_131, %add3A_140 : i32
        %or3A_223 = arith.constant false
        %or3A_224 = arith.ori %or3A_223, %ne3A_222 : i1
        %not3A_225 = arith.constant true
        %not3A_226 = arith.xori %eq3A_128, %not3A_225 : i1
        %and3A_227 = arith.andi %or3A_224, %not3A_226 : i1
        %convert_element_type3A_228 = arith.extui %and3A_227 : i1 to i32
        %cond3A_229 = arith.constant 0 : i32
        %cond3A_230 = arith.cmpi ne, %convert_element_type3A_228, %cond3A_229 : i32
        scf.if %cond3A_230 {
        } else {
        }
        %and3A_231 = arith.constant false
        %and3A_232 = arith.andi %and3A_227, %and3A_231 : i1
        %ne3A_233 = arith.cmpi ne, %add3A_131, %add3A_140 : i32
        %or3A_234 = arith.constant false
        %or3A_235 = arith.ori %or3A_234, %ne3A_233 : i1
        %or3A_236 = arith.constant false
        %or3A_237 = arith.ori %or3A_235, %or3A_236 : i1
        %not3A_238 = arith.constant true
        %not3A_239 = arith.xori %eq3A_128, %not3A_238 : i1
        %and3A_240 = arith.andi %or3A_237, %not3A_239 : i1
        %convert_element_type3A_241 = arith.extui %and3A_240 : i1 to i32
        %cond3A_242 = arith.constant 0 : i32
        %cond3A_243 = arith.cmpi ne, %convert_element_type3A_241, %cond3A_242 : i32
        scf.if %cond3A_243 {
          "tpu.trace_start"() <{level = 10 : i32, message = "ep_wait_out"}> : () -> ()
          %rem3A_264 = arith.constant 2 : i32
          %rem3A_265 = arith.remui %scan3A_125, %rem3A_264 : i32
          %mul3A_266 = arith.constant 128 : i32
          %mul3A_267 = arith.muli %mul3A_266, %add3A_140 : i32
          %dma_wait3A_268 = arith.constant 0 : i32
          %dma_wait3A_269 = arith.constant 0 : i32
          %dma_wait3A_270 = tpu.memref_slice %run_scoped3A_8[%rem3A_265, %dma_wait3A_268, %dma_wait3A_269] : memref<2x128x128xf32, #tpu.memory_space<vmem>> -> memref<1x128x128xf32, #tpu.memory_space<vmem>>
          %dma_wait3A_271 = tpu.memref_squeeze %dma_wait3A_270 : memref<1x128x128xf32, #tpu.memory_space<vmem>> -> memref<128x128xf32, #tpu.memory_space<vmem>>
          %dma_wait3A_272 = arith.constant 0 : i32
          %dma_wait3A_273 = tpu.memref_slice %arg4[%mul3A_267, %dma_wait3A_272] : memref<102400x128xf32, #tpu.memory_space<hbm>> -> memref<128x128xf32, #tpu.memory_space<hbm>>
          %dma_wait3A_274 = tpu.memref_slice %run_scoped3A_9[%rem3A_265] : memref<2x!tpu.dma_semaphore, #tpu.memory_space<semaphore_mem>> -> memref<1x!tpu.dma_semaphore, #tpu.memory_space<semaphore_mem>>
          %dma_wait3A_275 = tpu.memref_squeeze %dma_wait3A_274 : memref<1x!tpu.dma_semaphore, #tpu.memory_space<semaphore_mem>> -> memref<!tpu.dma_semaphore, #tpu.memory_space<semaphore_mem>>
          %dma_wait3A_276 = arith.constant 0 : i32
          %dma_wait3A_277 = tpu.memref_slice %arg4[%mul3A_267, %dma_wait3A_276] : memref<102400x128xf32, #tpu.memory_space<hbm>> -> memref<128x128xf32, #tpu.memory_space<hbm>>
          %dma_wait3A_278 = arith.constant 0 : i32
          %dma_wait3A_279 = arith.constant 0 : i32
          %dma_wait3A_280 = tpu.memref_slice %run_scoped3A_8[%rem3A_265, %dma_wait3A_278, %dma_wait3A_279] : memref<2x128x128xf32, #tpu.memory_space<vmem>> -> memref<1x128x128xf32, #tpu.memory_space<vmem>>
          %dma_wait3A_281 = tpu.memref_squeeze %dma_wait3A_280 : memref<1x128x128xf32, #tpu.memory_space<vmem>> -> memref<128x128xf32, #tpu.memory_space<vmem>>
          tpu.wait_dma2 semaphore(%dma_wait3A_275 : memref<!tpu.dma_semaphore, #tpu.memory_space<semaphore_mem>>) src(%dma_wait3A_281 : memref<128x128xf32, #tpu.memory_space<vmem>>) dst(%dma_wait3A_277 : memref<128x128xf32, #tpu.memory_space<hbm>>)
          "tpu.trace_stop"() : () -> ()
        } else {
        }
        %and3A_244 = arith.constant true
        %and3A_245 = arith.andi %and3A_240, %and3A_244 : i1
        %add3A_246 = arith.constant 1 : i32
        %add3A_247 = arith.addi %scan3A_125, %add3A_246 : i32
        %select_n3A_248 = arith.select %and3A_245, %add3A_247, %scan3A_125 : i32
        %ne3A_249 = arith.cmpi ne, %add3A_131, %add3A_149 : i32
        %or3A_250 = arith.constant false
        %or3A_251 = arith.ori %or3A_250, %ne3A_249 : i1
        %or3A_252 = arith.ori %or3A_251, %eq3A_130 : i1
        %add3A_253 = arith.constant 1 : i32
        %add3A_254 = arith.addi %scan3A_123, %add3A_253 : i32
        %select_n3A_255 = arith.select %or3A_252, %add3A_254, %scan3A_123 : i32
        %add3A_256 = arith.constant 1 : i32
        %add3A_257 = arith.addi %scan3A_126, %add3A_256 : i32
        %select_n3A_258 = arith.constant true
        %select_n3A_259 = arith.select %select_n3A_258, %add3A_257, %scan3A_126 : i32
        %eq3A_260 = arith.constant 25 : i32
        %eq3A_261 = arith.cmpi eq, %select_n3A_259, %eq3A_260 : i32
        %select_n3A_262 = arith.constant 0 : i32
        %select_n3A_263 = arith.select %eq3A_261, %select_n3A_262, %select_n3A_259 : i32
        scf.yield %select_n3A_167, %select_n3A_255, %select_n3A_221, %select_n3A_248, %select_n3A_263 : i32, i32, i32, i32, i32
      }
      %scan3A_68 = arith.constant 25 : i32
      %sub3A = arith.constant 1 : i32
      %sub3A_69 = arith.subi %scan3A_67#4, %sub3A : i32
      %select_n3A_70 = arith.constant true
      %select_n3A_71 = arith.select %select_n3A_70, %sub3A_69, %scan3A_67#4 : i32
      %eq3A_72 = arith.constant -1 : i32
      %eq3A_73 = arith.cmpi eq, %select_n3A_71, %eq3A_72 : i32
      %select_n3A_74 = arith.constant 24 : i32
      %select_n3A_75 = arith.select %eq3A_73, %select_n3A_74, %select_n3A_71 : i32
      %add3A_76 = arith.addi %select_n3A_75, %mul3A_6 : i32
      %sub3A_77 = arith.constant 1 : i32
      %sub3A_78 = arith.subi %select_n3A_75, %sub3A_77 : i32
      %select_n3A_79 = arith.constant true
      %select_n3A_80 = arith.select %select_n3A_79, %sub3A_78, %select_n3A_75 : i32
      %eq3A_81 = arith.constant -1 : i32
      %eq3A_82 = arith.cmpi eq, %select_n3A_80, %eq3A_81 : i32
      %select_n3A_83 = arith.constant 24 : i32
      %select_n3A_84 = arith.select %eq3A_82, %select_n3A_83, %select_n3A_80 : i32
      %add3A_85 = arith.addi %select_n3A_84, %mul3A_6 : i32
      %add3A_86 = arith.constant 1 : i32
      %add3A_87 = arith.addi %select_n3A_75, %add3A_86 : i32
      %select_n3A_88 = arith.constant true
      %select_n3A_89 = arith.select %select_n3A_88, %add3A_87, %select_n3A_75 : i32
      %eq3A_90 = arith.constant 25 : i32
      %eq3A_91 = arith.cmpi eq, %select_n3A_89, %eq3A_90 : i32
      %select_n3A_92 = arith.constant 0 : i32
      %select_n3A_93 = arith.select %eq3A_91, %select_n3A_92, %select_n3A_89 : i32
      %add3A_94 = arith.addi %select_n3A_93, %mul3A_6 : i32
      %add3A_95 = arith.constant 1 : i32
      %add3A_96 = arith.addi %select_n3A_93, %add3A_95 : i32
      %select_n3A_97 = arith.constant true
      %select_n3A_98 = arith.select %select_n3A_97, %add3A_96, %select_n3A_93 : i32
      %eq3A_99 = arith.constant 25 : i32
      %eq3A_100 = arith.cmpi eq, %select_n3A_98, %eq3A_99 : i32
      %select_n3A_101 = arith.constant 0 : i32
      %select_n3A_102 = arith.select %eq3A_100, %select_n3A_101, %select_n3A_98 : i32
      %add3A_103 = arith.addi %select_n3A_102, %mul3A_6 : i32
      "tpu.trace_start"() <{level = 10 : i32, message = "ep_finalize"}> : () -> ()
      %rem3A_104 = arith.constant 2 : i32
      %rem3A_105 = arith.remui %scan3A_67#3, %rem3A_104 : i32
      %mul3A_106 = arith.constant 128 : i32
      %mul3A_107 = arith.muli %mul3A_106, %add3A_76 : i32
      %dma_wait3A = arith.constant 0 : i32
      %dma_wait3A_108 = arith.constant 0 : i32
      %dma_wait3A_109 = tpu.memref_slice %run_scoped3A_8[%rem3A_105, %dma_wait3A, %dma_wait3A_108] : memref<2x128x128xf32, #tpu.memory_space<vmem>> -> memref<1x128x128xf32, #tpu.memory_space<vmem>>
      %dma_wait3A_110 = tpu.memref_squeeze %dma_wait3A_109 : memref<1x128x128xf32, #tpu.memory_space<vmem>> -> memref<128x128xf32, #tpu.memory_space<vmem>>
      %dma_wait3A_111 = arith.constant 0 : i32
      %dma_wait3A_112 = tpu.memref_slice %arg4[%mul3A_107, %dma_wait3A_111] : memref<102400x128xf32, #tpu.memory_space<hbm>> -> memref<128x128xf32, #tpu.memory_space<hbm>>
      %dma_wait3A_113 = tpu.memref_slice %run_scoped3A_9[%rem3A_105] : memref<2x!tpu.dma_semaphore, #tpu.memory_space<semaphore_mem>> -> memref<1x!tpu.dma_semaphore, #tpu.memory_space<semaphore_mem>>
      %dma_wait3A_114 = tpu.memref_squeeze %dma_wait3A_113 : memref<1x!tpu.dma_semaphore, #tpu.memory_space<semaphore_mem>> -> memref<!tpu.dma_semaphore, #tpu.memory_space<semaphore_mem>>
      %dma_wait3A_115 = arith.constant 0 : i32
      %dma_wait3A_116 = tpu.memref_slice %arg4[%mul3A_107, %dma_wait3A_115] : memref<102400x128xf32, #tpu.memory_space<hbm>> -> memref<128x128xf32, #tpu.memory_space<hbm>>
      %dma_wait3A_117 = arith.constant 0 : i32
      %dma_wait3A_118 = arith.constant 0 : i32
      %dma_wait3A_119 = tpu.memref_slice %run_scoped3A_8[%rem3A_105, %dma_wait3A_117, %dma_wait3A_118] : memref<2x128x128xf32, #tpu.memory_space<vmem>> -> memref<1x128x128xf32, #tpu.memory_space<vmem>>
      %dma_wait3A_120 = tpu.memref_squeeze %dma_wait3A_119 : memref<1x128x128xf32, #tpu.memory_space<vmem>> -> memref<128x128xf32, #tpu.memory_space<vmem>>
      tpu.wait_dma2 semaphore(%dma_wait3A_114 : memref<!tpu.dma_semaphore, #tpu.memory_space<semaphore_mem>>) src(%dma_wait3A_120 : memref<128x128xf32, #tpu.memory_space<vmem>>) dst(%dma_wait3A_116 : memref<128x128xf32, #tpu.memory_space<hbm>>)
      "tpu.trace_stop"() : () -> ()
      tpu.yield
    }) : () -> ()
    return
  }
}

module attributes {stable_mosaic.version = 14 : i64} {
  func.func @_tc_encode_kernel(%arg0: i32, %arg1: memref<1x8x128xf32, #tpu.memory_space<vmem>>, %arg2: memref<1x8x128xf32, #tpu.memory_space<vmem>>, %arg3: memref<1x8x128xf32, #tpu.memory_space<vmem>>, %arg4: memref<1x8x128xf32, #tpu.memory_space<vmem>>, %arg5: memref<1024x128xf32, #tpu.memory_space<vmem>>, %arg6: memref<1x128xf32, #tpu.memory_space<vmem>>, %arg7: memref<1x128xf32, #tpu.memory_space<vmem>>, %arg8: memref<1x128xf32, #tpu.memory_space<vmem>>, %arg9: memref<1x128xf32, #tpu.memory_space<vmem>>, %arg10: memref<1x128xf32, #tpu.memory_space<vmem>>, %arg11: memref<1024x256xf32, #tpu.memory_space<vmem>>) attributes {dimension_semantics = [#tpu.dimension_semantics<arbitrary>], iteration_bounds = array<i64: 100>, scalar_prefetch = 0 : i64, scratch_operands = 0 : i64, tpu.core_type = #tpu.core_type<tc>, window_params = [{transform_indices = @transform_0, window_bounds = array<i64: 1, 8, 128>}, {transform_indices = @transform_1, window_bounds = array<i64: 1, 8, 128>}, {transform_indices = @transform_2, window_bounds = array<i64: 1, 8, 128>}, {transform_indices = @transform_3, window_bounds = array<i64: 1, 8, 128>}, {transform_indices = @transform_4, window_bounds = array<i64: 1024, 128>}, {pipeline_mode = #tpu.pipeline_mode<synchronous>, transform_indices = @transform_5, window_bounds = array<i64: 1, 128>}, {pipeline_mode = #tpu.pipeline_mode<synchronous>, transform_indices = @transform_6, window_bounds = array<i64: 1, 128>}, {pipeline_mode = #tpu.pipeline_mode<synchronous>, transform_indices = @transform_7, window_bounds = array<i64: 1, 128>}, {pipeline_mode = #tpu.pipeline_mode<synchronous>, transform_indices = @transform_8, window_bounds = array<i64: 1, 128>}, {pipeline_mode = #tpu.pipeline_mode<synchronous>, transform_indices = @transform_9, window_bounds = array<i64: 1, 128>}, {transform_indices = @transform_10, window_bounds = array<i64: 1024, 256>}]} {
    %iota3A = tpu.iota {dimensions = array<i32: 1>} : vector<128x128xi32>
    %get3A = arith.constant 0 : index
    %get3A_0 = arith.constant 0 : index
    %get3A_1 = vector.load %arg6[%get3A, %get3A_0] : memref<1x128xf32, #tpu.memory_space<vmem>>, vector<1x128xf32>
    %get3A_2 = vector.shape_cast %get3A_1 : vector<1x128xf32> to vector<128xf32>
    %get3A_3 = arith.constant 0 : index
    %get3A_4 = arith.constant 0 : index
    %get3A_5 = vector.load %arg7[%get3A_3, %get3A_4] : memref<1x128xf32, #tpu.memory_space<vmem>>, vector<1x128xf32>
    %get3A_6 = vector.shape_cast %get3A_5 : vector<1x128xf32> to vector<128xf32>
    %get3A_7 = arith.constant 0 : index
    %get3A_8 = arith.constant 0 : index
    %get3A_9 = vector.load %arg8[%get3A_7, %get3A_8] : memref<1x128xf32, #tpu.memory_space<vmem>>, vector<1x128xf32>
    %get3A_10 = vector.shape_cast %get3A_9 : vector<1x128xf32> to vector<128xf32>
    %get3A_11 = arith.constant 0 : index
    %get3A_12 = arith.constant 0 : index
    %get3A_13 = vector.load %arg9[%get3A_11, %get3A_12] : memref<1x128xf32, #tpu.memory_space<vmem>>, vector<1x128xf32>
    %get3A_14 = vector.shape_cast %get3A_13 : vector<1x128xf32> to vector<128xf32>
    %get3A_15 = arith.constant 0 : index
    %get3A_16 = arith.constant 0 : index
    %get3A_17 = vector.load %arg10[%get3A_15, %get3A_16] : memref<1x128xf32, #tpu.memory_space<vmem>>, vector<1x128xf32>
    %get3A_18 = vector.shape_cast %get3A_17 : vector<1x128xf32> to vector<128xf32>
    %lt3A = arith.constant 64 : i32
    %lt3A_19 = vector.broadcast %lt3A : i32 to vector<128x128xi32>
    %lt3A_20 = arith.cmpi slt, %iota3A, %lt3A_19 : vector<128x128xi32>
    %and3A = arith.constant 63 : i32
    %and3A_21 = vector.broadcast %and3A : i32 to vector<128x128xi32>
    %and3A_22 = arith.andi %iota3A, %and3A_21 : vector<128x128xi32>
    %ge3A = arith.constant 32 : i32
    %ge3A_23 = vector.broadcast %ge3A : i32 to vector<128x128xi32>
    %ge3A_24 = arith.cmpi sge, %and3A_22, %ge3A_23 : vector<128x128xi32>
    %and3A_25 = arith.constant 63 : i32
    %and3A_26 = vector.broadcast %and3A_25 : i32 to vector<128x128xi32>
    %and3A_27 = arith.andi %iota3A, %and3A_26 : vector<128x128xi32>
    %eq3A = arith.constant 0 : i32
    %eq3A_28 = vector.broadcast %eq3A : i32 to vector<128x128xi32>
    %eq3A_29 = arith.cmpi eq, %and3A_27, %eq3A_28 : vector<128x128xi32>
    %get3A_30 = arith.constant 0 : index
    %get3A_31 = arith.constant 0 : index
    %get3A_32 = arith.constant 0 : index
    %get3A_33 = vector.load %arg1[%get3A_30, %get3A_31, %get3A_32] : memref<1x8x128xf32, #tpu.memory_space<vmem>>, vector<1x1x128xf32>
    %get3A_34 = vector.shape_cast %get3A_33 : vector<1x1x128xf32> to vector<1x128xf32>
    %transpose3A = tpu.transpose %get3A_34, [1, 0] : vector<1x128xf32> -> vector<128x1xf32>
    %get3A_35 = arith.constant 0 : index
    %get3A_36 = arith.constant 0 : index
    %get3A_37 = arith.constant 0 : index
    %get3A_38 = vector.load %arg2[%get3A_35, %get3A_36, %get3A_37] : memref<1x8x128xf32, #tpu.memory_space<vmem>>, vector<1x1x128xf32>
    %get3A_39 = vector.shape_cast %get3A_38 : vector<1x1x128xf32> to vector<1x128xf32>
    %transpose3A_40 = tpu.transpose %get3A_39, [1, 0] : vector<1x128xf32> -> vector<128x1xf32>
    %get3A_41 = arith.constant 0 : index
    %get3A_42 = arith.constant 0 : index
    %get3A_43 = arith.constant 0 : index
    %get3A_44 = vector.load %arg3[%get3A_41, %get3A_42, %get3A_43] : memref<1x8x128xf32, #tpu.memory_space<vmem>>, vector<1x1x128xf32>
    %get3A_45 = vector.shape_cast %get3A_44 : vector<1x1x128xf32> to vector<1x128xf32>
    %transpose3A_46 = tpu.transpose %get3A_45, [1, 0] : vector<1x128xf32> -> vector<128x1xf32>
    %get3A_47 = arith.constant 0 : index
    %get3A_48 = arith.constant 0 : index
    %get3A_49 = arith.constant 0 : index
    %get3A_50 = vector.load %arg4[%get3A_47, %get3A_48, %get3A_49] : memref<1x8x128xf32, #tpu.memory_space<vmem>>, vector<1x1x128xf32>
    %get3A_51 = vector.shape_cast %get3A_50 : vector<1x1x128xf32> to vector<1x128xf32>
    %transpose3A_52 = tpu.transpose %get3A_51, [1, 0] : vector<1x128xf32> -> vector<128x1xf32>
    %broadcast_in_dim3A = vector.shape_cast %get3A_2 : vector<128xf32> to vector<1x128xf32>
    %mul3A = vector.broadcast %transpose3A : vector<128x1xf32> to vector<128x128xf32>
    %mul3A_53 = vector.broadcast %broadcast_in_dim3A : vector<1x128xf32> to vector<128x128xf32>
    %mul3A_54 = arith.mulf %mul3A, %mul3A_53 : vector<128x128xf32>
    %broadcast_in_dim3A_55 = vector.shape_cast %get3A_6 : vector<128xf32> to vector<1x128xf32>
    %mul3A_56 = vector.broadcast %transpose3A_40 : vector<128x1xf32> to vector<128x128xf32>
    %mul3A_57 = vector.broadcast %broadcast_in_dim3A_55 : vector<1x128xf32> to vector<128x128xf32>
    %mul3A_58 = arith.mulf %mul3A_56, %mul3A_57 : vector<128x128xf32>
    %add3A = arith.addf %mul3A_54, %mul3A_58 : vector<128x128xf32>
    %broadcast_in_dim3A_59 = vector.shape_cast %get3A_10 : vector<128xf32> to vector<1x128xf32>
    %add3A_60 = vector.broadcast %broadcast_in_dim3A_59 : vector<1x128xf32> to vector<128x128xf32>
    %add3A_61 = arith.addf %add3A, %add3A_60 : vector<128x128xf32>
    %mul3A_62 = arith.constant 0.318309873 : f32
    %mul3A_63 = vector.broadcast %mul3A_62 : f32 to vector<128x128xf32>
    %mul3A_64 = arith.mulf %add3A_61, %mul3A_63 : vector<128x128xf32>
    %round3A = math.roundeven %mul3A_64 : vector<128x128xf32>
    %mul3A_65 = arith.constant 3.140625 : f32
    %mul3A_66 = vector.broadcast %mul3A_65 : f32 to vector<128x128xf32>
    %mul3A_67 = arith.mulf %round3A, %mul3A_66 : vector<128x128xf32>
    %sub3A = arith.subf %add3A_61, %mul3A_67 : vector<128x128xf32>
    %mul3A_68 = arith.constant 9.67025756E-4 : f32
    %mul3A_69 = vector.broadcast %mul3A_68 : f32 to vector<128x128xf32>
    %mul3A_70 = arith.mulf %round3A, %mul3A_69 : vector<128x128xf32>
    %sub3A_71 = arith.subf %sub3A, %mul3A_70 : vector<128x128xf32>
    %mul3A_72 = arith.constant 6.27711415E-7 : f32
    %mul3A_73 = vector.broadcast %mul3A_72 : f32 to vector<128x128xf32>
    %mul3A_74 = arith.mulf %round3A, %mul3A_73 : vector<128x128xf32>
    %sub3A_75 = arith.subf %sub3A_71, %mul3A_74 : vector<128x128xf32>
    %mul3A_76 = arith.constant 1.21542013E-10 : f32
    %mul3A_77 = vector.broadcast %mul3A_76 : f32 to vector<128x128xf32>
    %mul3A_78 = arith.mulf %round3A, %mul3A_77 : vector<128x128xf32>
    %sub3A_79 = arith.subf %sub3A_75, %mul3A_78 : vector<128x128xf32>
    %mul3A_80 = arith.mulf %sub3A_79, %sub3A_79 : vector<128x128xf32>
    %mul3A_81 = arith.constant 2.60831598E-6 : f32
    %mul3A_82 = vector.broadcast %mul3A_81 : f32 to vector<128x128xf32>
    %mul3A_83 = arith.mulf %mul3A_80, %mul3A_82 : vector<128x128xf32>
    %add3A_84 = arith.constant -1.98106907E-4 : f32
    %add3A_85 = vector.broadcast %add3A_84 : f32 to vector<128x128xf32>
    %add3A_86 = arith.addf %add3A_85, %mul3A_83 : vector<128x128xf32>
    %mul3A_87 = arith.mulf %mul3A_80, %add3A_86 : vector<128x128xf32>
    %add3A_88 = arith.constant 0.00833307859 : f32
    %add3A_89 = vector.broadcast %add3A_88 : f32 to vector<128x128xf32>
    %add3A_90 = arith.addf %add3A_89, %mul3A_87 : vector<128x128xf32>
    %mul3A_91 = arith.mulf %mul3A_80, %add3A_90 : vector<128x128xf32>
    %add3A_92 = arith.constant -0.166666597 : f32
    %add3A_93 = vector.broadcast %add3A_92 : f32 to vector<128x128xf32>
    %add3A_94 = arith.addf %add3A_93, %mul3A_91 : vector<128x128xf32>
    %mul3A_95 = arith.mulf %mul3A_80, %add3A_94 : vector<128x128xf32>
    %mul3A_96 = arith.mulf %sub3A_79, %mul3A_95 : vector<128x128xf32>
    %add3A_97 = arith.addf %sub3A_79, %mul3A_96 : vector<128x128xf32>
    %convert_element_type3A = arith.fptosi %round3A : vector<128x128xf32> to vector<128x128xi32>
    %shift_left3A = arith.constant 31 : i32
    %shift_left3A_98 = vector.broadcast %shift_left3A : i32 to vector<128x128xi32>
    %shift_left3A_99 = arith.shli %convert_element_type3A, %shift_left3A_98 : vector<128x128xi32>
    %bitcast_convert_type3A = tpu.bitcast %add3A_97 : vector<128x128xf32> -> vector<128x128xi32>
    %xor3A = arith.xori %bitcast_convert_type3A, %shift_left3A_99 : vector<128x128xi32>
    %bitcast_convert_type3A_100 = tpu.bitcast %xor3A : vector<128x128xi32> -> vector<128x128xf32>
    %select_n3A = arith.select %ge3A_24, %bitcast_convert_type3A_100, %add3A_61 : vector<128x128xi1>, vector<128x128xf32>
    %slice3A = vector.extract_strided_slice %select_n3A {offsets = [0, 0], sizes = [128, 64], strides = [1, 1]} : vector<128x128xf32> to vector<128x64xf32>
    %swap3A = arith.constant 0 : index
    %swap3A_101 = arith.constant 0 : index
    %swap3A_102 = vector.load %arg11[%swap3A, %swap3A_101] : memref<1024x256xf32, #tpu.memory_space<vmem>>, vector<128x64xf32>
    tpu.vector_store %arg11[%swap3A, %swap3A_101], %slice3A {strides = array<i32>} : memref<1024x256xf32, #tpu.memory_space<vmem>>, vector<128x64xf32>,
    %get3A_103 = arith.constant 0 : index
    %get3A_104 = arith.constant 0 : index
    %get3A_105 = vector.load %arg5[%get3A_103, %get3A_104] : memref<1024x128xf32, #tpu.memory_space<vmem>>, vector<128x64xf32>
    %swap3A_106 = arith.constant 0 : index
    %swap3A_107 = arith.constant 64 : index
    %swap3A_108 = vector.load %arg11[%swap3A_106, %swap3A_107] : memref<1024x256xf32, #tpu.memory_space<vmem>>, vector<128x64xf32>
    tpu.vector_store %arg11[%swap3A_106, %swap3A_107], %get3A_105 {strides = array<i32>} : memref<1024x256xf32, #tpu.memory_space<vmem>>, vector<128x64xf32>,
    %broadcast_in_dim3A_109 = vector.shape_cast %transpose3A_46 : vector<128x1xf32> to vector<128x1xf32>
    %broadcast_in_dim3A_110 = vector.broadcast %broadcast_in_dim3A_109 : vector<128x1xf32> to vector<128x128xf32>
    %broadcast_in_dim3A_111 = vector.shape_cast %transpose3A_52 : vector<128x1xf32> to vector<128x1xf32>
    %broadcast_in_dim3A_112 = vector.broadcast %broadcast_in_dim3A_111 : vector<128x1xf32> to vector<128x128xf32>
    %select_n3A_113 = arith.select %lt3A_20, %broadcast_in_dim3A_110, %broadcast_in_dim3A_112 : vector<128x128xi1>, vector<128x128xf32>
    %broadcast_in_dim3A_114 = vector.shape_cast %get3A_14 : vector<128xf32> to vector<1x128xf32>
    %mul3A_115 = vector.broadcast %broadcast_in_dim3A_114 : vector<1x128xf32> to vector<128x128xf32>
    %mul3A_116 = arith.mulf %select_n3A_113, %mul3A_115 : vector<128x128xf32>
    %broadcast_in_dim3A_117 = vector.shape_cast %get3A_18 : vector<128xf32> to vector<1x128xf32>
    %add3A_118 = vector.broadcast %broadcast_in_dim3A_117 : vector<1x128xf32> to vector<128x128xf32>
    %add3A_119 = arith.addf %mul3A_116, %add3A_118 : vector<128x128xf32>
    %mul3A_120 = arith.constant 0.318309873 : f32
    %mul3A_121 = vector.broadcast %mul3A_120 : f32 to vector<128x128xf32>
    %mul3A_122 = arith.mulf %add3A_119, %mul3A_121 : vector<128x128xf32>
    %round3A_123 = math.roundeven %mul3A_122 : vector<128x128xf32>
    %mul3A_124 = arith.constant 3.140625 : f32
    %mul3A_125 = vector.broadcast %mul3A_124 : f32 to vector<128x128xf32>
    %mul3A_126 = arith.mulf %round3A_123, %mul3A_125 : vector<128x128xf32>
    %sub3A_127 = arith.subf %add3A_119, %mul3A_126 : vector<128x128xf32>
    %mul3A_128 = arith.constant 9.67025756E-4 : f32
    %mul3A_129 = vector.broadcast %mul3A_128 : f32 to vector<128x128xf32>
    %mul3A_130 = arith.mulf %round3A_123, %mul3A_129 : vector<128x128xf32>
    %sub3A_131 = arith.subf %sub3A_127, %mul3A_130 : vector<128x128xf32>
    %mul3A_132 = arith.constant 6.27711415E-7 : f32
    %mul3A_133 = vector.broadcast %mul3A_132 : f32 to vector<128x128xf32>
    %mul3A_134 = arith.mulf %round3A_123, %mul3A_133 : vector<128x128xf32>
    %sub3A_135 = arith.subf %sub3A_131, %mul3A_134 : vector<128x128xf32>
    %mul3A_136 = arith.constant 1.21542013E-10 : f32
    %mul3A_137 = vector.broadcast %mul3A_136 : f32 to vector<128x128xf32>
    %mul3A_138 = arith.mulf %round3A_123, %mul3A_137 : vector<128x128xf32>
    %sub3A_139 = arith.subf %sub3A_135, %mul3A_138 : vector<128x128xf32>
    %mul3A_140 = arith.mulf %sub3A_139, %sub3A_139 : vector<128x128xf32>
    %mul3A_141 = arith.constant 2.60831598E-6 : f32
    %mul3A_142 = vector.broadcast %mul3A_141 : f32 to vector<128x128xf32>
    %mul3A_143 = arith.mulf %mul3A_140, %mul3A_142 : vector<128x128xf32>
    %add3A_144 = arith.constant -1.98106907E-4 : f32
    %add3A_145 = vector.broadcast %add3A_144 : f32 to vector<128x128xf32>
    %add3A_146 = arith.addf %add3A_145, %mul3A_143 : vector<128x128xf32>
    %mul3A_147 = arith.mulf %mul3A_140, %add3A_146 : vector<128x128xf32>
    %add3A_148 = arith.constant 0.00833307859 : f32
    %add3A_149 = vector.broadcast %add3A_148 : f32 to vector<128x128xf32>
    %add3A_150 = arith.addf %add3A_149, %mul3A_147 : vector<128x128xf32>
    %mul3A_151 = arith.mulf %mul3A_140, %add3A_150 : vector<128x128xf32>
    %add3A_152 = arith.constant -0.166666597 : f32
    %add3A_153 = vector.broadcast %add3A_152 : f32 to vector<128x128xf32>
    %add3A_154 = arith.addf %add3A_153, %mul3A_151 : vector<128x128xf32>
    %mul3A_155 = arith.mulf %mul3A_140, %add3A_154 : vector<128x128xf32>
    %mul3A_156 = arith.mulf %sub3A_139, %mul3A_155 : vector<128x128xf32>
    %add3A_157 = arith.addf %sub3A_139, %mul3A_156 : vector<128x128xf32>
    %convert_element_type3A_158 = arith.fptosi %round3A_123 : vector<128x128xf32> to vector<128x128xi32>
    %shift_left3A_159 = arith.constant 31 : i32
    %shift_left3A_160 = vector.broadcast %shift_left3A_159 : i32 to vector<128x128xi32>
    %shift_left3A_161 = arith.shli %convert_element_type3A_158, %shift_left3A_160 : vector<128x128xi32>
    %bitcast_convert_type3A_162 = tpu.bitcast %add3A_157 : vector<128x128xf32> -> vector<128x128xi32>
    %xor3A_163 = arith.xori %bitcast_convert_type3A_162, %shift_left3A_161 : vector<128x128xi32>
    %bitcast_convert_type3A_164 = tpu.bitcast %xor3A_163 : vector<128x128xi32> -> vector<128x128xf32>
    %select_n3A_165 = arith.select %eq3A_29, %add3A_119, %bitcast_convert_type3A_164 : vector<128x128xi1>, vector<128x128xf32>
    %swap3A_166 = arith.constant 0 : index
    %swap3A_167 = arith.constant 128 : index
    %swap3A_168 = vector.load %arg11[%swap3A_166, %swap3A_167] : memref<1024x256xf32, #tpu.memory_space<vmem>>, vector<128x128xf32>
    tpu.vector_store %arg11[%swap3A_166, %swap3A_167], %select_n3A_165 {strides = array<i32>} : memref<1024x256xf32, #tpu.memory_space<vmem>>, vector<128x128xf32>,
    %get3A_169 = arith.constant 0 : index
    %get3A_170 = arith.constant 1 : index
    %get3A_171 = arith.constant 0 : index
    %get3A_172 = vector.load %arg1[%get3A_169, %get3A_170, %get3A_171] : memref<1x8x128xf32, #tpu.memory_space<vmem>>, vector<1x1x128xf32>
    %get3A_173 = vector.shape_cast %get3A_172 : vector<1x1x128xf32> to vector<1x128xf32>
    %transpose3A_174 = tpu.transpose %get3A_173, [1, 0] : vector<1x128xf32> -> vector<128x1xf32>
    %get3A_175 = arith.constant 0 : index
    %get3A_176 = arith.constant 1 : index
    %get3A_177 = arith.constant 0 : index
    %get3A_178 = vector.load %arg2[%get3A_175, %get3A_176, %get3A_177] : memref<1x8x128xf32, #tpu.memory_space<vmem>>, vector<1x1x128xf32>
    %get3A_179 = vector.shape_cast %get3A_178 : vector<1x1x128xf32> to vector<1x128xf32>
    %transpose3A_180 = tpu.transpose %get3A_179, [1, 0] : vector<1x128xf32> -> vector<128x1xf32>
    %get3A_181 = arith.constant 0 : index
    %get3A_182 = arith.constant 1 : index
    %get3A_183 = arith.constant 0 : index
    %get3A_184 = vector.load %arg3[%get3A_181, %get3A_182, %get3A_183] : memref<1x8x128xf32, #tpu.memory_space<vmem>>, vector<1x1x128xf32>
    %get3A_185 = vector.shape_cast %get3A_184 : vector<1x1x128xf32> to vector<1x128xf32>
    %transpose3A_186 = tpu.transpose %get3A_185, [1, 0] : vector<1x128xf32> -> vector<128x1xf32>
    %get3A_187 = arith.constant 0 : index
    %get3A_188 = arith.constant 1 : index
    %get3A_189 = arith.constant 0 : index
    %get3A_190 = vector.load %arg4[%get3A_187, %get3A_188, %get3A_189] : memref<1x8x128xf32, #tpu.memory_space<vmem>>, vector<1x1x128xf32>
    %get3A_191 = vector.shape_cast %get3A_190 : vector<1x1x128xf32> to vector<1x128xf32>
    %transpose3A_192 = tpu.transpose %get3A_191, [1, 0] : vector<1x128xf32> -> vector<128x1xf32>
    %broadcast_in_dim3A_193 = vector.shape_cast %get3A_2 : vector<128xf32> to vector<1x128xf32>
    %mul3A_194 = vector.broadcast %transpose3A_174 : vector<128x1xf32> to vector<128x128xf32>
    %mul3A_195 = vector.broadcast %broadcast_in_dim3A_193 : vector<1x128xf32> to vector<128x128xf32>
    %mul3A_196 = arith.mulf %mul3A_194, %mul3A_195 : vector<128x128xf32>
    %broadcast_in_dim3A_197 = vector.shape_cast %get3A_6 : vector<128xf32> to vector<1x128xf32>
    %mul3A_198 = vector.broadcast %transpose3A_180 : vector<128x1xf32> to vector<128x128xf32>
    %mul3A_199 = vector.broadcast %broadcast_in_dim3A_197 : vector<1x128xf32> to vector<128x128xf32>
    %mul3A_200 = arith.mulf %mul3A_198, %mul3A_199 : vector<128x128xf32>
    %add3A_201 = arith.addf %mul3A_196, %mul3A_200 : vector<128x128xf32>
    %broadcast_in_dim3A_202 = vector.shape_cast %get3A_10 : vector<128xf32> to vector<1x128xf32>
    %add3A_203 = vector.broadcast %broadcast_in_dim3A_202 : vector<1x128xf32> to vector<128x128xf32>
    %add3A_204 = arith.addf %add3A_201, %add3A_203 : vector<128x128xf32>
    %mul3A_205 = arith.constant 0.318309873 : f32
    %mul3A_206 = vector.broadcast %mul3A_205 : f32 to vector<128x128xf32>
    %mul3A_207 = arith.mulf %add3A_204, %mul3A_206 : vector<128x128xf32>
    %round3A_208 = math.roundeven %mul3A_207 : vector<128x128xf32>
    %mul3A_209 = arith.constant 3.140625 : f32
    %mul3A_210 = vector.broadcast %mul3A_209 : f32 to vector<128x128xf32>
    %mul3A_211 = arith.mulf %round3A_208, %mul3A_210 : vector<128x128xf32>
    %sub3A_212 = arith.subf %add3A_204, %mul3A_211 : vector<128x128xf32>
    %mul3A_213 = arith.constant 9.67025756E-4 : f32
    %mul3A_214 = vector.broadcast %mul3A_213 : f32 to vector<128x128xf32>
    %mul3A_215 = arith.mulf %round3A_208, %mul3A_214 : vector<128x128xf32>
    %sub3A_216 = arith.subf %sub3A_212, %mul3A_215 : vector<128x128xf32>
    %mul3A_217 = arith.constant 6.27711415E-7 : f32
    %mul3A_218 = vector.broadcast %mul3A_217 : f32 to vector<128x128xf32>
    %mul3A_219 = arith.mulf %round3A_208, %mul3A_218 : vector<128x128xf32>
    %sub3A_220 = arith.subf %sub3A_216, %mul3A_219 : vector<128x128xf32>
    %mul3A_221 = arith.constant 1.21542013E-10 : f32
    %mul3A_222 = vector.broadcast %mul3A_221 : f32 to vector<128x128xf32>
    %mul3A_223 = arith.mulf %round3A_208, %mul3A_222 : vector<128x128xf32>
    %sub3A_224 = arith.subf %sub3A_220, %mul3A_223 : vector<128x128xf32>
    %mul3A_225 = arith.mulf %sub3A_224, %sub3A_224 : vector<128x128xf32>
    %mul3A_226 = arith.constant 2.60831598E-6 : f32
    %mul3A_227 = vector.broadcast %mul3A_226 : f32 to vector<128x128xf32>
    %mul3A_228 = arith.mulf %mul3A_225, %mul3A_227 : vector<128x128xf32>
    %add3A_229 = arith.constant -1.98106907E-4 : f32
    %add3A_230 = vector.broadcast %add3A_229 : f32 to vector<128x128xf32>
    %add3A_231 = arith.addf %add3A_230, %mul3A_228 : vector<128x128xf32>
    %mul3A_232 = arith.mulf %mul3A_225, %add3A_231 : vector<128x128xf32>
    %add3A_233 = arith.constant 0.00833307859 : f32
    %add3A_234 = vector.broadcast %add3A_233 : f32 to vector<128x128xf32>
    %add3A_235 = arith.addf %add3A_234, %mul3A_232 : vector<128x128xf32>
    %mul3A_236 = arith.mulf %mul3A_225, %add3A_235 : vector<128x128xf32>
    %add3A_237 = arith.constant -0.166666597 : f32
    %add3A_238 = vector.broadcast %add3A_237 : f32 to vector<128x128xf32>
    %add3A_239 = arith.addf %add3A_238, %mul3A_236 : vector<128x128xf32>
    %mul3A_240 = arith.mulf %mul3A_225, %add3A_239 : vector<128x128xf32>
    %mul3A_241 = arith.mulf %sub3A_224, %mul3A_240 : vector<128x128xf32>
    %add3A_242 = arith.addf %sub3A_224, %mul3A_241 : vector<128x128xf32>
    %convert_element_type3A_243 = arith.fptosi %round3A_208 : vector<128x128xf32> to vector<128x128xi32>
    %shift_left3A_244 = arith.constant 31 : i32
    %shift_left3A_245 = vector.broadcast %shift_left3A_244 : i32 to vector<128x128xi32>
    %shift_left3A_246 = arith.shli %convert_element_type3A_243, %shift_left3A_245 : vector<128x128xi32>
    %bitcast_convert_type3A_247 = tpu.bitcast %add3A_242 : vector<128x128xf32> -> vector<128x128xi32>
    %xor3A_248 = arith.xori %bitcast_convert_type3A_247, %shift_left3A_246 : vector<128x128xi32>
    %bitcast_convert_type3A_249 = tpu.bitcast %xor3A_248 : vector<128x128xi32> -> vector<128x128xf32>
    %select_n3A_250 = arith.select %ge3A_24, %bitcast_convert_type3A_249, %add3A_204 : vector<128x128xi1>, vector<128x128xf32>
    %slice3A_251 = vector.extract_strided_slice %select_n3A_250 {offsets = [0, 0], sizes = [128, 64], strides = [1, 1]} : vector<128x128xf32> to vector<128x64xf32>
    %swap3A_252 = arith.constant 128 : index
    %swap3A_253 = arith.constant 0 : index
    %swap3A_254 = vector.load %arg11[%swap3A_252, %swap3A_253] : memref<1024x256xf32, #tpu.memory_space<vmem>>, vector<128x64xf32>
    tpu.vector_store %arg11[%swap3A_252, %swap3A_253], %slice3A_251 {strides = array<i32>} : memref<1024x256xf32, #tpu.memory_space<vmem>>, vector<128x64xf32>,
    %get3A_255 = arith.constant 128 : index
    %get3A_256 = arith.constant 0 : index
    %get3A_257 = vector.load %arg5[%get3A_255, %get3A_256] : memref<1024x128xf32, #tpu.memory_space<vmem>>, vector<128x64xf32>
    %swap3A_258 = arith.constant 128 : index
    %swap3A_259 = arith.constant 64 : index
    %swap3A_260 = vector.load %arg11[%swap3A_258, %swap3A_259] : memref<1024x256xf32, #tpu.memory_space<vmem>>, vector<128x64xf32>
    tpu.vector_store %arg11[%swap3A_258, %swap3A_259], %get3A_257 {strides = array<i32>} : memref<1024x256xf32, #tpu.memory_space<vmem>>, vector<128x64xf32>,
    %broadcast_in_dim3A_261 = vector.shape_cast %transpose3A_186 : vector<128x1xf32> to vector<128x1xf32>
    %broadcast_in_dim3A_262 = vector.broadcast %broadcast_in_dim3A_261 : vector<128x1xf32> to vector<128x128xf32>
    %broadcast_in_dim3A_263 = vector.shape_cast %transpose3A_192 : vector<128x1xf32> to vector<128x1xf32>
    %broadcast_in_dim3A_264 = vector.broadcast %broadcast_in_dim3A_263 : vector<128x1xf32> to vector<128x128xf32>
    %select_n3A_265 = arith.select %lt3A_20, %broadcast_in_dim3A_262, %broadcast_in_dim3A_264 : vector<128x128xi1>, vector<128x128xf32>
    %broadcast_in_dim3A_266 = vector.shape_cast %get3A_14 : vector<128xf32> to vector<1x128xf32>
    %mul3A_267 = vector.broadcast %broadcast_in_dim3A_266 : vector<1x128xf32> to vector<128x128xf32>
    %mul3A_268 = arith.mulf %select_n3A_265, %mul3A_267 : vector<128x128xf32>
    %broadcast_in_dim3A_269 = vector.shape_cast %get3A_18 : vector<128xf32> to vector<1x128xf32>
    %add3A_270 = vector.broadcast %broadcast_in_dim3A_269 : vector<1x128xf32> to vector<128x128xf32>
    %add3A_271 = arith.addf %mul3A_268, %add3A_270 : vector<128x128xf32>
    %mul3A_272 = arith.constant 0.318309873 : f32
    %mul3A_273 = vector.broadcast %mul3A_272 : f32 to vector<128x128xf32>
    %mul3A_274 = arith.mulf %add3A_271, %mul3A_273 : vector<128x128xf32>
    %round3A_275 = math.roundeven %mul3A_274 : vector<128x128xf32>
    %mul3A_276 = arith.constant 3.140625 : f32
    %mul3A_277 = vector.broadcast %mul3A_276 : f32 to vector<128x128xf32>
    %mul3A_278 = arith.mulf %round3A_275, %mul3A_277 : vector<128x128xf32>
    %sub3A_279 = arith.subf %add3A_271, %mul3A_278 : vector<128x128xf32>
    %mul3A_280 = arith.constant 9.67025756E-4 : f32
    %mul3A_281 = vector.broadcast %mul3A_280 : f32 to vector<128x128xf32>
    %mul3A_282 = arith.mulf %round3A_275, %mul3A_281 : vector<128x128xf32>
    %sub3A_283 = arith.subf %sub3A_279, %mul3A_282 : vector<128x128xf32>
    %mul3A_284 = arith.constant 6.27711415E-7 : f32
    %mul3A_285 = vector.broadcast %mul3A_284 : f32 to vector<128x128xf32>
    %mul3A_286 = arith.mulf %round3A_275, %mul3A_285 : vector<128x128xf32>
    %sub3A_287 = arith.subf %sub3A_283, %mul3A_286 : vector<128x128xf32>
    %mul3A_288 = arith.constant 1.21542013E-10 : f32
    %mul3A_289 = vector.broadcast %mul3A_288 : f32 to vector<128x128xf32>
    %mul3A_290 = arith.mulf %round3A_275, %mul3A_289 : vector<128x128xf32>
    %sub3A_291 = arith.subf %sub3A_287, %mul3A_290 : vector<128x128xf32>
    %mul3A_292 = arith.mulf %sub3A_291, %sub3A_291 : vector<128x128xf32>
    %mul3A_293 = arith.constant 2.60831598E-6 : f32
    %mul3A_294 = vector.broadcast %mul3A_293 : f32 to vector<128x128xf32>
    %mul3A_295 = arith.mulf %mul3A_292, %mul3A_294 : vector<128x128xf32>
    %add3A_296 = arith.constant -1.98106907E-4 : f32
    %add3A_297 = vector.broadcast %add3A_296 : f32 to vector<128x128xf32>
    %add3A_298 = arith.addf %add3A_297, %mul3A_295 : vector<128x128xf32>
    %mul3A_299 = arith.mulf %mul3A_292, %add3A_298 : vector<128x128xf32>
    %add3A_300 = arith.constant 0.00833307859 : f32
    %add3A_301 = vector.broadcast %add3A_300 : f32 to vector<128x128xf32>
    %add3A_302 = arith.addf %add3A_301, %mul3A_299 : vector<128x128xf32>
    %mul3A_303 = arith.mulf %mul3A_292, %add3A_302 : vector<128x128xf32>
    %add3A_304 = arith.constant -0.166666597 : f32
    %add3A_305 = vector.broadcast %add3A_304 : f32 to vector<128x128xf32>
    %add3A_306 = arith.addf %add3A_305, %mul3A_303 : vector<128x128xf32>
    %mul3A_307 = arith.mulf %mul3A_292, %add3A_306 : vector<128x128xf32>
    %mul3A_308 = arith.mulf %sub3A_291, %mul3A_307 : vector<128x128xf32>
    %add3A_309 = arith.addf %sub3A_291, %mul3A_308 : vector<128x128xf32>
    %convert_element_type3A_310 = arith.fptosi %round3A_275 : vector<128x128xf32> to vector<128x128xi32>
    %shift_left3A_311 = arith.constant 31 : i32
    %shift_left3A_312 = vector.broadcast %shift_left3A_311 : i32 to vector<128x128xi32>
    %shift_left3A_313 = arith.shli %convert_element_type3A_310, %shift_left3A_312 : vector<128x128xi32>
    %bitcast_convert_type3A_314 = tpu.bitcast %add3A_309 : vector<128x128xf32> -> vector<128x128xi32>
    %xor3A_315 = arith.xori %bitcast_convert_type3A_314, %shift_left3A_313 : vector<128x128xi32>
    %bitcast_convert_type3A_316 = tpu.bitcast %xor3A_315 : vector<128x128xi32> -> vector<128x128xf32>
    %select_n3A_317 = arith.select %eq3A_29, %add3A_271, %bitcast_convert_type3A_316 : vector<128x128xi1>, vector<128x128xf32>
    %swap3A_318 = arith.constant 128 : index
    %swap3A_319 = arith.constant 128 : index
    %swap3A_320 = vector.load %arg11[%swap3A_318, %swap3A_319] : memref<1024x256xf32, #tpu.memory_space<vmem>>, vector<128x128xf32>
    tpu.vector_store %arg11[%swap3A_318, %swap3A_319], %select_n3A_317 {strides = array<i32>} : memref<1024x256xf32, #tpu.memory_space<vmem>>, vector<128x128xf32>,
    %get3A_321 = arith.constant 0 : index
    %get3A_322 = arith.constant 2 : index
    %get3A_323 = arith.constant 0 : index
    %get3A_324 = vector.load %arg1[%get3A_321, %get3A_322, %get3A_323] : memref<1x8x128xf32, #tpu.memory_space<vmem>>, vector<1x1x128xf32>
    %get3A_325 = vector.shape_cast %get3A_324 : vector<1x1x128xf32> to vector<1x128xf32>
    %transpose3A_326 = tpu.transpose %get3A_325, [1, 0] : vector<1x128xf32> -> vector<128x1xf32>
    %get3A_327 = arith.constant 0 : index
    %get3A_328 = arith.constant 2 : index
    %get3A_329 = arith.constant 0 : index
    %get3A_330 = vector.load %arg2[%get3A_327, %get3A_328, %get3A_329] : memref<1x8x128xf32, #tpu.memory_space<vmem>>, vector<1x1x128xf32>
    %get3A_331 = vector.shape_cast %get3A_330 : vector<1x1x128xf32> to vector<1x128xf32>
    %transpose3A_332 = tpu.transpose %get3A_331, [1, 0] : vector<1x128xf32> -> vector<128x1xf32>
    %get3A_333 = arith.constant 0 : index
    %get3A_334 = arith.constant 2 : index
    %get3A_335 = arith.constant 0 : index
    %get3A_336 = vector.load %arg3[%get3A_333, %get3A_334, %get3A_335] : memref<1x8x128xf32, #tpu.memory_space<vmem>>, vector<1x1x128xf32>
    %get3A_337 = vector.shape_cast %get3A_336 : vector<1x1x128xf32> to vector<1x128xf32>
    %transpose3A_338 = tpu.transpose %get3A_337, [1, 0] : vector<1x128xf32> -> vector<128x1xf32>
    %get3A_339 = arith.constant 0 : index
    %get3A_340 = arith.constant 2 : index
    %get3A_341 = arith.constant 0 : index
    %get3A_342 = vector.load %arg4[%get3A_339, %get3A_340, %get3A_341] : memref<1x8x128xf32, #tpu.memory_space<vmem>>, vector<1x1x128xf32>
    %get3A_343 = vector.shape_cast %get3A_342 : vector<1x1x128xf32> to vector<1x128xf32>
    %transpose3A_344 = tpu.transpose %get3A_343, [1, 0] : vector<1x128xf32> -> vector<128x1xf32>
    %broadcast_in_dim3A_345 = vector.shape_cast %get3A_2 : vector<128xf32> to vector<1x128xf32>
    %mul3A_346 = vector.broadcast %transpose3A_326 : vector<128x1xf32> to vector<128x128xf32>
    %mul3A_347 = vector.broadcast %broadcast_in_dim3A_345 : vector<1x128xf32> to vector<128x128xf32>
    %mul3A_348 = arith.mulf %mul3A_346, %mul3A_347 : vector<128x128xf32>
    %broadcast_in_dim3A_349 = vector.shape_cast %get3A_6 : vector<128xf32> to vector<1x128xf32>
    %mul3A_350 = vector.broadcast %transpose3A_332 : vector<128x1xf32> to vector<128x128xf32>
    %mul3A_351 = vector.broadcast %broadcast_in_dim3A_349 : vector<1x128xf32> to vector<128x128xf32>
    %mul3A_352 = arith.mulf %mul3A_350, %mul3A_351 : vector<128x128xf32>
    %add3A_353 = arith.addf %mul3A_348, %mul3A_352 : vector<128x128xf32>
    %broadcast_in_dim3A_354 = vector.shape_cast %get3A_10 : vector<128xf32> to vector<1x128xf32>
    %add3A_355 = vector.broadcast %broadcast_in_dim3A_354 : vector<1x128xf32> to vector<128x128xf32>
    %add3A_356 = arith.addf %add3A_353, %add3A_355 : vector<128x128xf32>
    %mul3A_357 = arith.constant 0.318309873 : f32
    %mul3A_358 = vector.broadcast %mul3A_357 : f32 to vector<128x128xf32>
    %mul3A_359 = arith.mulf %add3A_356, %mul3A_358 : vector<128x128xf32>
    %round3A_360 = math.roundeven %mul3A_359 : vector<128x128xf32>
    %mul3A_361 = arith.constant 3.140625 : f32
    %mul3A_362 = vector.broadcast %mul3A_361 : f32 to vector<128x128xf32>
    %mul3A_363 = arith.mulf %round3A_360, %mul3A_362 : vector<128x128xf32>
    %sub3A_364 = arith.subf %add3A_356, %mul3A_363 : vector<128x128xf32>
    %mul3A_365 = arith.constant 9.67025756E-4 : f32
    %mul3A_366 = vector.broadcast %mul3A_365 : f32 to vector<128x128xf32>
    %mul3A_367 = arith.mulf %round3A_360, %mul3A_366 : vector<128x128xf32>
    %sub3A_368 = arith.subf %sub3A_364, %mul3A_367 : vector<128x128xf32>
    %mul3A_369 = arith.constant 6.27711415E-7 : f32
    %mul3A_370 = vector.broadcast %mul3A_369 : f32 to vector<128x128xf32>
    %mul3A_371 = arith.mulf %round3A_360, %mul3A_370 : vector<128x128xf32>
    %sub3A_372 = arith.subf %sub3A_368, %mul3A_371 : vector<128x128xf32>
    %mul3A_373 = arith.constant 1.21542013E-10 : f32
    %mul3A_374 = vector.broadcast %mul3A_373 : f32 to vector<128x128xf32>
    %mul3A_375 = arith.mulf %round3A_360, %mul3A_374 : vector<128x128xf32>
    %sub3A_376 = arith.subf %sub3A_372, %mul3A_375 : vector<128x128xf32>
    %mul3A_377 = arith.mulf %sub3A_376, %sub3A_376 : vector<128x128xf32>
    %mul3A_378 = arith.constant 2.60831598E-6 : f32
    %mul3A_379 = vector.broadcast %mul3A_378 : f32 to vector<128x128xf32>
    %mul3A_380 = arith.mulf %mul3A_377, %mul3A_379 : vector<128x128xf32>
    %add3A_381 = arith.constant -1.98106907E-4 : f32
    %add3A_382 = vector.broadcast %add3A_381 : f32 to vector<128x128xf32>
    %add3A_383 = arith.addf %add3A_382, %mul3A_380 : vector<128x128xf32>
    %mul3A_384 = arith.mulf %mul3A_377, %add3A_383 : vector<128x128xf32>
    %add3A_385 = arith.constant 0.00833307859 : f32
    %add3A_386 = vector.broadcast %add3A_385 : f32 to vector<128x128xf32>
    %add3A_387 = arith.addf %add3A_386, %mul3A_384 : vector<128x128xf32>
    %mul3A_388 = arith.mulf %mul3A_377, %add3A_387 : vector<128x128xf32>
    %add3A_389 = arith.constant -0.166666597 : f32
    %add3A_390 = vector.broadcast %add3A_389 : f32 to vector<128x128xf32>
    %add3A_391 = arith.addf %add3A_390, %mul3A_388 : vector<128x128xf32>
    %mul3A_392 = arith.mulf %mul3A_377, %add3A_391 : vector<128x128xf32>
    %mul3A_393 = arith.mulf %sub3A_376, %mul3A_392 : vector<128x128xf32>
    %add3A_394 = arith.addf %sub3A_376, %mul3A_393 : vector<128x128xf32>
    %convert_element_type3A_395 = arith.fptosi %round3A_360 : vector<128x128xf32> to vector<128x128xi32>
    %shift_left3A_396 = arith.constant 31 : i32
    %shift_left3A_397 = vector.broadcast %shift_left3A_396 : i32 to vector<128x128xi32>
    %shift_left3A_398 = arith.shli %convert_element_type3A_395, %shift_left3A_397 : vector<128x128xi32>
    %bitcast_convert_type3A_399 = tpu.bitcast %add3A_394 : vector<128x128xf32> -> vector<128x128xi32>
    %xor3A_400 = arith.xori %bitcast_convert_type3A_399, %shift_left3A_398 : vector<128x128xi32>
    %bitcast_convert_type3A_401 = tpu.bitcast %xor3A_400 : vector<128x128xi32> -> vector<128x128xf32>
    %select_n3A_402 = arith.select %ge3A_24, %bitcast_convert_type3A_401, %add3A_356 : vector<128x128xi1>, vector<128x128xf32>
    %slice3A_403 = vector.extract_strided_slice %select_n3A_402 {offsets = [0, 0], sizes = [128, 64], strides = [1, 1]} : vector<128x128xf32> to vector<128x64xf32>
    %swap3A_404 = arith.constant 256 : index
    %swap3A_405 = arith.constant 0 : index
    %swap3A_406 = vector.load %arg11[%swap3A_404, %swap3A_405] : memref<1024x256xf32, #tpu.memory_space<vmem>>, vector<128x64xf32>
    tpu.vector_store %arg11[%swap3A_404, %swap3A_405], %slice3A_403 {strides = array<i32>} : memref<1024x256xf32, #tpu.memory_space<vmem>>, vector<128x64xf32>,
    %get3A_407 = arith.constant 256 : index
    %get3A_408 = arith.constant 0 : index
    %get3A_409 = vector.load %arg5[%get3A_407, %get3A_408] : memref<1024x128xf32, #tpu.memory_space<vmem>>, vector<128x64xf32>
    %swap3A_410 = arith.constant 256 : index
    %swap3A_411 = arith.constant 64 : index
    %swap3A_412 = vector.load %arg11[%swap3A_410, %swap3A_411] : memref<1024x256xf32, #tpu.memory_space<vmem>>, vector<128x64xf32>
    tpu.vector_store %arg11[%swap3A_410, %swap3A_411], %get3A_409 {strides = array<i32>} : memref<1024x256xf32, #tpu.memory_space<vmem>>, vector<128x64xf32>,
    %broadcast_in_dim3A_413 = vector.shape_cast %transpose3A_338 : vector<128x1xf32> to vector<128x1xf32>
    %broadcast_in_dim3A_414 = vector.broadcast %broadcast_in_dim3A_413 : vector<128x1xf32> to vector<128x128xf32>
    %broadcast_in_dim3A_415 = vector.shape_cast %transpose3A_344 : vector<128x1xf32> to vector<128x1xf32>
    %broadcast_in_dim3A_416 = vector.broadcast %broadcast_in_dim3A_415 : vector<128x1xf32> to vector<128x128xf32>
    %select_n3A_417 = arith.select %lt3A_20, %broadcast_in_dim3A_414, %broadcast_in_dim3A_416 : vector<128x128xi1>, vector<128x128xf32>
    %broadcast_in_dim3A_418 = vector.shape_cast %get3A_14 : vector<128xf32> to vector<1x128xf32>
    %mul3A_419 = vector.broadcast %broadcast_in_dim3A_418 : vector<1x128xf32> to vector<128x128xf32>
    %mul3A_420 = arith.mulf %select_n3A_417, %mul3A_419 : vector<128x128xf32>
    %broadcast_in_dim3A_421 = vector.shape_cast %get3A_18 : vector<128xf32> to vector<1x128xf32>
    %add3A_422 = vector.broadcast %broadcast_in_dim3A_421 : vector<1x128xf32> to vector<128x128xf32>
    %add3A_423 = arith.addf %mul3A_420, %add3A_422 : vector<128x128xf32>
    %mul3A_424 = arith.constant 0.318309873 : f32
    %mul3A_425 = vector.broadcast %mul3A_424 : f32 to vector<128x128xf32>
    %mul3A_426 = arith.mulf %add3A_423, %mul3A_425 : vector<128x128xf32>
    %round3A_427 = math.roundeven %mul3A_426 : vector<128x128xf32>
    %mul3A_428 = arith.constant 3.140625 : f32
    %mul3A_429 = vector.broadcast %mul3A_428 : f32 to vector<128x128xf32>
    %mul3A_430 = arith.mulf %round3A_427, %mul3A_429 : vector<128x128xf32>
    %sub3A_431 = arith.subf %add3A_423, %mul3A_430 : vector<128x128xf32>
    %mul3A_432 = arith.constant 9.67025756E-4 : f32
    %mul3A_433 = vector.broadcast %mul3A_432 : f32 to vector<128x128xf32>
    %mul3A_434 = arith.mulf %round3A_427, %mul3A_433 : vector<128x128xf32>
    %sub3A_435 = arith.subf %sub3A_431, %mul3A_434 : vector<128x128xf32>
    %mul3A_436 = arith.constant 6.27711415E-7 : f32
    %mul3A_437 = vector.broadcast %mul3A_436 : f32 to vector<128x128xf32>
    %mul3A_438 = arith.mulf %round3A_427, %mul3A_437 : vector<128x128xf32>
    %sub3A_439 = arith.subf %sub3A_435, %mul3A_438 : vector<128x128xf32>
    %mul3A_440 = arith.constant 1.21542013E-10 : f32
    %mul3A_441 = vector.broadcast %mul3A_440 : f32 to vector<128x128xf32>
    %mul3A_442 = arith.mulf %round3A_427, %mul3A_441 : vector<128x128xf32>
    %sub3A_443 = arith.subf %sub3A_439, %mul3A_442 : vector<128x128xf32>
    %mul3A_444 = arith.mulf %sub3A_443, %sub3A_443 : vector<128x128xf32>
    %mul3A_445 = arith.constant 2.60831598E-6 : f32
    %mul3A_446 = vector.broadcast %mul3A_445 : f32 to vector<128x128xf32>
    %mul3A_447 = arith.mulf %mul3A_444, %mul3A_446 : vector<128x128xf32>
    %add3A_448 = arith.constant -1.98106907E-4 : f32
    %add3A_449 = vector.broadcast %add3A_448 : f32 to vector<128x128xf32>
    %add3A_450 = arith.addf %add3A_449, %mul3A_447 : vector<128x128xf32>
    %mul3A_451 = arith.mulf %mul3A_444, %add3A_450 : vector<128x128xf32>
    %add3A_452 = arith.constant 0.00833307859 : f32
    %add3A_453 = vector.broadcast %add3A_452 : f32 to vector<128x128xf32>
    %add3A_454 = arith.addf %add3A_453, %mul3A_451 : vector<128x128xf32>
    %mul3A_455 = arith.mulf %mul3A_444, %add3A_454 : vector<128x128xf32>
    %add3A_456 = arith.constant -0.166666597 : f32
    %add3A_457 = vector.broadcast %add3A_456 : f32 to vector<128x128xf32>
    %add3A_458 = arith.addf %add3A_457, %mul3A_455 : vector<128x128xf32>
    %mul3A_459 = arith.mulf %mul3A_444, %add3A_458 : vector<128x128xf32>
    %mul3A_460 = arith.mulf %sub3A_443, %mul3A_459 : vector<128x128xf32>
    %add3A_461 = arith.addf %sub3A_443, %mul3A_460 : vector<128x128xf32>
    %convert_element_type3A_462 = arith.fptosi %round3A_427 : vector<128x128xf32> to vector<128x128xi32>
    %shift_left3A_463 = arith.constant 31 : i32
    %shift_left3A_464 = vector.broadcast %shift_left3A_463 : i32 to vector<128x128xi32>
    %shift_left3A_465 = arith.shli %convert_element_type3A_462, %shift_left3A_464 : vector<128x128xi32>
    %bitcast_convert_type3A_466 = tpu.bitcast %add3A_461 : vector<128x128xf32> -> vector<128x128xi32>
    %xor3A_467 = arith.xori %bitcast_convert_type3A_466, %shift_left3A_465 : vector<128x128xi32>
    %bitcast_convert_type3A_468 = tpu.bitcast %xor3A_467 : vector<128x128xi32> -> vector<128x128xf32>
    %select_n3A_469 = arith.select %eq3A_29, %add3A_423, %bitcast_convert_type3A_468 : vector<128x128xi1>, vector<128x128xf32>
    %swap3A_470 = arith.constant 256 : index
    %swap3A_471 = arith.constant 128 : index
    %swap3A_472 = vector.load %arg11[%swap3A_470, %swap3A_471] : memref<1024x256xf32, #tpu.memory_space<vmem>>, vector<128x128xf32>
    tpu.vector_store %arg11[%swap3A_470, %swap3A_471], %select_n3A_469 {strides = array<i32>} : memref<1024x256xf32, #tpu.memory_space<vmem>>, vector<128x128xf32>,
    %get3A_473 = arith.constant 0 : index
    %get3A_474 = arith.constant 3 : index
    %get3A_475 = arith.constant 0 : index
    %get3A_476 = vector.load %arg1[%get3A_473, %get3A_474, %get3A_475] : memref<1x8x128xf32, #tpu.memory_space<vmem>>, vector<1x1x128xf32>
    %get3A_477 = vector.shape_cast %get3A_476 : vector<1x1x128xf32> to vector<1x128xf32>
    %transpose3A_478 = tpu.transpose %get3A_477, [1, 0] : vector<1x128xf32> -> vector<128x1xf32>
    %get3A_479 = arith.constant 0 : index
    %get3A_480 = arith.constant 3 : index
    %get3A_481 = arith.constant 0 : index
    %get3A_482 = vector.load %arg2[%get3A_479, %get3A_480, %get3A_481] : memref<1x8x128xf32, #tpu.memory_space<vmem>>, vector<1x1x128xf32>
    %get3A_483 = vector.shape_cast %get3A_482 : vector<1x1x128xf32> to vector<1x128xf32>
    %transpose3A_484 = tpu.transpose %get3A_483, [1, 0] : vector<1x128xf32> -> vector<128x1xf32>
    %get3A_485 = arith.constant 0 : index
    %get3A_486 = arith.constant 3 : index
    %get3A_487 = arith.constant 0 : index
    %get3A_488 = vector.load %arg3[%get3A_485, %get3A_486, %get3A_487] : memref<1x8x128xf32, #tpu.memory_space<vmem>>, vector<1x1x128xf32>
    %get3A_489 = vector.shape_cast %get3A_488 : vector<1x1x128xf32> to vector<1x128xf32>
    %transpose3A_490 = tpu.transpose %get3A_489, [1, 0] : vector<1x128xf32> -> vector<128x1xf32>
    %get3A_491 = arith.constant 0 : index
    %get3A_492 = arith.constant 3 : index
    %get3A_493 = arith.constant 0 : index
    %get3A_494 = vector.load %arg4[%get3A_491, %get3A_492, %get3A_493] : memref<1x8x128xf32, #tpu.memory_space<vmem>>, vector<1x1x128xf32>
    %get3A_495 = vector.shape_cast %get3A_494 : vector<1x1x128xf32> to vector<1x128xf32>
    %transpose3A_496 = tpu.transpose %get3A_495, [1, 0] : vector<1x128xf32> -> vector<128x1xf32>
    %broadcast_in_dim3A_497 = vector.shape_cast %get3A_2 : vector<128xf32> to vector<1x128xf32>
    %mul3A_498 = vector.broadcast %transpose3A_478 : vector<128x1xf32> to vector<128x128xf32>
    %mul3A_499 = vector.broadcast %broadcast_in_dim3A_497 : vector<1x128xf32> to vector<128x128xf32>
    %mul3A_500 = arith.mulf %mul3A_498, %mul3A_499 : vector<128x128xf32>
    %broadcast_in_dim3A_501 = vector.shape_cast %get3A_6 : vector<128xf32> to vector<1x128xf32>
    %mul3A_502 = vector.broadcast %transpose3A_484 : vector<128x1xf32> to vector<128x128xf32>
    %mul3A_503 = vector.broadcast %broadcast_in_dim3A_501 : vector<1x128xf32> to vector<128x128xf32>
    %mul3A_504 = arith.mulf %mul3A_502, %mul3A_503 : vector<128x128xf32>
    %add3A_505 = arith.addf %mul3A_500, %mul3A_504 : vector<128x128xf32>
    %broadcast_in_dim3A_506 = vector.shape_cast %get3A_10 : vector<128xf32> to vector<1x128xf32>
    %add3A_507 = vector.broadcast %broadcast_in_dim3A_506 : vector<1x128xf32> to vector<128x128xf32>
    %add3A_508 = arith.addf %add3A_505, %add3A_507 : vector<128x128xf32>
    %mul3A_509 = arith.constant 0.318309873 : f32
    %mul3A_510 = vector.broadcast %mul3A_509 : f32 to vector<128x128xf32>
    %mul3A_511 = arith.mulf %add3A_508, %mul3A_510 : vector<128x128xf32>
    %round3A_512 = math.roundeven %mul3A_511 : vector<128x128xf32>
    %mul3A_513 = arith.constant 3.140625 : f32
    %mul3A_514 = vector.broadcast %mul3A_513 : f32 to vector<128x128xf32>
    %mul3A_515 = arith.mulf %round3A_512, %mul3A_514 : vector<128x128xf32>
    %sub3A_516 = arith.subf %add3A_508, %mul3A_515 : vector<128x128xf32>
    %mul3A_517 = arith.constant 9.67025756E-4 : f32
    %mul3A_518 = vector.broadcast %mul3A_517 : f32 to vector<128x128xf32>
    %mul3A_519 = arith.mulf %round3A_512, %mul3A_518 : vector<128x128xf32>
    %sub3A_520 = arith.subf %sub3A_516, %mul3A_519 : vector<128x128xf32>
    %mul3A_521 = arith.constant 6.27711415E-7 : f32
    %mul3A_522 = vector.broadcast %mul3A_521 : f32 to vector<128x128xf32>
    %mul3A_523 = arith.mulf %round3A_512, %mul3A_522 : vector<128x128xf32>
    %sub3A_524 = arith.subf %sub3A_520, %mul3A_523 : vector<128x128xf32>
    %mul3A_525 = arith.constant 1.21542013E-10 : f32
    %mul3A_526 = vector.broadcast %mul3A_525 : f32 to vector<128x128xf32>
    %mul3A_527 = arith.mulf %round3A_512, %mul3A_526 : vector<128x128xf32>
    %sub3A_528 = arith.subf %sub3A_524, %mul3A_527 : vector<128x128xf32>
    %mul3A_529 = arith.mulf %sub3A_528, %sub3A_528 : vector<128x128xf32>
    %mul3A_530 = arith.constant 2.60831598E-6 : f32
    %mul3A_531 = vector.broadcast %mul3A_530 : f32 to vector<128x128xf32>
    %mul3A_532 = arith.mulf %mul3A_529, %mul3A_531 : vector<128x128xf32>
    %add3A_533 = arith.constant -1.98106907E-4 : f32
    %add3A_534 = vector.broadcast %add3A_533 : f32 to vector<128x128xf32>
    %add3A_535 = arith.addf %add3A_534, %mul3A_532 : vector<128x128xf32>
    %mul3A_536 = arith.mulf %mul3A_529, %add3A_535 : vector<128x128xf32>
    %add3A_537 = arith.constant 0.00833307859 : f32
    %add3A_538 = vector.broadcast %add3A_537 : f32 to vector<128x128xf32>
    %add3A_539 = arith.addf %add3A_538, %mul3A_536 : vector<128x128xf32>
    %mul3A_540 = arith.mulf %mul3A_529, %add3A_539 : vector<128x128xf32>
    %add3A_541 = arith.constant -0.166666597 : f32
    %add3A_542 = vector.broadcast %add3A_541 : f32 to vector<128x128xf32>
    %add3A_543 = arith.addf %add3A_542, %mul3A_540 : vector<128x128xf32>
    %mul3A_544 = arith.mulf %mul3A_529, %add3A_543 : vector<128x128xf32>
    %mul3A_545 = arith.mulf %sub3A_528, %mul3A_544 : vector<128x128xf32>
    %add3A_546 = arith.addf %sub3A_528, %mul3A_545 : vector<128x128xf32>
    %convert_element_type3A_547 = arith.fptosi %round3A_512 : vector<128x128xf32> to vector<128x128xi32>
    %shift_left3A_548 = arith.constant 31 : i32
    %shift_left3A_549 = vector.broadcast %shift_left3A_548 : i32 to vector<128x128xi32>
    %shift_left3A_550 = arith.shli %convert_element_type3A_547, %shift_left3A_549 : vector<128x128xi32>
    %bitcast_convert_type3A_551 = tpu.bitcast %add3A_546 : vector<128x128xf32> -> vector<128x128xi32>
    %xor3A_552 = arith.xori %bitcast_convert_type3A_551, %shift_left3A_550 : vector<128x128xi32>
    %bitcast_convert_type3A_553 = tpu.bitcast %xor3A_552 : vector<128x128xi32> -> vector<128x128xf32>
    %select_n3A_554 = arith.select %ge3A_24, %bitcast_convert_type3A_553, %add3A_508 : vector<128x128xi1>, vector<128x128xf32>
    %slice3A_555 = vector.extract_strided_slice %select_n3A_554 {offsets = [0, 0], sizes = [128, 64], strides = [1, 1]} : vector<128x128xf32> to vector<128x64xf32>
    %swap3A_556 = arith.constant 384 : index
    %swap3A_557 = arith.constant 0 : index
    %swap3A_558 = vector.load %arg11[%swap3A_556, %swap3A_557] : memref<1024x256xf32, #tpu.memory_space<vmem>>, vector<128x64xf32>
    tpu.vector_store %arg11[%swap3A_556, %swap3A_557], %slice3A_555 {strides = array<i32>} : memref<1024x256xf32, #tpu.memory_space<vmem>>, vector<128x64xf32>,
    %get3A_559 = arith.constant 384 : index
    %get3A_560 = arith.constant 0 : index
    %get3A_561 = vector.load %arg5[%get3A_559, %get3A_560] : memref<1024x128xf32, #tpu.memory_space<vmem>>, vector<128x64xf32>
    %swap3A_562 = arith.constant 384 : index
    %swap3A_563 = arith.constant 64 : index
    %swap3A_564 = vector.load %arg11[%swap3A_562, %swap3A_563] : memref<1024x256xf32, #tpu.memory_space<vmem>>, vector<128x64xf32>
    tpu.vector_store %arg11[%swap3A_562, %swap3A_563], %get3A_561 {strides = array<i32>} : memref<1024x256xf32, #tpu.memory_space<vmem>>, vector<128x64xf32>,
    %broadcast_in_dim3A_565 = vector.shape_cast %transpose3A_490 : vector<128x1xf32> to vector<128x1xf32>
    %broadcast_in_dim3A_566 = vector.broadcast %broadcast_in_dim3A_565 : vector<128x1xf32> to vector<128x128xf32>
    %broadcast_in_dim3A_567 = vector.shape_cast %transpose3A_496 : vector<128x1xf32> to vector<128x1xf32>
    %broadcast_in_dim3A_568 = vector.broadcast %broadcast_in_dim3A_567 : vector<128x1xf32> to vector<128x128xf32>
    %select_n3A_569 = arith.select %lt3A_20, %broadcast_in_dim3A_566, %broadcast_in_dim3A_568 : vector<128x128xi1>, vector<128x128xf32>
    %broadcast_in_dim3A_570 = vector.shape_cast %get3A_14 : vector<128xf32> to vector<1x128xf32>
    %mul3A_571 = vector.broadcast %broadcast_in_dim3A_570 : vector<1x128xf32> to vector<128x128xf32>
    %mul3A_572 = arith.mulf %select_n3A_569, %mul3A_571 : vector<128x128xf32>
    %broadcast_in_dim3A_573 = vector.shape_cast %get3A_18 : vector<128xf32> to vector<1x128xf32>
    %add3A_574 = vector.broadcast %broadcast_in_dim3A_573 : vector<1x128xf32> to vector<128x128xf32>
    %add3A_575 = arith.addf %mul3A_572, %add3A_574 : vector<128x128xf32>
    %mul3A_576 = arith.constant 0.318309873 : f32
    %mul3A_577 = vector.broadcast %mul3A_576 : f32 to vector<128x128xf32>
    %mul3A_578 = arith.mulf %add3A_575, %mul3A_577 : vector<128x128xf32>
    %round3A_579 = math.roundeven %mul3A_578 : vector<128x128xf32>
    %mul3A_580 = arith.constant 3.140625 : f32
    %mul3A_581 = vector.broadcast %mul3A_580 : f32 to vector<128x128xf32>
    %mul3A_582 = arith.mulf %round3A_579, %mul3A_581 : vector<128x128xf32>
    %sub3A_583 = arith.subf %add3A_575, %mul3A_582 : vector<128x128xf32>
    %mul3A_584 = arith.constant 9.67025756E-4 : f32
    %mul3A_585 = vector.broadcast %mul3A_584 : f32 to vector<128x128xf32>
    %mul3A_586 = arith.mulf %round3A_579, %mul3A_585 : vector<128x128xf32>
    %sub3A_587 = arith.subf %sub3A_583, %mul3A_586 : vector<128x128xf32>
    %mul3A_588 = arith.constant 6.27711415E-7 : f32
    %mul3A_589 = vector.broadcast %mul3A_588 : f32 to vector<128x128xf32>
    %mul3A_590 = arith.mulf %round3A_579, %mul3A_589 : vector<128x128xf32>
    %sub3A_591 = arith.subf %sub3A_587, %mul3A_590 : vector<128x128xf32>
    %mul3A_592 = arith.constant 1.21542013E-10 : f32
    %mul3A_593 = vector.broadcast %mul3A_592 : f32 to vector<128x128xf32>
    %mul3A_594 = arith.mulf %round3A_579, %mul3A_593 : vector<128x128xf32>
    %sub3A_595 = arith.subf %sub3A_591, %mul3A_594 : vector<128x128xf32>
    %mul3A_596 = arith.mulf %sub3A_595, %sub3A_595 : vector<128x128xf32>
    %mul3A_597 = arith.constant 2.60831598E-6 : f32
    %mul3A_598 = vector.broadcast %mul3A_597 : f32 to vector<128x128xf32>
    %mul3A_599 = arith.mulf %mul3A_596, %mul3A_598 : vector<128x128xf32>
    %add3A_600 = arith.constant -1.98106907E-4 : f32
    %add3A_601 = vector.broadcast %add3A_600 : f32 to vector<128x128xf32>
    %add3A_602 = arith.addf %add3A_601, %mul3A_599 : vector<128x128xf32>
    %mul3A_603 = arith.mulf %mul3A_596, %add3A_602 : vector<128x128xf32>
    %add3A_604 = arith.constant 0.00833307859 : f32
    %add3A_605 = vector.broadcast %add3A_604 : f32 to vector<128x128xf32>
    %add3A_606 = arith.addf %add3A_605, %mul3A_603 : vector<128x128xf32>
    %mul3A_607 = arith.mulf %mul3A_596, %add3A_606 : vector<128x128xf32>
    %add3A_608 = arith.constant -0.166666597 : f32
    %add3A_609 = vector.broadcast %add3A_608 : f32 to vector<128x128xf32>
    %add3A_610 = arith.addf %add3A_609, %mul3A_607 : vector<128x128xf32>
    %mul3A_611 = arith.mulf %mul3A_596, %add3A_610 : vector<128x128xf32>
    %mul3A_612 = arith.mulf %sub3A_595, %mul3A_611 : vector<128x128xf32>
    %add3A_613 = arith.addf %sub3A_595, %mul3A_612 : vector<128x128xf32>
    %convert_element_type3A_614 = arith.fptosi %round3A_579 : vector<128x128xf32> to vector<128x128xi32>
    %shift_left3A_615 = arith.constant 31 : i32
    %shift_left3A_616 = vector.broadcast %shift_left3A_615 : i32 to vector<128x128xi32>
    %shift_left3A_617 = arith.shli %convert_element_type3A_614, %shift_left3A_616 : vector<128x128xi32>
    %bitcast_convert_type3A_618 = tpu.bitcast %add3A_613 : vector<128x128xf32> -> vector<128x128xi32>
    %xor3A_619 = arith.xori %bitcast_convert_type3A_618, %shift_left3A_617 : vector<128x128xi32>
    %bitcast_convert_type3A_620 = tpu.bitcast %xor3A_619 : vector<128x128xi32> -> vector<128x128xf32>
    %select_n3A_621 = arith.select %eq3A_29, %add3A_575, %bitcast_convert_type3A_620 : vector<128x128xi1>, vector<128x128xf32>
    %swap3A_622 = arith.constant 384 : index
    %swap3A_623 = arith.constant 128 : index
    %swap3A_624 = vector.load %arg11[%swap3A_622, %swap3A_623] : memref<1024x256xf32, #tpu.memory_space<vmem>>, vector<128x128xf32>
    tpu.vector_store %arg11[%swap3A_622, %swap3A_623], %select_n3A_621 {strides = array<i32>} : memref<1024x256xf32, #tpu.memory_space<vmem>>, vector<128x128xf32>,
    %get3A_625 = arith.constant 0 : index
    %get3A_626 = arith.constant 4 : index
    %get3A_627 = arith.constant 0 : index
    %get3A_628 = vector.load %arg1[%get3A_625, %get3A_626, %get3A_627] : memref<1x8x128xf32, #tpu.memory_space<vmem>>, vector<1x1x128xf32>
    %get3A_629 = vector.shape_cast %get3A_628 : vector<1x1x128xf32> to vector<1x128xf32>
    %transpose3A_630 = tpu.transpose %get3A_629, [1, 0] : vector<1x128xf32> -> vector<128x1xf32>
    %get3A_631 = arith.constant 0 : index
    %get3A_632 = arith.constant 4 : index
    %get3A_633 = arith.constant 0 : index
    %get3A_634 = vector.load %arg2[%get3A_631, %get3A_632, %get3A_633] : memref<1x8x128xf32, #tpu.memory_space<vmem>>, vector<1x1x128xf32>
    %get3A_635 = vector.shape_cast %get3A_634 : vector<1x1x128xf32> to vector<1x128xf32>
    %transpose3A_636 = tpu.transpose %get3A_635, [1, 0] : vector<1x128xf32> -> vector<128x1xf32>
    %get3A_637 = arith.constant 0 : index
    %get3A_638 = arith.constant 4 : index
    %get3A_639 = arith.constant 0 : index
    %get3A_640 = vector.load %arg3[%get3A_637, %get3A_638, %get3A_639] : memref<1x8x128xf32, #tpu.memory_space<vmem>>, vector<1x1x128xf32>
    %get3A_641 = vector.shape_cast %get3A_640 : vector<1x1x128xf32> to vector<1x128xf32>
    %transpose3A_642 = tpu.transpose %get3A_641, [1, 0] : vector<1x128xf32> -> vector<128x1xf32>
    %get3A_643 = arith.constant 0 : index
    %get3A_644 = arith.constant 4 : index
    %get3A_645 = arith.constant 0 : index
    %get3A_646 = vector.load %arg4[%get3A_643, %get3A_644, %get3A_645] : memref<1x8x128xf32, #tpu.memory_space<vmem>>, vector<1x1x128xf32>
    %get3A_647 = vector.shape_cast %get3A_646 : vector<1x1x128xf32> to vector<1x128xf32>
    %transpose3A_648 = tpu.transpose %get3A_647, [1, 0] : vector<1x128xf32> -> vector<128x1xf32>
    %broadcast_in_dim3A_649 = vector.shape_cast %get3A_2 : vector<128xf32> to vector<1x128xf32>
    %mul3A_650 = vector.broadcast %transpose3A_630 : vector<128x1xf32> to vector<128x128xf32>
    %mul3A_651 = vector.broadcast %broadcast_in_dim3A_649 : vector<1x128xf32> to vector<128x128xf32>
    %mul3A_652 = arith.mulf %mul3A_650, %mul3A_651 : vector<128x128xf32>
    %broadcast_in_dim3A_653 = vector.shape_cast %get3A_6 : vector<128xf32> to vector<1x128xf32>
    %mul3A_654 = vector.broadcast %transpose3A_636 : vector<128x1xf32> to vector<128x128xf32>
    %mul3A_655 = vector.broadcast %broadcast_in_dim3A_653 : vector<1x128xf32> to vector<128x128xf32>
    %mul3A_656 = arith.mulf %mul3A_654, %mul3A_655 : vector<128x128xf32>
    %add3A_657 = arith.addf %mul3A_652, %mul3A_656 : vector<128x128xf32>
    %broadcast_in_dim3A_658 = vector.shape_cast %get3A_10 : vector<128xf32> to vector<1x128xf32>
    %add3A_659 = vector.broadcast %broadcast_in_dim3A_658 : vector<1x128xf32> to vector<128x128xf32>
    %add3A_660 = arith.addf %add3A_657, %add3A_659 : vector<128x128xf32>
    %mul3A_661 = arith.constant 0.318309873 : f32
    %mul3A_662 = vector.broadcast %mul3A_661 : f32 to vector<128x128xf32>
    %mul3A_663 = arith.mulf %add3A_660, %mul3A_662 : vector<128x128xf32>
    %round3A_664 = math.roundeven %mul3A_663 : vector<128x128xf32>
    %mul3A_665 = arith.constant 3.140625 : f32
    %mul3A_666 = vector.broadcast %mul3A_665 : f32 to vector<128x128xf32>
    %mul3A_667 = arith.mulf %round3A_664, %mul3A_666 : vector<128x128xf32>
    %sub3A_668 = arith.subf %add3A_660, %mul3A_667 : vector<128x128xf32>
    %mul3A_669 = arith.constant 9.67025756E-4 : f32
    %mul3A_670 = vector.broadcast %mul3A_669 : f32 to vector<128x128xf32>
    %mul3A_671 = arith.mulf %round3A_664, %mul3A_670 : vector<128x128xf32>
    %sub3A_672 = arith.subf %sub3A_668, %mul3A_671 : vector<128x128xf32>
    %mul3A_673 = arith.constant 6.27711415E-7 : f32
    %mul3A_674 = vector.broadcast %mul3A_673 : f32 to vector<128x128xf32>
    %mul3A_675 = arith.mulf %round3A_664, %mul3A_674 : vector<128x128xf32>
    %sub3A_676 = arith.subf %sub3A_672, %mul3A_675 : vector<128x128xf32>
    %mul3A_677 = arith.constant 1.21542013E-10 : f32
    %mul3A_678 = vector.broadcast %mul3A_677 : f32 to vector<128x128xf32>
    %mul3A_679 = arith.mulf %round3A_664, %mul3A_678 : vector<128x128xf32>
    %sub3A_680 = arith.subf %sub3A_676, %mul3A_679 : vector<128x128xf32>
    %mul3A_681 = arith.mulf %sub3A_680, %sub3A_680 : vector<128x128xf32>
    %mul3A_682 = arith.constant 2.60831598E-6 : f32
    %mul3A_683 = vector.broadcast %mul3A_682 : f32 to vector<128x128xf32>
    %mul3A_684 = arith.mulf %mul3A_681, %mul3A_683 : vector<128x128xf32>
    %add3A_685 = arith.constant -1.98106907E-4 : f32
    %add3A_686 = vector.broadcast %add3A_685 : f32 to vector<128x128xf32>
    %add3A_687 = arith.addf %add3A_686, %mul3A_684 : vector<128x128xf32>
    %mul3A_688 = arith.mulf %mul3A_681, %add3A_687 : vector<128x128xf32>
    %add3A_689 = arith.constant 0.00833307859 : f32
    %add3A_690 = vector.broadcast %add3A_689 : f32 to vector<128x128xf32>
    %add3A_691 = arith.addf %add3A_690, %mul3A_688 : vector<128x128xf32>
    %mul3A_692 = arith.mulf %mul3A_681, %add3A_691 : vector<128x128xf32>
    %add3A_693 = arith.constant -0.166666597 : f32
    %add3A_694 = vector.broadcast %add3A_693 : f32 to vector<128x128xf32>
    %add3A_695 = arith.addf %add3A_694, %mul3A_692 : vector<128x128xf32>
    %mul3A_696 = arith.mulf %mul3A_681, %add3A_695 : vector<128x128xf32>
    %mul3A_697 = arith.mulf %sub3A_680, %mul3A_696 : vector<128x128xf32>
    %add3A_698 = arith.addf %sub3A_680, %mul3A_697 : vector<128x128xf32>
    %convert_element_type3A_699 = arith.fptosi %round3A_664 : vector<128x128xf32> to vector<128x128xi32>
    %shift_left3A_700 = arith.constant 31 : i32
    %shift_left3A_701 = vector.broadcast %shift_left3A_700 : i32 to vector<128x128xi32>
    %shift_left3A_702 = arith.shli %convert_element_type3A_699, %shift_left3A_701 : vector<128x128xi32>
    %bitcast_convert_type3A_703 = tpu.bitcast %add3A_698 : vector<128x128xf32> -> vector<128x128xi32>
    %xor3A_704 = arith.xori %bitcast_convert_type3A_703, %shift_left3A_702 : vector<128x128xi32>
    %bitcast_convert_type3A_705 = tpu.bitcast %xor3A_704 : vector<128x128xi32> -> vector<128x128xf32>
    %select_n3A_706 = arith.select %ge3A_24, %bitcast_convert_type3A_705, %add3A_660 : vector<128x128xi1>, vector<128x128xf32>
    %slice3A_707 = vector.extract_strided_slice %select_n3A_706 {offsets = [0, 0], sizes = [128, 64], strides = [1, 1]} : vector<128x128xf32> to vector<128x64xf32>
    %swap3A_708 = arith.constant 512 : index
    %swap3A_709 = arith.constant 0 : index
    %swap3A_710 = vector.load %arg11[%swap3A_708, %swap3A_709] : memref<1024x256xf32, #tpu.memory_space<vmem>>, vector<128x64xf32>
    tpu.vector_store %arg11[%swap3A_708, %swap3A_709], %slice3A_707 {strides = array<i32>} : memref<1024x256xf32, #tpu.memory_space<vmem>>, vector<128x64xf32>,
    %get3A_711 = arith.constant 512 : index
    %get3A_712 = arith.constant 0 : index
    %get3A_713 = vector.load %arg5[%get3A_711, %get3A_712] : memref<1024x128xf32, #tpu.memory_space<vmem>>, vector<128x64xf32>
    %swap3A_714 = arith.constant 512 : index
    %swap3A_715 = arith.constant 64 : index
    %swap3A_716 = vector.load %arg11[%swap3A_714, %swap3A_715] : memref<1024x256xf32, #tpu.memory_space<vmem>>, vector<128x64xf32>
    tpu.vector_store %arg11[%swap3A_714, %swap3A_715], %get3A_713 {strides = array<i32>} : memref<1024x256xf32, #tpu.memory_space<vmem>>, vector<128x64xf32>,
    %broadcast_in_dim3A_717 = vector.shape_cast %transpose3A_642 : vector<128x1xf32> to vector<128x1xf32>
    %broadcast_in_dim3A_718 = vector.broadcast %broadcast_in_dim3A_717 : vector<128x1xf32> to vector<128x128xf32>
    %broadcast_in_dim3A_719 = vector.shape_cast %transpose3A_648 : vector<128x1xf32> to vector<128x1xf32>
    %broadcast_in_dim3A_720 = vector.broadcast %broadcast_in_dim3A_719 : vector<128x1xf32> to vector<128x128xf32>
    %select_n3A_721 = arith.select %lt3A_20, %broadcast_in_dim3A_718, %broadcast_in_dim3A_720 : vector<128x128xi1>, vector<128x128xf32>
    %broadcast_in_dim3A_722 = vector.shape_cast %get3A_14 : vector<128xf32> to vector<1x128xf32>
    %mul3A_723 = vector.broadcast %broadcast_in_dim3A_722 : vector<1x128xf32> to vector<128x128xf32>
    %mul3A_724 = arith.mulf %select_n3A_721, %mul3A_723 : vector<128x128xf32>
    %broadcast_in_dim3A_725 = vector.shape_cast %get3A_18 : vector<128xf32> to vector<1x128xf32>
    %add3A_726 = vector.broadcast %broadcast_in_dim3A_725 : vector<1x128xf32> to vector<128x128xf32>
    %add3A_727 = arith.addf %mul3A_724, %add3A_726 : vector<128x128xf32>
    %mul3A_728 = arith.constant 0.318309873 : f32
    %mul3A_729 = vector.broadcast %mul3A_728 : f32 to vector<128x128xf32>
    %mul3A_730 = arith.mulf %add3A_727, %mul3A_729 : vector<128x128xf32>
    %round3A_731 = math.roundeven %mul3A_730 : vector<128x128xf32>
    %mul3A_732 = arith.constant 3.140625 : f32
    %mul3A_733 = vector.broadcast %mul3A_732 : f32 to vector<128x128xf32>
    %mul3A_734 = arith.mulf %round3A_731, %mul3A_733 : vector<128x128xf32>
    %sub3A_735 = arith.subf %add3A_727, %mul3A_734 : vector<128x128xf32>
    %mul3A_736 = arith.constant 9.67025756E-4 : f32
    %mul3A_737 = vector.broadcast %mul3A_736 : f32 to vector<128x128xf32>
    %mul3A_738 = arith.mulf %round3A_731, %mul3A_737 : vector<128x128xf32>
    %sub3A_739 = arith.subf %sub3A_735, %mul3A_738 : vector<128x128xf32>
    %mul3A_740 = arith.constant 6.27711415E-7 : f32
    %mul3A_741 = vector.broadcast %mul3A_740 : f32 to vector<128x128xf32>
    %mul3A_742 = arith.mulf %round3A_731, %mul3A_741 : vector<128x128xf32>
    %sub3A_743 = arith.subf %sub3A_739, %mul3A_742 : vector<128x128xf32>
    %mul3A_744 = arith.constant 1.21542013E-10 : f32
    %mul3A_745 = vector.broadcast %mul3A_744 : f32 to vector<128x128xf32>
    %mul3A_746 = arith.mulf %round3A_731, %mul3A_745 : vector<128x128xf32>
    %sub3A_747 = arith.subf %sub3A_743, %mul3A_746 : vector<128x128xf32>
    %mul3A_748 = arith.mulf %sub3A_747, %sub3A_747 : vector<128x128xf32>
    %mul3A_749 = arith.constant 2.60831598E-6 : f32
    %mul3A_750 = vector.broadcast %mul3A_749 : f32 to vector<128x128xf32>
    %mul3A_751 = arith.mulf %mul3A_748, %mul3A_750 : vector<128x128xf32>
    %add3A_752 = arith.constant -1.98106907E-4 : f32
    %add3A_753 = vector.broadcast %add3A_752 : f32 to vector<128x128xf32>
    %add3A_754 = arith.addf %add3A_753, %mul3A_751 : vector<128x128xf32>
    %mul3A_755 = arith.mulf %mul3A_748, %add3A_754 : vector<128x128xf32>
    %add3A_756 = arith.constant 0.00833307859 : f32
    %add3A_757 = vector.broadcast %add3A_756 : f32 to vector<128x128xf32>
    %add3A_758 = arith.addf %add3A_757, %mul3A_755 : vector<128x128xf32>
    %mul3A_759 = arith.mulf %mul3A_748, %add3A_758 : vector<128x128xf32>
    %add3A_760 = arith.constant -0.166666597 : f32
    %add3A_761 = vector.broadcast %add3A_760 : f32 to vector<128x128xf32>
    %add3A_762 = arith.addf %add3A_761, %mul3A_759 : vector<128x128xf32>
    %mul3A_763 = arith.mulf %mul3A_748, %add3A_762 : vector<128x128xf32>
    %mul3A_764 = arith.mulf %sub3A_747, %mul3A_763 : vector<128x128xf32>
    %add3A_765 = arith.addf %sub3A_747, %mul3A_764 : vector<128x128xf32>
    %convert_element_type3A_766 = arith.fptosi %round3A_731 : vector<128x128xf32> to vector<128x128xi32>
    %shift_left3A_767 = arith.constant 31 : i32
    %shift_left3A_768 = vector.broadcast %shift_left3A_767 : i32 to vector<128x128xi32>
    %shift_left3A_769 = arith.shli %convert_element_type3A_766, %shift_left3A_768 : vector<128x128xi32>
    %bitcast_convert_type3A_770 = tpu.bitcast %add3A_765 : vector<128x128xf32> -> vector<128x128xi32>
    %xor3A_771 = arith.xori %bitcast_convert_type3A_770, %shift_left3A_769 : vector<128x128xi32>
    %bitcast_convert_type3A_772 = tpu.bitcast %xor3A_771 : vector<128x128xi32> -> vector<128x128xf32>
    %select_n3A_773 = arith.select %eq3A_29, %add3A_727, %bitcast_convert_type3A_772 : vector<128x128xi1>, vector<128x128xf32>
    %swap3A_774 = arith.constant 512 : index
    %swap3A_775 = arith.constant 128 : index
    %swap3A_776 = vector.load %arg11[%swap3A_774, %swap3A_775] : memref<1024x256xf32, #tpu.memory_space<vmem>>, vector<128x128xf32>
    tpu.vector_store %arg11[%swap3A_774, %swap3A_775], %select_n3A_773 {strides = array<i32>} : memref<1024x256xf32, #tpu.memory_space<vmem>>, vector<128x128xf32>,
    %get3A_777 = arith.constant 0 : index
    %get3A_778 = arith.constant 5 : index
    %get3A_779 = arith.constant 0 : index
    %get3A_780 = vector.load %arg1[%get3A_777, %get3A_778, %get3A_779] : memref<1x8x128xf32, #tpu.memory_space<vmem>>, vector<1x1x128xf32>
    %get3A_781 = vector.shape_cast %get3A_780 : vector<1x1x128xf32> to vector<1x128xf32>
    %transpose3A_782 = tpu.transpose %get3A_781, [1, 0] : vector<1x128xf32> -> vector<128x1xf32>
    %get3A_783 = arith.constant 0 : index
    %get3A_784 = arith.constant 5 : index
    %get3A_785 = arith.constant 0 : index
    %get3A_786 = vector.load %arg2[%get3A_783, %get3A_784, %get3A_785] : memref<1x8x128xf32, #tpu.memory_space<vmem>>, vector<1x1x128xf32>
    %get3A_787 = vector.shape_cast %get3A_786 : vector<1x1x128xf32> to vector<1x128xf32>
    %transpose3A_788 = tpu.transpose %get3A_787, [1, 0] : vector<1x128xf32> -> vector<128x1xf32>
    %get3A_789 = arith.constant 0 : index
    %get3A_790 = arith.constant 5 : index
    %get3A_791 = arith.constant 0 : index
    %get3A_792 = vector.load %arg3[%get3A_789, %get3A_790, %get3A_791] : memref<1x8x128xf32, #tpu.memory_space<vmem>>, vector<1x1x128xf32>
    %get3A_793 = vector.shape_cast %get3A_792 : vector<1x1x128xf32> to vector<1x128xf32>
    %transpose3A_794 = tpu.transpose %get3A_793, [1, 0] : vector<1x128xf32> -> vector<128x1xf32>
    %get3A_795 = arith.constant 0 : index
    %get3A_796 = arith.constant 5 : index
    %get3A_797 = arith.constant 0 : index
    %get3A_798 = vector.load %arg4[%get3A_795, %get3A_796, %get3A_797] : memref<1x8x128xf32, #tpu.memory_space<vmem>>, vector<1x1x128xf32>
    %get3A_799 = vector.shape_cast %get3A_798 : vector<1x1x128xf32> to vector<1x128xf32>
    %transpose3A_800 = tpu.transpose %get3A_799, [1, 0] : vector<1x128xf32> -> vector<128x1xf32>
    %broadcast_in_dim3A_801 = vector.shape_cast %get3A_2 : vector<128xf32> to vector<1x128xf32>
    %mul3A_802 = vector.broadcast %transpose3A_782 : vector<128x1xf32> to vector<128x128xf32>
    %mul3A_803 = vector.broadcast %broadcast_in_dim3A_801 : vector<1x128xf32> to vector<128x128xf32>
    %mul3A_804 = arith.mulf %mul3A_802, %mul3A_803 : vector<128x128xf32>
    %broadcast_in_dim3A_805 = vector.shape_cast %get3A_6 : vector<128xf32> to vector<1x128xf32>
    %mul3A_806 = vector.broadcast %transpose3A_788 : vector<128x1xf32> to vector<128x128xf32>
    %mul3A_807 = vector.broadcast %broadcast_in_dim3A_805 : vector<1x128xf32> to vector<128x128xf32>
    %mul3A_808 = arith.mulf %mul3A_806, %mul3A_807 : vector<128x128xf32>
    %add3A_809 = arith.addf %mul3A_804, %mul3A_808 : vector<128x128xf32>
    %broadcast_in_dim3A_810 = vector.shape_cast %get3A_10 : vector<128xf32> to vector<1x128xf32>
    %add3A_811 = vector.broadcast %broadcast_in_dim3A_810 : vector<1x128xf32> to vector<128x128xf32>
    %add3A_812 = arith.addf %add3A_809, %add3A_811 : vector<128x128xf32>
    %mul3A_813 = arith.constant 0.318309873 : f32
    %mul3A_814 = vector.broadcast %mul3A_813 : f32 to vector<128x128xf32>
    %mul3A_815 = arith.mulf %add3A_812, %mul3A_814 : vector<128x128xf32>
    %round3A_816 = math.roundeven %mul3A_815 : vector<128x128xf32>
    %mul3A_817 = arith.constant 3.140625 : f32
    %mul3A_818 = vector.broadcast %mul3A_817 : f32 to vector<128x128xf32>
    %mul3A_819 = arith.mulf %round3A_816, %mul3A_818 : vector<128x128xf32>
    %sub3A_820 = arith.subf %add3A_812, %mul3A_819 : vector<128x128xf32>
    %mul3A_821 = arith.constant 9.67025756E-4 : f32
    %mul3A_822 = vector.broadcast %mul3A_821 : f32 to vector<128x128xf32>
    %mul3A_823 = arith.mulf %round3A_816, %mul3A_822 : vector<128x128xf32>
    %sub3A_824 = arith.subf %sub3A_820, %mul3A_823 : vector<128x128xf32>
    %mul3A_825 = arith.constant 6.27711415E-7 : f32
    %mul3A_826 = vector.broadcast %mul3A_825 : f32 to vector<128x128xf32>
    %mul3A_827 = arith.mulf %round3A_816, %mul3A_826 : vector<128x128xf32>
    %sub3A_828 = arith.subf %sub3A_824, %mul3A_827 : vector<128x128xf32>
    %mul3A_829 = arith.constant 1.21542013E-10 : f32
    %mul3A_830 = vector.broadcast %mul3A_829 : f32 to vector<128x128xf32>
    %mul3A_831 = arith.mulf %round3A_816, %mul3A_830 : vector<128x128xf32>
    %sub3A_832 = arith.subf %sub3A_828, %mul3A_831 : vector<128x128xf32>
    %mul3A_833 = arith.mulf %sub3A_832, %sub3A_832 : vector<128x128xf32>
    %mul3A_834 = arith.constant 2.60831598E-6 : f32
    %mul3A_835 = vector.broadcast %mul3A_834 : f32 to vector<128x128xf32>
    %mul3A_836 = arith.mulf %mul3A_833, %mul3A_835 : vector<128x128xf32>
    %add3A_837 = arith.constant -1.98106907E-4 : f32
    %add3A_838 = vector.broadcast %add3A_837 : f32 to vector<128x128xf32>
    %add3A_839 = arith.addf %add3A_838, %mul3A_836 : vector<128x128xf32>
    %mul3A_840 = arith.mulf %mul3A_833, %add3A_839 : vector<128x128xf32>
    %add3A_841 = arith.constant 0.00833307859 : f32
    %add3A_842 = vector.broadcast %add3A_841 : f32 to vector<128x128xf32>
    %add3A_843 = arith.addf %add3A_842, %mul3A_840 : vector<128x128xf32>
    %mul3A_844 = arith.mulf %mul3A_833, %add3A_843 : vector<128x128xf32>
    %add3A_845 = arith.constant -0.166666597 : f32
    %add3A_846 = vector.broadcast %add3A_845 : f32 to vector<128x128xf32>
    %add3A_847 = arith.addf %add3A_846, %mul3A_844 : vector<128x128xf32>
    %mul3A_848 = arith.mulf %mul3A_833, %add3A_847 : vector<128x128xf32>
    %mul3A_849 = arith.mulf %sub3A_832, %mul3A_848 : vector<128x128xf32>
    %add3A_850 = arith.addf %sub3A_832, %mul3A_849 : vector<128x128xf32>
    %convert_element_type3A_851 = arith.fptosi %round3A_816 : vector<128x128xf32> to vector<128x128xi32>
    %shift_left3A_852 = arith.constant 31 : i32
    %shift_left3A_853 = vector.broadcast %shift_left3A_852 : i32 to vector<128x128xi32>
    %shift_left3A_854 = arith.shli %convert_element_type3A_851, %shift_left3A_853 : vector<128x128xi32>
    %bitcast_convert_type3A_855 = tpu.bitcast %add3A_850 : vector<128x128xf32> -> vector<128x128xi32>
    %xor3A_856 = arith.xori %bitcast_convert_type3A_855, %shift_left3A_854 : vector<128x128xi32>
    %bitcast_convert_type3A_857 = tpu.bitcast %xor3A_856 : vector<128x128xi32> -> vector<128x128xf32>
    %select_n3A_858 = arith.select %ge3A_24, %bitcast_convert_type3A_857, %add3A_812 : vector<128x128xi1>, vector<128x128xf32>
    %slice3A_859 = vector.extract_strided_slice %select_n3A_858 {offsets = [0, 0], sizes = [128, 64], strides = [1, 1]} : vector<128x128xf32> to vector<128x64xf32>
    %swap3A_860 = arith.constant 640 : index
    %swap3A_861 = arith.constant 0 : index
    %swap3A_862 = vector.load %arg11[%swap3A_860, %swap3A_861] : memref<1024x256xf32, #tpu.memory_space<vmem>>, vector<128x64xf32>
    tpu.vector_store %arg11[%swap3A_860, %swap3A_861], %slice3A_859 {strides = array<i32>} : memref<1024x256xf32, #tpu.memory_space<vmem>>, vector<128x64xf32>,
    %get3A_863 = arith.constant 640 : index
    %get3A_864 = arith.constant 0 : index
    %get3A_865 = vector.load %arg5[%get3A_863, %get3A_864] : memref<1024x128xf32, #tpu.memory_space<vmem>>, vector<128x64xf32>
    %swap3A_866 = arith.constant 640 : index
    %swap3A_867 = arith.constant 64 : index
    %swap3A_868 = vector.load %arg11[%swap3A_866, %swap3A_867] : memref<1024x256xf32, #tpu.memory_space<vmem>>, vector<128x64xf32>
    tpu.vector_store %arg11[%swap3A_866, %swap3A_867], %get3A_865 {strides = array<i32>} : memref<1024x256xf32, #tpu.memory_space<vmem>>, vector<128x64xf32>,
    %broadcast_in_dim3A_869 = vector.shape_cast %transpose3A_794 : vector<128x1xf32> to vector<128x1xf32>
    %broadcast_in_dim3A_870 = vector.broadcast %broadcast_in_dim3A_869 : vector<128x1xf32> to vector<128x128xf32>
    %broadcast_in_dim3A_871 = vector.shape_cast %transpose3A_800 : vector<128x1xf32> to vector<128x1xf32>
    %broadcast_in_dim3A_872 = vector.broadcast %broadcast_in_dim3A_871 : vector<128x1xf32> to vector<128x128xf32>
    %select_n3A_873 = arith.select %lt3A_20, %broadcast_in_dim3A_870, %broadcast_in_dim3A_872 : vector<128x128xi1>, vector<128x128xf32>
    %broadcast_in_dim3A_874 = vector.shape_cast %get3A_14 : vector<128xf32> to vector<1x128xf32>
    %mul3A_875 = vector.broadcast %broadcast_in_dim3A_874 : vector<1x128xf32> to vector<128x128xf32>
    %mul3A_876 = arith.mulf %select_n3A_873, %mul3A_875 : vector<128x128xf32>
    %broadcast_in_dim3A_877 = vector.shape_cast %get3A_18 : vector<128xf32> to vector<1x128xf32>
    %add3A_878 = vector.broadcast %broadcast_in_dim3A_877 : vector<1x128xf32> to vector<128x128xf32>
    %add3A_879 = arith.addf %mul3A_876, %add3A_878 : vector<128x128xf32>
    %mul3A_880 = arith.constant 0.318309873 : f32
    %mul3A_881 = vector.broadcast %mul3A_880 : f32 to vector<128x128xf32>
    %mul3A_882 = arith.mulf %add3A_879, %mul3A_881 : vector<128x128xf32>
    %round3A_883 = math.roundeven %mul3A_882 : vector<128x128xf32>
    %mul3A_884 = arith.constant 3.140625 : f32
    %mul3A_885 = vector.broadcast %mul3A_884 : f32 to vector<128x128xf32>
    %mul3A_886 = arith.mulf %round3A_883, %mul3A_885 : vector<128x128xf32>
    %sub3A_887 = arith.subf %add3A_879, %mul3A_886 : vector<128x128xf32>
    %mul3A_888 = arith.constant 9.67025756E-4 : f32
    %mul3A_889 = vector.broadcast %mul3A_888 : f32 to vector<128x128xf32>
    %mul3A_890 = arith.mulf %round3A_883, %mul3A_889 : vector<128x128xf32>
    %sub3A_891 = arith.subf %sub3A_887, %mul3A_890 : vector<128x128xf32>
    %mul3A_892 = arith.constant 6.27711415E-7 : f32
    %mul3A_893 = vector.broadcast %mul3A_892 : f32 to vector<128x128xf32>
    %mul3A_894 = arith.mulf %round3A_883, %mul3A_893 : vector<128x128xf32>
    %sub3A_895 = arith.subf %sub3A_891, %mul3A_894 : vector<128x128xf32>
    %mul3A_896 = arith.constant 1.21542013E-10 : f32
    %mul3A_897 = vector.broadcast %mul3A_896 : f32 to vector<128x128xf32>
    %mul3A_898 = arith.mulf %round3A_883, %mul3A_897 : vector<128x128xf32>
    %sub3A_899 = arith.subf %sub3A_895, %mul3A_898 : vector<128x128xf32>
    %mul3A_900 = arith.mulf %sub3A_899, %sub3A_899 : vector<128x128xf32>
    %mul3A_901 = arith.constant 2.60831598E-6 : f32
    %mul3A_902 = vector.broadcast %mul3A_901 : f32 to vector<128x128xf32>
    %mul3A_903 = arith.mulf %mul3A_900, %mul3A_902 : vector<128x128xf32>
    %add3A_904 = arith.constant -1.98106907E-4 : f32
    %add3A_905 = vector.broadcast %add3A_904 : f32 to vector<128x128xf32>
    %add3A_906 = arith.addf %add3A_905, %mul3A_903 : vector<128x128xf32>
    %mul3A_907 = arith.mulf %mul3A_900, %add3A_906 : vector<128x128xf32>
    %add3A_908 = arith.constant 0.00833307859 : f32
    %add3A_909 = vector.broadcast %add3A_908 : f32 to vector<128x128xf32>
    %add3A_910 = arith.addf %add3A_909, %mul3A_907 : vector<128x128xf32>
    %mul3A_911 = arith.mulf %mul3A_900, %add3A_910 : vector<128x128xf32>
    %add3A_912 = arith.constant -0.166666597 : f32
    %add3A_913 = vector.broadcast %add3A_912 : f32 to vector<128x128xf32>
    %add3A_914 = arith.addf %add3A_913, %mul3A_911 : vector<128x128xf32>
    %mul3A_915 = arith.mulf %mul3A_900, %add3A_914 : vector<128x128xf32>
    %mul3A_916 = arith.mulf %sub3A_899, %mul3A_915 : vector<128x128xf32>
    %add3A_917 = arith.addf %sub3A_899, %mul3A_916 : vector<128x128xf32>
    %convert_element_type3A_918 = arith.fptosi %round3A_883 : vector<128x128xf32> to vector<128x128xi32>
    %shift_left3A_919 = arith.constant 31 : i32
    %shift_left3A_920 = vector.broadcast %shift_left3A_919 : i32 to vector<128x128xi32>
    %shift_left3A_921 = arith.shli %convert_element_type3A_918, %shift_left3A_920 : vector<128x128xi32>
    %bitcast_convert_type3A_922 = tpu.bitcast %add3A_917 : vector<128x128xf32> -> vector<128x128xi32>
    %xor3A_923 = arith.xori %bitcast_convert_type3A_922, %shift_left3A_921 : vector<128x128xi32>
    %bitcast_convert_type3A_924 = tpu.bitcast %xor3A_923 : vector<128x128xi32> -> vector<128x128xf32>
    %select_n3A_925 = arith.select %eq3A_29, %add3A_879, %bitcast_convert_type3A_924 : vector<128x128xi1>, vector<128x128xf32>
    %swap3A_926 = arith.constant 640 : index
    %swap3A_927 = arith.constant 128 : index
    %swap3A_928 = vector.load %arg11[%swap3A_926, %swap3A_927] : memref<1024x256xf32, #tpu.memory_space<vmem>>, vector<128x128xf32>
    tpu.vector_store %arg11[%swap3A_926, %swap3A_927], %select_n3A_925 {strides = array<i32>} : memref<1024x256xf32, #tpu.memory_space<vmem>>, vector<128x128xf32>,
    %get3A_929 = arith.constant 0 : index
    %get3A_930 = arith.constant 6 : index
    %get3A_931 = arith.constant 0 : index
    %get3A_932 = vector.load %arg1[%get3A_929, %get3A_930, %get3A_931] : memref<1x8x128xf32, #tpu.memory_space<vmem>>, vector<1x1x128xf32>
    %get3A_933 = vector.shape_cast %get3A_932 : vector<1x1x128xf32> to vector<1x128xf32>
    %transpose3A_934 = tpu.transpose %get3A_933, [1, 0] : vector<1x128xf32> -> vector<128x1xf32>
    %get3A_935 = arith.constant 0 : index
    %get3A_936 = arith.constant 6 : index
    %get3A_937 = arith.constant 0 : index
    %get3A_938 = vector.load %arg2[%get3A_935, %get3A_936, %get3A_937] : memref<1x8x128xf32, #tpu.memory_space<vmem>>, vector<1x1x128xf32>
    %get3A_939 = vector.shape_cast %get3A_938 : vector<1x1x128xf32> to vector<1x128xf32>
    %transpose3A_940 = tpu.transpose %get3A_939, [1, 0] : vector<1x128xf32> -> vector<128x1xf32>
    %get3A_941 = arith.constant 0 : index
    %get3A_942 = arith.constant 6 : index
    %get3A_943 = arith.constant 0 : index
    %get3A_944 = vector.load %arg3[%get3A_941, %get3A_942, %get3A_943] : memref<1x8x128xf32, #tpu.memory_space<vmem>>, vector<1x1x128xf32>
    %get3A_945 = vector.shape_cast %get3A_944 : vector<1x1x128xf32> to vector<1x128xf32>
    %transpose3A_946 = tpu.transpose %get3A_945, [1, 0] : vector<1x128xf32> -> vector<128x1xf32>
    %get3A_947 = arith.constant 0 : index
    %get3A_948 = arith.constant 6 : index
    %get3A_949 = arith.constant 0 : index
    %get3A_950 = vector.load %arg4[%get3A_947, %get3A_948, %get3A_949] : memref<1x8x128xf32, #tpu.memory_space<vmem>>, vector<1x1x128xf32>
    %get3A_951 = vector.shape_cast %get3A_950 : vector<1x1x128xf32> to vector<1x128xf32>
    %transpose3A_952 = tpu.transpose %get3A_951, [1, 0] : vector<1x128xf32> -> vector<128x1xf32>
    %broadcast_in_dim3A_953 = vector.shape_cast %get3A_2 : vector<128xf32> to vector<1x128xf32>
    %mul3A_954 = vector.broadcast %transpose3A_934 : vector<128x1xf32> to vector<128x128xf32>
    %mul3A_955 = vector.broadcast %broadcast_in_dim3A_953 : vector<1x128xf32> to vector<128x128xf32>
    %mul3A_956 = arith.mulf %mul3A_954, %mul3A_955 : vector<128x128xf32>
    %broadcast_in_dim3A_957 = vector.shape_cast %get3A_6 : vector<128xf32> to vector<1x128xf32>
    %mul3A_958 = vector.broadcast %transpose3A_940 : vector<128x1xf32> to vector<128x128xf32>
    %mul3A_959 = vector.broadcast %broadcast_in_dim3A_957 : vector<1x128xf32> to vector<128x128xf32>
    %mul3A_960 = arith.mulf %mul3A_958, %mul3A_959 : vector<128x128xf32>
    %add3A_961 = arith.addf %mul3A_956, %mul3A_960 : vector<128x128xf32>
    %broadcast_in_dim3A_962 = vector.shape_cast %get3A_10 : vector<128xf32> to vector<1x128xf32>
    %add3A_963 = vector.broadcast %broadcast_in_dim3A_962 : vector<1x128xf32> to vector<128x128xf32>
    %add3A_964 = arith.addf %add3A_961, %add3A_963 : vector<128x128xf32>
    %mul3A_965 = arith.constant 0.318309873 : f32
    %mul3A_966 = vector.broadcast %mul3A_965 : f32 to vector<128x128xf32>
    %mul3A_967 = arith.mulf %add3A_964, %mul3A_966 : vector<128x128xf32>
    %round3A_968 = math.roundeven %mul3A_967 : vector<128x128xf32>
    %mul3A_969 = arith.constant 3.140625 : f32
    %mul3A_970 = vector.broadcast %mul3A_969 : f32 to vector<128x128xf32>
    %mul3A_971 = arith.mulf %round3A_968, %mul3A_970 : vector<128x128xf32>
    %sub3A_972 = arith.subf %add3A_964, %mul3A_971 : vector<128x128xf32>
    %mul3A_973 = arith.constant 9.67025756E-4 : f32
    %mul3A_974 = vector.broadcast %mul3A_973 : f32 to vector<128x128xf32>
    %mul3A_975 = arith.mulf %round3A_968, %mul3A_974 : vector<128x128xf32>
    %sub3A_976 = arith.subf %sub3A_972, %mul3A_975 : vector<128x128xf32>
    %mul3A_977 = arith.constant 6.27711415E-7 : f32
    %mul3A_978 = vector.broadcast %mul3A_977 : f32 to vector<128x128xf32>
    %mul3A_979 = arith.mulf %round3A_968, %mul3A_978 : vector<128x128xf32>
    %sub3A_980 = arith.subf %sub3A_976, %mul3A_979 : vector<128x128xf32>
    %mul3A_981 = arith.constant 1.21542013E-10 : f32
    %mul3A_982 = vector.broadcast %mul3A_981 : f32 to vector<128x128xf32>
    %mul3A_983 = arith.mulf %round3A_968, %mul3A_982 : vector<128x128xf32>
    %sub3A_984 = arith.subf %sub3A_980, %mul3A_983 : vector<128x128xf32>
    %mul3A_985 = arith.mulf %sub3A_984, %sub3A_984 : vector<128x128xf32>
    %mul3A_986 = arith.constant 2.60831598E-6 : f32
    %mul3A_987 = vector.broadcast %mul3A_986 : f32 to vector<128x128xf32>
    %mul3A_988 = arith.mulf %mul3A_985, %mul3A_987 : vector<128x128xf32>
    %add3A_989 = arith.constant -1.98106907E-4 : f32
    %add3A_990 = vector.broadcast %add3A_989 : f32 to vector<128x128xf32>
    %add3A_991 = arith.addf %add3A_990, %mul3A_988 : vector<128x128xf32>
    %mul3A_992 = arith.mulf %mul3A_985, %add3A_991 : vector<128x128xf32>
    %add3A_993 = arith.constant 0.00833307859 : f32
    %add3A_994 = vector.broadcast %add3A_993 : f32 to vector<128x128xf32>
    %add3A_995 = arith.addf %add3A_994, %mul3A_992 : vector<128x128xf32>
    %mul3A_996 = arith.mulf %mul3A_985, %add3A_995 : vector<128x128xf32>
    %add3A_997 = arith.constant -0.166666597 : f32
    %add3A_998 = vector.broadcast %add3A_997 : f32 to vector<128x128xf32>
    %add3A_999 = arith.addf %add3A_998, %mul3A_996 : vector<128x128xf32>
    %mul3A_1000 = arith.mulf %mul3A_985, %add3A_999 : vector<128x128xf32>
    %mul3A_1001 = arith.mulf %sub3A_984, %mul3A_1000 : vector<128x128xf32>
    %add3A_1002 = arith.addf %sub3A_984, %mul3A_1001 : vector<128x128xf32>
    %convert_element_type3A_1003 = arith.fptosi %round3A_968 : vector<128x128xf32> to vector<128x128xi32>
    %shift_left3A_1004 = arith.constant 31 : i32
    %shift_left3A_1005 = vector.broadcast %shift_left3A_1004 : i32 to vector<128x128xi32>
    %shift_left3A_1006 = arith.shli %convert_element_type3A_1003, %shift_left3A_1005 : vector<128x128xi32>
    %bitcast_convert_type3A_1007 = tpu.bitcast %add3A_1002 : vector<128x128xf32> -> vector<128x128xi32>
    %xor3A_1008 = arith.xori %bitcast_convert_type3A_1007, %shift_left3A_1006 : vector<128x128xi32>
    %bitcast_convert_type3A_1009 = tpu.bitcast %xor3A_1008 : vector<128x128xi32> -> vector<128x128xf32>
    %select_n3A_1010 = arith.select %ge3A_24, %bitcast_convert_type3A_1009, %add3A_964 : vector<128x128xi1>, vector<128x128xf32>
    %slice3A_1011 = vector.extract_strided_slice %select_n3A_1010 {offsets = [0, 0], sizes = [128, 64], strides = [1, 1]} : vector<128x128xf32> to vector<128x64xf32>
    %swap3A_1012 = arith.constant 768 : index
    %swap3A_1013 = arith.constant 0 : index
    %swap3A_1014 = vector.load %arg11[%swap3A_1012, %swap3A_1013] : memref<1024x256xf32, #tpu.memory_space<vmem>>, vector<128x64xf32>
    tpu.vector_store %arg11[%swap3A_1012, %swap3A_1013], %slice3A_1011 {strides = array<i32>} : memref<1024x256xf32, #tpu.memory_space<vmem>>, vector<128x64xf32>,
    %get3A_1015 = arith.constant 768 : index
    %get3A_1016 = arith.constant 0 : index
    %get3A_1017 = vector.load %arg5[%get3A_1015, %get3A_1016] : memref<1024x128xf32, #tpu.memory_space<vmem>>, vector<128x64xf32>
    %swap3A_1018 = arith.constant 768 : index
    %swap3A_1019 = arith.constant 64 : index
    %swap3A_1020 = vector.load %arg11[%swap3A_1018, %swap3A_1019] : memref<1024x256xf32, #tpu.memory_space<vmem>>, vector<128x64xf32>
    tpu.vector_store %arg11[%swap3A_1018, %swap3A_1019], %get3A_1017 {strides = array<i32>} : memref<1024x256xf32, #tpu.memory_space<vmem>>, vector<128x64xf32>,
    %broadcast_in_dim3A_1021 = vector.shape_cast %transpose3A_946 : vector<128x1xf32> to vector<128x1xf32>
    %broadcast_in_dim3A_1022 = vector.broadcast %broadcast_in_dim3A_1021 : vector<128x1xf32> to vector<128x128xf32>
    %broadcast_in_dim3A_1023 = vector.shape_cast %transpose3A_952 : vector<128x1xf32> to vector<128x1xf32>
    %broadcast_in_dim3A_1024 = vector.broadcast %broadcast_in_dim3A_1023 : vector<128x1xf32> to vector<128x128xf32>
    %select_n3A_1025 = arith.select %lt3A_20, %broadcast_in_dim3A_1022, %broadcast_in_dim3A_1024 : vector<128x128xi1>, vector<128x128xf32>
    %broadcast_in_dim3A_1026 = vector.shape_cast %get3A_14 : vector<128xf32> to vector<1x128xf32>
    %mul3A_1027 = vector.broadcast %broadcast_in_dim3A_1026 : vector<1x128xf32> to vector<128x128xf32>
    %mul3A_1028 = arith.mulf %select_n3A_1025, %mul3A_1027 : vector<128x128xf32>
    %broadcast_in_dim3A_1029 = vector.shape_cast %get3A_18 : vector<128xf32> to vector<1x128xf32>
    %add3A_1030 = vector.broadcast %broadcast_in_dim3A_1029 : vector<1x128xf32> to vector<128x128xf32>
    %add3A_1031 = arith.addf %mul3A_1028, %add3A_1030 : vector<128x128xf32>
    %mul3A_1032 = arith.constant 0.318309873 : f32
    %mul3A_1033 = vector.broadcast %mul3A_1032 : f32 to vector<128x128xf32>
    %mul3A_1034 = arith.mulf %add3A_1031, %mul3A_1033 : vector<128x128xf32>
    %round3A_1035 = math.roundeven %mul3A_1034 : vector<128x128xf32>
    %mul3A_1036 = arith.constant 3.140625 : f32
    %mul3A_1037 = vector.broadcast %mul3A_1036 : f32 to vector<128x128xf32>
    %mul3A_1038 = arith.mulf %round3A_1035, %mul3A_1037 : vector<128x128xf32>
    %sub3A_1039 = arith.subf %add3A_1031, %mul3A_1038 : vector<128x128xf32>
    %mul3A_1040 = arith.constant 9.67025756E-4 : f32
    %mul3A_1041 = vector.broadcast %mul3A_1040 : f32 to vector<128x128xf32>
    %mul3A_1042 = arith.mulf %round3A_1035, %mul3A_1041 : vector<128x128xf32>
    %sub3A_1043 = arith.subf %sub3A_1039, %mul3A_1042 : vector<128x128xf32>
    %mul3A_1044 = arith.constant 6.27711415E-7 : f32
    %mul3A_1045 = vector.broadcast %mul3A_1044 : f32 to vector<128x128xf32>
    %mul3A_1046 = arith.mulf %round3A_1035, %mul3A_1045 : vector<128x128xf32>
    %sub3A_1047 = arith.subf %sub3A_1043, %mul3A_1046 : vector<128x128xf32>
    %mul3A_1048 = arith.constant 1.21542013E-10 : f32
    %mul3A_1049 = vector.broadcast %mul3A_1048 : f32 to vector<128x128xf32>
    %mul3A_1050 = arith.mulf %round3A_1035, %mul3A_1049 : vector<128x128xf32>
    %sub3A_1051 = arith.subf %sub3A_1047, %mul3A_1050 : vector<128x128xf32>
    %mul3A_1052 = arith.mulf %sub3A_1051, %sub3A_1051 : vector<128x128xf32>
    %mul3A_1053 = arith.constant 2.60831598E-6 : f32
    %mul3A_1054 = vector.broadcast %mul3A_1053 : f32 to vector<128x128xf32>
    %mul3A_1055 = arith.mulf %mul3A_1052, %mul3A_1054 : vector<128x128xf32>
    %add3A_1056 = arith.constant -1.98106907E-4 : f32
    %add3A_1057 = vector.broadcast %add3A_1056 : f32 to vector<128x128xf32>
    %add3A_1058 = arith.addf %add3A_1057, %mul3A_1055 : vector<128x128xf32>
    %mul3A_1059 = arith.mulf %mul3A_1052, %add3A_1058 : vector<128x128xf32>
    %add3A_1060 = arith.constant 0.00833307859 : f32
    %add3A_1061 = vector.broadcast %add3A_1060 : f32 to vector<128x128xf32>
    %add3A_1062 = arith.addf %add3A_1061, %mul3A_1059 : vector<128x128xf32>
    %mul3A_1063 = arith.mulf %mul3A_1052, %add3A_1062 : vector<128x128xf32>
    %add3A_1064 = arith.constant -0.166666597 : f32
    %add3A_1065 = vector.broadcast %add3A_1064 : f32 to vector<128x128xf32>
    %add3A_1066 = arith.addf %add3A_1065, %mul3A_1063 : vector<128x128xf32>
    %mul3A_1067 = arith.mulf %mul3A_1052, %add3A_1066 : vector<128x128xf32>
    %mul3A_1068 = arith.mulf %sub3A_1051, %mul3A_1067 : vector<128x128xf32>
    %add3A_1069 = arith.addf %sub3A_1051, %mul3A_1068 : vector<128x128xf32>
    %convert_element_type3A_1070 = arith.fptosi %round3A_1035 : vector<128x128xf32> to vector<128x128xi32>
    %shift_left3A_1071 = arith.constant 31 : i32
    %shift_left3A_1072 = vector.broadcast %shift_left3A_1071 : i32 to vector<128x128xi32>
    %shift_left3A_1073 = arith.shli %convert_element_type3A_1070, %shift_left3A_1072 : vector<128x128xi32>
    %bitcast_convert_type3A_1074 = tpu.bitcast %add3A_1069 : vector<128x128xf32> -> vector<128x128xi32>
    %xor3A_1075 = arith.xori %bitcast_convert_type3A_1074, %shift_left3A_1073 : vector<128x128xi32>
    %bitcast_convert_type3A_1076 = tpu.bitcast %xor3A_1075 : vector<128x128xi32> -> vector<128x128xf32>
    %select_n3A_1077 = arith.select %eq3A_29, %add3A_1031, %bitcast_convert_type3A_1076 : vector<128x128xi1>, vector<128x128xf32>
    %swap3A_1078 = arith.constant 768 : index
    %swap3A_1079 = arith.constant 128 : index
    %swap3A_1080 = vector.load %arg11[%swap3A_1078, %swap3A_1079] : memref<1024x256xf32, #tpu.memory_space<vmem>>, vector<128x128xf32>
    tpu.vector_store %arg11[%swap3A_1078, %swap3A_1079], %select_n3A_1077 {strides = array<i32>} : memref<1024x256xf32, #tpu.memory_space<vmem>>, vector<128x128xf32>,
    %get3A_1081 = arith.constant 0 : index
    %get3A_1082 = arith.constant 7 : index
    %get3A_1083 = arith.constant 0 : index
    %get3A_1084 = vector.load %arg1[%get3A_1081, %get3A_1082, %get3A_1083] : memref<1x8x128xf32, #tpu.memory_space<vmem>>, vector<1x1x128xf32>
    %get3A_1085 = vector.shape_cast %get3A_1084 : vector<1x1x128xf32> to vector<1x128xf32>
    %transpose3A_1086 = tpu.transpose %get3A_1085, [1, 0] : vector<1x128xf32> -> vector<128x1xf32>
    %get3A_1087 = arith.constant 0 : index
    %get3A_1088 = arith.constant 7 : index
    %get3A_1089 = arith.constant 0 : index
    %get3A_1090 = vector.load %arg2[%get3A_1087, %get3A_1088, %get3A_1089] : memref<1x8x128xf32, #tpu.memory_space<vmem>>, vector<1x1x128xf32>
    %get3A_1091 = vector.shape_cast %get3A_1090 : vector<1x1x128xf32> to vector<1x128xf32>
    %transpose3A_1092 = tpu.transpose %get3A_1091, [1, 0] : vector<1x128xf32> -> vector<128x1xf32>
    %get3A_1093 = arith.constant 0 : index
    %get3A_1094 = arith.constant 7 : index
    %get3A_1095 = arith.constant 0 : index
    %get3A_1096 = vector.load %arg3[%get3A_1093, %get3A_1094, %get3A_1095] : memref<1x8x128xf32, #tpu.memory_space<vmem>>, vector<1x1x128xf32>
    %get3A_1097 = vector.shape_cast %get3A_1096 : vector<1x1x128xf32> to vector<1x128xf32>
    %transpose3A_1098 = tpu.transpose %get3A_1097, [1, 0] : vector<1x128xf32> -> vector<128x1xf32>
    %get3A_1099 = arith.constant 0 : index
    %get3A_1100 = arith.constant 7 : index
    %get3A_1101 = arith.constant 0 : index
    %get3A_1102 = vector.load %arg4[%get3A_1099, %get3A_1100, %get3A_1101] : memref<1x8x128xf32, #tpu.memory_space<vmem>>, vector<1x1x128xf32>
    %get3A_1103 = vector.shape_cast %get3A_1102 : vector<1x1x128xf32> to vector<1x128xf32>
    %transpose3A_1104 = tpu.transpose %get3A_1103, [1, 0] : vector<1x128xf32> -> vector<128x1xf32>
    %broadcast_in_dim3A_1105 = vector.shape_cast %get3A_2 : vector<128xf32> to vector<1x128xf32>
    %mul3A_1106 = vector.broadcast %transpose3A_1086 : vector<128x1xf32> to vector<128x128xf32>
    %mul3A_1107 = vector.broadcast %broadcast_in_dim3A_1105 : vector<1x128xf32> to vector<128x128xf32>
    %mul3A_1108 = arith.mulf %mul3A_1106, %mul3A_1107 : vector<128x128xf32>
    %broadcast_in_dim3A_1109 = vector.shape_cast %get3A_6 : vector<128xf32> to vector<1x128xf32>
    %mul3A_1110 = vector.broadcast %transpose3A_1092 : vector<128x1xf32> to vector<128x128xf32>
    %mul3A_1111 = vector.broadcast %broadcast_in_dim3A_1109 : vector<1x128xf32> to vector<128x128xf32>
    %mul3A_1112 = arith.mulf %mul3A_1110, %mul3A_1111 : vector<128x128xf32>
    %add3A_1113 = arith.addf %mul3A_1108, %mul3A_1112 : vector<128x128xf32>
    %broadcast_in_dim3A_1114 = vector.shape_cast %get3A_10 : vector<128xf32> to vector<1x128xf32>
    %add3A_1115 = vector.broadcast %broadcast_in_dim3A_1114 : vector<1x128xf32> to vector<128x128xf32>
    %add3A_1116 = arith.addf %add3A_1113, %add3A_1115 : vector<128x128xf32>
    %mul3A_1117 = arith.constant 0.318309873 : f32
    %mul3A_1118 = vector.broadcast %mul3A_1117 : f32 to vector<128x128xf32>
    %mul3A_1119 = arith.mulf %add3A_1116, %mul3A_1118 : vector<128x128xf32>
    %round3A_1120 = math.roundeven %mul3A_1119 : vector<128x128xf32>
    %mul3A_1121 = arith.constant 3.140625 : f32
    %mul3A_1122 = vector.broadcast %mul3A_1121 : f32 to vector<128x128xf32>
    %mul3A_1123 = arith.mulf %round3A_1120, %mul3A_1122 : vector<128x128xf32>
    %sub3A_1124 = arith.subf %add3A_1116, %mul3A_1123 : vector<128x128xf32>
    %mul3A_1125 = arith.constant 9.67025756E-4 : f32
    %mul3A_1126 = vector.broadcast %mul3A_1125 : f32 to vector<128x128xf32>
    %mul3A_1127 = arith.mulf %round3A_1120, %mul3A_1126 : vector<128x128xf32>
    %sub3A_1128 = arith.subf %sub3A_1124, %mul3A_1127 : vector<128x128xf32>
    %mul3A_1129 = arith.constant 6.27711415E-7 : f32
    %mul3A_1130 = vector.broadcast %mul3A_1129 : f32 to vector<128x128xf32>
    %mul3A_1131 = arith.mulf %round3A_1120, %mul3A_1130 : vector<128x128xf32>
    %sub3A_1132 = arith.subf %sub3A_1128, %mul3A_1131 : vector<128x128xf32>
    %mul3A_1133 = arith.constant 1.21542013E-10 : f32
    %mul3A_1134 = vector.broadcast %mul3A_1133 : f32 to vector<128x128xf32>
    %mul3A_1135 = arith.mulf %round3A_1120, %mul3A_1134 : vector<128x128xf32>
    %sub3A_1136 = arith.subf %sub3A_1132, %mul3A_1135 : vector<128x128xf32>
    %mul3A_1137 = arith.mulf %sub3A_1136, %sub3A_1136 : vector<128x128xf32>
    %mul3A_1138 = arith.constant 2.60831598E-6 : f32
    %mul3A_1139 = vector.broadcast %mul3A_1138 : f32 to vector<128x128xf32>
    %mul3A_1140 = arith.mulf %mul3A_1137, %mul3A_1139 : vector<128x128xf32>
    %add3A_1141 = arith.constant -1.98106907E-4 : f32
    %add3A_1142 = vector.broadcast %add3A_1141 : f32 to vector<128x128xf32>
    %add3A_1143 = arith.addf %add3A_1142, %mul3A_1140 : vector<128x128xf32>
    %mul3A_1144 = arith.mulf %mul3A_1137, %add3A_1143 : vector<128x128xf32>
    %add3A_1145 = arith.constant 0.00833307859 : f32
    %add3A_1146 = vector.broadcast %add3A_1145 : f32 to vector<128x128xf32>
    %add3A_1147 = arith.addf %add3A_1146, %mul3A_1144 : vector<128x128xf32>
    %mul3A_1148 = arith.mulf %mul3A_1137, %add3A_1147 : vector<128x128xf32>
    %add3A_1149 = arith.constant -0.166666597 : f32
    %add3A_1150 = vector.broadcast %add3A_1149 : f32 to vector<128x128xf32>
    %add3A_1151 = arith.addf %add3A_1150, %mul3A_1148 : vector<128x128xf32>
    %mul3A_1152 = arith.mulf %mul3A_1137, %add3A_1151 : vector<128x128xf32>
    %mul3A_1153 = arith.mulf %sub3A_1136, %mul3A_1152 : vector<128x128xf32>
    %add3A_1154 = arith.addf %sub3A_1136, %mul3A_1153 : vector<128x128xf32>
    %convert_element_type3A_1155 = arith.fptosi %round3A_1120 : vector<128x128xf32> to vector<128x128xi32>
    %shift_left3A_1156 = arith.constant 31 : i32
    %shift_left3A_1157 = vector.broadcast %shift_left3A_1156 : i32 to vector<128x128xi32>
    %shift_left3A_1158 = arith.shli %convert_element_type3A_1155, %shift_left3A_1157 : vector<128x128xi32>
    %bitcast_convert_type3A_1159 = tpu.bitcast %add3A_1154 : vector<128x128xf32> -> vector<128x128xi32>
    %xor3A_1160 = arith.xori %bitcast_convert_type3A_1159, %shift_left3A_1158 : vector<128x128xi32>
    %bitcast_convert_type3A_1161 = tpu.bitcast %xor3A_1160 : vector<128x128xi32> -> vector<128x128xf32>
    %select_n3A_1162 = arith.select %ge3A_24, %bitcast_convert_type3A_1161, %add3A_1116 : vector<128x128xi1>, vector<128x128xf32>
    %slice3A_1163 = vector.extract_strided_slice %select_n3A_1162 {offsets = [0, 0], sizes = [128, 64], strides = [1, 1]} : vector<128x128xf32> to vector<128x64xf32>
    %swap3A_1164 = arith.constant 896 : index
    %swap3A_1165 = arith.constant 0 : index
    %swap3A_1166 = vector.load %arg11[%swap3A_1164, %swap3A_1165] : memref<1024x256xf32, #tpu.memory_space<vmem>>, vector<128x64xf32>
    tpu.vector_store %arg11[%swap3A_1164, %swap3A_1165], %slice3A_1163 {strides = array<i32>} : memref<1024x256xf32, #tpu.memory_space<vmem>>, vector<128x64xf32>,
    %get3A_1167 = arith.constant 896 : index
    %get3A_1168 = arith.constant 0 : index
    %get3A_1169 = vector.load %arg5[%get3A_1167, %get3A_1168] : memref<1024x128xf32, #tpu.memory_space<vmem>>, vector<128x64xf32>
    %swap3A_1170 = arith.constant 896 : index
    %swap3A_1171 = arith.constant 64 : index
    %swap3A_1172 = vector.load %arg11[%swap3A_1170, %swap3A_1171] : memref<1024x256xf32, #tpu.memory_space<vmem>>, vector<128x64xf32>
    tpu.vector_store %arg11[%swap3A_1170, %swap3A_1171], %get3A_1169 {strides = array<i32>} : memref<1024x256xf32, #tpu.memory_space<vmem>>, vector<128x64xf32>,
    %broadcast_in_dim3A_1173 = vector.shape_cast %transpose3A_1098 : vector<128x1xf32> to vector<128x1xf32>
    %broadcast_in_dim3A_1174 = vector.broadcast %broadcast_in_dim3A_1173 : vector<128x1xf32> to vector<128x128xf32>
    %broadcast_in_dim3A_1175 = vector.shape_cast %transpose3A_1104 : vector<128x1xf32> to vector<128x1xf32>
    %broadcast_in_dim3A_1176 = vector.broadcast %broadcast_in_dim3A_1175 : vector<128x1xf32> to vector<128x128xf32>
    %select_n3A_1177 = arith.select %lt3A_20, %broadcast_in_dim3A_1174, %broadcast_in_dim3A_1176 : vector<128x128xi1>, vector<128x128xf32>
    %broadcast_in_dim3A_1178 = vector.shape_cast %get3A_14 : vector<128xf32> to vector<1x128xf32>
    %mul3A_1179 = vector.broadcast %broadcast_in_dim3A_1178 : vector<1x128xf32> to vector<128x128xf32>
    %mul3A_1180 = arith.mulf %select_n3A_1177, %mul3A_1179 : vector<128x128xf32>
    %broadcast_in_dim3A_1181 = vector.shape_cast %get3A_18 : vector<128xf32> to vector<1x128xf32>
    %add3A_1182 = vector.broadcast %broadcast_in_dim3A_1181 : vector<1x128xf32> to vector<128x128xf32>
    %add3A_1183 = arith.addf %mul3A_1180, %add3A_1182 : vector<128x128xf32>
    %mul3A_1184 = arith.constant 0.318309873 : f32
    %mul3A_1185 = vector.broadcast %mul3A_1184 : f32 to vector<128x128xf32>
    %mul3A_1186 = arith.mulf %add3A_1183, %mul3A_1185 : vector<128x128xf32>
    %round3A_1187 = math.roundeven %mul3A_1186 : vector<128x128xf32>
    %mul3A_1188 = arith.constant 3.140625 : f32
    %mul3A_1189 = vector.broadcast %mul3A_1188 : f32 to vector<128x128xf32>
    %mul3A_1190 = arith.mulf %round3A_1187, %mul3A_1189 : vector<128x128xf32>
    %sub3A_1191 = arith.subf %add3A_1183, %mul3A_1190 : vector<128x128xf32>
    %mul3A_1192 = arith.constant 9.67025756E-4 : f32
    %mul3A_1193 = vector.broadcast %mul3A_1192 : f32 to vector<128x128xf32>
    %mul3A_1194 = arith.mulf %round3A_1187, %mul3A_1193 : vector<128x128xf32>
    %sub3A_1195 = arith.subf %sub3A_1191, %mul3A_1194 : vector<128x128xf32>
    %mul3A_1196 = arith.constant 6.27711415E-7 : f32
    %mul3A_1197 = vector.broadcast %mul3A_1196 : f32 to vector<128x128xf32>
    %mul3A_1198 = arith.mulf %round3A_1187, %mul3A_1197 : vector<128x128xf32>
    %sub3A_1199 = arith.subf %sub3A_1195, %mul3A_1198 : vector<128x128xf32>
    %mul3A_1200 = arith.constant 1.21542013E-10 : f32
    %mul3A_1201 = vector.broadcast %mul3A_1200 : f32 to vector<128x128xf32>
    %mul3A_1202 = arith.mulf %round3A_1187, %mul3A_1201 : vector<128x128xf32>
    %sub3A_1203 = arith.subf %sub3A_1199, %mul3A_1202 : vector<128x128xf32>
    %mul3A_1204 = arith.mulf %sub3A_1203, %sub3A_1203 : vector<128x128xf32>
    %mul3A_1205 = arith.constant 2.60831598E-6 : f32
    %mul3A_1206 = vector.broadcast %mul3A_1205 : f32 to vector<128x128xf32>
    %mul3A_1207 = arith.mulf %mul3A_1204, %mul3A_1206 : vector<128x128xf32>
    %add3A_1208 = arith.constant -1.98106907E-4 : f32
    %add3A_1209 = vector.broadcast %add3A_1208 : f32 to vector<128x128xf32>
    %add3A_1210 = arith.addf %add3A_1209, %mul3A_1207 : vector<128x128xf32>
    %mul3A_1211 = arith.mulf %mul3A_1204, %add3A_1210 : vector<128x128xf32>
    %add3A_1212 = arith.constant 0.00833307859 : f32
    %add3A_1213 = vector.broadcast %add3A_1212 : f32 to vector<128x128xf32>
    %add3A_1214 = arith.addf %add3A_1213, %mul3A_1211 : vector<128x128xf32>
    %mul3A_1215 = arith.mulf %mul3A_1204, %add3A_1214 : vector<128x128xf32>
    %add3A_1216 = arith.constant -0.166666597 : f32
    %add3A_1217 = vector.broadcast %add3A_1216 : f32 to vector<128x128xf32>
    %add3A_1218 = arith.addf %add3A_1217, %mul3A_1215 : vector<128x128xf32>
    %mul3A_1219 = arith.mulf %mul3A_1204, %add3A_1218 : vector<128x128xf32>
    %mul3A_1220 = arith.mulf %sub3A_1203, %mul3A_1219 : vector<128x128xf32>
    %add3A_1221 = arith.addf %sub3A_1203, %mul3A_1220 : vector<128x128xf32>
    %convert_element_type3A_1222 = arith.fptosi %round3A_1187 : vector<128x128xf32> to vector<128x128xi32>
    %shift_left3A_1223 = arith.constant 31 : i32
    %shift_left3A_1224 = vector.broadcast %shift_left3A_1223 : i32 to vector<128x128xi32>
    %shift_left3A_1225 = arith.shli %convert_element_type3A_1222, %shift_left3A_1224 : vector<128x128xi32>
    %bitcast_convert_type3A_1226 = tpu.bitcast %add3A_1221 : vector<128x128xf32> -> vector<128x128xi32>
    %xor3A_1227 = arith.xori %bitcast_convert_type3A_1226, %shift_left3A_1225 : vector<128x128xi32>
    %bitcast_convert_type3A_1228 = tpu.bitcast %xor3A_1227 : vector<128x128xi32> -> vector<128x128xf32>
    %select_n3A_1229 = arith.select %eq3A_29, %add3A_1183, %bitcast_convert_type3A_1228 : vector<128x128xi1>, vector<128x128xf32>
    %swap3A_1230 = arith.constant 896 : index
    %swap3A_1231 = arith.constant 128 : index
    %swap3A_1232 = vector.load %arg11[%swap3A_1230, %swap3A_1231] : memref<1024x256xf32, #tpu.memory_space<vmem>>, vector<128x128xf32>
    tpu.vector_store %arg11[%swap3A_1230, %swap3A_1231], %select_n3A_1229 {strides = array<i32>} : memref<1024x256xf32, #tpu.memory_space<vmem>>, vector<128x128xf32>,
    return
  }
  func.func @transform_0(%arg0: i32) -> (i32, i32, i32) {
    %add3A = arith.constant 0 : i32
    %add3A_0 = arith.addi %arg0, %add3A : i32
    %c0_i32 = arith.constant 0 : i32
    %c0_i32_1 = arith.constant 0 : i32
    %c0_i32_2 = arith.constant 0 : i32
    return %add3A_0, %c0_i32, %c0_i32_1 : i32, i32, i32
  }
  func.func @transform_1(%arg0: i32) -> (i32, i32, i32) {
    %add3A = arith.constant 0 : i32
    %add3A_0 = arith.addi %arg0, %add3A : i32
    %c0_i32 = arith.constant 0 : i32
    %c0_i32_1 = arith.constant 0 : i32
    %c0_i32_2 = arith.constant 0 : i32
    return %add3A_0, %c0_i32, %c0_i32_1 : i32, i32, i32
  }
  func.func @transform_2(%arg0: i32) -> (i32, i32, i32) {
    %add3A = arith.constant 0 : i32
    %add3A_0 = arith.addi %arg0, %add3A : i32
    %c0_i32 = arith.constant 0 : i32
    %c0_i32_1 = arith.constant 0 : i32
    %c0_i32_2 = arith.constant 0 : i32
    return %add3A_0, %c0_i32, %c0_i32_1 : i32, i32, i32
  }
  func.func @transform_3(%arg0: i32) -> (i32, i32, i32) {
    %add3A = arith.constant 0 : i32
    %add3A_0 = arith.addi %arg0, %add3A : i32
    %c0_i32 = arith.constant 0 : i32
    %c0_i32_1 = arith.constant 0 : i32
    %c0_i32_2 = arith.constant 0 : i32
    return %add3A_0, %c0_i32, %c0_i32_1 : i32, i32, i32
  }
  func.func @transform_4(%arg0: i32) -> (i32, i32) {
    %c0_i32 = arith.constant 0 : i32
    %c0_i32_0 = arith.constant 0 : i32
    return %arg0, %c0_i32 : i32, i32
  }
  func.func @transform_5(%arg0: i32) -> (i32, i32) {
    %c0_i32 = arith.constant 0 : i32
    %c0_i32_0 = arith.constant 0 : i32
    %c0_i32_1 = arith.constant 0 : i32
    return %c0_i32, %c0_i32_0 : i32, i32
  }
  func.func @transform_6(%arg0: i32) -> (i32, i32) {
    %c0_i32 = arith.constant 0 : i32
    %c0_i32_0 = arith.constant 0 : i32
    %c0_i32_1 = arith.constant 0 : i32
    return %c0_i32, %c0_i32_0 : i32, i32
  }
  func.func @transform_7(%arg0: i32) -> (i32, i32) {
    %c0_i32 = arith.constant 0 : i32
    %c0_i32_0 = arith.constant 0 : i32
    %c0_i32_1 = arith.constant 0 : i32
    return %c0_i32, %c0_i32_0 : i32, i32
  }
  func.func @transform_8(%arg0: i32) -> (i32, i32) {
    %c0_i32 = arith.constant 0 : i32
    %c0_i32_0 = arith.constant 0 : i32
    %c0_i32_1 = arith.constant 0 : i32
    return %c0_i32, %c0_i32_0 : i32, i32
  }
  func.func @transform_9(%arg0: i32) -> (i32, i32) {
    %c0_i32 = arith.constant 0 : i32
    %c0_i32_0 = arith.constant 0 : i32
    %c0_i32_1 = arith.constant 0 : i32
    return %c0_i32, %c0_i32_0 : i32, i32
  }
  func.func @transform_10(%arg0: i32) -> (i32, i32) {
    %add3A = arith.constant 0 : i32
    %add3A_0 = arith.addi %arg0, %add3A : i32
    %c0_i32 = arith.constant 0 : i32
    %c0_i32_1 = arith.constant 0 : i32
    return %add3A_0, %c0_i32 : i32, i32
  }
}

module attributes {stable_mosaic.version = 14 : i64} {
  func.func @k2(%arg0: i32, %arg1: memref<204800x256xf32, #tpu.memory_space<any>>, %arg2: memref<1x8x128xf32, #tpu.memory_space<vmem>>, %arg3: memref<1x8x128xf32, #tpu.memory_space<vmem>>, %arg4: memref<1x8x128xf32, #tpu.memory_space<vmem>>, %arg5: memref<1x8x128xf32, #tpu.memory_space<vmem>>, %arg6: memref<1024x128xf32, #tpu.memory_space<vmem>>, %arg7: memref<1x128xf32, #tpu.memory_space<vmem>>, %arg8: memref<1x128xf32, #tpu.memory_space<vmem>>, %arg9: memref<1x128xf32, #tpu.memory_space<vmem>>, %arg10: memref<1x128xf32, #tpu.memory_space<vmem>>, %arg11: memref<1x128xf32, #tpu.memory_space<vmem>>, %arg12: memref<1024x256xf32, #tpu.memory_space<vmem>>) attributes {dimension_semantics = [#tpu.dimension_semantics<arbitrary>], iteration_bounds = array<i64: 100>, scalar_prefetch = 0 : i64, scratch_operands = 0 : i64, tpu.core_type = #tpu.core_type<tc>, window_params = [{}, {transform_indices = @transform_1, window_bounds = array<i64: 1, 8, 128>}, {transform_indices = @transform_2, window_bounds = array<i64: 1, 8, 128>}, {transform_indices = @transform_3, window_bounds = array<i64: 1, 8, 128>}, {transform_indices = @transform_4, window_bounds = array<i64: 1, 8, 128>}, {transform_indices = @transform_5, window_bounds = array<i64: 1024, 128>}, {pipeline_mode = #tpu.pipeline_mode<synchronous>, transform_indices = @transform_6, window_bounds = array<i64: 1, 128>}, {pipeline_mode = #tpu.pipeline_mode<synchronous>, transform_indices = @transform_7, window_bounds = array<i64: 1, 128>}, {pipeline_mode = #tpu.pipeline_mode<synchronous>, transform_indices = @transform_8, window_bounds = array<i64: 1, 128>}, {pipeline_mode = #tpu.pipeline_mode<synchronous>, transform_indices = @transform_9, window_bounds = array<i64: 1, 128>}, {pipeline_mode = #tpu.pipeline_mode<synchronous>, transform_indices = @transform_10, window_bounds = array<i64: 1, 128>}, {transform_indices = @transform_11, window_bounds = array<i64: 1024, 256>}]} {
    %iota3A = tpu.iota {dimensions = array<i32: 1>} : vector<128x128xi32>
    %get3A = arith.constant 0 : index
    %get3A_0 = arith.constant 0 : index
    %get3A_1 = vector.load %arg7[%get3A, %get3A_0] : memref<1x128xf32, #tpu.memory_space<vmem>>, vector<1x128xf32>
    %get3A_2 = vector.shape_cast %get3A_1 : vector<1x128xf32> to vector<128xf32>
    %get3A_3 = arith.constant 0 : index
    %get3A_4 = arith.constant 0 : index
    %get3A_5 = vector.load %arg8[%get3A_3, %get3A_4] : memref<1x128xf32, #tpu.memory_space<vmem>>, vector<1x128xf32>
    %get3A_6 = vector.shape_cast %get3A_5 : vector<1x128xf32> to vector<128xf32>
    %get3A_7 = arith.constant 0 : index
    %get3A_8 = arith.constant 0 : index
    %get3A_9 = vector.load %arg9[%get3A_7, %get3A_8] : memref<1x128xf32, #tpu.memory_space<vmem>>, vector<1x128xf32>
    %get3A_10 = vector.shape_cast %get3A_9 : vector<1x128xf32> to vector<128xf32>
    %get3A_11 = arith.constant 0 : index
    %get3A_12 = arith.constant 0 : index
    %get3A_13 = vector.load %arg10[%get3A_11, %get3A_12] : memref<1x128xf32, #tpu.memory_space<vmem>>, vector<1x128xf32>
    %get3A_14 = vector.shape_cast %get3A_13 : vector<1x128xf32> to vector<128xf32>
    %get3A_15 = arith.constant 0 : index
    %get3A_16 = arith.constant 0 : index
    %get3A_17 = vector.load %arg11[%get3A_15, %get3A_16] : memref<1x128xf32, #tpu.memory_space<vmem>>, vector<1x128xf32>
    %get3A_18 = vector.shape_cast %get3A_17 : vector<1x128xf32> to vector<128xf32>
    %lt3A = arith.constant 64 : i32
    %lt3A_19 = vector.broadcast %lt3A : i32 to vector<128x128xi32>
    %lt3A_20 = arith.cmpi slt, %iota3A, %lt3A_19 : vector<128x128xi32>
    %and3A = arith.constant 63 : i32
    %and3A_21 = vector.broadcast %and3A : i32 to vector<128x128xi32>
    %and3A_22 = arith.andi %iota3A, %and3A_21 : vector<128x128xi32>
    %ge3A = arith.constant 32 : i32
    %ge3A_23 = vector.broadcast %ge3A : i32 to vector<128x128xi32>
    %ge3A_24 = arith.cmpi sge, %and3A_22, %ge3A_23 : vector<128x128xi32>
    %and3A_25 = arith.constant 63 : i32
    %and3A_26 = vector.broadcast %and3A_25 : i32 to vector<128x128xi32>
    %and3A_27 = arith.andi %iota3A, %and3A_26 : vector<128x128xi32>
    %eq3A = arith.constant 0 : i32
    %eq3A_28 = vector.broadcast %eq3A : i32 to vector<128x128xi32>
    %eq3A_29 = arith.cmpi eq, %and3A_27, %eq3A_28 : vector<128x128xi32>
    %get3A_30 = arith.constant 0 : index
    %get3A_31 = arith.constant 0 : index
    %get3A_32 = arith.constant 0 : index
    %get3A_33 = vector.load %arg2[%get3A_30, %get3A_31, %get3A_32] : memref<1x8x128xf32, #tpu.memory_space<vmem>>, vector<1x1x128xf32>
    %get3A_34 = vector.shape_cast %get3A_33 : vector<1x1x128xf32> to vector<1x128xf32>
    %transpose3A = tpu.transpose %get3A_34, [1, 0] : vector<1x128xf32> -> vector<128x1xf32>
    %get3A_35 = arith.constant 0 : index
    %get3A_36 = arith.constant 0 : index
    %get3A_37 = arith.constant 0 : index
    %get3A_38 = vector.load %arg3[%get3A_35, %get3A_36, %get3A_37] : memref<1x8x128xf32, #tpu.memory_space<vmem>>, vector<1x1x128xf32>
    %get3A_39 = vector.shape_cast %get3A_38 : vector<1x1x128xf32> to vector<1x128xf32>
    %transpose3A_40 = tpu.transpose %get3A_39, [1, 0] : vector<1x128xf32> -> vector<128x1xf32>
    %get3A_41 = arith.constant 0 : index
    %get3A_42 = arith.constant 0 : index
    %get3A_43 = arith.constant 0 : index
    %get3A_44 = vector.load %arg4[%get3A_41, %get3A_42, %get3A_43] : memref<1x8x128xf32, #tpu.memory_space<vmem>>, vector<1x1x128xf32>
    %get3A_45 = vector.shape_cast %get3A_44 : vector<1x1x128xf32> to vector<1x128xf32>
    %transpose3A_46 = tpu.transpose %get3A_45, [1, 0] : vector<1x128xf32> -> vector<128x1xf32>
    %get3A_47 = arith.constant 0 : index
    %get3A_48 = arith.constant 0 : index
    %get3A_49 = arith.constant 0 : index
    %get3A_50 = vector.load %arg5[%get3A_47, %get3A_48, %get3A_49] : memref<1x8x128xf32, #tpu.memory_space<vmem>>, vector<1x1x128xf32>
    %get3A_51 = vector.shape_cast %get3A_50 : vector<1x1x128xf32> to vector<1x128xf32>
    %transpose3A_52 = tpu.transpose %get3A_51, [1, 0] : vector<1x128xf32> -> vector<128x1xf32>
    %broadcast_in_dim3A = vector.shape_cast %get3A_2 : vector<128xf32> to vector<1x128xf32>
    %mul3A = vector.broadcast %transpose3A : vector<128x1xf32> to vector<128x128xf32>
    %mul3A_53 = vector.broadcast %broadcast_in_dim3A : vector<1x128xf32> to vector<128x128xf32>
    %mul3A_54 = arith.mulf %mul3A, %mul3A_53 : vector<128x128xf32>
    %broadcast_in_dim3A_55 = vector.shape_cast %get3A_6 : vector<128xf32> to vector<1x128xf32>
    %mul3A_56 = vector.broadcast %transpose3A_40 : vector<128x1xf32> to vector<128x128xf32>
    %mul3A_57 = vector.broadcast %broadcast_in_dim3A_55 : vector<1x128xf32> to vector<128x128xf32>
    %mul3A_58 = arith.mulf %mul3A_56, %mul3A_57 : vector<128x128xf32>
    %add3A = arith.addf %mul3A_54, %mul3A_58 : vector<128x128xf32>
    %broadcast_in_dim3A_59 = vector.shape_cast %get3A_10 : vector<128xf32> to vector<1x128xf32>
    %add3A_60 = vector.broadcast %broadcast_in_dim3A_59 : vector<1x128xf32> to vector<128x128xf32>
    %add3A_61 = arith.addf %add3A, %add3A_60 : vector<128x128xf32>
    %mul3A_62 = arith.constant 0.318309873 : f32
    %mul3A_63 = vector.broadcast %mul3A_62 : f32 to vector<128x128xf32>
    %mul3A_64 = arith.mulf %add3A_61, %mul3A_63 : vector<128x128xf32>
    %round3A = math.roundeven %mul3A_64 : vector<128x128xf32>
    %mul3A_65 = arith.constant 3.140625 : f32
    %mul3A_66 = vector.broadcast %mul3A_65 : f32 to vector<128x128xf32>
    %mul3A_67 = arith.mulf %round3A, %mul3A_66 : vector<128x128xf32>
    %sub3A = arith.subf %add3A_61, %mul3A_67 : vector<128x128xf32>
    %mul3A_68 = arith.constant 9.67025756E-4 : f32
    %mul3A_69 = vector.broadcast %mul3A_68 : f32 to vector<128x128xf32>
    %mul3A_70 = arith.mulf %round3A, %mul3A_69 : vector<128x128xf32>
    %sub3A_71 = arith.subf %sub3A, %mul3A_70 : vector<128x128xf32>
    %mul3A_72 = arith.constant 6.27711415E-7 : f32
    %mul3A_73 = vector.broadcast %mul3A_72 : f32 to vector<128x128xf32>
    %mul3A_74 = arith.mulf %round3A, %mul3A_73 : vector<128x128xf32>
    %sub3A_75 = arith.subf %sub3A_71, %mul3A_74 : vector<128x128xf32>
    %mul3A_76 = arith.constant 1.21542013E-10 : f32
    %mul3A_77 = vector.broadcast %mul3A_76 : f32 to vector<128x128xf32>
    %mul3A_78 = arith.mulf %round3A, %mul3A_77 : vector<128x128xf32>
    %sub3A_79 = arith.subf %sub3A_75, %mul3A_78 : vector<128x128xf32>
    %mul3A_80 = arith.mulf %sub3A_79, %sub3A_79 : vector<128x128xf32>
    %mul3A_81 = arith.constant 2.60831598E-6 : f32
    %mul3A_82 = vector.broadcast %mul3A_81 : f32 to vector<128x128xf32>
    %mul3A_83 = arith.mulf %mul3A_80, %mul3A_82 : vector<128x128xf32>
    %add3A_84 = arith.constant -1.98106907E-4 : f32
    %add3A_85 = vector.broadcast %add3A_84 : f32 to vector<128x128xf32>
    %add3A_86 = arith.addf %add3A_85, %mul3A_83 : vector<128x128xf32>
    %mul3A_87 = arith.mulf %mul3A_80, %add3A_86 : vector<128x128xf32>
    %add3A_88 = arith.constant 0.00833307859 : f32
    %add3A_89 = vector.broadcast %add3A_88 : f32 to vector<128x128xf32>
    %add3A_90 = arith.addf %add3A_89, %mul3A_87 : vector<128x128xf32>
    %mul3A_91 = arith.mulf %mul3A_80, %add3A_90 : vector<128x128xf32>
    %add3A_92 = arith.constant -0.166666597 : f32
    %add3A_93 = vector.broadcast %add3A_92 : f32 to vector<128x128xf32>
    %add3A_94 = arith.addf %add3A_93, %mul3A_91 : vector<128x128xf32>
    %mul3A_95 = arith.mulf %mul3A_80, %add3A_94 : vector<128x128xf32>
    %mul3A_96 = arith.mulf %sub3A_79, %mul3A_95 : vector<128x128xf32>
    %add3A_97 = arith.addf %sub3A_79, %mul3A_96 : vector<128x128xf32>
    %convert_element_type3A = arith.fptosi %round3A : vector<128x128xf32> to vector<128x128xi32>
    %shift_left3A = arith.constant 31 : i32
    %shift_left3A_98 = vector.broadcast %shift_left3A : i32 to vector<128x128xi32>
    %shift_left3A_99 = arith.shli %convert_element_type3A, %shift_left3A_98 : vector<128x128xi32>
    %bitcast_convert_type3A = tpu.bitcast %add3A_97 : vector<128x128xf32> -> vector<128x128xi32>
    %xor3A = arith.xori %bitcast_convert_type3A, %shift_left3A_99 : vector<128x128xi32>
    %bitcast_convert_type3A_100 = tpu.bitcast %xor3A : vector<128x128xi32> -> vector<128x128xf32>
    %select_n3A = arith.select %ge3A_24, %bitcast_convert_type3A_100, %add3A_61 : vector<128x128xi1>, vector<128x128xf32>
    %slice3A = vector.extract_strided_slice %select_n3A {offsets = [0, 0], sizes = [128, 64], strides = [1, 1]} : vector<128x128xf32> to vector<128x64xf32>
    %swap3A = arith.constant 0 : index
    %swap3A_101 = arith.constant 0 : index
    %swap3A_102 = vector.load %arg12[%swap3A, %swap3A_101] : memref<1024x256xf32, #tpu.memory_space<vmem>>, vector<128x64xf32>
    tpu.vector_store %arg12[%swap3A, %swap3A_101], %slice3A {strides = array<i32>} : memref<1024x256xf32, #tpu.memory_space<vmem>>, vector<128x64xf32>,
    %get3A_103 = arith.constant 0 : index
    %get3A_104 = arith.constant 0 : index
    %get3A_105 = vector.load %arg6[%get3A_103, %get3A_104] : memref<1024x128xf32, #tpu.memory_space<vmem>>, vector<128x64xf32>
    %swap3A_106 = arith.constant 0 : index
    %swap3A_107 = arith.constant 64 : index
    %swap3A_108 = vector.load %arg12[%swap3A_106, %swap3A_107] : memref<1024x256xf32, #tpu.memory_space<vmem>>, vector<128x64xf32>
    tpu.vector_store %arg12[%swap3A_106, %swap3A_107], %get3A_105 {strides = array<i32>} : memref<1024x256xf32, #tpu.memory_space<vmem>>, vector<128x64xf32>,
    %broadcast_in_dim3A_109 = vector.shape_cast %transpose3A_46 : vector<128x1xf32> to vector<128x1xf32>
    %broadcast_in_dim3A_110 = vector.broadcast %broadcast_in_dim3A_109 : vector<128x1xf32> to vector<128x128xf32>
    %broadcast_in_dim3A_111 = vector.shape_cast %transpose3A_52 : vector<128x1xf32> to vector<128x1xf32>
    %broadcast_in_dim3A_112 = vector.broadcast %broadcast_in_dim3A_111 : vector<128x1xf32> to vector<128x128xf32>
    %select_n3A_113 = arith.select %lt3A_20, %broadcast_in_dim3A_110, %broadcast_in_dim3A_112 : vector<128x128xi1>, vector<128x128xf32>
    %broadcast_in_dim3A_114 = vector.shape_cast %get3A_14 : vector<128xf32> to vector<1x128xf32>
    %mul3A_115 = vector.broadcast %broadcast_in_dim3A_114 : vector<1x128xf32> to vector<128x128xf32>
    %mul3A_116 = arith.mulf %select_n3A_113, %mul3A_115 : vector<128x128xf32>
    %broadcast_in_dim3A_117 = vector.shape_cast %get3A_18 : vector<128xf32> to vector<1x128xf32>
    %add3A_118 = vector.broadcast %broadcast_in_dim3A_117 : vector<1x128xf32> to vector<128x128xf32>
    %add3A_119 = arith.addf %mul3A_116, %add3A_118 : vector<128x128xf32>
    %mul3A_120 = arith.constant 0.318309873 : f32
    %mul3A_121 = vector.broadcast %mul3A_120 : f32 to vector<128x128xf32>
    %mul3A_122 = arith.mulf %add3A_119, %mul3A_121 : vector<128x128xf32>
    %round3A_123 = math.roundeven %mul3A_122 : vector<128x128xf32>
    %mul3A_124 = arith.constant 3.140625 : f32
    %mul3A_125 = vector.broadcast %mul3A_124 : f32 to vector<128x128xf32>
    %mul3A_126 = arith.mulf %round3A_123, %mul3A_125 : vector<128x128xf32>
    %sub3A_127 = arith.subf %add3A_119, %mul3A_126 : vector<128x128xf32>
    %mul3A_128 = arith.constant 9.67025756E-4 : f32
    %mul3A_129 = vector.broadcast %mul3A_128 : f32 to vector<128x128xf32>
    %mul3A_130 = arith.mulf %round3A_123, %mul3A_129 : vector<128x128xf32>
    %sub3A_131 = arith.subf %sub3A_127, %mul3A_130 : vector<128x128xf32>
    %mul3A_132 = arith.constant 6.27711415E-7 : f32
    %mul3A_133 = vector.broadcast %mul3A_132 : f32 to vector<128x128xf32>
    %mul3A_134 = arith.mulf %round3A_123, %mul3A_133 : vector<128x128xf32>
    %sub3A_135 = arith.subf %sub3A_131, %mul3A_134 : vector<128x128xf32>
    %mul3A_136 = arith.constant 1.21542013E-10 : f32
    %mul3A_137 = vector.broadcast %mul3A_136 : f32 to vector<128x128xf32>
    %mul3A_138 = arith.mulf %round3A_123, %mul3A_137 : vector<128x128xf32>
    %sub3A_139 = arith.subf %sub3A_135, %mul3A_138 : vector<128x128xf32>
    %mul3A_140 = arith.mulf %sub3A_139, %sub3A_139 : vector<128x128xf32>
    %mul3A_141 = arith.constant 2.60831598E-6 : f32
    %mul3A_142 = vector.broadcast %mul3A_141 : f32 to vector<128x128xf32>
    %mul3A_143 = arith.mulf %mul3A_140, %mul3A_142 : vector<128x128xf32>
    %add3A_144 = arith.constant -1.98106907E-4 : f32
    %add3A_145 = vector.broadcast %add3A_144 : f32 to vector<128x128xf32>
    %add3A_146 = arith.addf %add3A_145, %mul3A_143 : vector<128x128xf32>
    %mul3A_147 = arith.mulf %mul3A_140, %add3A_146 : vector<128x128xf32>
    %add3A_148 = arith.constant 0.00833307859 : f32
    %add3A_149 = vector.broadcast %add3A_148 : f32 to vector<128x128xf32>
    %add3A_150 = arith.addf %add3A_149, %mul3A_147 : vector<128x128xf32>
    %mul3A_151 = arith.mulf %mul3A_140, %add3A_150 : vector<128x128xf32>
    %add3A_152 = arith.constant -0.166666597 : f32
    %add3A_153 = vector.broadcast %add3A_152 : f32 to vector<128x128xf32>
    %add3A_154 = arith.addf %add3A_153, %mul3A_151 : vector<128x128xf32>
    %mul3A_155 = arith.mulf %mul3A_140, %add3A_154 : vector<128x128xf32>
    %mul3A_156 = arith.mulf %sub3A_139, %mul3A_155 : vector<128x128xf32>
    %add3A_157 = arith.addf %sub3A_139, %mul3A_156 : vector<128x128xf32>
    %convert_element_type3A_158 = arith.fptosi %round3A_123 : vector<128x128xf32> to vector<128x128xi32>
    %shift_left3A_159 = arith.constant 31 : i32
    %shift_left3A_160 = vector.broadcast %shift_left3A_159 : i32 to vector<128x128xi32>
    %shift_left3A_161 = arith.shli %convert_element_type3A_158, %shift_left3A_160 : vector<128x128xi32>
    %bitcast_convert_type3A_162 = tpu.bitcast %add3A_157 : vector<128x128xf32> -> vector<128x128xi32>
    %xor3A_163 = arith.xori %bitcast_convert_type3A_162, %shift_left3A_161 : vector<128x128xi32>
    %bitcast_convert_type3A_164 = tpu.bitcast %xor3A_163 : vector<128x128xi32> -> vector<128x128xf32>
    %select_n3A_165 = arith.select %eq3A_29, %add3A_119, %bitcast_convert_type3A_164 : vector<128x128xi1>, vector<128x128xf32>
    %swap3A_166 = arith.constant 0 : index
    %swap3A_167 = arith.constant 128 : index
    %swap3A_168 = vector.load %arg12[%swap3A_166, %swap3A_167] : memref<1024x256xf32, #tpu.memory_space<vmem>>, vector<128x128xf32>
    tpu.vector_store %arg12[%swap3A_166, %swap3A_167], %select_n3A_165 {strides = array<i32>} : memref<1024x256xf32, #tpu.memory_space<vmem>>, vector<128x128xf32>,
    %get3A_169 = arith.constant 0 : index
    %get3A_170 = arith.constant 1 : index
    %get3A_171 = arith.constant 0 : index
    %get3A_172 = vector.load %arg2[%get3A_169, %get3A_170, %get3A_171] : memref<1x8x128xf32, #tpu.memory_space<vmem>>, vector<1x1x128xf32>
    %get3A_173 = vector.shape_cast %get3A_172 : vector<1x1x128xf32> to vector<1x128xf32>
    %transpose3A_174 = tpu.transpose %get3A_173, [1, 0] : vector<1x128xf32> -> vector<128x1xf32>
    %get3A_175 = arith.constant 0 : index
    %get3A_176 = arith.constant 1 : index
    %get3A_177 = arith.constant 0 : index
    %get3A_178 = vector.load %arg3[%get3A_175, %get3A_176, %get3A_177] : memref<1x8x128xf32, #tpu.memory_space<vmem>>, vector<1x1x128xf32>
    %get3A_179 = vector.shape_cast %get3A_178 : vector<1x1x128xf32> to vector<1x128xf32>
    %transpose3A_180 = tpu.transpose %get3A_179, [1, 0] : vector<1x128xf32> -> vector<128x1xf32>
    %get3A_181 = arith.constant 0 : index
    %get3A_182 = arith.constant 1 : index
    %get3A_183 = arith.constant 0 : index
    %get3A_184 = vector.load %arg4[%get3A_181, %get3A_182, %get3A_183] : memref<1x8x128xf32, #tpu.memory_space<vmem>>, vector<1x1x128xf32>
    %get3A_185 = vector.shape_cast %get3A_184 : vector<1x1x128xf32> to vector<1x128xf32>
    %transpose3A_186 = tpu.transpose %get3A_185, [1, 0] : vector<1x128xf32> -> vector<128x1xf32>
    %get3A_187 = arith.constant 0 : index
    %get3A_188 = arith.constant 1 : index
    %get3A_189 = arith.constant 0 : index
    %get3A_190 = vector.load %arg5[%get3A_187, %get3A_188, %get3A_189] : memref<1x8x128xf32, #tpu.memory_space<vmem>>, vector<1x1x128xf32>
    %get3A_191 = vector.shape_cast %get3A_190 : vector<1x1x128xf32> to vector<1x128xf32>
    %transpose3A_192 = tpu.transpose %get3A_191, [1, 0] : vector<1x128xf32> -> vector<128x1xf32>
    %broadcast_in_dim3A_193 = vector.shape_cast %get3A_2 : vector<128xf32> to vector<1x128xf32>
    %mul3A_194 = vector.broadcast %transpose3A_174 : vector<128x1xf32> to vector<128x128xf32>
    %mul3A_195 = vector.broadcast %broadcast_in_dim3A_193 : vector<1x128xf32> to vector<128x128xf32>
    %mul3A_196 = arith.mulf %mul3A_194, %mul3A_195 : vector<128x128xf32>
    %broadcast_in_dim3A_197 = vector.shape_cast %get3A_6 : vector<128xf32> to vector<1x128xf32>
    %mul3A_198 = vector.broadcast %transpose3A_180 : vector<128x1xf32> to vector<128x128xf32>
    %mul3A_199 = vector.broadcast %broadcast_in_dim3A_197 : vector<1x128xf32> to vector<128x128xf32>
    %mul3A_200 = arith.mulf %mul3A_198, %mul3A_199 : vector<128x128xf32>
    %add3A_201 = arith.addf %mul3A_196, %mul3A_200 : vector<128x128xf32>
    %broadcast_in_dim3A_202 = vector.shape_cast %get3A_10 : vector<128xf32> to vector<1x128xf32>
    %add3A_203 = vector.broadcast %broadcast_in_dim3A_202 : vector<1x128xf32> to vector<128x128xf32>
    %add3A_204 = arith.addf %add3A_201, %add3A_203 : vector<128x128xf32>
    %mul3A_205 = arith.constant 0.318309873 : f32
    %mul3A_206 = vector.broadcast %mul3A_205 : f32 to vector<128x128xf32>
    %mul3A_207 = arith.mulf %add3A_204, %mul3A_206 : vector<128x128xf32>
    %round3A_208 = math.roundeven %mul3A_207 : vector<128x128xf32>
    %mul3A_209 = arith.constant 3.140625 : f32
    %mul3A_210 = vector.broadcast %mul3A_209 : f32 to vector<128x128xf32>
    %mul3A_211 = arith.mulf %round3A_208, %mul3A_210 : vector<128x128xf32>
    %sub3A_212 = arith.subf %add3A_204, %mul3A_211 : vector<128x128xf32>
    %mul3A_213 = arith.constant 9.67025756E-4 : f32
    %mul3A_214 = vector.broadcast %mul3A_213 : f32 to vector<128x128xf32>
    %mul3A_215 = arith.mulf %round3A_208, %mul3A_214 : vector<128x128xf32>
    %sub3A_216 = arith.subf %sub3A_212, %mul3A_215 : vector<128x128xf32>
    %mul3A_217 = arith.constant 6.27711415E-7 : f32
    %mul3A_218 = vector.broadcast %mul3A_217 : f32 to vector<128x128xf32>
    %mul3A_219 = arith.mulf %round3A_208, %mul3A_218 : vector<128x128xf32>
    %sub3A_220 = arith.subf %sub3A_216, %mul3A_219 : vector<128x128xf32>
    %mul3A_221 = arith.constant 1.21542013E-10 : f32
    %mul3A_222 = vector.broadcast %mul3A_221 : f32 to vector<128x128xf32>
    %mul3A_223 = arith.mulf %round3A_208, %mul3A_222 : vector<128x128xf32>
    %sub3A_224 = arith.subf %sub3A_220, %mul3A_223 : vector<128x128xf32>
    %mul3A_225 = arith.mulf %sub3A_224, %sub3A_224 : vector<128x128xf32>
    %mul3A_226 = arith.constant 2.60831598E-6 : f32
    %mul3A_227 = vector.broadcast %mul3A_226 : f32 to vector<128x128xf32>
    %mul3A_228 = arith.mulf %mul3A_225, %mul3A_227 : vector<128x128xf32>
    %add3A_229 = arith.constant -1.98106907E-4 : f32
    %add3A_230 = vector.broadcast %add3A_229 : f32 to vector<128x128xf32>
    %add3A_231 = arith.addf %add3A_230, %mul3A_228 : vector<128x128xf32>
    %mul3A_232 = arith.mulf %mul3A_225, %add3A_231 : vector<128x128xf32>
    %add3A_233 = arith.constant 0.00833307859 : f32
    %add3A_234 = vector.broadcast %add3A_233 : f32 to vector<128x128xf32>
    %add3A_235 = arith.addf %add3A_234, %mul3A_232 : vector<128x128xf32>
    %mul3A_236 = arith.mulf %mul3A_225, %add3A_235 : vector<128x128xf32>
    %add3A_237 = arith.constant -0.166666597 : f32
    %add3A_238 = vector.broadcast %add3A_237 : f32 to vector<128x128xf32>
    %add3A_239 = arith.addf %add3A_238, %mul3A_236 : vector<128x128xf32>
    %mul3A_240 = arith.mulf %mul3A_225, %add3A_239 : vector<128x128xf32>
    %mul3A_241 = arith.mulf %sub3A_224, %mul3A_240 : vector<128x128xf32>
    %add3A_242 = arith.addf %sub3A_224, %mul3A_241 : vector<128x128xf32>
    %convert_element_type3A_243 = arith.fptosi %round3A_208 : vector<128x128xf32> to vector<128x128xi32>
    %shift_left3A_244 = arith.constant 31 : i32
    %shift_left3A_245 = vector.broadcast %shift_left3A_244 : i32 to vector<128x128xi32>
    %shift_left3A_246 = arith.shli %convert_element_type3A_243, %shift_left3A_245 : vector<128x128xi32>
    %bitcast_convert_type3A_247 = tpu.bitcast %add3A_242 : vector<128x128xf32> -> vector<128x128xi32>
    %xor3A_248 = arith.xori %bitcast_convert_type3A_247, %shift_left3A_246 : vector<128x128xi32>
    %bitcast_convert_type3A_249 = tpu.bitcast %xor3A_248 : vector<128x128xi32> -> vector<128x128xf32>
    %select_n3A_250 = arith.select %ge3A_24, %bitcast_convert_type3A_249, %add3A_204 : vector<128x128xi1>, vector<128x128xf32>
    %slice3A_251 = vector.extract_strided_slice %select_n3A_250 {offsets = [0, 0], sizes = [128, 64], strides = [1, 1]} : vector<128x128xf32> to vector<128x64xf32>
    %swap3A_252 = arith.constant 128 : index
    %swap3A_253 = arith.constant 0 : index
    %swap3A_254 = vector.load %arg12[%swap3A_252, %swap3A_253] : memref<1024x256xf32, #tpu.memory_space<vmem>>, vector<128x64xf32>
    tpu.vector_store %arg12[%swap3A_252, %swap3A_253], %slice3A_251 {strides = array<i32>} : memref<1024x256xf32, #tpu.memory_space<vmem>>, vector<128x64xf32>,
    %get3A_255 = arith.constant 128 : index
    %get3A_256 = arith.constant 0 : index
    %get3A_257 = vector.load %arg6[%get3A_255, %get3A_256] : memref<1024x128xf32, #tpu.memory_space<vmem>>, vector<128x64xf32>
    %swap3A_258 = arith.constant 128 : index
    %swap3A_259 = arith.constant 64 : index
    %swap3A_260 = vector.load %arg12[%swap3A_258, %swap3A_259] : memref<1024x256xf32, #tpu.memory_space<vmem>>, vector<128x64xf32>
    tpu.vector_store %arg12[%swap3A_258, %swap3A_259], %get3A_257 {strides = array<i32>} : memref<1024x256xf32, #tpu.memory_space<vmem>>, vector<128x64xf32>,
    %broadcast_in_dim3A_261 = vector.shape_cast %transpose3A_186 : vector<128x1xf32> to vector<128x1xf32>
    %broadcast_in_dim3A_262 = vector.broadcast %broadcast_in_dim3A_261 : vector<128x1xf32> to vector<128x128xf32>
    %broadcast_in_dim3A_263 = vector.shape_cast %transpose3A_192 : vector<128x1xf32> to vector<128x1xf32>
    %broadcast_in_dim3A_264 = vector.broadcast %broadcast_in_dim3A_263 : vector<128x1xf32> to vector<128x128xf32>
    %select_n3A_265 = arith.select %lt3A_20, %broadcast_in_dim3A_262, %broadcast_in_dim3A_264 : vector<128x128xi1>, vector<128x128xf32>
    %broadcast_in_dim3A_266 = vector.shape_cast %get3A_14 : vector<128xf32> to vector<1x128xf32>
    %mul3A_267 = vector.broadcast %broadcast_in_dim3A_266 : vector<1x128xf32> to vector<128x128xf32>
    %mul3A_268 = arith.mulf %select_n3A_265, %mul3A_267 : vector<128x128xf32>
    %broadcast_in_dim3A_269 = vector.shape_cast %get3A_18 : vector<128xf32> to vector<1x128xf32>
    %add3A_270 = vector.broadcast %broadcast_in_dim3A_269 : vector<1x128xf32> to vector<128x128xf32>
    %add3A_271 = arith.addf %mul3A_268, %add3A_270 : vector<128x128xf32>
    %mul3A_272 = arith.constant 0.318309873 : f32
    %mul3A_273 = vector.broadcast %mul3A_272 : f32 to vector<128x128xf32>
    %mul3A_274 = arith.mulf %add3A_271, %mul3A_273 : vector<128x128xf32>
    %round3A_275 = math.roundeven %mul3A_274 : vector<128x128xf32>
    %mul3A_276 = arith.constant 3.140625 : f32
    %mul3A_277 = vector.broadcast %mul3A_276 : f32 to vector<128x128xf32>
    %mul3A_278 = arith.mulf %round3A_275, %mul3A_277 : vector<128x128xf32>
    %sub3A_279 = arith.subf %add3A_271, %mul3A_278 : vector<128x128xf32>
    %mul3A_280 = arith.constant 9.67025756E-4 : f32
    %mul3A_281 = vector.broadcast %mul3A_280 : f32 to vector<128x128xf32>
    %mul3A_282 = arith.mulf %round3A_275, %mul3A_281 : vector<128x128xf32>
    %sub3A_283 = arith.subf %sub3A_279, %mul3A_282 : vector<128x128xf32>
    %mul3A_284 = arith.constant 6.27711415E-7 : f32
    %mul3A_285 = vector.broadcast %mul3A_284 : f32 to vector<128x128xf32>
    %mul3A_286 = arith.mulf %round3A_275, %mul3A_285 : vector<128x128xf32>
    %sub3A_287 = arith.subf %sub3A_283, %mul3A_286 : vector<128x128xf32>
    %mul3A_288 = arith.constant 1.21542013E-10 : f32
    %mul3A_289 = vector.broadcast %mul3A_288 : f32 to vector<128x128xf32>
    %mul3A_290 = arith.mulf %round3A_275, %mul3A_289 : vector<128x128xf32>
    %sub3A_291 = arith.subf %sub3A_287, %mul3A_290 : vector<128x128xf32>
    %mul3A_292 = arith.mulf %sub3A_291, %sub3A_291 : vector<128x128xf32>
    %mul3A_293 = arith.constant 2.60831598E-6 : f32
    %mul3A_294 = vector.broadcast %mul3A_293 : f32 to vector<128x128xf32>
    %mul3A_295 = arith.mulf %mul3A_292, %mul3A_294 : vector<128x128xf32>
    %add3A_296 = arith.constant -1.98106907E-4 : f32
    %add3A_297 = vector.broadcast %add3A_296 : f32 to vector<128x128xf32>
    %add3A_298 = arith.addf %add3A_297, %mul3A_295 : vector<128x128xf32>
    %mul3A_299 = arith.mulf %mul3A_292, %add3A_298 : vector<128x128xf32>
    %add3A_300 = arith.constant 0.00833307859 : f32
    %add3A_301 = vector.broadcast %add3A_300 : f32 to vector<128x128xf32>
    %add3A_302 = arith.addf %add3A_301, %mul3A_299 : vector<128x128xf32>
    %mul3A_303 = arith.mulf %mul3A_292, %add3A_302 : vector<128x128xf32>
    %add3A_304 = arith.constant -0.166666597 : f32
    %add3A_305 = vector.broadcast %add3A_304 : f32 to vector<128x128xf32>
    %add3A_306 = arith.addf %add3A_305, %mul3A_303 : vector<128x128xf32>
    %mul3A_307 = arith.mulf %mul3A_292, %add3A_306 : vector<128x128xf32>
    %mul3A_308 = arith.mulf %sub3A_291, %mul3A_307 : vector<128x128xf32>
    %add3A_309 = arith.addf %sub3A_291, %mul3A_308 : vector<128x128xf32>
    %convert_element_type3A_310 = arith.fptosi %round3A_275 : vector<128x128xf32> to vector<128x128xi32>
    %shift_left3A_311 = arith.constant 31 : i32
    %shift_left3A_312 = vector.broadcast %shift_left3A_311 : i32 to vector<128x128xi32>
    %shift_left3A_313 = arith.shli %convert_element_type3A_310, %shift_left3A_312 : vector<128x128xi32>
    %bitcast_convert_type3A_314 = tpu.bitcast %add3A_309 : vector<128x128xf32> -> vector<128x128xi32>
    %xor3A_315 = arith.xori %bitcast_convert_type3A_314, %shift_left3A_313 : vector<128x128xi32>
    %bitcast_convert_type3A_316 = tpu.bitcast %xor3A_315 : vector<128x128xi32> -> vector<128x128xf32>
    %select_n3A_317 = arith.select %eq3A_29, %add3A_271, %bitcast_convert_type3A_316 : vector<128x128xi1>, vector<128x128xf32>
    %swap3A_318 = arith.constant 128 : index
    %swap3A_319 = arith.constant 128 : index
    %swap3A_320 = vector.load %arg12[%swap3A_318, %swap3A_319] : memref<1024x256xf32, #tpu.memory_space<vmem>>, vector<128x128xf32>
    tpu.vector_store %arg12[%swap3A_318, %swap3A_319], %select_n3A_317 {strides = array<i32>} : memref<1024x256xf32, #tpu.memory_space<vmem>>, vector<128x128xf32>,
    %get3A_321 = arith.constant 0 : index
    %get3A_322 = arith.constant 2 : index
    %get3A_323 = arith.constant 0 : index
    %get3A_324 = vector.load %arg2[%get3A_321, %get3A_322, %get3A_323] : memref<1x8x128xf32, #tpu.memory_space<vmem>>, vector<1x1x128xf32>
    %get3A_325 = vector.shape_cast %get3A_324 : vector<1x1x128xf32> to vector<1x128xf32>
    %transpose3A_326 = tpu.transpose %get3A_325, [1, 0] : vector<1x128xf32> -> vector<128x1xf32>
    %get3A_327 = arith.constant 0 : index
    %get3A_328 = arith.constant 2 : index
    %get3A_329 = arith.constant 0 : index
    %get3A_330 = vector.load %arg3[%get3A_327, %get3A_328, %get3A_329] : memref<1x8x128xf32, #tpu.memory_space<vmem>>, vector<1x1x128xf32>
    %get3A_331 = vector.shape_cast %get3A_330 : vector<1x1x128xf32> to vector<1x128xf32>
    %transpose3A_332 = tpu.transpose %get3A_331, [1, 0] : vector<1x128xf32> -> vector<128x1xf32>
    %get3A_333 = arith.constant 0 : index
    %get3A_334 = arith.constant 2 : index
    %get3A_335 = arith.constant 0 : index
    %get3A_336 = vector.load %arg4[%get3A_333, %get3A_334, %get3A_335] : memref<1x8x128xf32, #tpu.memory_space<vmem>>, vector<1x1x128xf32>
    %get3A_337 = vector.shape_cast %get3A_336 : vector<1x1x128xf32> to vector<1x128xf32>
    %transpose3A_338 = tpu.transpose %get3A_337, [1, 0] : vector<1x128xf32> -> vector<128x1xf32>
    %get3A_339 = arith.constant 0 : index
    %get3A_340 = arith.constant 2 : index
    %get3A_341 = arith.constant 0 : index
    %get3A_342 = vector.load %arg5[%get3A_339, %get3A_340, %get3A_341] : memref<1x8x128xf32, #tpu.memory_space<vmem>>, vector<1x1x128xf32>
    %get3A_343 = vector.shape_cast %get3A_342 : vector<1x1x128xf32> to vector<1x128xf32>
    %transpose3A_344 = tpu.transpose %get3A_343, [1, 0] : vector<1x128xf32> -> vector<128x1xf32>
    %broadcast_in_dim3A_345 = vector.shape_cast %get3A_2 : vector<128xf32> to vector<1x128xf32>
    %mul3A_346 = vector.broadcast %transpose3A_326 : vector<128x1xf32> to vector<128x128xf32>
    %mul3A_347 = vector.broadcast %broadcast_in_dim3A_345 : vector<1x128xf32> to vector<128x128xf32>
    %mul3A_348 = arith.mulf %mul3A_346, %mul3A_347 : vector<128x128xf32>
    %broadcast_in_dim3A_349 = vector.shape_cast %get3A_6 : vector<128xf32> to vector<1x128xf32>
    %mul3A_350 = vector.broadcast %transpose3A_332 : vector<128x1xf32> to vector<128x128xf32>
    %mul3A_351 = vector.broadcast %broadcast_in_dim3A_349 : vector<1x128xf32> to vector<128x128xf32>
    %mul3A_352 = arith.mulf %mul3A_350, %mul3A_351 : vector<128x128xf32>
    %add3A_353 = arith.addf %mul3A_348, %mul3A_352 : vector<128x128xf32>
    %broadcast_in_dim3A_354 = vector.shape_cast %get3A_10 : vector<128xf32> to vector<1x128xf32>
    %add3A_355 = vector.broadcast %broadcast_in_dim3A_354 : vector<1x128xf32> to vector<128x128xf32>
    %add3A_356 = arith.addf %add3A_353, %add3A_355 : vector<128x128xf32>
    %mul3A_357 = arith.constant 0.318309873 : f32
    %mul3A_358 = vector.broadcast %mul3A_357 : f32 to vector<128x128xf32>
    %mul3A_359 = arith.mulf %add3A_356, %mul3A_358 : vector<128x128xf32>
    %round3A_360 = math.roundeven %mul3A_359 : vector<128x128xf32>
    %mul3A_361 = arith.constant 3.140625 : f32
    %mul3A_362 = vector.broadcast %mul3A_361 : f32 to vector<128x128xf32>
    %mul3A_363 = arith.mulf %round3A_360, %mul3A_362 : vector<128x128xf32>
    %sub3A_364 = arith.subf %add3A_356, %mul3A_363 : vector<128x128xf32>
    %mul3A_365 = arith.constant 9.67025756E-4 : f32
    %mul3A_366 = vector.broadcast %mul3A_365 : f32 to vector<128x128xf32>
    %mul3A_367 = arith.mulf %round3A_360, %mul3A_366 : vector<128x128xf32>
    %sub3A_368 = arith.subf %sub3A_364, %mul3A_367 : vector<128x128xf32>
    %mul3A_369 = arith.constant 6.27711415E-7 : f32
    %mul3A_370 = vector.broadcast %mul3A_369 : f32 to vector<128x128xf32>
    %mul3A_371 = arith.mulf %round3A_360, %mul3A_370 : vector<128x128xf32>
    %sub3A_372 = arith.subf %sub3A_368, %mul3A_371 : vector<128x128xf32>
    %mul3A_373 = arith.constant 1.21542013E-10 : f32
    %mul3A_374 = vector.broadcast %mul3A_373 : f32 to vector<128x128xf32>
    %mul3A_375 = arith.mulf %round3A_360, %mul3A_374 : vector<128x128xf32>
    %sub3A_376 = arith.subf %sub3A_372, %mul3A_375 : vector<128x128xf32>
    %mul3A_377 = arith.mulf %sub3A_376, %sub3A_376 : vector<128x128xf32>
    %mul3A_378 = arith.constant 2.60831598E-6 : f32
    %mul3A_379 = vector.broadcast %mul3A_378 : f32 to vector<128x128xf32>
    %mul3A_380 = arith.mulf %mul3A_377, %mul3A_379 : vector<128x128xf32>
    %add3A_381 = arith.constant -1.98106907E-4 : f32
    %add3A_382 = vector.broadcast %add3A_381 : f32 to vector<128x128xf32>
    %add3A_383 = arith.addf %add3A_382, %mul3A_380 : vector<128x128xf32>
    %mul3A_384 = arith.mulf %mul3A_377, %add3A_383 : vector<128x128xf32>
    %add3A_385 = arith.constant 0.00833307859 : f32
    %add3A_386 = vector.broadcast %add3A_385 : f32 to vector<128x128xf32>
    %add3A_387 = arith.addf %add3A_386, %mul3A_384 : vector<128x128xf32>
    %mul3A_388 = arith.mulf %mul3A_377, %add3A_387 : vector<128x128xf32>
    %add3A_389 = arith.constant -0.166666597 : f32
    %add3A_390 = vector.broadcast %add3A_389 : f32 to vector<128x128xf32>
    %add3A_391 = arith.addf %add3A_390, %mul3A_388 : vector<128x128xf32>
    %mul3A_392 = arith.mulf %mul3A_377, %add3A_391 : vector<128x128xf32>
    %mul3A_393 = arith.mulf %sub3A_376, %mul3A_392 : vector<128x128xf32>
    %add3A_394 = arith.addf %sub3A_376, %mul3A_393 : vector<128x128xf32>
    %convert_element_type3A_395 = arith.fptosi %round3A_360 : vector<128x128xf32> to vector<128x128xi32>
    %shift_left3A_396 = arith.constant 31 : i32
    %shift_left3A_397 = vector.broadcast %shift_left3A_396 : i32 to vector<128x128xi32>
    %shift_left3A_398 = arith.shli %convert_element_type3A_395, %shift_left3A_397 : vector<128x128xi32>
    %bitcast_convert_type3A_399 = tpu.bitcast %add3A_394 : vector<128x128xf32> -> vector<128x128xi32>
    %xor3A_400 = arith.xori %bitcast_convert_type3A_399, %shift_left3A_398 : vector<128x128xi32>
    %bitcast_convert_type3A_401 = tpu.bitcast %xor3A_400 : vector<128x128xi32> -> vector<128x128xf32>
    %select_n3A_402 = arith.select %ge3A_24, %bitcast_convert_type3A_401, %add3A_356 : vector<128x128xi1>, vector<128x128xf32>
    %slice3A_403 = vector.extract_strided_slice %select_n3A_402 {offsets = [0, 0], sizes = [128, 64], strides = [1, 1]} : vector<128x128xf32> to vector<128x64xf32>
    %swap3A_404 = arith.constant 256 : index
    %swap3A_405 = arith.constant 0 : index
    %swap3A_406 = vector.load %arg12[%swap3A_404, %swap3A_405] : memref<1024x256xf32, #tpu.memory_space<vmem>>, vector<128x64xf32>
    tpu.vector_store %arg12[%swap3A_404, %swap3A_405], %slice3A_403 {strides = array<i32>} : memref<1024x256xf32, #tpu.memory_space<vmem>>, vector<128x64xf32>,
    %get3A_407 = arith.constant 256 : index
    %get3A_408 = arith.constant 0 : index
    %get3A_409 = vector.load %arg6[%get3A_407, %get3A_408] : memref<1024x128xf32, #tpu.memory_space<vmem>>, vector<128x64xf32>
    %swap3A_410 = arith.constant 256 : index
    %swap3A_411 = arith.constant 64 : index
    %swap3A_412 = vector.load %arg12[%swap3A_410, %swap3A_411] : memref<1024x256xf32, #tpu.memory_space<vmem>>, vector<128x64xf32>
    tpu.vector_store %arg12[%swap3A_410, %swap3A_411], %get3A_409 {strides = array<i32>} : memref<1024x256xf32, #tpu.memory_space<vmem>>, vector<128x64xf32>,
    %broadcast_in_dim3A_413 = vector.shape_cast %transpose3A_338 : vector<128x1xf32> to vector<128x1xf32>
    %broadcast_in_dim3A_414 = vector.broadcast %broadcast_in_dim3A_413 : vector<128x1xf32> to vector<128x128xf32>
    %broadcast_in_dim3A_415 = vector.shape_cast %transpose3A_344 : vector<128x1xf32> to vector<128x1xf32>
    %broadcast_in_dim3A_416 = vector.broadcast %broadcast_in_dim3A_415 : vector<128x1xf32> to vector<128x128xf32>
    %select_n3A_417 = arith.select %lt3A_20, %broadcast_in_dim3A_414, %broadcast_in_dim3A_416 : vector<128x128xi1>, vector<128x128xf32>
    %broadcast_in_dim3A_418 = vector.shape_cast %get3A_14 : vector<128xf32> to vector<1x128xf32>
    %mul3A_419 = vector.broadcast %broadcast_in_dim3A_418 : vector<1x128xf32> to vector<128x128xf32>
    %mul3A_420 = arith.mulf %select_n3A_417, %mul3A_419 : vector<128x128xf32>
    %broadcast_in_dim3A_421 = vector.shape_cast %get3A_18 : vector<128xf32> to vector<1x128xf32>
    %add3A_422 = vector.broadcast %broadcast_in_dim3A_421 : vector<1x128xf32> to vector<128x128xf32>
    %add3A_423 = arith.addf %mul3A_420, %add3A_422 : vector<128x128xf32>
    %mul3A_424 = arith.constant 0.318309873 : f32
    %mul3A_425 = vector.broadcast %mul3A_424 : f32 to vector<128x128xf32>
    %mul3A_426 = arith.mulf %add3A_423, %mul3A_425 : vector<128x128xf32>
    %round3A_427 = math.roundeven %mul3A_426 : vector<128x128xf32>
    %mul3A_428 = arith.constant 3.140625 : f32
    %mul3A_429 = vector.broadcast %mul3A_428 : f32 to vector<128x128xf32>
    %mul3A_430 = arith.mulf %round3A_427, %mul3A_429 : vector<128x128xf32>
    %sub3A_431 = arith.subf %add3A_423, %mul3A_430 : vector<128x128xf32>
    %mul3A_432 = arith.constant 9.67025756E-4 : f32
    %mul3A_433 = vector.broadcast %mul3A_432 : f32 to vector<128x128xf32>
    %mul3A_434 = arith.mulf %round3A_427, %mul3A_433 : vector<128x128xf32>
    %sub3A_435 = arith.subf %sub3A_431, %mul3A_434 : vector<128x128xf32>
    %mul3A_436 = arith.constant 6.27711415E-7 : f32
    %mul3A_437 = vector.broadcast %mul3A_436 : f32 to vector<128x128xf32>
    %mul3A_438 = arith.mulf %round3A_427, %mul3A_437 : vector<128x128xf32>
    %sub3A_439 = arith.subf %sub3A_435, %mul3A_438 : vector<128x128xf32>
    %mul3A_440 = arith.constant 1.21542013E-10 : f32
    %mul3A_441 = vector.broadcast %mul3A_440 : f32 to vector<128x128xf32>
    %mul3A_442 = arith.mulf %round3A_427, %mul3A_441 : vector<128x128xf32>
    %sub3A_443 = arith.subf %sub3A_439, %mul3A_442 : vector<128x128xf32>
    %mul3A_444 = arith.mulf %sub3A_443, %sub3A_443 : vector<128x128xf32>
    %mul3A_445 = arith.constant 2.60831598E-6 : f32
    %mul3A_446 = vector.broadcast %mul3A_445 : f32 to vector<128x128xf32>
    %mul3A_447 = arith.mulf %mul3A_444, %mul3A_446 : vector<128x128xf32>
    %add3A_448 = arith.constant -1.98106907E-4 : f32
    %add3A_449 = vector.broadcast %add3A_448 : f32 to vector<128x128xf32>
    %add3A_450 = arith.addf %add3A_449, %mul3A_447 : vector<128x128xf32>
    %mul3A_451 = arith.mulf %mul3A_444, %add3A_450 : vector<128x128xf32>
    %add3A_452 = arith.constant 0.00833307859 : f32
    %add3A_453 = vector.broadcast %add3A_452 : f32 to vector<128x128xf32>
    %add3A_454 = arith.addf %add3A_453, %mul3A_451 : vector<128x128xf32>
    %mul3A_455 = arith.mulf %mul3A_444, %add3A_454 : vector<128x128xf32>
    %add3A_456 = arith.constant -0.166666597 : f32
    %add3A_457 = vector.broadcast %add3A_456 : f32 to vector<128x128xf32>
    %add3A_458 = arith.addf %add3A_457, %mul3A_455 : vector<128x128xf32>
    %mul3A_459 = arith.mulf %mul3A_444, %add3A_458 : vector<128x128xf32>
    %mul3A_460 = arith.mulf %sub3A_443, %mul3A_459 : vector<128x128xf32>
    %add3A_461 = arith.addf %sub3A_443, %mul3A_460 : vector<128x128xf32>
    %convert_element_type3A_462 = arith.fptosi %round3A_427 : vector<128x128xf32> to vector<128x128xi32>
    %shift_left3A_463 = arith.constant 31 : i32
    %shift_left3A_464 = vector.broadcast %shift_left3A_463 : i32 to vector<128x128xi32>
    %shift_left3A_465 = arith.shli %convert_element_type3A_462, %shift_left3A_464 : vector<128x128xi32>
    %bitcast_convert_type3A_466 = tpu.bitcast %add3A_461 : vector<128x128xf32> -> vector<128x128xi32>
    %xor3A_467 = arith.xori %bitcast_convert_type3A_466, %shift_left3A_465 : vector<128x128xi32>
    %bitcast_convert_type3A_468 = tpu.bitcast %xor3A_467 : vector<128x128xi32> -> vector<128x128xf32>
    %select_n3A_469 = arith.select %eq3A_29, %add3A_423, %bitcast_convert_type3A_468 : vector<128x128xi1>, vector<128x128xf32>
    %swap3A_470 = arith.constant 256 : index
    %swap3A_471 = arith.constant 128 : index
    %swap3A_472 = vector.load %arg12[%swap3A_470, %swap3A_471] : memref<1024x256xf32, #tpu.memory_space<vmem>>, vector<128x128xf32>
    tpu.vector_store %arg12[%swap3A_470, %swap3A_471], %select_n3A_469 {strides = array<i32>} : memref<1024x256xf32, #tpu.memory_space<vmem>>, vector<128x128xf32>,
    %get3A_473 = arith.constant 0 : index
    %get3A_474 = arith.constant 3 : index
    %get3A_475 = arith.constant 0 : index
    %get3A_476 = vector.load %arg2[%get3A_473, %get3A_474, %get3A_475] : memref<1x8x128xf32, #tpu.memory_space<vmem>>, vector<1x1x128xf32>
    %get3A_477 = vector.shape_cast %get3A_476 : vector<1x1x128xf32> to vector<1x128xf32>
    %transpose3A_478 = tpu.transpose %get3A_477, [1, 0] : vector<1x128xf32> -> vector<128x1xf32>
    %get3A_479 = arith.constant 0 : index
    %get3A_480 = arith.constant 3 : index
    %get3A_481 = arith.constant 0 : index
    %get3A_482 = vector.load %arg3[%get3A_479, %get3A_480, %get3A_481] : memref<1x8x128xf32, #tpu.memory_space<vmem>>, vector<1x1x128xf32>
    %get3A_483 = vector.shape_cast %get3A_482 : vector<1x1x128xf32> to vector<1x128xf32>
    %transpose3A_484 = tpu.transpose %get3A_483, [1, 0] : vector<1x128xf32> -> vector<128x1xf32>
    %get3A_485 = arith.constant 0 : index
    %get3A_486 = arith.constant 3 : index
    %get3A_487 = arith.constant 0 : index
    %get3A_488 = vector.load %arg4[%get3A_485, %get3A_486, %get3A_487] : memref<1x8x128xf32, #tpu.memory_space<vmem>>, vector<1x1x128xf32>
    %get3A_489 = vector.shape_cast %get3A_488 : vector<1x1x128xf32> to vector<1x128xf32>
    %transpose3A_490 = tpu.transpose %get3A_489, [1, 0] : vector<1x128xf32> -> vector<128x1xf32>
    %get3A_491 = arith.constant 0 : index
    %get3A_492 = arith.constant 3 : index
    %get3A_493 = arith.constant 0 : index
    %get3A_494 = vector.load %arg5[%get3A_491, %get3A_492, %get3A_493] : memref<1x8x128xf32, #tpu.memory_space<vmem>>, vector<1x1x128xf32>
    %get3A_495 = vector.shape_cast %get3A_494 : vector<1x1x128xf32> to vector<1x128xf32>
    %transpose3A_496 = tpu.transpose %get3A_495, [1, 0] : vector<1x128xf32> -> vector<128x1xf32>
    %broadcast_in_dim3A_497 = vector.shape_cast %get3A_2 : vector<128xf32> to vector<1x128xf32>
    %mul3A_498 = vector.broadcast %transpose3A_478 : vector<128x1xf32> to vector<128x128xf32>
    %mul3A_499 = vector.broadcast %broadcast_in_dim3A_497 : vector<1x128xf32> to vector<128x128xf32>
    %mul3A_500 = arith.mulf %mul3A_498, %mul3A_499 : vector<128x128xf32>
    %broadcast_in_dim3A_501 = vector.shape_cast %get3A_6 : vector<128xf32> to vector<1x128xf32>
    %mul3A_502 = vector.broadcast %transpose3A_484 : vector<128x1xf32> to vector<128x128xf32>
    %mul3A_503 = vector.broadcast %broadcast_in_dim3A_501 : vector<1x128xf32> to vector<128x128xf32>
    %mul3A_504 = arith.mulf %mul3A_502, %mul3A_503 : vector<128x128xf32>
    %add3A_505 = arith.addf %mul3A_500, %mul3A_504 : vector<128x128xf32>
    %broadcast_in_dim3A_506 = vector.shape_cast %get3A_10 : vector<128xf32> to vector<1x128xf32>
    %add3A_507 = vector.broadcast %broadcast_in_dim3A_506 : vector<1x128xf32> to vector<128x128xf32>
    %add3A_508 = arith.addf %add3A_505, %add3A_507 : vector<128x128xf32>
    %mul3A_509 = arith.constant 0.318309873 : f32
    %mul3A_510 = vector.broadcast %mul3A_509 : f32 to vector<128x128xf32>
    %mul3A_511 = arith.mulf %add3A_508, %mul3A_510 : vector<128x128xf32>
    %round3A_512 = math.roundeven %mul3A_511 : vector<128x128xf32>
    %mul3A_513 = arith.constant 3.140625 : f32
    %mul3A_514 = vector.broadcast %mul3A_513 : f32 to vector<128x128xf32>
    %mul3A_515 = arith.mulf %round3A_512, %mul3A_514 : vector<128x128xf32>
    %sub3A_516 = arith.subf %add3A_508, %mul3A_515 : vector<128x128xf32>
    %mul3A_517 = arith.constant 9.67025756E-4 : f32
    %mul3A_518 = vector.broadcast %mul3A_517 : f32 to vector<128x128xf32>
    %mul3A_519 = arith.mulf %round3A_512, %mul3A_518 : vector<128x128xf32>
    %sub3A_520 = arith.subf %sub3A_516, %mul3A_519 : vector<128x128xf32>
    %mul3A_521 = arith.constant 6.27711415E-7 : f32
    %mul3A_522 = vector.broadcast %mul3A_521 : f32 to vector<128x128xf32>
    %mul3A_523 = arith.mulf %round3A_512, %mul3A_522 : vector<128x128xf32>
    %sub3A_524 = arith.subf %sub3A_520, %mul3A_523 : vector<128x128xf32>
    %mul3A_525 = arith.constant 1.21542013E-10 : f32
    %mul3A_526 = vector.broadcast %mul3A_525 : f32 to vector<128x128xf32>
    %mul3A_527 = arith.mulf %round3A_512, %mul3A_526 : vector<128x128xf32>
    %sub3A_528 = arith.subf %sub3A_524, %mul3A_527 : vector<128x128xf32>
    %mul3A_529 = arith.mulf %sub3A_528, %sub3A_528 : vector<128x128xf32>
    %mul3A_530 = arith.constant 2.60831598E-6 : f32
    %mul3A_531 = vector.broadcast %mul3A_530 : f32 to vector<128x128xf32>
    %mul3A_532 = arith.mulf %mul3A_529, %mul3A_531 : vector<128x128xf32>
    %add3A_533 = arith.constant -1.98106907E-4 : f32
    %add3A_534 = vector.broadcast %add3A_533 : f32 to vector<128x128xf32>
    %add3A_535 = arith.addf %add3A_534, %mul3A_532 : vector<128x128xf32>
    %mul3A_536 = arith.mulf %mul3A_529, %add3A_535 : vector<128x128xf32>
    %add3A_537 = arith.constant 0.00833307859 : f32
    %add3A_538 = vector.broadcast %add3A_537 : f32 to vector<128x128xf32>
    %add3A_539 = arith.addf %add3A_538, %mul3A_536 : vector<128x128xf32>
    %mul3A_540 = arith.mulf %mul3A_529, %add3A_539 : vector<128x128xf32>
    %add3A_541 = arith.constant -0.166666597 : f32
    %add3A_542 = vector.broadcast %add3A_541 : f32 to vector<128x128xf32>
    %add3A_543 = arith.addf %add3A_542, %mul3A_540 : vector<128x128xf32>
    %mul3A_544 = arith.mulf %mul3A_529, %add3A_543 : vector<128x128xf32>
    %mul3A_545 = arith.mulf %sub3A_528, %mul3A_544 : vector<128x128xf32>
    %add3A_546 = arith.addf %sub3A_528, %mul3A_545 : vector<128x128xf32>
    %convert_element_type3A_547 = arith.fptosi %round3A_512 : vector<128x128xf32> to vector<128x128xi32>
    %shift_left3A_548 = arith.constant 31 : i32
    %shift_left3A_549 = vector.broadcast %shift_left3A_548 : i32 to vector<128x128xi32>
    %shift_left3A_550 = arith.shli %convert_element_type3A_547, %shift_left3A_549 : vector<128x128xi32>
    %bitcast_convert_type3A_551 = tpu.bitcast %add3A_546 : vector<128x128xf32> -> vector<128x128xi32>
    %xor3A_552 = arith.xori %bitcast_convert_type3A_551, %shift_left3A_550 : vector<128x128xi32>
    %bitcast_convert_type3A_553 = tpu.bitcast %xor3A_552 : vector<128x128xi32> -> vector<128x128xf32>
    %select_n3A_554 = arith.select %ge3A_24, %bitcast_convert_type3A_553, %add3A_508 : vector<128x128xi1>, vector<128x128xf32>
    %slice3A_555 = vector.extract_strided_slice %select_n3A_554 {offsets = [0, 0], sizes = [128, 64], strides = [1, 1]} : vector<128x128xf32> to vector<128x64xf32>
    %swap3A_556 = arith.constant 384 : index
    %swap3A_557 = arith.constant 0 : index
    %swap3A_558 = vector.load %arg12[%swap3A_556, %swap3A_557] : memref<1024x256xf32, #tpu.memory_space<vmem>>, vector<128x64xf32>
    tpu.vector_store %arg12[%swap3A_556, %swap3A_557], %slice3A_555 {strides = array<i32>} : memref<1024x256xf32, #tpu.memory_space<vmem>>, vector<128x64xf32>,
    %get3A_559 = arith.constant 384 : index
    %get3A_560 = arith.constant 0 : index
    %get3A_561 = vector.load %arg6[%get3A_559, %get3A_560] : memref<1024x128xf32, #tpu.memory_space<vmem>>, vector<128x64xf32>
    %swap3A_562 = arith.constant 384 : index
    %swap3A_563 = arith.constant 64 : index
    %swap3A_564 = vector.load %arg12[%swap3A_562, %swap3A_563] : memref<1024x256xf32, #tpu.memory_space<vmem>>, vector<128x64xf32>
    tpu.vector_store %arg12[%swap3A_562, %swap3A_563], %get3A_561 {strides = array<i32>} : memref<1024x256xf32, #tpu.memory_space<vmem>>, vector<128x64xf32>,
    %broadcast_in_dim3A_565 = vector.shape_cast %transpose3A_490 : vector<128x1xf32> to vector<128x1xf32>
    %broadcast_in_dim3A_566 = vector.broadcast %broadcast_in_dim3A_565 : vector<128x1xf32> to vector<128x128xf32>
    %broadcast_in_dim3A_567 = vector.shape_cast %transpose3A_496 : vector<128x1xf32> to vector<128x1xf32>
    %broadcast_in_dim3A_568 = vector.broadcast %broadcast_in_dim3A_567 : vector<128x1xf32> to vector<128x128xf32>
    %select_n3A_569 = arith.select %lt3A_20, %broadcast_in_dim3A_566, %broadcast_in_dim3A_568 : vector<128x128xi1>, vector<128x128xf32>
    %broadcast_in_dim3A_570 = vector.shape_cast %get3A_14 : vector<128xf32> to vector<1x128xf32>
    %mul3A_571 = vector.broadcast %broadcast_in_dim3A_570 : vector<1x128xf32> to vector<128x128xf32>
    %mul3A_572 = arith.mulf %select_n3A_569, %mul3A_571 : vector<128x128xf32>
    %broadcast_in_dim3A_573 = vector.shape_cast %get3A_18 : vector<128xf32> to vector<1x128xf32>
    %add3A_574 = vector.broadcast %broadcast_in_dim3A_573 : vector<1x128xf32> to vector<128x128xf32>
    %add3A_575 = arith.addf %mul3A_572, %add3A_574 : vector<128x128xf32>
    %mul3A_576 = arith.constant 0.318309873 : f32
    %mul3A_577 = vector.broadcast %mul3A_576 : f32 to vector<128x128xf32>
    %mul3A_578 = arith.mulf %add3A_575, %mul3A_577 : vector<128x128xf32>
    %round3A_579 = math.roundeven %mul3A_578 : vector<128x128xf32>
    %mul3A_580 = arith.constant 3.140625 : f32
    %mul3A_581 = vector.broadcast %mul3A_580 : f32 to vector<128x128xf32>
    %mul3A_582 = arith.mulf %round3A_579, %mul3A_581 : vector<128x128xf32>
    %sub3A_583 = arith.subf %add3A_575, %mul3A_582 : vector<128x128xf32>
    %mul3A_584 = arith.constant 9.67025756E-4 : f32
    %mul3A_585 = vector.broadcast %mul3A_584 : f32 to vector<128x128xf32>
    %mul3A_586 = arith.mulf %round3A_579, %mul3A_585 : vector<128x128xf32>
    %sub3A_587 = arith.subf %sub3A_583, %mul3A_586 : vector<128x128xf32>
    %mul3A_588 = arith.constant 6.27711415E-7 : f32
    %mul3A_589 = vector.broadcast %mul3A_588 : f32 to vector<128x128xf32>
    %mul3A_590 = arith.mulf %round3A_579, %mul3A_589 : vector<128x128xf32>
    %sub3A_591 = arith.subf %sub3A_587, %mul3A_590 : vector<128x128xf32>
    %mul3A_592 = arith.constant 1.21542013E-10 : f32
    %mul3A_593 = vector.broadcast %mul3A_592 : f32 to vector<128x128xf32>
    %mul3A_594 = arith.mulf %round3A_579, %mul3A_593 : vector<128x128xf32>
    %sub3A_595 = arith.subf %sub3A_591, %mul3A_594 : vector<128x128xf32>
    %mul3A_596 = arith.mulf %sub3A_595, %sub3A_595 : vector<128x128xf32>
    %mul3A_597 = arith.constant 2.60831598E-6 : f32
    %mul3A_598 = vector.broadcast %mul3A_597 : f32 to vector<128x128xf32>
    %mul3A_599 = arith.mulf %mul3A_596, %mul3A_598 : vector<128x128xf32>
    %add3A_600 = arith.constant -1.98106907E-4 : f32
    %add3A_601 = vector.broadcast %add3A_600 : f32 to vector<128x128xf32>
    %add3A_602 = arith.addf %add3A_601, %mul3A_599 : vector<128x128xf32>
    %mul3A_603 = arith.mulf %mul3A_596, %add3A_602 : vector<128x128xf32>
    %add3A_604 = arith.constant 0.00833307859 : f32
    %add3A_605 = vector.broadcast %add3A_604 : f32 to vector<128x128xf32>
    %add3A_606 = arith.addf %add3A_605, %mul3A_603 : vector<128x128xf32>
    %mul3A_607 = arith.mulf %mul3A_596, %add3A_606 : vector<128x128xf32>
    %add3A_608 = arith.constant -0.166666597 : f32
    %add3A_609 = vector.broadcast %add3A_608 : f32 to vector<128x128xf32>
    %add3A_610 = arith.addf %add3A_609, %mul3A_607 : vector<128x128xf32>
    %mul3A_611 = arith.mulf %mul3A_596, %add3A_610 : vector<128x128xf32>
    %mul3A_612 = arith.mulf %sub3A_595, %mul3A_611 : vector<128x128xf32>
    %add3A_613 = arith.addf %sub3A_595, %mul3A_612 : vector<128x128xf32>
    %convert_element_type3A_614 = arith.fptosi %round3A_579 : vector<128x128xf32> to vector<128x128xi32>
    %shift_left3A_615 = arith.constant 31 : i32
    %shift_left3A_616 = vector.broadcast %shift_left3A_615 : i32 to vector<128x128xi32>
    %shift_left3A_617 = arith.shli %convert_element_type3A_614, %shift_left3A_616 : vector<128x128xi32>
    %bitcast_convert_type3A_618 = tpu.bitcast %add3A_613 : vector<128x128xf32> -> vector<128x128xi32>
    %xor3A_619 = arith.xori %bitcast_convert_type3A_618, %shift_left3A_617 : vector<128x128xi32>
    %bitcast_convert_type3A_620 = tpu.bitcast %xor3A_619 : vector<128x128xi32> -> vector<128x128xf32>
    %select_n3A_621 = arith.select %eq3A_29, %add3A_575, %bitcast_convert_type3A_620 : vector<128x128xi1>, vector<128x128xf32>
    %swap3A_622 = arith.constant 384 : index
    %swap3A_623 = arith.constant 128 : index
    %swap3A_624 = vector.load %arg12[%swap3A_622, %swap3A_623] : memref<1024x256xf32, #tpu.memory_space<vmem>>, vector<128x128xf32>
    tpu.vector_store %arg12[%swap3A_622, %swap3A_623], %select_n3A_621 {strides = array<i32>} : memref<1024x256xf32, #tpu.memory_space<vmem>>, vector<128x128xf32>,
    %get3A_625 = arith.constant 0 : index
    %get3A_626 = arith.constant 4 : index
    %get3A_627 = arith.constant 0 : index
    %get3A_628 = vector.load %arg2[%get3A_625, %get3A_626, %get3A_627] : memref<1x8x128xf32, #tpu.memory_space<vmem>>, vector<1x1x128xf32>
    %get3A_629 = vector.shape_cast %get3A_628 : vector<1x1x128xf32> to vector<1x128xf32>
    %transpose3A_630 = tpu.transpose %get3A_629, [1, 0] : vector<1x128xf32> -> vector<128x1xf32>
    %get3A_631 = arith.constant 0 : index
    %get3A_632 = arith.constant 4 : index
    %get3A_633 = arith.constant 0 : index
    %get3A_634 = vector.load %arg3[%get3A_631, %get3A_632, %get3A_633] : memref<1x8x128xf32, #tpu.memory_space<vmem>>, vector<1x1x128xf32>
    %get3A_635 = vector.shape_cast %get3A_634 : vector<1x1x128xf32> to vector<1x128xf32>
    %transpose3A_636 = tpu.transpose %get3A_635, [1, 0] : vector<1x128xf32> -> vector<128x1xf32>
    %get3A_637 = arith.constant 0 : index
    %get3A_638 = arith.constant 4 : index
    %get3A_639 = arith.constant 0 : index
    %get3A_640 = vector.load %arg4[%get3A_637, %get3A_638, %get3A_639] : memref<1x8x128xf32, #tpu.memory_space<vmem>>, vector<1x1x128xf32>
    %get3A_641 = vector.shape_cast %get3A_640 : vector<1x1x128xf32> to vector<1x128xf32>
    %transpose3A_642 = tpu.transpose %get3A_641, [1, 0] : vector<1x128xf32> -> vector<128x1xf32>
    %get3A_643 = arith.constant 0 : index
    %get3A_644 = arith.constant 4 : index
    %get3A_645 = arith.constant 0 : index
    %get3A_646 = vector.load %arg5[%get3A_643, %get3A_644, %get3A_645] : memref<1x8x128xf32, #tpu.memory_space<vmem>>, vector<1x1x128xf32>
    %get3A_647 = vector.shape_cast %get3A_646 : vector<1x1x128xf32> to vector<1x128xf32>
    %transpose3A_648 = tpu.transpose %get3A_647, [1, 0] : vector<1x128xf32> -> vector<128x1xf32>
    %broadcast_in_dim3A_649 = vector.shape_cast %get3A_2 : vector<128xf32> to vector<1x128xf32>
    %mul3A_650 = vector.broadcast %transpose3A_630 : vector<128x1xf32> to vector<128x128xf32>
    %mul3A_651 = vector.broadcast %broadcast_in_dim3A_649 : vector<1x128xf32> to vector<128x128xf32>
    %mul3A_652 = arith.mulf %mul3A_650, %mul3A_651 : vector<128x128xf32>
    %broadcast_in_dim3A_653 = vector.shape_cast %get3A_6 : vector<128xf32> to vector<1x128xf32>
    %mul3A_654 = vector.broadcast %transpose3A_636 : vector<128x1xf32> to vector<128x128xf32>
    %mul3A_655 = vector.broadcast %broadcast_in_dim3A_653 : vector<1x128xf32> to vector<128x128xf32>
    %mul3A_656 = arith.mulf %mul3A_654, %mul3A_655 : vector<128x128xf32>
    %add3A_657 = arith.addf %mul3A_652, %mul3A_656 : vector<128x128xf32>
    %broadcast_in_dim3A_658 = vector.shape_cast %get3A_10 : vector<128xf32> to vector<1x128xf32>
    %add3A_659 = vector.broadcast %broadcast_in_dim3A_658 : vector<1x128xf32> to vector<128x128xf32>
    %add3A_660 = arith.addf %add3A_657, %add3A_659 : vector<128x128xf32>
    %mul3A_661 = arith.constant 0.318309873 : f32
    %mul3A_662 = vector.broadcast %mul3A_661 : f32 to vector<128x128xf32>
    %mul3A_663 = arith.mulf %add3A_660, %mul3A_662 : vector<128x128xf32>
    %round3A_664 = math.roundeven %mul3A_663 : vector<128x128xf32>
    %mul3A_665 = arith.constant 3.140625 : f32
    %mul3A_666 = vector.broadcast %mul3A_665 : f32 to vector<128x128xf32>
    %mul3A_667 = arith.mulf %round3A_664, %mul3A_666 : vector<128x128xf32>
    %sub3A_668 = arith.subf %add3A_660, %mul3A_667 : vector<128x128xf32>
    %mul3A_669 = arith.constant 9.67025756E-4 : f32
    %mul3A_670 = vector.broadcast %mul3A_669 : f32 to vector<128x128xf32>
    %mul3A_671 = arith.mulf %round3A_664, %mul3A_670 : vector<128x128xf32>
    %sub3A_672 = arith.subf %sub3A_668, %mul3A_671 : vector<128x128xf32>
    %mul3A_673 = arith.constant 6.27711415E-7 : f32
    %mul3A_674 = vector.broadcast %mul3A_673 : f32 to vector<128x128xf32>
    %mul3A_675 = arith.mulf %round3A_664, %mul3A_674 : vector<128x128xf32>
    %sub3A_676 = arith.subf %sub3A_672, %mul3A_675 : vector<128x128xf32>
    %mul3A_677 = arith.constant 1.21542013E-10 : f32
    %mul3A_678 = vector.broadcast %mul3A_677 : f32 to vector<128x128xf32>
    %mul3A_679 = arith.mulf %round3A_664, %mul3A_678 : vector<128x128xf32>
    %sub3A_680 = arith.subf %sub3A_676, %mul3A_679 : vector<128x128xf32>
    %mul3A_681 = arith.mulf %sub3A_680, %sub3A_680 : vector<128x128xf32>
    %mul3A_682 = arith.constant 2.60831598E-6 : f32
    %mul3A_683 = vector.broadcast %mul3A_682 : f32 to vector<128x128xf32>
    %mul3A_684 = arith.mulf %mul3A_681, %mul3A_683 : vector<128x128xf32>
    %add3A_685 = arith.constant -1.98106907E-4 : f32
    %add3A_686 = vector.broadcast %add3A_685 : f32 to vector<128x128xf32>
    %add3A_687 = arith.addf %add3A_686, %mul3A_684 : vector<128x128xf32>
    %mul3A_688 = arith.mulf %mul3A_681, %add3A_687 : vector<128x128xf32>
    %add3A_689 = arith.constant 0.00833307859 : f32
    %add3A_690 = vector.broadcast %add3A_689 : f32 to vector<128x128xf32>
    %add3A_691 = arith.addf %add3A_690, %mul3A_688 : vector<128x128xf32>
    %mul3A_692 = arith.mulf %mul3A_681, %add3A_691 : vector<128x128xf32>
    %add3A_693 = arith.constant -0.166666597 : f32
    %add3A_694 = vector.broadcast %add3A_693 : f32 to vector<128x128xf32>
    %add3A_695 = arith.addf %add3A_694, %mul3A_692 : vector<128x128xf32>
    %mul3A_696 = arith.mulf %mul3A_681, %add3A_695 : vector<128x128xf32>
    %mul3A_697 = arith.mulf %sub3A_680, %mul3A_696 : vector<128x128xf32>
    %add3A_698 = arith.addf %sub3A_680, %mul3A_697 : vector<128x128xf32>
    %convert_element_type3A_699 = arith.fptosi %round3A_664 : vector<128x128xf32> to vector<128x128xi32>
    %shift_left3A_700 = arith.constant 31 : i32
    %shift_left3A_701 = vector.broadcast %shift_left3A_700 : i32 to vector<128x128xi32>
    %shift_left3A_702 = arith.shli %convert_element_type3A_699, %shift_left3A_701 : vector<128x128xi32>
    %bitcast_convert_type3A_703 = tpu.bitcast %add3A_698 : vector<128x128xf32> -> vector<128x128xi32>
    %xor3A_704 = arith.xori %bitcast_convert_type3A_703, %shift_left3A_702 : vector<128x128xi32>
    %bitcast_convert_type3A_705 = tpu.bitcast %xor3A_704 : vector<128x128xi32> -> vector<128x128xf32>
    %select_n3A_706 = arith.select %ge3A_24, %bitcast_convert_type3A_705, %add3A_660 : vector<128x128xi1>, vector<128x128xf32>
    %slice3A_707 = vector.extract_strided_slice %select_n3A_706 {offsets = [0, 0], sizes = [128, 64], strides = [1, 1]} : vector<128x128xf32> to vector<128x64xf32>
    %swap3A_708 = arith.constant 512 : index
    %swap3A_709 = arith.constant 0 : index
    %swap3A_710 = vector.load %arg12[%swap3A_708, %swap3A_709] : memref<1024x256xf32, #tpu.memory_space<vmem>>, vector<128x64xf32>
    tpu.vector_store %arg12[%swap3A_708, %swap3A_709], %slice3A_707 {strides = array<i32>} : memref<1024x256xf32, #tpu.memory_space<vmem>>, vector<128x64xf32>,
    %get3A_711 = arith.constant 512 : index
    %get3A_712 = arith.constant 0 : index
    %get3A_713 = vector.load %arg6[%get3A_711, %get3A_712] : memref<1024x128xf32, #tpu.memory_space<vmem>>, vector<128x64xf32>
    %swap3A_714 = arith.constant 512 : index
    %swap3A_715 = arith.constant 64 : index
    %swap3A_716 = vector.load %arg12[%swap3A_714, %swap3A_715] : memref<1024x256xf32, #tpu.memory_space<vmem>>, vector<128x64xf32>
    tpu.vector_store %arg12[%swap3A_714, %swap3A_715], %get3A_713 {strides = array<i32>} : memref<1024x256xf32, #tpu.memory_space<vmem>>, vector<128x64xf32>,
    %broadcast_in_dim3A_717 = vector.shape_cast %transpose3A_642 : vector<128x1xf32> to vector<128x1xf32>
    %broadcast_in_dim3A_718 = vector.broadcast %broadcast_in_dim3A_717 : vector<128x1xf32> to vector<128x128xf32>
    %broadcast_in_dim3A_719 = vector.shape_cast %transpose3A_648 : vector<128x1xf32> to vector<128x1xf32>
    %broadcast_in_dim3A_720 = vector.broadcast %broadcast_in_dim3A_719 : vector<128x1xf32> to vector<128x128xf32>
    %select_n3A_721 = arith.select %lt3A_20, %broadcast_in_dim3A_718, %broadcast_in_dim3A_720 : vector<128x128xi1>, vector<128x128xf32>
    %broadcast_in_dim3A_722 = vector.shape_cast %get3A_14 : vector<128xf32> to vector<1x128xf32>
    %mul3A_723 = vector.broadcast %broadcast_in_dim3A_722 : vector<1x128xf32> to vector<128x128xf32>
    %mul3A_724 = arith.mulf %select_n3A_721, %mul3A_723 : vector<128x128xf32>
    %broadcast_in_dim3A_725 = vector.shape_cast %get3A_18 : vector<128xf32> to vector<1x128xf32>
    %add3A_726 = vector.broadcast %broadcast_in_dim3A_725 : vector<1x128xf32> to vector<128x128xf32>
    %add3A_727 = arith.addf %mul3A_724, %add3A_726 : vector<128x128xf32>
    %mul3A_728 = arith.constant 0.318309873 : f32
    %mul3A_729 = vector.broadcast %mul3A_728 : f32 to vector<128x128xf32>
    %mul3A_730 = arith.mulf %add3A_727, %mul3A_729 : vector<128x128xf32>
    %round3A_731 = math.roundeven %mul3A_730 : vector<128x128xf32>
    %mul3A_732 = arith.constant 3.140625 : f32
    %mul3A_733 = vector.broadcast %mul3A_732 : f32 to vector<128x128xf32>
    %mul3A_734 = arith.mulf %round3A_731, %mul3A_733 : vector<128x128xf32>
    %sub3A_735 = arith.subf %add3A_727, %mul3A_734 : vector<128x128xf32>
    %mul3A_736 = arith.constant 9.67025756E-4 : f32
    %mul3A_737 = vector.broadcast %mul3A_736 : f32 to vector<128x128xf32>
    %mul3A_738 = arith.mulf %round3A_731, %mul3A_737 : vector<128x128xf32>
    %sub3A_739 = arith.subf %sub3A_735, %mul3A_738 : vector<128x128xf32>
    %mul3A_740 = arith.constant 6.27711415E-7 : f32
    %mul3A_741 = vector.broadcast %mul3A_740 : f32 to vector<128x128xf32>
    %mul3A_742 = arith.mulf %round3A_731, %mul3A_741 : vector<128x128xf32>
    %sub3A_743 = arith.subf %sub3A_739, %mul3A_742 : vector<128x128xf32>
    %mul3A_744 = arith.constant 1.21542013E-10 : f32
    %mul3A_745 = vector.broadcast %mul3A_744 : f32 to vector<128x128xf32>
    %mul3A_746 = arith.mulf %round3A_731, %mul3A_745 : vector<128x128xf32>
    %sub3A_747 = arith.subf %sub3A_743, %mul3A_746 : vector<128x128xf32>
    %mul3A_748 = arith.mulf %sub3A_747, %sub3A_747 : vector<128x128xf32>
    %mul3A_749 = arith.constant 2.60831598E-6 : f32
    %mul3A_750 = vector.broadcast %mul3A_749 : f32 to vector<128x128xf32>
    %mul3A_751 = arith.mulf %mul3A_748, %mul3A_750 : vector<128x128xf32>
    %add3A_752 = arith.constant -1.98106907E-4 : f32
    %add3A_753 = vector.broadcast %add3A_752 : f32 to vector<128x128xf32>
    %add3A_754 = arith.addf %add3A_753, %mul3A_751 : vector<128x128xf32>
    %mul3A_755 = arith.mulf %mul3A_748, %add3A_754 : vector<128x128xf32>
    %add3A_756 = arith.constant 0.00833307859 : f32
    %add3A_757 = vector.broadcast %add3A_756 : f32 to vector<128x128xf32>
    %add3A_758 = arith.addf %add3A_757, %mul3A_755 : vector<128x128xf32>
    %mul3A_759 = arith.mulf %mul3A_748, %add3A_758 : vector<128x128xf32>
    %add3A_760 = arith.constant -0.166666597 : f32
    %add3A_761 = vector.broadcast %add3A_760 : f32 to vector<128x128xf32>
    %add3A_762 = arith.addf %add3A_761, %mul3A_759 : vector<128x128xf32>
    %mul3A_763 = arith.mulf %mul3A_748, %add3A_762 : vector<128x128xf32>
    %mul3A_764 = arith.mulf %sub3A_747, %mul3A_763 : vector<128x128xf32>
    %add3A_765 = arith.addf %sub3A_747, %mul3A_764 : vector<128x128xf32>
    %convert_element_type3A_766 = arith.fptosi %round3A_731 : vector<128x128xf32> to vector<128x128xi32>
    %shift_left3A_767 = arith.constant 31 : i32
    %shift_left3A_768 = vector.broadcast %shift_left3A_767 : i32 to vector<128x128xi32>
    %shift_left3A_769 = arith.shli %convert_element_type3A_766, %shift_left3A_768 : vector<128x128xi32>
    %bitcast_convert_type3A_770 = tpu.bitcast %add3A_765 : vector<128x128xf32> -> vector<128x128xi32>
    %xor3A_771 = arith.xori %bitcast_convert_type3A_770, %shift_left3A_769 : vector<128x128xi32>
    %bitcast_convert_type3A_772 = tpu.bitcast %xor3A_771 : vector<128x128xi32> -> vector<128x128xf32>
    %select_n3A_773 = arith.select %eq3A_29, %add3A_727, %bitcast_convert_type3A_772 : vector<128x128xi1>, vector<128x128xf32>
    %swap3A_774 = arith.constant 512 : index
    %swap3A_775 = arith.constant 128 : index
    %swap3A_776 = vector.load %arg12[%swap3A_774, %swap3A_775] : memref<1024x256xf32, #tpu.memory_space<vmem>>, vector<128x128xf32>
    tpu.vector_store %arg12[%swap3A_774, %swap3A_775], %select_n3A_773 {strides = array<i32>} : memref<1024x256xf32, #tpu.memory_space<vmem>>, vector<128x128xf32>,
    %get3A_777 = arith.constant 0 : index
    %get3A_778 = arith.constant 5 : index
    %get3A_779 = arith.constant 0 : index
    %get3A_780 = vector.load %arg2[%get3A_777, %get3A_778, %get3A_779] : memref<1x8x128xf32, #tpu.memory_space<vmem>>, vector<1x1x128xf32>
    %get3A_781 = vector.shape_cast %get3A_780 : vector<1x1x128xf32> to vector<1x128xf32>
    %transpose3A_782 = tpu.transpose %get3A_781, [1, 0] : vector<1x128xf32> -> vector<128x1xf32>
    %get3A_783 = arith.constant 0 : index
    %get3A_784 = arith.constant 5 : index
    %get3A_785 = arith.constant 0 : index
    %get3A_786 = vector.load %arg3[%get3A_783, %get3A_784, %get3A_785] : memref<1x8x128xf32, #tpu.memory_space<vmem>>, vector<1x1x128xf32>
    %get3A_787 = vector.shape_cast %get3A_786 : vector<1x1x128xf32> to vector<1x128xf32>
    %transpose3A_788 = tpu.transpose %get3A_787, [1, 0] : vector<1x128xf32> -> vector<128x1xf32>
    %get3A_789 = arith.constant 0 : index
    %get3A_790 = arith.constant 5 : index
    %get3A_791 = arith.constant 0 : index
    %get3A_792 = vector.load %arg4[%get3A_789, %get3A_790, %get3A_791] : memref<1x8x128xf32, #tpu.memory_space<vmem>>, vector<1x1x128xf32>
    %get3A_793 = vector.shape_cast %get3A_792 : vector<1x1x128xf32> to vector<1x128xf32>
    %transpose3A_794 = tpu.transpose %get3A_793, [1, 0] : vector<1x128xf32> -> vector<128x1xf32>
    %get3A_795 = arith.constant 0 : index
    %get3A_796 = arith.constant 5 : index
    %get3A_797 = arith.constant 0 : index
    %get3A_798 = vector.load %arg5[%get3A_795, %get3A_796, %get3A_797] : memref<1x8x128xf32, #tpu.memory_space<vmem>>, vector<1x1x128xf32>
    %get3A_799 = vector.shape_cast %get3A_798 : vector<1x1x128xf32> to vector<1x128xf32>
    %transpose3A_800 = tpu.transpose %get3A_799, [1, 0] : vector<1x128xf32> -> vector<128x1xf32>
    %broadcast_in_dim3A_801 = vector.shape_cast %get3A_2 : vector<128xf32> to vector<1x128xf32>
    %mul3A_802 = vector.broadcast %transpose3A_782 : vector<128x1xf32> to vector<128x128xf32>
    %mul3A_803 = vector.broadcast %broadcast_in_dim3A_801 : vector<1x128xf32> to vector<128x128xf32>
    %mul3A_804 = arith.mulf %mul3A_802, %mul3A_803 : vector<128x128xf32>
    %broadcast_in_dim3A_805 = vector.shape_cast %get3A_6 : vector<128xf32> to vector<1x128xf32>
    %mul3A_806 = vector.broadcast %transpose3A_788 : vector<128x1xf32> to vector<128x128xf32>
    %mul3A_807 = vector.broadcast %broadcast_in_dim3A_805 : vector<1x128xf32> to vector<128x128xf32>
    %mul3A_808 = arith.mulf %mul3A_806, %mul3A_807 : vector<128x128xf32>
    %add3A_809 = arith.addf %mul3A_804, %mul3A_808 : vector<128x128xf32>
    %broadcast_in_dim3A_810 = vector.shape_cast %get3A_10 : vector<128xf32> to vector<1x128xf32>
    %add3A_811 = vector.broadcast %broadcast_in_dim3A_810 : vector<1x128xf32> to vector<128x128xf32>
    %add3A_812 = arith.addf %add3A_809, %add3A_811 : vector<128x128xf32>
    %mul3A_813 = arith.constant 0.318309873 : f32
    %mul3A_814 = vector.broadcast %mul3A_813 : f32 to vector<128x128xf32>
    %mul3A_815 = arith.mulf %add3A_812, %mul3A_814 : vector<128x128xf32>
    %round3A_816 = math.roundeven %mul3A_815 : vector<128x128xf32>
    %mul3A_817 = arith.constant 3.140625 : f32
    %mul3A_818 = vector.broadcast %mul3A_817 : f32 to vector<128x128xf32>
    %mul3A_819 = arith.mulf %round3A_816, %mul3A_818 : vector<128x128xf32>
    %sub3A_820 = arith.subf %add3A_812, %mul3A_819 : vector<128x128xf32>
    %mul3A_821 = arith.constant 9.67025756E-4 : f32
    %mul3A_822 = vector.broadcast %mul3A_821 : f32 to vector<128x128xf32>
    %mul3A_823 = arith.mulf %round3A_816, %mul3A_822 : vector<128x128xf32>
    %sub3A_824 = arith.subf %sub3A_820, %mul3A_823 : vector<128x128xf32>
    %mul3A_825 = arith.constant 6.27711415E-7 : f32
    %mul3A_826 = vector.broadcast %mul3A_825 : f32 to vector<128x128xf32>
    %mul3A_827 = arith.mulf %round3A_816, %mul3A_826 : vector<128x128xf32>
    %sub3A_828 = arith.subf %sub3A_824, %mul3A_827 : vector<128x128xf32>
    %mul3A_829 = arith.constant 1.21542013E-10 : f32
    %mul3A_830 = vector.broadcast %mul3A_829 : f32 to vector<128x128xf32>
    %mul3A_831 = arith.mulf %round3A_816, %mul3A_830 : vector<128x128xf32>
    %sub3A_832 = arith.subf %sub3A_828, %mul3A_831 : vector<128x128xf32>
    %mul3A_833 = arith.mulf %sub3A_832, %sub3A_832 : vector<128x128xf32>
    %mul3A_834 = arith.constant 2.60831598E-6 : f32
    %mul3A_835 = vector.broadcast %mul3A_834 : f32 to vector<128x128xf32>
    %mul3A_836 = arith.mulf %mul3A_833, %mul3A_835 : vector<128x128xf32>
    %add3A_837 = arith.constant -1.98106907E-4 : f32
    %add3A_838 = vector.broadcast %add3A_837 : f32 to vector<128x128xf32>
    %add3A_839 = arith.addf %add3A_838, %mul3A_836 : vector<128x128xf32>
    %mul3A_840 = arith.mulf %mul3A_833, %add3A_839 : vector<128x128xf32>
    %add3A_841 = arith.constant 0.00833307859 : f32
    %add3A_842 = vector.broadcast %add3A_841 : f32 to vector<128x128xf32>
    %add3A_843 = arith.addf %add3A_842, %mul3A_840 : vector<128x128xf32>
    %mul3A_844 = arith.mulf %mul3A_833, %add3A_843 : vector<128x128xf32>
    %add3A_845 = arith.constant -0.166666597 : f32
    %add3A_846 = vector.broadcast %add3A_845 : f32 to vector<128x128xf32>
    %add3A_847 = arith.addf %add3A_846, %mul3A_844 : vector<128x128xf32>
    %mul3A_848 = arith.mulf %mul3A_833, %add3A_847 : vector<128x128xf32>
    %mul3A_849 = arith.mulf %sub3A_832, %mul3A_848 : vector<128x128xf32>
    %add3A_850 = arith.addf %sub3A_832, %mul3A_849 : vector<128x128xf32>
    %convert_element_type3A_851 = arith.fptosi %round3A_816 : vector<128x128xf32> to vector<128x128xi32>
    %shift_left3A_852 = arith.constant 31 : i32
    %shift_left3A_853 = vector.broadcast %shift_left3A_852 : i32 to vector<128x128xi32>
    %shift_left3A_854 = arith.shli %convert_element_type3A_851, %shift_left3A_853 : vector<128x128xi32>
    %bitcast_convert_type3A_855 = tpu.bitcast %add3A_850 : vector<128x128xf32> -> vector<128x128xi32>
    %xor3A_856 = arith.xori %bitcast_convert_type3A_855, %shift_left3A_854 : vector<128x128xi32>
    %bitcast_convert_type3A_857 = tpu.bitcast %xor3A_856 : vector<128x128xi32> -> vector<128x128xf32>
    %select_n3A_858 = arith.select %ge3A_24, %bitcast_convert_type3A_857, %add3A_812 : vector<128x128xi1>, vector<128x128xf32>
    %slice3A_859 = vector.extract_strided_slice %select_n3A_858 {offsets = [0, 0], sizes = [128, 64], strides = [1, 1]} : vector<128x128xf32> to vector<128x64xf32>
    %swap3A_860 = arith.constant 640 : index
    %swap3A_861 = arith.constant 0 : index
    %swap3A_862 = vector.load %arg12[%swap3A_860, %swap3A_861] : memref<1024x256xf32, #tpu.memory_space<vmem>>, vector<128x64xf32>
    tpu.vector_store %arg12[%swap3A_860, %swap3A_861], %slice3A_859 {strides = array<i32>} : memref<1024x256xf32, #tpu.memory_space<vmem>>, vector<128x64xf32>,
    %get3A_863 = arith.constant 640 : index
    %get3A_864 = arith.constant 0 : index
    %get3A_865 = vector.load %arg6[%get3A_863, %get3A_864] : memref<1024x128xf32, #tpu.memory_space<vmem>>, vector<128x64xf32>
    %swap3A_866 = arith.constant 640 : index
    %swap3A_867 = arith.constant 64 : index
    %swap3A_868 = vector.load %arg12[%swap3A_866, %swap3A_867] : memref<1024x256xf32, #tpu.memory_space<vmem>>, vector<128x64xf32>
    tpu.vector_store %arg12[%swap3A_866, %swap3A_867], %get3A_865 {strides = array<i32>} : memref<1024x256xf32, #tpu.memory_space<vmem>>, vector<128x64xf32>,
    %broadcast_in_dim3A_869 = vector.shape_cast %transpose3A_794 : vector<128x1xf32> to vector<128x1xf32>
    %broadcast_in_dim3A_870 = vector.broadcast %broadcast_in_dim3A_869 : vector<128x1xf32> to vector<128x128xf32>
    %broadcast_in_dim3A_871 = vector.shape_cast %transpose3A_800 : vector<128x1xf32> to vector<128x1xf32>
    %broadcast_in_dim3A_872 = vector.broadcast %broadcast_in_dim3A_871 : vector<128x1xf32> to vector<128x128xf32>
    %select_n3A_873 = arith.select %lt3A_20, %broadcast_in_dim3A_870, %broadcast_in_dim3A_872 : vector<128x128xi1>, vector<128x128xf32>
    %broadcast_in_dim3A_874 = vector.shape_cast %get3A_14 : vector<128xf32> to vector<1x128xf32>
    %mul3A_875 = vector.broadcast %broadcast_in_dim3A_874 : vector<1x128xf32> to vector<128x128xf32>
    %mul3A_876 = arith.mulf %select_n3A_873, %mul3A_875 : vector<128x128xf32>
    %broadcast_in_dim3A_877 = vector.shape_cast %get3A_18 : vector<128xf32> to vector<1x128xf32>
    %add3A_878 = vector.broadcast %broadcast_in_dim3A_877 : vector<1x128xf32> to vector<128x128xf32>
    %add3A_879 = arith.addf %mul3A_876, %add3A_878 : vector<128x128xf32>
    %mul3A_880 = arith.constant 0.318309873 : f32
    %mul3A_881 = vector.broadcast %mul3A_880 : f32 to vector<128x128xf32>
    %mul3A_882 = arith.mulf %add3A_879, %mul3A_881 : vector<128x128xf32>
    %round3A_883 = math.roundeven %mul3A_882 : vector<128x128xf32>
    %mul3A_884 = arith.constant 3.140625 : f32
    %mul3A_885 = vector.broadcast %mul3A_884 : f32 to vector<128x128xf32>
    %mul3A_886 = arith.mulf %round3A_883, %mul3A_885 : vector<128x128xf32>
    %sub3A_887 = arith.subf %add3A_879, %mul3A_886 : vector<128x128xf32>
    %mul3A_888 = arith.constant 9.67025756E-4 : f32
    %mul3A_889 = vector.broadcast %mul3A_888 : f32 to vector<128x128xf32>
    %mul3A_890 = arith.mulf %round3A_883, %mul3A_889 : vector<128x128xf32>
    %sub3A_891 = arith.subf %sub3A_887, %mul3A_890 : vector<128x128xf32>
    %mul3A_892 = arith.constant 6.27711415E-7 : f32
    %mul3A_893 = vector.broadcast %mul3A_892 : f32 to vector<128x128xf32>
    %mul3A_894 = arith.mulf %round3A_883, %mul3A_893 : vector<128x128xf32>
    %sub3A_895 = arith.subf %sub3A_891, %mul3A_894 : vector<128x128xf32>
    %mul3A_896 = arith.constant 1.21542013E-10 : f32
    %mul3A_897 = vector.broadcast %mul3A_896 : f32 to vector<128x128xf32>
    %mul3A_898 = arith.mulf %round3A_883, %mul3A_897 : vector<128x128xf32>
    %sub3A_899 = arith.subf %sub3A_895, %mul3A_898 : vector<128x128xf32>
    %mul3A_900 = arith.mulf %sub3A_899, %sub3A_899 : vector<128x128xf32>
    %mul3A_901 = arith.constant 2.60831598E-6 : f32
    %mul3A_902 = vector.broadcast %mul3A_901 : f32 to vector<128x128xf32>
    %mul3A_903 = arith.mulf %mul3A_900, %mul3A_902 : vector<128x128xf32>
    %add3A_904 = arith.constant -1.98106907E-4 : f32
    %add3A_905 = vector.broadcast %add3A_904 : f32 to vector<128x128xf32>
    %add3A_906 = arith.addf %add3A_905, %mul3A_903 : vector<128x128xf32>
    %mul3A_907 = arith.mulf %mul3A_900, %add3A_906 : vector<128x128xf32>
    %add3A_908 = arith.constant 0.00833307859 : f32
    %add3A_909 = vector.broadcast %add3A_908 : f32 to vector<128x128xf32>
    %add3A_910 = arith.addf %add3A_909, %mul3A_907 : vector<128x128xf32>
    %mul3A_911 = arith.mulf %mul3A_900, %add3A_910 : vector<128x128xf32>
    %add3A_912 = arith.constant -0.166666597 : f32
    %add3A_913 = vector.broadcast %add3A_912 : f32 to vector<128x128xf32>
    %add3A_914 = arith.addf %add3A_913, %mul3A_911 : vector<128x128xf32>
    %mul3A_915 = arith.mulf %mul3A_900, %add3A_914 : vector<128x128xf32>
    %mul3A_916 = arith.mulf %sub3A_899, %mul3A_915 : vector<128x128xf32>
    %add3A_917 = arith.addf %sub3A_899, %mul3A_916 : vector<128x128xf32>
    %convert_element_type3A_918 = arith.fptosi %round3A_883 : vector<128x128xf32> to vector<128x128xi32>
    %shift_left3A_919 = arith.constant 31 : i32
    %shift_left3A_920 = vector.broadcast %shift_left3A_919 : i32 to vector<128x128xi32>
    %shift_left3A_921 = arith.shli %convert_element_type3A_918, %shift_left3A_920 : vector<128x128xi32>
    %bitcast_convert_type3A_922 = tpu.bitcast %add3A_917 : vector<128x128xf32> -> vector<128x128xi32>
    %xor3A_923 = arith.xori %bitcast_convert_type3A_922, %shift_left3A_921 : vector<128x128xi32>
    %bitcast_convert_type3A_924 = tpu.bitcast %xor3A_923 : vector<128x128xi32> -> vector<128x128xf32>
    %select_n3A_925 = arith.select %eq3A_29, %add3A_879, %bitcast_convert_type3A_924 : vector<128x128xi1>, vector<128x128xf32>
    %swap3A_926 = arith.constant 640 : index
    %swap3A_927 = arith.constant 128 : index
    %swap3A_928 = vector.load %arg12[%swap3A_926, %swap3A_927] : memref<1024x256xf32, #tpu.memory_space<vmem>>, vector<128x128xf32>
    tpu.vector_store %arg12[%swap3A_926, %swap3A_927], %select_n3A_925 {strides = array<i32>} : memref<1024x256xf32, #tpu.memory_space<vmem>>, vector<128x128xf32>,
    %get3A_929 = arith.constant 0 : index
    %get3A_930 = arith.constant 6 : index
    %get3A_931 = arith.constant 0 : index
    %get3A_932 = vector.load %arg2[%get3A_929, %get3A_930, %get3A_931] : memref<1x8x128xf32, #tpu.memory_space<vmem>>, vector<1x1x128xf32>
    %get3A_933 = vector.shape_cast %get3A_932 : vector<1x1x128xf32> to vector<1x128xf32>
    %transpose3A_934 = tpu.transpose %get3A_933, [1, 0] : vector<1x128xf32> -> vector<128x1xf32>
    %get3A_935 = arith.constant 0 : index
    %get3A_936 = arith.constant 6 : index
    %get3A_937 = arith.constant 0 : index
    %get3A_938 = vector.load %arg3[%get3A_935, %get3A_936, %get3A_937] : memref<1x8x128xf32, #tpu.memory_space<vmem>>, vector<1x1x128xf32>
    %get3A_939 = vector.shape_cast %get3A_938 : vector<1x1x128xf32> to vector<1x128xf32>
    %transpose3A_940 = tpu.transpose %get3A_939, [1, 0] : vector<1x128xf32> -> vector<128x1xf32>
    %get3A_941 = arith.constant 0 : index
    %get3A_942 = arith.constant 6 : index
    %get3A_943 = arith.constant 0 : index
    %get3A_944 = vector.load %arg4[%get3A_941, %get3A_942, %get3A_943] : memref<1x8x128xf32, #tpu.memory_space<vmem>>, vector<1x1x128xf32>
    %get3A_945 = vector.shape_cast %get3A_944 : vector<1x1x128xf32> to vector<1x128xf32>
    %transpose3A_946 = tpu.transpose %get3A_945, [1, 0] : vector<1x128xf32> -> vector<128x1xf32>
    %get3A_947 = arith.constant 0 : index
    %get3A_948 = arith.constant 6 : index
    %get3A_949 = arith.constant 0 : index
    %get3A_950 = vector.load %arg5[%get3A_947, %get3A_948, %get3A_949] : memref<1x8x128xf32, #tpu.memory_space<vmem>>, vector<1x1x128xf32>
    %get3A_951 = vector.shape_cast %get3A_950 : vector<1x1x128xf32> to vector<1x128xf32>
    %transpose3A_952 = tpu.transpose %get3A_951, [1, 0] : vector<1x128xf32> -> vector<128x1xf32>
    %broadcast_in_dim3A_953 = vector.shape_cast %get3A_2 : vector<128xf32> to vector<1x128xf32>
    %mul3A_954 = vector.broadcast %transpose3A_934 : vector<128x1xf32> to vector<128x128xf32>
    %mul3A_955 = vector.broadcast %broadcast_in_dim3A_953 : vector<1x128xf32> to vector<128x128xf32>
    %mul3A_956 = arith.mulf %mul3A_954, %mul3A_955 : vector<128x128xf32>
    %broadcast_in_dim3A_957 = vector.shape_cast %get3A_6 : vector<128xf32> to vector<1x128xf32>
    %mul3A_958 = vector.broadcast %transpose3A_940 : vector<128x1xf32> to vector<128x128xf32>
    %mul3A_959 = vector.broadcast %broadcast_in_dim3A_957 : vector<1x128xf32> to vector<128x128xf32>
    %mul3A_960 = arith.mulf %mul3A_958, %mul3A_959 : vector<128x128xf32>
    %add3A_961 = arith.addf %mul3A_956, %mul3A_960 : vector<128x128xf32>
    %broadcast_in_dim3A_962 = vector.shape_cast %get3A_10 : vector<128xf32> to vector<1x128xf32>
    %add3A_963 = vector.broadcast %broadcast_in_dim3A_962 : vector<1x128xf32> to vector<128x128xf32>
    %add3A_964 = arith.addf %add3A_961, %add3A_963 : vector<128x128xf32>
    %mul3A_965 = arith.constant 0.318309873 : f32
    %mul3A_966 = vector.broadcast %mul3A_965 : f32 to vector<128x128xf32>
    %mul3A_967 = arith.mulf %add3A_964, %mul3A_966 : vector<128x128xf32>
    %round3A_968 = math.roundeven %mul3A_967 : vector<128x128xf32>
    %mul3A_969 = arith.constant 3.140625 : f32
    %mul3A_970 = vector.broadcast %mul3A_969 : f32 to vector<128x128xf32>
    %mul3A_971 = arith.mulf %round3A_968, %mul3A_970 : vector<128x128xf32>
    %sub3A_972 = arith.subf %add3A_964, %mul3A_971 : vector<128x128xf32>
    %mul3A_973 = arith.constant 9.67025756E-4 : f32
    %mul3A_974 = vector.broadcast %mul3A_973 : f32 to vector<128x128xf32>
    %mul3A_975 = arith.mulf %round3A_968, %mul3A_974 : vector<128x128xf32>
    %sub3A_976 = arith.subf %sub3A_972, %mul3A_975 : vector<128x128xf32>
    %mul3A_977 = arith.constant 6.27711415E-7 : f32
    %mul3A_978 = vector.broadcast %mul3A_977 : f32 to vector<128x128xf32>
    %mul3A_979 = arith.mulf %round3A_968, %mul3A_978 : vector<128x128xf32>
    %sub3A_980 = arith.subf %sub3A_976, %mul3A_979 : vector<128x128xf32>
    %mul3A_981 = arith.constant 1.21542013E-10 : f32
    %mul3A_982 = vector.broadcast %mul3A_981 : f32 to vector<128x128xf32>
    %mul3A_983 = arith.mulf %round3A_968, %mul3A_982 : vector<128x128xf32>
    %sub3A_984 = arith.subf %sub3A_980, %mul3A_983 : vector<128x128xf32>
    %mul3A_985 = arith.mulf %sub3A_984, %sub3A_984 : vector<128x128xf32>
    %mul3A_986 = arith.constant 2.60831598E-6 : f32
    %mul3A_987 = vector.broadcast %mul3A_986 : f32 to vector<128x128xf32>
    %mul3A_988 = arith.mulf %mul3A_985, %mul3A_987 : vector<128x128xf32>
    %add3A_989 = arith.constant -1.98106907E-4 : f32
    %add3A_990 = vector.broadcast %add3A_989 : f32 to vector<128x128xf32>
    %add3A_991 = arith.addf %add3A_990, %mul3A_988 : vector<128x128xf32>
    %mul3A_992 = arith.mulf %mul3A_985, %add3A_991 : vector<128x128xf32>
    %add3A_993 = arith.constant 0.00833307859 : f32
    %add3A_994 = vector.broadcast %add3A_993 : f32 to vector<128x128xf32>
    %add3A_995 = arith.addf %add3A_994, %mul3A_992 : vector<128x128xf32>
    %mul3A_996 = arith.mulf %mul3A_985, %add3A_995 : vector<128x128xf32>
    %add3A_997 = arith.constant -0.166666597 : f32
    %add3A_998 = vector.broadcast %add3A_997 : f32 to vector<128x128xf32>
    %add3A_999 = arith.addf %add3A_998, %mul3A_996 : vector<128x128xf32>
    %mul3A_1000 = arith.mulf %mul3A_985, %add3A_999 : vector<128x128xf32>
    %mul3A_1001 = arith.mulf %sub3A_984, %mul3A_1000 : vector<128x128xf32>
    %add3A_1002 = arith.addf %sub3A_984, %mul3A_1001 : vector<128x128xf32>
    %convert_element_type3A_1003 = arith.fptosi %round3A_968 : vector<128x128xf32> to vector<128x128xi32>
    %shift_left3A_1004 = arith.constant 31 : i32
    %shift_left3A_1005 = vector.broadcast %shift_left3A_1004 : i32 to vector<128x128xi32>
    %shift_left3A_1006 = arith.shli %convert_element_type3A_1003, %shift_left3A_1005 : vector<128x128xi32>
    %bitcast_convert_type3A_1007 = tpu.bitcast %add3A_1002 : vector<128x128xf32> -> vector<128x128xi32>
    %xor3A_1008 = arith.xori %bitcast_convert_type3A_1007, %shift_left3A_1006 : vector<128x128xi32>
    %bitcast_convert_type3A_1009 = tpu.bitcast %xor3A_1008 : vector<128x128xi32> -> vector<128x128xf32>
    %select_n3A_1010 = arith.select %ge3A_24, %bitcast_convert_type3A_1009, %add3A_964 : vector<128x128xi1>, vector<128x128xf32>
    %slice3A_1011 = vector.extract_strided_slice %select_n3A_1010 {offsets = [0, 0], sizes = [128, 64], strides = [1, 1]} : vector<128x128xf32> to vector<128x64xf32>
    %swap3A_1012 = arith.constant 768 : index
    %swap3A_1013 = arith.constant 0 : index
    %swap3A_1014 = vector.load %arg12[%swap3A_1012, %swap3A_1013] : memref<1024x256xf32, #tpu.memory_space<vmem>>, vector<128x64xf32>
    tpu.vector_store %arg12[%swap3A_1012, %swap3A_1013], %slice3A_1011 {strides = array<i32>} : memref<1024x256xf32, #tpu.memory_space<vmem>>, vector<128x64xf32>,
    %get3A_1015 = arith.constant 768 : index
    %get3A_1016 = arith.constant 0 : index
    %get3A_1017 = vector.load %arg6[%get3A_1015, %get3A_1016] : memref<1024x128xf32, #tpu.memory_space<vmem>>, vector<128x64xf32>
    %swap3A_1018 = arith.constant 768 : index
    %swap3A_1019 = arith.constant 64 : index
    %swap3A_1020 = vector.load %arg12[%swap3A_1018, %swap3A_1019] : memref<1024x256xf32, #tpu.memory_space<vmem>>, vector<128x64xf32>
    tpu.vector_store %arg12[%swap3A_1018, %swap3A_1019], %get3A_1017 {strides = array<i32>} : memref<1024x256xf32, #tpu.memory_space<vmem>>, vector<128x64xf32>,
    %broadcast_in_dim3A_1021 = vector.shape_cast %transpose3A_946 : vector<128x1xf32> to vector<128x1xf32>
    %broadcast_in_dim3A_1022 = vector.broadcast %broadcast_in_dim3A_1021 : vector<128x1xf32> to vector<128x128xf32>
    %broadcast_in_dim3A_1023 = vector.shape_cast %transpose3A_952 : vector<128x1xf32> to vector<128x1xf32>
    %broadcast_in_dim3A_1024 = vector.broadcast %broadcast_in_dim3A_1023 : vector<128x1xf32> to vector<128x128xf32>
    %select_n3A_1025 = arith.select %lt3A_20, %broadcast_in_dim3A_1022, %broadcast_in_dim3A_1024 : vector<128x128xi1>, vector<128x128xf32>
    %broadcast_in_dim3A_1026 = vector.shape_cast %get3A_14 : vector<128xf32> to vector<1x128xf32>
    %mul3A_1027 = vector.broadcast %broadcast_in_dim3A_1026 : vector<1x128xf32> to vector<128x128xf32>
    %mul3A_1028 = arith.mulf %select_n3A_1025, %mul3A_1027 : vector<128x128xf32>
    %broadcast_in_dim3A_1029 = vector.shape_cast %get3A_18 : vector<128xf32> to vector<1x128xf32>
    %add3A_1030 = vector.broadcast %broadcast_in_dim3A_1029 : vector<1x128xf32> to vector<128x128xf32>
    %add3A_1031 = arith.addf %mul3A_1028, %add3A_1030 : vector<128x128xf32>
    %mul3A_1032 = arith.constant 0.318309873 : f32
    %mul3A_1033 = vector.broadcast %mul3A_1032 : f32 to vector<128x128xf32>
    %mul3A_1034 = arith.mulf %add3A_1031, %mul3A_1033 : vector<128x128xf32>
    %round3A_1035 = math.roundeven %mul3A_1034 : vector<128x128xf32>
    %mul3A_1036 = arith.constant 3.140625 : f32
    %mul3A_1037 = vector.broadcast %mul3A_1036 : f32 to vector<128x128xf32>
    %mul3A_1038 = arith.mulf %round3A_1035, %mul3A_1037 : vector<128x128xf32>
    %sub3A_1039 = arith.subf %add3A_1031, %mul3A_1038 : vector<128x128xf32>
    %mul3A_1040 = arith.constant 9.67025756E-4 : f32
    %mul3A_1041 = vector.broadcast %mul3A_1040 : f32 to vector<128x128xf32>
    %mul3A_1042 = arith.mulf %round3A_1035, %mul3A_1041 : vector<128x128xf32>
    %sub3A_1043 = arith.subf %sub3A_1039, %mul3A_1042 : vector<128x128xf32>
    %mul3A_1044 = arith.constant 6.27711415E-7 : f32
    %mul3A_1045 = vector.broadcast %mul3A_1044 : f32 to vector<128x128xf32>
    %mul3A_1046 = arith.mulf %round3A_1035, %mul3A_1045 : vector<128x128xf32>
    %sub3A_1047 = arith.subf %sub3A_1043, %mul3A_1046 : vector<128x128xf32>
    %mul3A_1048 = arith.constant 1.21542013E-10 : f32
    %mul3A_1049 = vector.broadcast %mul3A_1048 : f32 to vector<128x128xf32>
    %mul3A_1050 = arith.mulf %round3A_1035, %mul3A_1049 : vector<128x128xf32>
    %sub3A_1051 = arith.subf %sub3A_1047, %mul3A_1050 : vector<128x128xf32>
    %mul3A_1052 = arith.mulf %sub3A_1051, %sub3A_1051 : vector<128x128xf32>
    %mul3A_1053 = arith.constant 2.60831598E-6 : f32
    %mul3A_1054 = vector.broadcast %mul3A_1053 : f32 to vector<128x128xf32>
    %mul3A_1055 = arith.mulf %mul3A_1052, %mul3A_1054 : vector<128x128xf32>
    %add3A_1056 = arith.constant -1.98106907E-4 : f32
    %add3A_1057 = vector.broadcast %add3A_1056 : f32 to vector<128x128xf32>
    %add3A_1058 = arith.addf %add3A_1057, %mul3A_1055 : vector<128x128xf32>
    %mul3A_1059 = arith.mulf %mul3A_1052, %add3A_1058 : vector<128x128xf32>
    %add3A_1060 = arith.constant 0.00833307859 : f32
    %add3A_1061 = vector.broadcast %add3A_1060 : f32 to vector<128x128xf32>
    %add3A_1062 = arith.addf %add3A_1061, %mul3A_1059 : vector<128x128xf32>
    %mul3A_1063 = arith.mulf %mul3A_1052, %add3A_1062 : vector<128x128xf32>
    %add3A_1064 = arith.constant -0.166666597 : f32
    %add3A_1065 = vector.broadcast %add3A_1064 : f32 to vector<128x128xf32>
    %add3A_1066 = arith.addf %add3A_1065, %mul3A_1063 : vector<128x128xf32>
    %mul3A_1067 = arith.mulf %mul3A_1052, %add3A_1066 : vector<128x128xf32>
    %mul3A_1068 = arith.mulf %sub3A_1051, %mul3A_1067 : vector<128x128xf32>
    %add3A_1069 = arith.addf %sub3A_1051, %mul3A_1068 : vector<128x128xf32>
    %convert_element_type3A_1070 = arith.fptosi %round3A_1035 : vector<128x128xf32> to vector<128x128xi32>
    %shift_left3A_1071 = arith.constant 31 : i32
    %shift_left3A_1072 = vector.broadcast %shift_left3A_1071 : i32 to vector<128x128xi32>
    %shift_left3A_1073 = arith.shli %convert_element_type3A_1070, %shift_left3A_1072 : vector<128x128xi32>
    %bitcast_convert_type3A_1074 = tpu.bitcast %add3A_1069 : vector<128x128xf32> -> vector<128x128xi32>
    %xor3A_1075 = arith.xori %bitcast_convert_type3A_1074, %shift_left3A_1073 : vector<128x128xi32>
    %bitcast_convert_type3A_1076 = tpu.bitcast %xor3A_1075 : vector<128x128xi32> -> vector<128x128xf32>
    %select_n3A_1077 = arith.select %eq3A_29, %add3A_1031, %bitcast_convert_type3A_1076 : vector<128x128xi1>, vector<128x128xf32>
    %swap3A_1078 = arith.constant 768 : index
    %swap3A_1079 = arith.constant 128 : index
    %swap3A_1080 = vector.load %arg12[%swap3A_1078, %swap3A_1079] : memref<1024x256xf32, #tpu.memory_space<vmem>>, vector<128x128xf32>
    tpu.vector_store %arg12[%swap3A_1078, %swap3A_1079], %select_n3A_1077 {strides = array<i32>} : memref<1024x256xf32, #tpu.memory_space<vmem>>, vector<128x128xf32>,
    %get3A_1081 = arith.constant 0 : index
    %get3A_1082 = arith.constant 7 : index
    %get3A_1083 = arith.constant 0 : index
    %get3A_1084 = vector.load %arg2[%get3A_1081, %get3A_1082, %get3A_1083] : memref<1x8x128xf32, #tpu.memory_space<vmem>>, vector<1x1x128xf32>
    %get3A_1085 = vector.shape_cast %get3A_1084 : vector<1x1x128xf32> to vector<1x128xf32>
    %transpose3A_1086 = tpu.transpose %get3A_1085, [1, 0] : vector<1x128xf32> -> vector<128x1xf32>
    %get3A_1087 = arith.constant 0 : index
    %get3A_1088 = arith.constant 7 : index
    %get3A_1089 = arith.constant 0 : index
    %get3A_1090 = vector.load %arg3[%get3A_1087, %get3A_1088, %get3A_1089] : memref<1x8x128xf32, #tpu.memory_space<vmem>>, vector<1x1x128xf32>
    %get3A_1091 = vector.shape_cast %get3A_1090 : vector<1x1x128xf32> to vector<1x128xf32>
    %transpose3A_1092 = tpu.transpose %get3A_1091, [1, 0] : vector<1x128xf32> -> vector<128x1xf32>
    %get3A_1093 = arith.constant 0 : index
    %get3A_1094 = arith.constant 7 : index
    %get3A_1095 = arith.constant 0 : index
    %get3A_1096 = vector.load %arg4[%get3A_1093, %get3A_1094, %get3A_1095] : memref<1x8x128xf32, #tpu.memory_space<vmem>>, vector<1x1x128xf32>
    %get3A_1097 = vector.shape_cast %get3A_1096 : vector<1x1x128xf32> to vector<1x128xf32>
    %transpose3A_1098 = tpu.transpose %get3A_1097, [1, 0] : vector<1x128xf32> -> vector<128x1xf32>
    %get3A_1099 = arith.constant 0 : index
    %get3A_1100 = arith.constant 7 : index
    %get3A_1101 = arith.constant 0 : index
    %get3A_1102 = vector.load %arg5[%get3A_1099, %get3A_1100, %get3A_1101] : memref<1x8x128xf32, #tpu.memory_space<vmem>>, vector<1x1x128xf32>
    %get3A_1103 = vector.shape_cast %get3A_1102 : vector<1x1x128xf32> to vector<1x128xf32>
    %transpose3A_1104 = tpu.transpose %get3A_1103, [1, 0] : vector<1x128xf32> -> vector<128x1xf32>
    %broadcast_in_dim3A_1105 = vector.shape_cast %get3A_2 : vector<128xf32> to vector<1x128xf32>
    %mul3A_1106 = vector.broadcast %transpose3A_1086 : vector<128x1xf32> to vector<128x128xf32>
    %mul3A_1107 = vector.broadcast %broadcast_in_dim3A_1105 : vector<1x128xf32> to vector<128x128xf32>
    %mul3A_1108 = arith.mulf %mul3A_1106, %mul3A_1107 : vector<128x128xf32>
    %broadcast_in_dim3A_1109 = vector.shape_cast %get3A_6 : vector<128xf32> to vector<1x128xf32>
    %mul3A_1110 = vector.broadcast %transpose3A_1092 : vector<128x1xf32> to vector<128x128xf32>
    %mul3A_1111 = vector.broadcast %broadcast_in_dim3A_1109 : vector<1x128xf32> to vector<128x128xf32>
    %mul3A_1112 = arith.mulf %mul3A_1110, %mul3A_1111 : vector<128x128xf32>
    %add3A_1113 = arith.addf %mul3A_1108, %mul3A_1112 : vector<128x128xf32>
    %broadcast_in_dim3A_1114 = vector.shape_cast %get3A_10 : vector<128xf32> to vector<1x128xf32>
    %add3A_1115 = vector.broadcast %broadcast_in_dim3A_1114 : vector<1x128xf32> to vector<128x128xf32>
    %add3A_1116 = arith.addf %add3A_1113, %add3A_1115 : vector<128x128xf32>
    %mul3A_1117 = arith.constant 0.318309873 : f32
    %mul3A_1118 = vector.broadcast %mul3A_1117 : f32 to vector<128x128xf32>
    %mul3A_1119 = arith.mulf %add3A_1116, %mul3A_1118 : vector<128x128xf32>
    %round3A_1120 = math.roundeven %mul3A_1119 : vector<128x128xf32>
    %mul3A_1121 = arith.constant 3.140625 : f32
    %mul3A_1122 = vector.broadcast %mul3A_1121 : f32 to vector<128x128xf32>
    %mul3A_1123 = arith.mulf %round3A_1120, %mul3A_1122 : vector<128x128xf32>
    %sub3A_1124 = arith.subf %add3A_1116, %mul3A_1123 : vector<128x128xf32>
    %mul3A_1125 = arith.constant 9.67025756E-4 : f32
    %mul3A_1126 = vector.broadcast %mul3A_1125 : f32 to vector<128x128xf32>
    %mul3A_1127 = arith.mulf %round3A_1120, %mul3A_1126 : vector<128x128xf32>
    %sub3A_1128 = arith.subf %sub3A_1124, %mul3A_1127 : vector<128x128xf32>
    %mul3A_1129 = arith.constant 6.27711415E-7 : f32
    %mul3A_1130 = vector.broadcast %mul3A_1129 : f32 to vector<128x128xf32>
    %mul3A_1131 = arith.mulf %round3A_1120, %mul3A_1130 : vector<128x128xf32>
    %sub3A_1132 = arith.subf %sub3A_1128, %mul3A_1131 : vector<128x128xf32>
    %mul3A_1133 = arith.constant 1.21542013E-10 : f32
    %mul3A_1134 = vector.broadcast %mul3A_1133 : f32 to vector<128x128xf32>
    %mul3A_1135 = arith.mulf %round3A_1120, %mul3A_1134 : vector<128x128xf32>
    %sub3A_1136 = arith.subf %sub3A_1132, %mul3A_1135 : vector<128x128xf32>
    %mul3A_1137 = arith.mulf %sub3A_1136, %sub3A_1136 : vector<128x128xf32>
    %mul3A_1138 = arith.constant 2.60831598E-6 : f32
    %mul3A_1139 = vector.broadcast %mul3A_1138 : f32 to vector<128x128xf32>
    %mul3A_1140 = arith.mulf %mul3A_1137, %mul3A_1139 : vector<128x128xf32>
    %add3A_1141 = arith.constant -1.98106907E-4 : f32
    %add3A_1142 = vector.broadcast %add3A_1141 : f32 to vector<128x128xf32>
    %add3A_1143 = arith.addf %add3A_1142, %mul3A_1140 : vector<128x128xf32>
    %mul3A_1144 = arith.mulf %mul3A_1137, %add3A_1143 : vector<128x128xf32>
    %add3A_1145 = arith.constant 0.00833307859 : f32
    %add3A_1146 = vector.broadcast %add3A_1145 : f32 to vector<128x128xf32>
    %add3A_1147 = arith.addf %add3A_1146, %mul3A_1144 : vector<128x128xf32>
    %mul3A_1148 = arith.mulf %mul3A_1137, %add3A_1147 : vector<128x128xf32>
    %add3A_1149 = arith.constant -0.166666597 : f32
    %add3A_1150 = vector.broadcast %add3A_1149 : f32 to vector<128x128xf32>
    %add3A_1151 = arith.addf %add3A_1150, %mul3A_1148 : vector<128x128xf32>
    %mul3A_1152 = arith.mulf %mul3A_1137, %add3A_1151 : vector<128x128xf32>
    %mul3A_1153 = arith.mulf %sub3A_1136, %mul3A_1152 : vector<128x128xf32>
    %add3A_1154 = arith.addf %sub3A_1136, %mul3A_1153 : vector<128x128xf32>
    %convert_element_type3A_1155 = arith.fptosi %round3A_1120 : vector<128x128xf32> to vector<128x128xi32>
    %shift_left3A_1156 = arith.constant 31 : i32
    %shift_left3A_1157 = vector.broadcast %shift_left3A_1156 : i32 to vector<128x128xi32>
    %shift_left3A_1158 = arith.shli %convert_element_type3A_1155, %shift_left3A_1157 : vector<128x128xi32>
    %bitcast_convert_type3A_1159 = tpu.bitcast %add3A_1154 : vector<128x128xf32> -> vector<128x128xi32>
    %xor3A_1160 = arith.xori %bitcast_convert_type3A_1159, %shift_left3A_1158 : vector<128x128xi32>
    %bitcast_convert_type3A_1161 = tpu.bitcast %xor3A_1160 : vector<128x128xi32> -> vector<128x128xf32>
    %select_n3A_1162 = arith.select %ge3A_24, %bitcast_convert_type3A_1161, %add3A_1116 : vector<128x128xi1>, vector<128x128xf32>
    %slice3A_1163 = vector.extract_strided_slice %select_n3A_1162 {offsets = [0, 0], sizes = [128, 64], strides = [1, 1]} : vector<128x128xf32> to vector<128x64xf32>
    %swap3A_1164 = arith.constant 896 : index
    %swap3A_1165 = arith.constant 0 : index
    %swap3A_1166 = vector.load %arg12[%swap3A_1164, %swap3A_1165] : memref<1024x256xf32, #tpu.memory_space<vmem>>, vector<128x64xf32>
    tpu.vector_store %arg12[%swap3A_1164, %swap3A_1165], %slice3A_1163 {strides = array<i32>} : memref<1024x256xf32, #tpu.memory_space<vmem>>, vector<128x64xf32>,
    %get3A_1167 = arith.constant 896 : index
    %get3A_1168 = arith.constant 0 : index
    %get3A_1169 = vector.load %arg6[%get3A_1167, %get3A_1168] : memref<1024x128xf32, #tpu.memory_space<vmem>>, vector<128x64xf32>
    %swap3A_1170 = arith.constant 896 : index
    %swap3A_1171 = arith.constant 64 : index
    %swap3A_1172 = vector.load %arg12[%swap3A_1170, %swap3A_1171] : memref<1024x256xf32, #tpu.memory_space<vmem>>, vector<128x64xf32>
    tpu.vector_store %arg12[%swap3A_1170, %swap3A_1171], %get3A_1169 {strides = array<i32>} : memref<1024x256xf32, #tpu.memory_space<vmem>>, vector<128x64xf32>,
    %broadcast_in_dim3A_1173 = vector.shape_cast %transpose3A_1098 : vector<128x1xf32> to vector<128x1xf32>
    %broadcast_in_dim3A_1174 = vector.broadcast %broadcast_in_dim3A_1173 : vector<128x1xf32> to vector<128x128xf32>
    %broadcast_in_dim3A_1175 = vector.shape_cast %transpose3A_1104 : vector<128x1xf32> to vector<128x1xf32>
    %broadcast_in_dim3A_1176 = vector.broadcast %broadcast_in_dim3A_1175 : vector<128x1xf32> to vector<128x128xf32>
    %select_n3A_1177 = arith.select %lt3A_20, %broadcast_in_dim3A_1174, %broadcast_in_dim3A_1176 : vector<128x128xi1>, vector<128x128xf32>
    %broadcast_in_dim3A_1178 = vector.shape_cast %get3A_14 : vector<128xf32> to vector<1x128xf32>
    %mul3A_1179 = vector.broadcast %broadcast_in_dim3A_1178 : vector<1x128xf32> to vector<128x128xf32>
    %mul3A_1180 = arith.mulf %select_n3A_1177, %mul3A_1179 : vector<128x128xf32>
    %broadcast_in_dim3A_1181 = vector.shape_cast %get3A_18 : vector<128xf32> to vector<1x128xf32>
    %add3A_1182 = vector.broadcast %broadcast_in_dim3A_1181 : vector<1x128xf32> to vector<128x128xf32>
    %add3A_1183 = arith.addf %mul3A_1180, %add3A_1182 : vector<128x128xf32>
    %mul3A_1184 = arith.constant 0.318309873 : f32
    %mul3A_1185 = vector.broadcast %mul3A_1184 : f32 to vector<128x128xf32>
    %mul3A_1186 = arith.mulf %add3A_1183, %mul3A_1185 : vector<128x128xf32>
    %round3A_1187 = math.roundeven %mul3A_1186 : vector<128x128xf32>
    %mul3A_1188 = arith.constant 3.140625 : f32
    %mul3A_1189 = vector.broadcast %mul3A_1188 : f32 to vector<128x128xf32>
    %mul3A_1190 = arith.mulf %round3A_1187, %mul3A_1189 : vector<128x128xf32>
    %sub3A_1191 = arith.subf %add3A_1183, %mul3A_1190 : vector<128x128xf32>
    %mul3A_1192 = arith.constant 9.67025756E-4 : f32
    %mul3A_1193 = vector.broadcast %mul3A_1192 : f32 to vector<128x128xf32>
    %mul3A_1194 = arith.mulf %round3A_1187, %mul3A_1193 : vector<128x128xf32>
    %sub3A_1195 = arith.subf %sub3A_1191, %mul3A_1194 : vector<128x128xf32>
    %mul3A_1196 = arith.constant 6.27711415E-7 : f32
    %mul3A_1197 = vector.broadcast %mul3A_1196 : f32 to vector<128x128xf32>
    %mul3A_1198 = arith.mulf %round3A_1187, %mul3A_1197 : vector<128x128xf32>
    %sub3A_1199 = arith.subf %sub3A_1195, %mul3A_1198 : vector<128x128xf32>
    %mul3A_1200 = arith.constant 1.21542013E-10 : f32
    %mul3A_1201 = vector.broadcast %mul3A_1200 : f32 to vector<128x128xf32>
    %mul3A_1202 = arith.mulf %round3A_1187, %mul3A_1201 : vector<128x128xf32>
    %sub3A_1203 = arith.subf %sub3A_1199, %mul3A_1202 : vector<128x128xf32>
    %mul3A_1204 = arith.mulf %sub3A_1203, %sub3A_1203 : vector<128x128xf32>
    %mul3A_1205 = arith.constant 2.60831598E-6 : f32
    %mul3A_1206 = vector.broadcast %mul3A_1205 : f32 to vector<128x128xf32>
    %mul3A_1207 = arith.mulf %mul3A_1204, %mul3A_1206 : vector<128x128xf32>
    %add3A_1208 = arith.constant -1.98106907E-4 : f32
    %add3A_1209 = vector.broadcast %add3A_1208 : f32 to vector<128x128xf32>
    %add3A_1210 = arith.addf %add3A_1209, %mul3A_1207 : vector<128x128xf32>
    %mul3A_1211 = arith.mulf %mul3A_1204, %add3A_1210 : vector<128x128xf32>
    %add3A_1212 = arith.constant 0.00833307859 : f32
    %add3A_1213 = vector.broadcast %add3A_1212 : f32 to vector<128x128xf32>
    %add3A_1214 = arith.addf %add3A_1213, %mul3A_1211 : vector<128x128xf32>
    %mul3A_1215 = arith.mulf %mul3A_1204, %add3A_1214 : vector<128x128xf32>
    %add3A_1216 = arith.constant -0.166666597 : f32
    %add3A_1217 = vector.broadcast %add3A_1216 : f32 to vector<128x128xf32>
    %add3A_1218 = arith.addf %add3A_1217, %mul3A_1215 : vector<128x128xf32>
    %mul3A_1219 = arith.mulf %mul3A_1204, %add3A_1218 : vector<128x128xf32>
    %mul3A_1220 = arith.mulf %sub3A_1203, %mul3A_1219 : vector<128x128xf32>
    %add3A_1221 = arith.addf %sub3A_1203, %mul3A_1220 : vector<128x128xf32>
    %convert_element_type3A_1222 = arith.fptosi %round3A_1187 : vector<128x128xf32> to vector<128x128xi32>
    %shift_left3A_1223 = arith.constant 31 : i32
    %shift_left3A_1224 = vector.broadcast %shift_left3A_1223 : i32 to vector<128x128xi32>
    %shift_left3A_1225 = arith.shli %convert_element_type3A_1222, %shift_left3A_1224 : vector<128x128xi32>
    %bitcast_convert_type3A_1226 = tpu.bitcast %add3A_1221 : vector<128x128xf32> -> vector<128x128xi32>
    %xor3A_1227 = arith.xori %bitcast_convert_type3A_1226, %shift_left3A_1225 : vector<128x128xi32>
    %bitcast_convert_type3A_1228 = tpu.bitcast %xor3A_1227 : vector<128x128xi32> -> vector<128x128xf32>
    %select_n3A_1229 = arith.select %eq3A_29, %add3A_1183, %bitcast_convert_type3A_1228 : vector<128x128xi1>, vector<128x128xf32>
    %swap3A_1230 = arith.constant 896 : index
    %swap3A_1231 = arith.constant 128 : index
    %swap3A_1232 = vector.load %arg12[%swap3A_1230, %swap3A_1231] : memref<1024x256xf32, #tpu.memory_space<vmem>>, vector<128x128xf32>
    tpu.vector_store %arg12[%swap3A_1230, %swap3A_1231], %select_n3A_1229 {strides = array<i32>} : memref<1024x256xf32, #tpu.memory_space<vmem>>, vector<128x128xf32>,
    return
  }
  func.func @transform_1(%arg0: i32) -> (i32, i32, i32) {
    %add3A = arith.constant 100 : i32
    %add3A_0 = arith.addi %arg0, %add3A : i32
    %c0_i32 = arith.constant 0 : i32
    %c0_i32_1 = arith.constant 0 : i32
    %c0_i32_2 = arith.constant 0 : i32
    return %add3A_0, %c0_i32, %c0_i32_1 : i32, i32, i32
  }
  func.func @transform_2(%arg0: i32) -> (i32, i32, i32) {
    %add3A = arith.constant 100 : i32
    %add3A_0 = arith.addi %arg0, %add3A : i32
    %c0_i32 = arith.constant 0 : i32
    %c0_i32_1 = arith.constant 0 : i32
    %c0_i32_2 = arith.constant 0 : i32
    return %add3A_0, %c0_i32, %c0_i32_1 : i32, i32, i32
  }
  func.func @transform_3(%arg0: i32) -> (i32, i32, i32) {
    %add3A = arith.constant 100 : i32
    %add3A_0 = arith.addi %arg0, %add3A : i32
    %c0_i32 = arith.constant 0 : i32
    %c0_i32_1 = arith.constant 0 : i32
    %c0_i32_2 = arith.constant 0 : i32
    return %add3A_0, %c0_i32, %c0_i32_1 : i32, i32, i32
  }
  func.func @transform_4(%arg0: i32) -> (i32, i32, i32) {
    %add3A = arith.constant 100 : i32
    %add3A_0 = arith.addi %arg0, %add3A : i32
    %c0_i32 = arith.constant 0 : i32
    %c0_i32_1 = arith.constant 0 : i32
    %c0_i32_2 = arith.constant 0 : i32
    return %add3A_0, %c0_i32, %c0_i32_1 : i32, i32, i32
  }
  func.func @transform_5(%arg0: i32) -> (i32, i32) {
    %c0_i32 = arith.constant 0 : i32
    %c0_i32_0 = arith.constant 0 : i32
    return %arg0, %c0_i32 : i32, i32
  }
  func.func @transform_6(%arg0: i32) -> (i32, i32) {
    %c0_i32 = arith.constant 0 : i32
    %c0_i32_0 = arith.constant 0 : i32
    %c0_i32_1 = arith.constant 0 : i32
    return %c0_i32, %c0_i32_0 : i32, i32
  }
  func.func @transform_7(%arg0: i32) -> (i32, i32) {
    %c0_i32 = arith.constant 0 : i32
    %c0_i32_0 = arith.constant 0 : i32
    %c0_i32_1 = arith.constant 0 : i32
    return %c0_i32, %c0_i32_0 : i32, i32
  }
  func.func @transform_8(%arg0: i32) -> (i32, i32) {
    %c0_i32 = arith.constant 0 : i32
    %c0_i32_0 = arith.constant 0 : i32
    %c0_i32_1 = arith.constant 0 : i32
    return %c0_i32, %c0_i32_0 : i32, i32
  }
  func.func @transform_9(%arg0: i32) -> (i32, i32) {
    %c0_i32 = arith.constant 0 : i32
    %c0_i32_0 = arith.constant 0 : i32
    %c0_i32_1 = arith.constant 0 : i32
    return %c0_i32, %c0_i32_0 : i32, i32
  }
  func.func @transform_10(%arg0: i32) -> (i32, i32) {
    %c0_i32 = arith.constant 0 : i32
    %c0_i32_0 = arith.constant 0 : i32
    %c0_i32_1 = arith.constant 0 : i32
    return %c0_i32, %c0_i32_0 : i32, i32
  }
  func.func @transform_11(%arg0: i32) -> (i32, i32) {
    %add3A = arith.constant 100 : i32
    %add3A_0 = arith.addi %arg0, %add3A : i32
    %c0_i32 = arith.constant 0 : i32
    %c0_i32_1 = arith.constant 0 : i32
    return %add3A_0, %c0_i32 : i32, i32
  }
}

</mosaic_0001>

<sc_bundles>
// kernel: kernel.6.cloned.1.call-start
scs
__scs_entry_jumppad:
0x0: {  	(pc) =	sbr.rel $0x88, $3  }
0x1: {  	(tag) =	ssettag $0x0;
	lr =	simm.s32 $0x1  }
0x2: {  	[smem:$0x3F93] =	sst lr;
	_ =	strace $0xD0000000  }
0x3: {  	_ = 	snop  }
0x4: {  	_ = 	snop  }
0x5: {  	_ = 	snop  }
0x6: {  	_ = 	snop  }
0x7: {  	_ = 	snop  }
__scs_overlays_trampoline_lowered:
0x8: {  	[smem:$0x3FA2] =	sst s0  }
0x9: {  	[smem:$0x3FA3] =	sst s1  }
0xa: {  	[smem:$0x3FA4] =	sst s2  }
0xb: {  	[smem:$0x3FA5] =	sst s3  }
0xc: {  	[smem:$0x3FA6] =	sst s4  }
0xd: {  	[smem:$0x3FA7] =	sst s5  }
0xe: {  	[smem:$0x3FA8] =	sst s6  }
0xf: {  	[smem:$0x3FA9] =	sst s7  }
0x10: {  	[smem:$0x3FAA] =	sst s8  }
0x11: {  	[smem:$0x3FAB] =	sst s9;
	s0 =	simm.s32 @!p0 $0x0  }
0x12: {  	s1 =	sld [smem:$0x3F91];
	s0 =	simm.s32 @p0 $0x1  }
0x13: {  	[smem:$0x3FAC] =	sst s0;
	s0 =	simm.s32 @!p1 $0x0  }
0x14: {  	s2 =	sld [smem:$0x3F90];
	s0 =	simm.s32 @p1 $0x1  }
0x15: {  	[smem:$0x3FAD] =	sst s0;
	s0 =	simm.s32 @!p2 $0x0  }
0x16: {  	s3 =	sld [smem:$0x3FDB];
	s0 =	simm.s32 @p2 $0x1  }
0x17: {  	s4 =	simm.s32 $0x1BF5;
	[smem:$0x3FAF] =	sst s0  }
0x18: {  	s0 =	sld [smem:$0x3F92];
	_ =	swait.ge [sflag:s4], $0x0  }
0x19: {  	s7 =	sld [smem:$0x3F93]  }
0x1a: {  	s8 =	sadd.s32 $0xFFFFE003, lr  }
0x1b: {  	s9 =	sadd.s32 $0xFFFFFEF7, lr;
	s5 =	simm.s32 $0xFFFFFFFF;
	p2 =	slt.u32 s8, $0xFFFFF086  }
0x1c: {  	p1 =	slt.u32 s9, $0xF7A;
	s5 =	simm.s32 @!p2 $0x0  }
0x1d: {  	s5 =	simm.s32 @p1 $0x1;
	p0 =	seq.s32 s7, s2  }
0x1e: {  	s7 =	smul.u32 @!p0 $0xF7A, s2;
	p2 =	seq.s32 @!p0 s5, $0x0  }
0x1f: {  	s9 =	smul.u32 $0xF7A, s1;
	s8 =	simm.s32 @!p0 $0x1BF5;
	p2 =	por !p2, p0  }
0x20: {  	[sflag:s8] =	ssyncset.s32 @!p0 $0xFFFFF086;
	s6 =	sadd.s32 @!p0 s3, s7;
	s7 =	simm.s32 @!p0 $0x108  }
0x21: {  	s3 =	sadd.s32 s3, s9;
	s6 =	sadd.s32 @!p0 $0x88, s6;
	s7 =	simm.s32 @p2 $0x1082  }
0x22: {  	[simem:s7], [sflag:s8] =	dma.local @!p0 [hbm:s6], $0xF7A  }
0x23: {  	s9 =	sor.u32 $0xD0000000, s2;
	s6 =	simm.s32 $0x108;
	_ =	swait.ge @!p0 [sflag:s8], $0x0  }
0x24: {  	s3 =	sadd.s32 $0x88, s3;
	s6 =	simm.s32 @!p1 $0x1082;
	[sflag:s4] =	ssyncset.s32 $0xFFFFF086  }
0x25: {  	[simem:s6], [sflag:s4] =	dma.local [hbm:s3], $0xF7A  }
0x26: {  	[smem:$0x3F93] =	sst s1;
	(tag) =	ssettag s2;
	_ =	strace s9  }
0x27: {  	s1 =	sld [smem:$0x3FA3]  }
0x28: {  	s2 =	sld [smem:$0x3FA4]  }
0x29: {  	s4 =	sld [smem:$0x3FA6]  }
0x2a: {  	p0 =	seq.s32 s5, $0x0;
	s5 =	sld [smem:$0x3FA7]  }
0x2b: {  	s6 =	sld [smem:$0x3FA8]  }
0x2c: {  	s7 =	sld [smem:$0x3FA9]  }
0x2d: {  	s3 =	simm.s32 $0x108;
	s8 =	sld [smem:$0x3FAA]  }
0x2e: {  	s3 =	simm.s32 @!p0 $0x1082;
	s9 =	sld [smem:$0x3FAB]  }
0x2f: {  	lr =	sadd.s32 s0, s3;
	s0 =	sld [smem:$0x3FA2]  }
0x30: {  	s3 =	sld [smem:$0x3FA5]  }
0x31: {  	[smem:$0x3FAE] =	sst s10  }
0x32: {  	s10 =	sld [smem:$0x3FAC];
	_ =	sdelay $0x3  }
0x33: {  	p0 =	seq.s32 s10, $0x1;
	s10 =	sld [smem:$0x3FAE];
	_ =	sdelay $0x3  }
0x34: {  	[smem:$0x3FAE] =	sst s10  }
0x35: {  	s10 =	sld [smem:$0x3FAD];
	_ =	sdelay $0x3  }
0x36: {  	p1 =	seq.s32 s10, $0x1;
	s10 =	sld [smem:$0x3FAE];
	_ =	sdelay $0x3  }
0x37: {  	[smem:$0x3FAE] =	sst s10  }
0x38: {  	s10 =	sld [smem:$0x3FAF]  }
0x39: {  	_ = 	snop;
	(pc) =	sbr.ind lr, $3  }
0x3a: {  	_ = 	snop  }
0x3b: {  	_ = 	snop  }
0x3c: {  	p2 =	seq.s32 s10, $0x1;
	s10 =	sld [smem:$0x3FAE]  }
0x3d: {  	_ =	shalt  }
0x3e: {  	_ =	shalt  }
0x3f: {  	_ =	shalt  }
0x40: {  	_ =	shalt  }
0x41: {  	_ =	shalt  }
0x42: {  	_ =	shalt  }
0x43: {  	_ =	shalt  }
0x44: {  	_ =	shalt  }
0x45: {  	_ =	shalt  }
0x46: {  	_ =	shalt  }
0x47: {  	_ =	shalt  }
0x48: {  	_ =	shalt  }
0x49: {  	_ =	shalt  }
0x4a: {  	_ =	shalt  }
0x4b: {  	_ =	shalt  }
0x4c: {  	_ =	shalt  }
0x4d: {  	_ =	shalt  }
0x4e: {  	_ =	shalt  }
0x4f: {  	_ =	shalt  }
0x50: {  	_ =	shalt  }
0x51: {  	_ =	shalt  }
0x52: {  	_ =	shalt  }
0x53: {  	_ =	shalt  }
0x54: {  	_ =	shalt  }
0x55: {  	_ =	shalt  }
0x56: {  	_ =	shalt  }
0x57: {  	_ =	shalt  }
0x58: {  	_ =	shalt  }
0x59: {  	_ =	shalt  }
0x5a: {  	_ =	shalt  }
0x5b: {  	_ =	shalt  }
0x5c: {  	_ =	shalt  }
0x5d: {  	_ =	shalt  }
0x5e: {  	_ =	shalt  }
0x5f: {  	_ =	shalt  }
0x60: {  	_ =	shalt  }
0x61: {  	_ =	shalt  }
0x62: {  	_ =	shalt  }
0x63: {  	_ =	shalt  }
0x64: {  	_ =	shalt  }
0x65: {  	_ =	shalt  }
0x66: {  	_ =	shalt  }
0x67: {  	_ =	shalt  }
0x68: {  	_ =	shalt  }
0x69: {  	_ =	shalt  }
0x6a: {  	_ =	shalt  }
0x6b: {  	_ =	shalt  }
0x6c: {  	_ =	shalt  }
0x6d: {  	_ =	shalt  }
0x6e: {  	_ =	shalt  }
0x6f: {  	_ =	shalt  }
0x70: {  	_ =	shalt  }
0x71: {  	_ =	shalt  }
0x72: {  	_ =	shalt  }
0x73: {  	_ =	shalt  }
0x74: {  	_ =	shalt  }
0x75: {  	_ =	shalt  }
0x76: {  	_ =	shalt  }
0x77: {  	_ =	shalt  }
0x78: {  	_ =	shalt  }
0x79: {  	_ =	shalt  }
0x7a: {  	_ =	shalt  }
0x7b: {  	_ =	shalt  }
0x7c: {  	_ =	shalt  }
0x7d: {  	_ =	shalt  }
0x7e: {  	_ =	shalt  }
0x7f: {  	_ =	shalt  }
0x80: {  	_ =	shalt  }
0x81: {  	_ =	shalt  }
0x82: {  	_ =	shalt  }
0x83: {  	_ =	shalt  }
0x84: {  	_ =	shalt  }
0x85: {  	_ =	shalt  }
0x86: {  	_ =	shalt  }
0x87: {  	_ =	shalt  }
.Lfunc_end0:
.L_simem_size_0:
called_computation_lowered:
.L_overlay_start_0:
0x88: {  	s2 =	sld [smem:$0x3FD9]  }
0x89: {  	s3 =	sld [smem:$0x3FFE];
	_ =	sdelay $0x1  }
0x8a: {  	s1 =	srdreg.scid  }
0x8b: {  	s0 =	sand.u32 $0x1, s1  }
0x8c: {  	s16 =	sshll.u32 s0, $0xA;
	s2 =	sadd.s32 s3, s2  }
0x8d: {  	s2 =	sadd.s32 s2, s16  }
0x8e: {  	[smem:$0x3FBA] =	sst s2  }
0x8f: {  	_ = 	snop  }
0x90: {  	(tm) =	ssettm $0x1  }
0x91: {  	s17 =	sld [smem:$0x3FFB];
	_ =	sdelay $0x3  }
0x92: {  	_ =	strace s17  }
0x93: {  	s2 =	sld [smem:$0x3FFC];
	_ =	sdelay $0x3  }
0x94: {  	_ =	strace s2  }
0x95: {  	s2 =	sld [smem:$0x3FFD];
	_ =	sdelay $0x3  }
0x96: {  	_ =	strace s2  }
0x97: {  	_ =	strace $0x8FFFFFFF  }
0x98: {  	s18 =	sld [smem:$0x3FDB];
	_ =	sdelay $0x1  }
0x99: {  	s19 =	simm.s32 $_scs_section_size  }
0x9a: {  	s4 =	simm.s32 $_size__tile_overlayer_lowered;
	s5 =	simm.s32 $_tile_overlayer_lowered  }
0x9b: {  	s22 =	simm.s32 $0x1BFF;
	s21 =	sshll.u32 s5, $0x1;
	s2 =	sadd.s32 s19, s18  }
0x9c: {  	s6 =	simm.s32 $0x0;
	s20 =	sshll.u32 s4, $0x1;
	s4 =	sadd.s32 s21, s2  }
0x9d: {  	[timem:s6], [sflag:s22] =	dma.local [hbm:s4], s20  }
0x9e: {  	_ =	swait.ge [sflag:s22], s20  }
0x9f: {  	s3 =	ssub.s32 $0x0, s20;
	[sflag:s22] =	ssyncset.done $0x0  }
0xa0: {  	[sflag:s22] =	ssyncadd.s32 s3;
	_ =	sdelay $0x1  }
0xa1: {  	s23 =	simm.s32 $0x1B8B  }
0xa2: {  	_ =	swait.ge [sflag:s23], $0x1  }
0xa3: {  	[sflag:s23] =	ssyncset.done $0x0  }
0xa4: {  	s25 =	simm.s32 $0x1B8E;
	s24 =	sld [smem:$0x3FFE];
	[sflag:s23] =	ssyncadd.s32 $0xFFFFFFFF  }
0xa5: {  	s26 =	simm.s32 $execute0_lowered;
	[smem:$0x3FD2] =	sst s25  }
0xa6: {  	s4 =	sshll.u32 s26, $0x1;
	_ =	strace $0x80000046;
	[dreg:$0x1] =	wrdreg $0xFFFFFFFF  }
0xa7: {  	s28 =	simm.s32 $_size_execute0_lowered;
	s2 =	sadd.s32 s2, s4;
	[dreg:$0x0] =	wrdreg $0x0  }
0xa8: {  	s4 =	sshll.u32 s28, $0x1;
	[dreg:$0x2] =	wrdreg s2  }
0xa9: {  	[dreg:$0x3] =	wrdreg s4  }
0xaa: {  	[dreg:$0x4] =	wrdreg $0xC0  }
0xab: {  	_ =	task [dreg:s6], $0x5FFFF  }
0xac: {  	[dreg:$0x1] =	wrdreg $0xFFFFFFFF  }
0xad: {  	[dreg:$0x0] =	wrdreg $0x60  }
0xae: {  	[dreg:$0x2] =	wrdreg s24  }
0xaf: {  	[dreg:$0x3] =	wrdreg $0x9  }
0xb0: {  	_ =	task.clear_ibuf [dreg:s6], $0x4FFFF;
	_ =	strace $0x90000046  }
0xb1: {  	s29 =	simm.s32 $0x9;
	_ =	strace $0x8000004F  }
0xb2: {  	_ =	swait.ge [sflag:s29], $0x1  }
0xb3: {  	[sflag:s29] =	ssyncadd.s32 $0xFFFFFFFF  }
0xb4: {  	_ =	strace $0x9000004F  }
0xb5: {  	_ =	sfence  }
0xb6: {  	s30 =	sld [smem:$0x0];
	_ =	sdelay $0x2  }
0xb7: {  	s31 =	sshll.u32 s1, $0xD;
	s1 =	sshrl.u32 s1, $0x2  }
0xb8: {  	s3 =	sand.u32 $0x4000, s31;
	s1 =	sadd.s32 s1, s30  }
0xb9: {  	s0 =	sor.u32 s3, s0;
	s1 =	sshll.u32 s1, $0x11  }
0xba: {  	s0 =	sor.u32 s1, s0  }
0xbb: {  	s0 =	sadd.s32 $0x8F2B, s0  }
0xbc: {  	[sflag:s0] =	ssyncadd.remote.s32 $0x1  }
0xbd: {  	_ =	sfence.sel $0xFFFF  }
0xbe: {  	[dreg:$0x0] =	wrdreg $0xFFFFFFFF;
	(pc) =	sbr.abs _section_cstart, $3  }
0xbf: {  	[dreg:$0x1] =	wrdreg $0xFFFFFFFF  }
0xc0: {  	_ =	task.clear_ibuf [dreg:s6], $0x2FFFF;
	_ =	strace $0x9FFFFFFF  }
0xc1: {  	(tm) =	ssettm $0x7FFFFFFF  }
tec
execute0_lowered:
.L_overlay_start_1:
0x0: {  	(tag) =	ssettag $0x1  }
0x1: {  	s3 =	rddreg [dreg:$0x0]  }
0x2: {  	s0 =	rddreg [dreg:$0x1];
	s1 =	simm.s32 $0x0;
	s2 =	srdreg.scid  }
0x3: {  	s31 =	simm.s32 $0x80;
	s9 =	simm.s32 $0x3;
	s10 =	simm.s32 $0x0  }
0x4: {  	[smem:$0x7FF] =	sst s1;
	s4 =	sand.u32 $0x1, s2;
	s5 =	sadd.s32 $0x8A00, s3  }
0x5: {  	s2 =	stileid.u32;
	s29 =	sadd.s32 $0x18F400, s3;
	s3 =	sadd.s32 $0x2600, s3  }
0x6: {  	_ =	strace $0x80000047;
	s6 =	sshll.u32 s4, $0x4;
	[dreg:$0x2] =	wrdreg s5  }
0x7: {  	s4 =	ssub.s32 $0x2, s4;
	[dreg:$0x4] =	wrdreg s29;
	s28 =	sor.u32 s2, s6  }
0x8: {  	[dreg:$0x3] =	wrdreg s31;
	s7 =	sshrl.u32 s4, $0x1;
	s8 =	smul.u32 $0x190, s28  }
0x9: {  	s30 =	ssub.s32 s4, s7;
	s4 =	smul.u32 $0x19, s28;
	s7 =	simm.s32 $0x1  }
0xa: {  	s6 =	smax.u32 s30, $0x1;
	s5 =	sadd.s32 s3, s8;
	s8 =	simm.s32 $0x5  }
.LBB2_1:
0xb: {  	_ =	strace $0x80000048;
	s11 =	simm.s32 $0x1;
	p0 =	por $0x0, $0x0  }
0xc: {  	[tilespmem:s1], [sflag:$0x1] =	stream.linear.gather [hbm4b:s5+s1], $0x80, $0x200038;
	[tilespmem:$0x8100] =	vst v63  }
0xd: {  	s11 =	simm.s32 @p0 $0x0  }
0xe: {  	p4 =	por $0x1, $0x1;
	s20 =	sand.u32 $0x1, s1;
	p1 =	sne.s32 s11, $0x0  }
0xf: {  	p2 =	por $0x1, $0x1;
	s18 =	simm.s32 $0x17;
	p0 =	por !p4, !p1  }
0x10: {  	s16 =	simm.s32 $0x0;
	p5 =	por $0x0, $0x0;
	p0 =	por !p0, !p0  }
0x11: {  	s23 =	sadd.s32 $0x0, s4;
	s30 =	sadd.s32 $0x1, s20;
	s12 =	sadd.s32 @p0 s4, s11  }
0x12: {  	_ =	strace $0x90000048;
	s13 =	sand.u32 @p0 $0x1, s7;
	s12 =	sshll.u32 @p0 s12, $0x4  }
0x13: {  	_ =	strace @p0 $0x80000049;
	s15 =	simm.s32 @p0 $0x0;
	s12 =	sand.u32 @p0 $0x1FFFFFF0, s12  }
0x14: {  	s14 =	sshll.u32 @p0 s13, $0x7;
	s13 =	sadd.s32 @p0 $0x1, s13;
	s12 =	sadd.s32 @p0 s3, s12  }
0x15: {  	[tilespmem:s14], [sflag:s13] =	stream.linear.gather @p0 [hbm4b:s12+s15], $0x80, $0x200038;
	[tilespmem:$0x8100] =	vst v63  }
0x16: {  	p3 =	por p2, p2;
	s21 =	sshll.u32 s20, $0xE;
	_ =	strace @p0 $0x90000049  }
0x17: {  	s16 =	sand.u32 $0x80, s16;
	p2 =	por p5, p5;
	_ =	strace $0x8000004A  }
0x18: {  	s17 =	sadd.s32 $0x1, s11;
	s22 =	sor.u32 $0x100, s21;
	_ =	swait.ge [sflag:s30], $0x80  }
0x19: {  	s21 =	simm.s32 $0x1;
	p6 =	por p1, p1;
	[sflag:s30] =	ssyncset.done $0x0  }
0x1a: {  	p1 =	por p3, p3;
	p4 =	por $0x1, $0x1;
	[sflag:s30] =	ssyncadd.s32 $0xFFFFFF80  }
0x1b: {  	s12 =	simm.s32 $0x18;
	s15 =	sand.u32 @!p3 $0x1, s1;
	_ =	strace $0x9000004A  }
0x1c: {  	s13 =	simm.s32 $0x1;
	p3 =	seq.s32 s17, $0x19;
	_ =	strace $0x8000004B  }
0x1d: {  	s13 =	simm.s32 @!p0 $0x0;
	s17 =	simm.s32 @p3 $0x0;
	s19 =	rddreg [dreg:$0x3]  }
0x1e: {  	p0 =	por $0x0, $0x0;
	s14 =	sadd.s32 $0x1, s13;
	s31 =	rddreg [dreg:$0x2]  }
0x1f: {  	[tilespmem:s22], [sflag:$0x5] =	stream.indirect.gather [hbm4b:s31+s19], $0x80, s16, s19, $0x2000b8;
	[tilespmem:$0x8100] =	vst v63  }
0x20: {  	p3 =	sne.s32 s11, s17;
	s21 =	simm.s32 @!p0 $0x0;
	_ =	swait.ge [sflag:s8], $0x4000  }
0x21: {  	p5 =	por !p4, !p3;
	p4 =	por $0x0, $0x0;
	[sflag:s8] =	ssyncset.done $0x0  }
0x22: {  	s13 =	simm.s32 $0x0;
	p6 =	por p4, p6;
	[sflag:s8] =	ssyncadd.s32 $0xFFFFC000  }
0x23: {  	s16 =	simm.s32 $0x0;
	s19 =	simm.s32 $0x0;
	_ =	strace $0x9000004B  }
.LBB2_2:
0x24: {  	_ =	strace @p6 $0x8000004C;
	s13 =	sadd.s32 s21, s13;
	s21 =	smov.u32 s12  }
0x25: {  	s12 =	smov.u32 s18;
	s18 =	sadd.s32 $0xFFFFFFFF, s18;
	p0 =	por p3, p3  }
0x26: {  	s28 =	sshll.u32 @p6 s23, $0xB;
	s20 =	sadd.s32 @p6 $0x3, s20;
	s24 =	simm.s32 @!p0 $0x0  }
0x27: {  	s25 =	rddreg [dreg:$0x4];
	s28 =	sand.u32 @p6 $0x1FFFF800, s28;
	s24 =	simm.s32 @p0 $0x1  }
0x28: {  	s25 =	sadd.s32 @p6 s25, s28;
	s28 =	simm.s32 @p6 $0x0;
	p0 =	sne.s32 s18, $0x0  }
0x29: {  	[hbm4b:s25+s28] =	stream.linear.scatter @p6 [tilespmem:s22], [sflag:s20], $0x4000, $0x200038;
	[tilespmem:$0x8100] =	vst v63  }
0x2a: {  	s20 =	sadd.s32 @!p1 $0x3, s15;
	s15 =	simm.s32 @!p0 $0x0  }
0x2b: {  	s26 =	simm.s32 $0x1;
	[smem:$0x7FC] =	sst s24;
	s15 =	simm.s32 @p0 $0x1  }
0x2c: {  	s26 =	simm.s32 @!p6 $0x0;
	_ =	strace @p6 $0x9000004C;
	[smem:$0x7FD] =	sst s15  }
0x2d: {  	p5 =	por !p5, !p5;
	s19 =	sadd.s32 s26, s19;
	_ =	strace @!p1 $0x8000004D  }
0x2e: {  	s24 =	sand.u32 @!p2 $0x1, s13;
	s22 =	sand.u32 @p5 $0x1, s14;
	_ =	swait.ge @!p1 [sflag:s20], $0x4000  }
0x2f: {  	s15 =	smov.u32 s24;
	s24 =	sadd.s32 @p5 s4, s17;
	[sflag:s20] =	ssyncset.done @!p1 $0x0  }
0x30: {  	s25 =	sshll.u32 @p5 s22, $0x7;
	s24 =	sshll.u32 @p5 s24, $0x4;
	[sflag:s20] =	ssyncadd.s32 @!p1 $0xFFFFC000  }
0x31: {  	s20 =	sadd.s32 @p5 $0x1, s22;
	s22 =	sand.u32 @p5 $0x1FFFFFF0, s24;
	_ =	strace @!p1 $0x9000004D  }
0x32: {  	s24 =	simm.s32 @p5 $0x0;
	s22 =	sadd.s32 @p5 s3, s22;
	_ =	strace @p5 $0x80000049  }
0x33: {  	[tilespmem:s25], [sflag:s20] =	stream.linear.gather @p5 [hbm4b:s22+s24], $0x80, $0x200038;
	[tilespmem:$0x8100] =	vst v63  }
0x34: {  	s16 =	sadd.s32 s26, s16;
	s26 =	sand.u32 $0x1, s19;
	_ =	strace @p5 $0x90000049  }
0x35: {  	s24 =	sadd.s32 $0x1, s26;
	_ =	strace $0x8000004A  }
0x36: {  	_ =	swait.ge [sflag:s24], $0x80  }
0x37: {  	[sflag:s24] =	ssyncset.done $0x0  }
0x38: {  	s20 =	simm.s32 $0x1;
	[sflag:s24] =	ssyncadd.s32 $0xFFFFFF80  }
0x39: {  	s20 =	simm.s32 @!p5 $0x0;
	_ =	strace $0x9000004A  }
0x3a: {  	s14 =	sadd.s32 s20, s14;
	s20 =	sand.u32 $0x1, s16;
	_ =	strace $0x8000004B  }
0x3b: {  	s29 =	sshll.u32 s19, $0x7;
	s25 =	sshll.u32 s20, $0xE;
	s26 =	rddreg [dreg:$0x3]  }
0x3c: {  	s29 =	sand.u32 $0x80, s29;
	s22 =	sor.u32 $0x100, s25;
	s30 =	rddreg [dreg:$0x2]  }
0x3d: {  	[tilespmem:s22], [sflag:$0x5] =	stream.indirect.gather [hbm4b:s30+s26], $0x80, s29, s26, $0x2000b8;
	[tilespmem:$0x8100] =	vst v63  }
0x3e: {  	_ =	swait.ge [sflag:s8], $0x4000  }
0x3f: {  	s31 =	sadd.s32 $0x1, s17;
	[sflag:s8] =	ssyncset.done $0x0  }
0x40: {  	s23 =	sadd.s32 s4, s11;
	s11 =	smov.u32 s17;
	[sflag:s8] =	ssyncadd.s32 $0xFFFFC000  }
0x41: {  	p3 =	seq.s32 s31, $0x19;
	s17 =	smov.u32 s31;
	_ =	strace $0x9000004B  }
0x42: {  	s17 =	simm.s32 @p3 $0x0;
	s31 =	sld [smem:$0x7FD]  }
0x43: {  	p6 =	sne.s32 s12, $0x1;
	p0 =	sne.s32 s21, $0x19;
	p3 =	sne.s32 s11, s17  }
0x44: {  	p5 =	por !p6, !p3;
	p6 =	seq.s32 s21, $0x1;
	s21 =	simm.s32 $0x1  }
0x45: {  	s21 =	simm.s32 @!p0 $0x0;
	p0 =	seq.s32 s31, $0x1  }
.Ltmp0:
0x46: {  	s30 =	sld [smem:$0x7FC];
	(pc) =	sbr.rel @p0 .LBB2_2-.Ltmp0, $4  }
0x47: {  	_ = 	snop  }
0x48: {  	p4 =	seq.s32 s12, $0x19  }
0x49: {  	p1 =	por p2, p2;
	p2 =	por p4, p4;
	p4 =	seq.s32 s30, $0x1  }
0x4a: {  	p6 =	por p6, p4  }
0x4b: {  	_ =	strace @p6 $0x8000004C;
	s23 =	sshll.u32 @p6 s23, $0xB  }
0x4c: {  	s18 =	rddreg [dreg:$0x4];
	s23 =	sand.u32 @p6 $0x1FFFF800, s23  }
0x4d: {  	s20 =	sadd.s32 @p6 $0x3, s20;
	s18 =	sadd.s32 @p6 s18, s23;
	s23 =	simm.s32 @p6 $0x0  }
0x4e: {  	[hbm4b:s18+s23] =	stream.linear.scatter @p6 [tilespmem:s22], [sflag:s20], $0x4000, $0x200038;
	[tilespmem:$0x8100] =	vst v63  }
0x4f: {  	p0 =	por !p5, !p5;
	_ =	strace @p6 $0x9000004C  }
0x50: {  	s15 =	sadd.s32 @!p1 $0x3, s15;
	s17 =	sadd.s32 @p0 s4, s17;
	_ =	strace @!p1 $0x8000004D  }
0x51: {  	s14 =	sand.u32 @p0 $0x1, s14;
	s17 =	sshll.u32 @p0 s17, $0x4;
	_ =	swait.ge @!p1 [sflag:s15], $0x4000  }
0x52: {  	s18 =	simm.s32 $0x1;
	s20 =	sshll.u32 @p0 s14, $0x7;
	[sflag:s15] =	ssyncset.done @!p1 $0x0  }
0x53: {  	s14 =	sadd.s32 @p0 $0x1, s14;
	s18 =	simm.s32 @!p6 $0x0;
	[sflag:s15] =	ssyncadd.s32 @!p1 $0xFFFFC000  }
0x54: {  	s19 =	sadd.s32 s18, s19;
	s15 =	sand.u32 @p0 $0x1FFFFFF0, s17;
	_ =	strace @!p1 $0x9000004D  }
0x55: {  	s17 =	simm.s32 @p0 $0x0;
	s15 =	sadd.s32 @p0 s3, s15;
	_ =	strace @p0 $0x80000049  }
0x56: {  	[tilespmem:s20], [sflag:s14] =	stream.linear.gather @p0 [hbm4b:s15+s17], $0x80, $0x200038;
	[tilespmem:$0x8100] =	vst v63  }
0x57: {  	s25 =	sand.u32 $0x1, s19;
	_ =	strace @p0 $0x90000049  }
0x58: {  	s14 =	sadd.s32 $0x1, s25;
	_ =	strace $0x8000004A  }
0x59: {  	_ =	swait.ge [sflag:s14], $0x80  }
0x5a: {  	[sflag:s14] =	ssyncset.done $0x0  }
0x5b: {  	[sflag:s14] =	ssyncadd.s32 $0xFFFFFF80  }
0x5c: {  	s26 =	sadd.s32 s18, s16;
	_ =	strace $0x9000004A  }
0x5d: {  	s14 =	sand.u32 $0x1, s26;
	_ =	strace $0x8000004B  }
0x5e: {  	s30 =	sshll.u32 s19, $0x7;
	s31 =	sshll.u32 s14, $0xE;
	s28 =	rddreg [dreg:$0x3]  }
0x5f: {  	s17 =	sand.u32 $0x80, s30;
	s18 =	sor.u32 $0x100, s31;
	s29 =	rddreg [dreg:$0x2]  }
0x60: {  	[tilespmem:s18], [sflag:$0x5] =	stream.indirect.gather [hbm4b:s29+s28], $0x80, s17, s28, $0x2000b8;
	[tilespmem:$0x8100] =	vst v63  }
0x61: {  	_ =	swait.ge [sflag:s8], $0x4000  }
0x62: {  	[sflag:s8] =	ssyncset.done $0x0  }
0x63: {  	p5 =	por p3, p3;
	p6 =	seq.s32 s12, $0x1;
	[sflag:s8] =	ssyncadd.s32 $0xFFFFC000  }
0x64: {  	s11 =	sadd.s32 s4, s11;
	p0 =	por p6, p5;
	_ =	strace $0x9000004B  }
0x65: {  	s11 =	sshll.u32 @p0 s11, $0xB;
	_ =	strace @p0 $0x8000004C  }
0x66: {  	s13 =	sadd.s32 s21, s13;
	s11 =	sand.u32 @p0 $0x1FFFF800, s11;
	s12 =	rddreg [dreg:$0x4]  }
0x67: {  	s14 =	sadd.s32 @p0 $0x3, s14;
	s11 =	sadd.s32 @p0 s12, s11;
	s12 =	simm.s32 @p0 $0x0  }
0x68: {  	[hbm4b:s11+s12] =	stream.linear.scatter @p0 [tilespmem:s18], [sflag:s14], $0x4000, $0x200038;
	[tilespmem:$0x8100] =	vst v63  }
0x69: {  	p1 =	por p2, p2;
	s11 =	sand.u32 @!p2 $0x1, s13;
	_ =	strace @p0 $0x9000004C  }
0x6a: {  	s11 =	sadd.s32 @!p1 $0x3, s11;
	_ =	strace @!p1 $0x8000004D  }
0x6b: {  	_ =	swait.ge @!p1 [sflag:s11], $0x4000  }
0x6c: {  	[sflag:s11] =	ssyncset.done @!p1 $0x0  }
0x6d: {  	s10 =	sadd.s32 $0x1, s10;
	[sflag:s11] =	ssyncadd.s32 @!p1 $0xFFFFC000  }
0x6e: {  	p0 =	sne.s32 s10, s6;
	_ =	strace @!p1 $0x9000004D  }
.Ltmp1:
0x6f: {  	_ =	strace $0x8000004E;
	(pc) =	sbr.rel @p0 .LBB2_1-.Ltmp1, $4  }
0x70: {  	_ =	swait.ge [sflag:s9], $0x4000  }
0x71: {  	[sflag:s9] =	ssyncset.done $0x0  }
0x72: {  	[sflag:s9] =	ssyncadd.s32 $0xFFFFC000  }
0x73: {  	_ =	strace $0x9000004E  }
0x74: {  	_ =	sfence.sel $0x180000  }
0x75: {  	[bflag:$0x0] =	sbarrier.arrive $0xFFFF  }
0x76: {  	p0 =	sne.s32 s2, $0x0;
	_ =	strace $0x90000047  }
0x77: {  	s0 =	sadd.s32 @!p0 $0x100000, s0;
	[bflag:$0x2] =	sbarrier.arrive $0xFFFF  }
0x78: {  	[sflag:s0] =	ssyncadd.tile.s32 @!p0 $0x1;
	_ =	shalt  }
.Lfunc_end2:
_tile_overlayer_lowered:
.L_overlay_start_2:
0x79: {  	(tag) =	ssettag $0x2  }
0x7a: {  	s0 =	rddreg [dreg:$0x0];
	s2 =	stileid.u32  }
0x7b: {  	s1 =	rddreg [dreg:$0x1];
	p0 =	sne.s32 s2, $0x0  }
0x7c: {  	s3 =	rddreg [dreg:$0x2];
	[bflag:$0x3] =	sbarrier.arrive $0xFFFF;
	s2 =	simm.s32 @!p0 $0x1C01  }
0x7d: {  	[timem:s3], [sflag:s2] =	dma.local @!p0 [hbm:s0], s1  }
0x7e: {  	s0 =	simm.s32 @!p0 $0x1  }
0x7f: {  	_ =	swait.ge @!p0 [sflag:s0], s1  }
0x80: {  	s1 =	ssub.s32 @!p0 $0x0, s1;
	[sflag:s0] =	ssyncset.done @!p0 $0x0  }
0x81: {  	[sflag:s0] =	ssyncadd.s32 @!p0 s1  }
0x82: {  	[bflag:$0x3] =	sbarrier.arrive $0xFFFF  }
0x83: {  	_ =	shalt  }

// kernel: kernel.9.cloned.1.call-start
scs
__scs_entry_jumppad:
0x0: {  	(pc) =	sbr.rel $0x88, $3  }
0x1: {  	(tag) =	ssettag $0x0;
	lr =	simm.s32 $0x1  }
0x2: {  	[smem:$0x3F93] =	sst lr;
	_ =	strace $0xD0000000  }
0x3: {  	_ = 	snop  }
0x4: {  	_ = 	snop  }
0x5: {  	_ = 	snop  }
0x6: {  	_ = 	snop  }
0x7: {  	_ = 	snop  }
__scs_overlays_trampoline_lowered:
0x8: {  	[smem:$0x3FA2] =	sst s0  }
0x9: {  	[smem:$0x3FA3] =	sst s1  }
0xa: {  	[smem:$0x3FA4] =	sst s2  }
0xb: {  	[smem:$0x3FA5] =	sst s3  }
0xc: {  	[smem:$0x3FA6] =	sst s4  }
0xd: {  	[smem:$0x3FA7] =	sst s5  }
0xe: {  	[smem:$0x3FA8] =	sst s6  }
0xf: {  	[smem:$0x3FA9] =	sst s7  }
0x10: {  	[smem:$0x3FAA] =	sst s8  }
0x11: {  	[smem:$0x3FAB] =	sst s9;
	s0 =	simm.s32 @!p0 $0x0  }
0x12: {  	s1 =	sld [smem:$0x3F91];
	s0 =	simm.s32 @p0 $0x1  }
0x13: {  	[smem:$0x3FAC] =	sst s0;
	s0 =	simm.s32 @!p1 $0x0  }
0x14: {  	s2 =	sld [smem:$0x3F90];
	s0 =	simm.s32 @p1 $0x1  }
0x15: {  	[smem:$0x3FAD] =	sst s0;
	s0 =	simm.s32 @!p2 $0x0  }
0x16: {  	s3 =	sld [smem:$0x3FDB];
	s0 =	simm.s32 @p2 $0x1  }
0x17: {  	s4 =	simm.s32 $0x1BF5;
	[smem:$0x3FAF] =	sst s0  }
0x18: {  	s0 =	sld [smem:$0x3F92];
	_ =	swait.ge [sflag:s4], $0x0  }
0x19: {  	s7 =	sld [smem:$0x3F93]  }
0x1a: {  	s8 =	sadd.s32 $0xFFFFE003, lr  }
0x1b: {  	s9 =	sadd.s32 $0xFFFFFEF7, lr;
	s5 =	simm.s32 $0xFFFFFFFF;
	p2 =	slt.u32 s8, $0xFFFFF086  }
0x1c: {  	p1 =	slt.u32 s9, $0xF7A;
	s5 =	simm.s32 @!p2 $0x0  }
0x1d: {  	s5 =	simm.s32 @p1 $0x1;
	p0 =	seq.s32 s7, s2  }
0x1e: {  	s7 =	smul.u32 @!p0 $0xF7A, s2;
	p2 =	seq.s32 @!p0 s5, $0x0  }
0x1f: {  	s9 =	smul.u32 $0xF7A, s1;
	s8 =	simm.s32 @!p0 $0x1BF5;
	p2 =	por !p2, p0  }
0x20: {  	[sflag:s8] =	ssyncset.s32 @!p0 $0xFFFFF086;
	s6 =	sadd.s32 @!p0 s3, s7;
	s7 =	simm.s32 @!p0 $0x108  }
0x21: {  	s3 =	sadd.s32 s3, s9;
	s6 =	sadd.s32 @!p0 $0x88, s6;
	s7 =	simm.s32 @p2 $0x1082  }
0x22: {  	[simem:s7], [sflag:s8] =	dma.local @!p0 [hbm:s6], $0xF7A  }
0x23: {  	s9 =	sor.u32 $0xD0000000, s2;
	s6 =	simm.s32 $0x108;
	_ =	swait.ge @!p0 [sflag:s8], $0x0  }
0x24: {  	s3 =	sadd.s32 $0x88, s3;
	s6 =	simm.s32 @!p1 $0x1082;
	[sflag:s4] =	ssyncset.s32 $0xFFFFF086  }
0x25: {  	[simem:s6], [sflag:s4] =	dma.local [hbm:s3], $0xF7A  }
0x26: {  	[smem:$0x3F93] =	sst s1;
	(tag) =	ssettag s2;
	_ =	strace s9  }
0x27: {  	s1 =	sld [smem:$0x3FA3]  }
0x28: {  	s2 =	sld [smem:$0x3FA4]  }
0x29: {  	s4 =	sld [smem:$0x3FA6]  }
0x2a: {  	p0 =	seq.s32 s5, $0x0;
	s5 =	sld [smem:$0x3FA7]  }
0x2b: {  	s6 =	sld [smem:$0x3FA8]  }
0x2c: {  	s7 =	sld [smem:$0x3FA9]  }
0x2d: {  	s3 =	simm.s32 $0x108;
	s8 =	sld [smem:$0x3FAA]  }
0x2e: {  	s3 =	simm.s32 @!p0 $0x1082;
	s9 =	sld [smem:$0x3FAB]  }
0x2f: {  	lr =	sadd.s32 s0, s3;
	s0 =	sld [smem:$0x3FA2]  }
0x30: {  	s3 =	sld [smem:$0x3FA5]  }
0x31: {  	[smem:$0x3FAE] =	sst s10  }
0x32: {  	s10 =	sld [smem:$0x3FAC];
	_ =	sdelay $0x3  }
0x33: {  	p0 =	seq.s32 s10, $0x1;
	s10 =	sld [smem:$0x3FAE];
	_ =	sdelay $0x3  }
0x34: {  	[smem:$0x3FAE] =	sst s10  }
0x35: {  	s10 =	sld [smem:$0x3FAD];
	_ =	sdelay $0x3  }
0x36: {  	p1 =	seq.s32 s10, $0x1;
	s10 =	sld [smem:$0x3FAE];
	_ =	sdelay $0x3  }
0x37: {  	[smem:$0x3FAE] =	sst s10  }
0x38: {  	s10 =	sld [smem:$0x3FAF]  }
0x39: {  	_ = 	snop;
	(pc) =	sbr.ind lr, $3  }
0x3a: {  	_ = 	snop  }
0x3b: {  	_ = 	snop  }
0x3c: {  	p2 =	seq.s32 s10, $0x1;
	s10 =	sld [smem:$0x3FAE]  }
0x3d: {  	_ =	shalt  }
0x3e: {  	_ =	shalt  }
0x3f: {  	_ =	shalt  }
0x40: {  	_ =	shalt  }
0x41: {  	_ =	shalt  }
0x42: {  	_ =	shalt  }
0x43: {  	_ =	shalt  }
0x44: {  	_ =	shalt  }
0x45: {  	_ =	shalt  }
0x46: {  	_ =	shalt  }
0x47: {  	_ =	shalt  }
0x48: {  	_ =	shalt  }
0x49: {  	_ =	shalt  }
0x4a: {  	_ =	shalt  }
0x4b: {  	_ =	shalt  }
0x4c: {  	_ =	shalt  }
0x4d: {  	_ =	shalt  }
0x4e: {  	_ =	shalt  }
0x4f: {  	_ =	shalt  }
0x50: {  	_ =	shalt  }
0x51: {  	_ =	shalt  }
0x52: {  	_ =	shalt  }
0x53: {  	_ =	shalt  }
0x54: {  	_ =	shalt  }
0x55: {  	_ =	shalt  }
0x56: {  	_ =	shalt  }
0x57: {  	_ =	shalt  }
0x58: {  	_ =	shalt  }
0x59: {  	_ =	shalt  }
0x5a: {  	_ =	shalt  }
0x5b: {  	_ =	shalt  }
0x5c: {  	_ =	shalt  }
0x5d: {  	_ =	shalt  }
0x5e: {  	_ =	shalt  }
0x5f: {  	_ =	shalt  }
0x60: {  	_ =	shalt  }
0x61: {  	_ =	shalt  }
0x62: {  	_ =	shalt  }
0x63: {  	_ =	shalt  }
0x64: {  	_ =	shalt  }
0x65: {  	_ =	shalt  }
0x66: {  	_ =	shalt  }
0x67: {  	_ =	shalt  }
0x68: {  	_ =	shalt  }
0x69: {  	_ =	shalt  }
0x6a: {  	_ =	shalt  }
0x6b: {  	_ =	shalt  }
0x6c: {  	_ =	shalt  }
0x6d: {  	_ =	shalt  }
0x6e: {  	_ =	shalt  }
0x6f: {  	_ =	shalt  }
0x70: {  	_ =	shalt  }
0x71: {  	_ =	shalt  }
0x72: {  	_ =	shalt  }
0x73: {  	_ =	shalt  }
0x74: {  	_ =	shalt  }
0x75: {  	_ =	shalt  }
0x76: {  	_ =	shalt  }
0x77: {  	_ =	shalt  }
0x78: {  	_ =	shalt  }
0x79: {  	_ =	shalt  }
0x7a: {  	_ =	shalt  }
0x7b: {  	_ =	shalt  }
0x7c: {  	_ =	shalt  }
0x7d: {  	_ =	shalt  }
0x7e: {  	_ =	shalt  }
0x7f: {  	_ =	shalt  }
0x80: {  	_ =	shalt  }
0x81: {  	_ =	shalt  }
0x82: {  	_ =	shalt  }
0x83: {  	_ =	shalt  }
0x84: {  	_ =	shalt  }
0x85: {  	_ =	shalt  }
0x86: {  	_ =	shalt  }
0x87: {  	_ =	shalt  }
.Lfunc_end0:
.L_simem_size_0:
called_computation.1_lowered:
.L_overlay_start_0:
0x88: {  	s2 =	sld [smem:$0x3FD9]  }
0x89: {  	s3 =	sld [smem:$0x3FFE];
	_ =	sdelay $0x1  }
0x8a: {  	s1 =	srdreg.scid  }
0x8b: {  	s0 =	sand.u32 $0x1, s1  }
0x8c: {  	s17 =	sshll.u32 s0, $0xA;
	s2 =	sadd.s32 s3, s2  }
0x8d: {  	s2 =	sadd.s32 s2, s17  }
0x8e: {  	[smem:$0x3FBA] =	sst s2  }
0x8f: {  	_ = 	snop  }
0x90: {  	(tm) =	ssettm $0x1  }
0x91: {  	s18 =	sld [smem:$0x3FFB];
	_ =	sdelay $0x3  }
0x92: {  	_ =	strace s18  }
0x93: {  	s2 =	sld [smem:$0x3FFC];
	_ =	sdelay $0x3  }
0x94: {  	_ =	strace s2  }
0x95: {  	s2 =	sld [smem:$0x3FFD];
	_ =	sdelay $0x3  }
0x96: {  	_ =	strace s2  }
0x97: {  	_ =	strace $0x8FFFFFFF  }
0x98: {  	s19 =	sld [smem:$0x3FDB];
	_ =	sdelay $0x1  }
0x99: {  	s20 =	simm.s32 $_scs_section_size  }
0x9a: {  	s4 =	simm.s32 $_size__tile_overlayer_lowered;
	s5 =	simm.s32 $_tile_overlayer_lowered  }
0x9b: {  	s6 =	simm.s32 $0x1BFF;
	s21 =	sshll.u32 s5, $0x1;
	s3 =	sadd.s32 s20, s19  }
0x9c: {  	s22 =	simm.s32 $0x0;
	s4 =	sshll.u32 s4, $0x1;
	s5 =	sadd.s32 s21, s3  }
0x9d: {  	[timem:s22], [sflag:s6] =	dma.local [hbm:s5], s4  }
0x9e: {  	_ =	swait.ge [sflag:s6], s4  }
0x9f: {  	s4 =	ssub.s32 $0x0, s4;
	[sflag:s6] =	ssyncset.done $0x0  }
0xa0: {  	[sflag:s6] =	ssyncadd.s32 s4;
	_ =	sdelay $0x1  }
0xa1: {  	s23 =	simm.s32 $0x1B8B  }
0xa2: {  	_ =	swait.ge [sflag:s23], $0x1  }
0xa3: {  	[sflag:s23] =	ssyncset.done $0x0  }
0xa4: {  	[sflag:s23] =	ssyncadd.s32 $0xFFFFFFFF  }
0xa5: {  	s4 =	sld [smem:$0x0]  }
0xa6: {  	s5 =	sand.u32 $0xFFFFFFFE, s1  }
0xa7: {  	p0 =	sne.s32 s1, s5  }
0xa8: {  	s5 =	sshll.u32 @p0 s5, $0xE  }
0xa9: {  	s5 =	sadd.s32 @p0 $0x11B8D, s5;
	s6 =	sshll.u32 @p0 s4, $0x11  }
0xaa: {  	s5 =	sor.u32 @p0 s6, s5  }
0xab: {  	[sflag:s5] =	ssyncadd.remote.s32 @p0 $0x1;
	_ =	sdelay $0x1  }
0xac: {  	s5 =	simm.s32 @p0 $0x1B8D  }
0xad: {  	_ =	swait.eq @p0 [sflag:s5], $0x1  }
0xae: {  	[sflag:s5] =	ssyncadd.s32 @p0 $0xFFFFFFFF  }
0xaf: {  	s6 =	sshll.u32 @!p0 s1, $0xE  }
0xb0: {  	s6 =	sor.u32 @!p0 $0x4000, s6;
	s5 =	simm.s32 @!p0 $0x1B8D  }
0xb1: {  	s4 =	sshll.u32 @!p0 s4, $0x11;
	s6 =	sadd.s32 @!p0 $0x11B8D, s6;
	_ =	swait.eq @!p0 [sflag:s5], $0x1  }
0xb2: {  	s4 =	sor.u32 @!p0 s4, s6;
	[sflag:s5] =	ssyncadd.s32 @!p0 $0xFFFFFFFF  }
0xb3: {  	s25 =	simm.s32 $0x1B8E;
	s24 =	sld [smem:$0x3FFE];
	[sflag:s4] =	ssyncadd.remote.s32 @!p0 $0x1  }
0xb4: {  	s26 =	simm.s32 $execute0_lowered;
	[smem:$0x3FD2] =	sst s25  }
0xb5: {  	s5 =	sshll.u32 s26, $0x1;
	_ =	strace $0x80000050;
	[dreg:$0x1] =	wrdreg $0xFFFFFFFF  }
0xb6: {  	s28 =	simm.s32 $_size_execute0_lowered;
	s3 =	sadd.s32 s3, s5;
	[dreg:$0x0] =	wrdreg $0x0  }
0xb7: {  	s5 =	sshll.u32 s28, $0x1;
	[dreg:$0x2] =	wrdreg s3  }
0xb8: {  	[dreg:$0x3] =	wrdreg s5  }
0xb9: {  	[dreg:$0x4] =	wrdreg $0xC0  }
0xba: {  	_ =	task [dreg:s22], $0x5FFFF  }
0xbb: {  	[dreg:$0x1] =	wrdreg $0xFFFFFFFF  }
0xbc: {  	[dreg:$0x0] =	wrdreg $0x60  }
0xbd: {  	[dreg:$0x2] =	wrdreg s24  }
0xbe: {  	[dreg:$0x3] =	wrdreg $0xA  }
0xbf: {  	_ =	task.clear_ibuf [dreg:s22], $0x4FFFF;
	_ =	strace $0x90000050  }
0xc0: {  	s29 =	simm.s32 $0xA;
	_ =	strace $0x80000059  }
0xc1: {  	_ =	swait.ge [sflag:s29], $0x1  }
0xc2: {  	[sflag:s29] =	ssyncadd.s32 $0xFFFFFFFF  }
0xc3: {  	_ =	strace $0x90000059  }
0xc4: {  	_ =	sfence  }
0xc5: {  	s30 =	sld [smem:$0x0];
	_ =	sdelay $0x2  }
0xc6: {  	s31 =	sshll.u32 s1, $0xD;
	s1 =	sshrl.u32 s1, $0x2  }
0xc7: {  	s4 =	sand.u32 $0x4000, s31;
	s1 =	sadd.s32 s1, s30  }
0xc8: {  	s0 =	sor.u32 s4, s0;
	s1 =	sshll.u32 s1, $0x11  }
0xc9: {  	s0 =	sor.u32 s1, s0  }
0xca: {  	s0 =	sadd.s32 $0x8F2B, s0  }
0xcb: {  	[sflag:s0] =	ssyncadd.remote.s32 $0x1  }
0xcc: {  	_ =	sfence.sel $0xFFFF  }
0xcd: {  	[dreg:$0x0] =	wrdreg $0xFFFFFFFF;
	(pc) =	sbr.abs _section_cstart, $3  }
0xce: {  	[dreg:$0x1] =	wrdreg $0xFFFFFFFF  }
0xcf: {  	_ =	task.clear_ibuf [dreg:s22], $0x2FFFF;
	_ =	strace $0x9FFFFFFF  }
0xd0: {  	(tm) =	ssettm $0x7FFFFFFF  }
0xd1: {  	_ =	shalt  }
tec
execute0_lowered:
.L_overlay_start_1:
0x0: {  	(tag) =	ssettag $0x1  }
0x1: {  	s3 =	rddreg [dreg:$0x0]  }
0x2: {  	s0 =	rddreg [dreg:$0x1];
	s1 =	simm.s32 $0x0;
	s2 =	srdreg.scid  }
0x3: {  	s31 =	simm.s32 $0x80;
	s9 =	simm.s32 $0x3;
	s10 =	simm.s32 $0x0  }
0x4: {  	[smem:$0x7FF] =	sst s1;
	s4 =	sand.u32 $0x1, s2;
	s5 =	sadd.s32 $0x8A00, s3  }
0x5: {  	s2 =	stileid.u32;
	s29 =	sadd.s32 $0x31F400, s3;
	s3 =	sadd.s32 $0x5800, s3  }
0x6: {  	_ =	strace $0x80000051;
	s6 =	sshll.u32 s4, $0x4;
	[dreg:$0x2] =	wrdreg s5  }
0x7: {  	s4 =	ssub.s32 $0x2, s4;
	[dreg:$0x4] =	wrdreg s29;
	s28 =	sor.u32 s2, s6  }
0x8: {  	[dreg:$0x3] =	wrdreg s31;
	s7 =	sshrl.u32 s4, $0x1;
	s8 =	smul.u32 $0x190, s28  }
0x9: {  	s30 =	ssub.s32 s4, s7;
	s4 =	smul.u32 $0x19, s28;
	s7 =	simm.s32 $0x1  }
0xa: {  	s6 =	smax.u32 s30, $0x1;
	s5 =	sadd.s32 s3, s8;
	s8 =	simm.s32 $0x5  }
.LBB2_1:
0xb: {  	_ =	strace $0x80000052;
	s11 =	simm.s32 $0x1;
	p0 =	por $0x0, $0x0  }
0xc: {  	[tilespmem:s1], [sflag:$0x1] =	stream.linear.gather [hbm4b:s5+s1], $0x80, $0x200038;
	[tilespmem:$0x8100] =	vst v63  }
0xd: {  	s11 =	simm.s32 @p0 $0x0  }
0xe: {  	p4 =	por $0x1, $0x1;
	s20 =	sand.u32 $0x1, s1;
	p1 =	sne.s32 s11, $0x0  }
0xf: {  	p2 =	por $0x1, $0x1;
	s18 =	simm.s32 $0x17;
	p0 =	por !p4, !p1  }
0x10: {  	s16 =	simm.s32 $0x0;
	p5 =	por $0x0, $0x0;
	p0 =	por !p0, !p0  }
0x11: {  	s23 =	sadd.s32 $0x0, s4;
	s30 =	sadd.s32 $0x1, s20;
	s12 =	sadd.s32 @p0 s4, s11  }
0x12: {  	_ =	strace $0x90000052;
	s13 =	sand.u32 @p0 $0x1, s7;
	s12 =	sshll.u32 @p0 s12, $0x4  }
0x13: {  	_ =	strace @p0 $0x80000053;
	s15 =	simm.s32 @p0 $0x0;
	s12 =	sand.u32 @p0 $0x1FFFFFF0, s12  }
0x14: {  	s14 =	sshll.u32 @p0 s13, $0x7;
	s13 =	sadd.s32 @p0 $0x1, s13;
	s12 =	sadd.s32 @p0 s3, s12  }
0x15: {  	[tilespmem:s14], [sflag:s13] =	stream.linear.gather @p0 [hbm4b:s12+s15], $0x80, $0x200038;
	[tilespmem:$0x8100] =	vst v63  }
0x16: {  	p3 =	por p2, p2;
	s21 =	sshll.u32 s20, $0xE;
	_ =	strace @p0 $0x90000053  }
0x17: {  	s16 =	sand.u32 $0x80, s16;
	p2 =	por p5, p5;
	_ =	strace $0x80000054  }
0x18: {  	s17 =	sadd.s32 $0x1, s11;
	s22 =	sor.u32 $0x100, s21;
	_ =	swait.ge [sflag:s30], $0x80  }
0x19: {  	s21 =	simm.s32 $0x1;
	p6 =	por p1, p1;
	[sflag:s30] =	ssyncset.done $0x0  }
0x1a: {  	p1 =	por p3, p3;
	p4 =	por $0x1, $0x1;
	[sflag:s30] =	ssyncadd.s32 $0xFFFFFF80  }
0x1b: {  	s12 =	simm.s32 $0x18;
	s15 =	sand.u32 @!p3 $0x1, s1;
	_ =	strace $0x90000054  }
0x1c: {  	s13 =	simm.s32 $0x1;
	p3 =	seq.s32 s17, $0x19;
	_ =	strace $0x80000055  }
0x1d: {  	s13 =	simm.s32 @!p0 $0x0;
	s17 =	simm.s32 @p3 $0x0;
	s19 =	rddreg [dreg:$0x3]  }
0x1e: {  	p0 =	por $0x0, $0x0;
	s14 =	sadd.s32 $0x1, s13;
	s31 =	rddreg [dreg:$0x2]  }
0x1f: {  	[tilespmem:s22], [sflag:$0x5] =	stream.indirect.gather [hbm4b:s31+s19], $0x80, s16, s19, $0x2000b8;
	[tilespmem:$0x8100] =	vst v63  }
0x20: {  	p3 =	sne.s32 s11, s17;
	s21 =	simm.s32 @!p0 $0x0;
	_ =	swait.ge [sflag:s8], $0x4000  }
0x21: {  	p5 =	por !p4, !p3;
	p4 =	por $0x0, $0x0;
	[sflag:s8] =	ssyncset.done $0x0  }
0x22: {  	s13 =	simm.s32 $0x0;
	p6 =	por p4, p6;
	[sflag:s8] =	ssyncadd.s32 $0xFFFFC000  }
0x23: {  	s16 =	simm.s32 $0x0;
	s19 =	simm.s32 $0x0;
	_ =	strace $0x90000055  }
.LBB2_2:
0x24: {  	_ =	strace @p6 $0x80000056;
	s13 =	sadd.s32 s21, s13;
	s21 =	smov.u32 s12  }
0x25: {  	s12 =	smov.u32 s18;
	s18 =	sadd.s32 $0xFFFFFFFF, s18;
	p0 =	por p3, p3  }
0x26: {  	s28 =	sshll.u32 @p6 s23, $0xB;
	s20 =	sadd.s32 @p6 $0x3, s20;
	s24 =	simm.s32 @!p0 $0x0  }
0x27: {  	s25 =	rddreg [dreg:$0x4];
	s28 =	sand.u32 @p6 $0x1FFFF800, s28;
	s24 =	simm.s32 @p0 $0x1  }
0x28: {  	s25 =	sadd.s32 @p6 s25, s28;
	s28 =	simm.s32 @p6 $0x0;
	p0 =	sne.s32 s18, $0x0  }
0x29: {  	[hbm4b:s25+s28] =	stream.linear.scatter @p6 [tilespmem:s22], [sflag:s20], $0x4000, $0x200038;
	[tilespmem:$0x8100] =	vst v63  }
0x2a: {  	s20 =	sadd.s32 @!p1 $0x3, s15;
	s15 =	simm.s32 @!p0 $0x0  }
0x2b: {  	s26 =	simm.s32 $0x1;
	[smem:$0x7FC] =	sst s24;
	s15 =	simm.s32 @p0 $0x1  }
0x2c: {  	s26 =	simm.s32 @!p6 $0x0;
	_ =	strace @p6 $0x90000056;
	[smem:$0x7FD] =	sst s15  }
0x2d: {  	p5 =	por !p5, !p5;
	s19 =	sadd.s32 s26, s19;
	_ =	strace @!p1 $0x80000057  }
0x2e: {  	s24 =	sand.u32 @!p2 $0x1, s13;
	s22 =	sand.u32 @p5 $0x1, s14;
	_ =	swait.ge @!p1 [sflag:s20], $0x4000  }
0x2f: {  	s15 =	smov.u32 s24;
	s24 =	sadd.s32 @p5 s4, s17;
	[sflag:s20] =	ssyncset.done @!p1 $0x0  }
0x30: {  	s25 =	sshll.u32 @p5 s22, $0x7;
	s24 =	sshll.u32 @p5 s24, $0x4;
	[sflag:s20] =	ssyncadd.s32 @!p1 $0xFFFFC000  }
0x31: {  	s20 =	sadd.s32 @p5 $0x1, s22;
	s22 =	sand.u32 @p5 $0x1FFFFFF0, s24;
	_ =	strace @!p1 $0x90000057  }
0x32: {  	s24 =	simm.s32 @p5 $0x0;
	s22 =	sadd.s32 @p5 s3, s22;
	_ =	strace @p5 $0x80000053  }
0x33: {  	[tilespmem:s25], [sflag:s20] =	stream.linear.gather @p5 [hbm4b:s22+s24], $0x80, $0x200038;
	[tilespmem:$0x8100] =	vst v63  }
0x34: {  	s16 =	sadd.s32 s26, s16;
	s26 =	sand.u32 $0x1, s19;
	_ =	strace @p5 $0x90000053  }
0x35: {  	s24 =	sadd.s32 $0x1, s26;
	_ =	strace $0x80000054  }
0x36: {  	_ =	swait.ge [sflag:s24], $0x80  }
0x37: {  	[sflag:s24] =	ssyncset.done $0x0  }
0x38: {  	s20 =	simm.s32 $0x1;
	[sflag:s24] =	ssyncadd.s32 $0xFFFFFF80  }
0x39: {  	s20 =	simm.s32 @!p5 $0x0;
	_ =	strace $0x90000054  }
0x3a: {  	s14 =	sadd.s32 s20, s14;
	s20 =	sand.u32 $0x1, s16;
	_ =	strace $0x80000055  }
0x3b: {  	s29 =	sshll.u32 s19, $0x7;
	s25 =	sshll.u32 s20, $0xE;
	s26 =	rddreg [dreg:$0x3]  }
0x3c: {  	s29 =	sand.u32 $0x80, s29;
	s22 =	sor.u32 $0x100, s25;
	s30 =	rddreg [dreg:$0x2]  }
0x3d: {  	[tilespmem:s22], [sflag:$0x5] =	stream.indirect.gather [hbm4b:s30+s26], $0x80, s29, s26, $0x2000b8;
	[tilespmem:$0x8100] =	vst v63  }
0x3e: {  	_ =	swait.ge [sflag:s8], $0x4000  }
0x3f: {  	s31 =	sadd.s32 $0x1, s17;
	[sflag:s8] =	ssyncset.done $0x0  }
0x40: {  	s23 =	sadd.s32 s4, s11;
	s11 =	smov.u32 s17;
	[sflag:s8] =	ssyncadd.s32 $0xFFFFC000  }
0x41: {  	p3 =	seq.s32 s31, $0x19;
	s17 =	smov.u32 s31;
	_ =	strace $0x90000055  }
0x42: {  	s17 =	simm.s32 @p3 $0x0;
	s31 =	sld [smem:$0x7FD]  }
0x43: {  	p6 =	sne.s32 s12, $0x1;
	p0 =	sne.s32 s21, $0x19;
	p3 =	sne.s32 s11, s17  }
0x44: {  	p5 =	por !p6, !p3;
	p6 =	seq.s32 s21, $0x1;
	s21 =	simm.s32 $0x1  }
0x45: {  	s21 =	simm.s32 @!p0 $0x0;
	p0 =	seq.s32 s31, $0x1  }
.Ltmp0:
0x46: {  	s30 =	sld [smem:$0x7FC];
	(pc) =	sbr.rel @p0 .LBB2_2-.Ltmp0, $4  }
0x47: {  	_ = 	snop  }
0x48: {  	p4 =	seq.s32 s12, $0x19  }
0x49: {  	p1 =	por p2, p2;
	p2 =	por p4, p4;
	p4 =	seq.s32 s30, $0x1  }
0x4a: {  	p6 =	por p6, p4  }
0x4b: {  	_ =	strace @p6 $0x80000056;
	s23 =	sshll.u32 @p6 s23, $0xB  }
0x4c: {  	s18 =	rddreg [dreg:$0x4];
	s23 =	sand.u32 @p6 $0x1FFFF800, s23  }
0x4d: {  	s20 =	sadd.s32 @p6 $0x3, s20;
	s18 =	sadd.s32 @p6 s18, s23;
	s23 =	simm.s32 @p6 $0x0  }
0x4e: {  	[hbm4b:s18+s23] =	stream.linear.scatter @p6 [tilespmem:s22], [sflag:s20], $0x4000, $0x200038;
	[tilespmem:$0x8100] =	vst v63  }
0x4f: {  	p0 =	por !p5, !p5;
	_ =	strace @p6 $0x90000056  }
0x50: {  	s15 =	sadd.s32 @!p1 $0x3, s15;
	s17 =	sadd.s32 @p0 s4, s17;
	_ =	strace @!p1 $0x80000057  }
0x51: {  	s14 =	sand.u32 @p0 $0x1, s14;
	s17 =	sshll.u32 @p0 s17, $0x4;
	_ =	swait.ge @!p1 [sflag:s15], $0x4000  }
0x52: {  	s18 =	simm.s32 $0x1;
	s20 =	sshll.u32 @p0 s14, $0x7;
	[sflag:s15] =	ssyncset.done @!p1 $0x0  }
0x53: {  	s14 =	sadd.s32 @p0 $0x1, s14;
	s18 =	simm.s32 @!p6 $0x0;
	[sflag:s15] =	ssyncadd.s32 @!p1 $0xFFFFC000  }
0x54: {  	s19 =	sadd.s32 s18, s19;
	s15 =	sand.u32 @p0 $0x1FFFFFF0, s17;
	_ =	strace @!p1 $0x90000057  }
0x55: {  	s17 =	simm.s32 @p0 $0x0;
	s15 =	sadd.s32 @p0 s3, s15;
	_ =	strace @p0 $0x80000053  }
0x56: {  	[tilespmem:s20], [sflag:s14] =	stream.linear.gather @p0 [hbm4b:s15+s17], $0x80, $0x200038;
	[tilespmem:$0x8100] =	vst v63  }
0x57: {  	s25 =	sand.u32 $0x1, s19;
	_ =	strace @p0 $0x90000053  }
0x58: {  	s14 =	sadd.s32 $0x1, s25;
	_ =	strace $0x80000054  }
0x59: {  	_ =	swait.ge [sflag:s14], $0x80  }
0x5a: {  	[sflag:s14] =	ssyncset.done $0x0  }
0x5b: {  	[sflag:s14] =	ssyncadd.s32 $0xFFFFFF80  }
0x5c: {  	s26 =	sadd.s32 s18, s16;
	_ =	strace $0x90000054  }
0x5d: {  	s14 =	sand.u32 $0x1, s26;
	_ =	strace $0x80000055  }
0x5e: {  	s30 =	sshll.u32 s19, $0x7;
	s31 =	sshll.u32 s14, $0xE;
	s28 =	rddreg [dreg:$0x3]  }
0x5f: {  	s17 =	sand.u32 $0x80, s30;
	s18 =	sor.u32 $0x100, s31;
	s29 =	rddreg [dreg:$0x2]  }
0x60: {  	[tilespmem:s18], [sflag:$0x5] =	stream.indirect.gather [hbm4b:s29+s28], $0x80, s17, s28, $0x2000b8;
	[tilespmem:$0x8100] =	vst v63  }
0x61: {  	_ =	swait.ge [sflag:s8], $0x4000  }
0x62: {  	[sflag:s8] =	ssyncset.done $0x0  }
0x63: {  	p5 =	por p3, p3;
	p6 =	seq.s32 s12, $0x1;
	[sflag:s8] =	ssyncadd.s32 $0xFFFFC000  }
0x64: {  	s11 =	sadd.s32 s4, s11;
	p0 =	por p6, p5;
	_ =	strace $0x90000055  }
0x65: {  	s11 =	sshll.u32 @p0 s11, $0xB;
	_ =	strace @p0 $0x80000056  }
0x66: {  	s13 =	sadd.s32 s21, s13;
	s11 =	sand.u32 @p0 $0x1FFFF800, s11;
	s12 =	rddreg [dreg:$0x4]  }
0x67: {  	s14 =	sadd.s32 @p0 $0x3, s14;
	s11 =	sadd.s32 @p0 s12, s11;
	s12 =	simm.s32 @p0 $0x0  }
0x68: {  	[hbm4b:s11+s12] =	stream.linear.scatter @p0 [tilespmem:s18], [sflag:s14], $0x4000, $0x200038;
	[tilespmem:$0x8100] =	vst v63  }
0x69: {  	p1 =	por p2, p2;
	s11 =	sand.u32 @!p2 $0x1, s13;
	_ =	strace @p0 $0x90000056  }
0x6a: {  	s11 =	sadd.s32 @!p1 $0x3, s11;
	_ =	strace @!p1 $0x80000057  }
0x6b: {  	_ =	swait.ge @!p1 [sflag:s11], $0x4000  }
0x6c: {  	[sflag:s11] =	ssyncset.done @!p1 $0x0  }
0x6d: {  	s10 =	sadd.s32 $0x1, s10;
	[sflag:s11] =	ssyncadd.s32 @!p1 $0xFFFFC000  }
0x6e: {  	p0 =	sne.s32 s10, s6;
	_ =	strace @!p1 $0x90000057  }
.Ltmp1:
0x6f: {  	_ =	strace $0x80000058;
	(pc) =	sbr.rel @p0 .LBB2_1-.Ltmp1, $4  }
0x70: {  	_ =	swait.ge [sflag:s9], $0x4000  }
0x71: {  	[sflag:s9] =	ssyncset.done $0x0  }
0x72: {  	[sflag:s9] =	ssyncadd.s32 $0xFFFFC000  }
0x73: {  	_ =	strace $0x90000058  }
0x74: {  	_ =	sfence.sel $0x180000  }
0x75: {  	[bflag:$0x0] =	sbarrier.arrive $0xFFFF  }
0x76: {  	p0 =	sne.s32 s2, $0x0;
	_ =	strace $0x90000051  }
0x77: {  	s0 =	sadd.s32 @!p0 $0x100000, s0;
	[bflag:$0x2] =	sbarrier.arrive $0xFFFF  }
0x78: {  	[sflag:s0] =	ssyncadd.tile.s32 @!p0 $0x1;
	_ =	shalt  }
.Lfunc_end2:
_tile_overlayer_lowered:
.L_overlay_start_2:
0x79: {  	(tag) =	ssettag $0x2  }
0x7a: {  	s0 =	rddreg [dreg:$0x0];
	s2 =	stileid.u32  }
0x7b: {  	s1 =	rddreg [dreg:$0x1];
	p0 =	sne.s32 s2, $0x0  }
0x7c: {  	s3 =	rddreg [dreg:$0x2];
	[bflag:$0x3] =	sbarrier.arrive $0xFFFF;
	s2 =	simm.s32 @!p0 $0x1C01  }
0x7d: {  	[timem:s3], [sflag:s2] =	dma.local @!p0 [hbm:s0], s1  }
0x7e: {  	s0 =	simm.s32 @!p0 $0x1  }
0x7f: {  	_ =	swait.ge @!p0 [sflag:s0], s1  }
0x80: {  	s1 =	ssub.s32 @!p0 $0x0, s1;
	[sflag:s0] =	ssyncset.done @!p0 $0x0  }
0x81: {  	[sflag:s0] =	ssyncadd.s32 @!p0 s1  }
0x82: {  	[bflag:$0x3] =	sbarrier.arrive $0xFFFF  }
0x83: {  	_ =	shalt  }

</sc_bundles>
